<compile_context>
chip_gen: v7x
topology: tpu7x:2x2x1
jax: 0.10.2.dev20260603
libtpu: 0.0.44.dev20260713+nightly
codegen_flags: <defaults>
</compile_context>

<pallas_src>
import functools

import jax
import jax.numpy as jnp
from jax import lax
from jax.experimental import pallas as pl
from jax.experimental.pallas import tpu as pltpu
from jax.experimental.pallas import tpu_sc as plsc

N = 10000
E = 320000
F = 128
H = 128
G = 64
EPS = 1e-5

NP_ = 10240
NC = 2
NS = 16
EPT = E // NS
K = 128
CH = 160
CHB = 16
NB = CH // CHB
UN = 8
RPS = NP_ // NS

_relu = lambda x: jnp.maximum(x, 0.0)


def _dot(a, b, precision=None):
    return jnp.dot(a, b, preferred_element_type=jnp.float32,
                   precision=precision)



def _msg_body(y_hbm, src_hbm, dst_hbm, out_hbm,
              src_v, dst_v, rows0, rows1, acc, sem0, sem1):
    c = lax.axis_index("c")
    s = lax.axis_index("s")
    r0 = s * RPS
    pltpu.sync_copy(y_hbm.at[pl.ds(c * NP_ + r0, RPS)], acc.at[pl.ds(r0, RPS)])
    plsc.subcore_barrier()

    def blk(blkid, carry):
        pltpu.sync_copy(src_hbm.at[c, s, pl.ds(blkid * CHB, CHB)], src_v)
        pltpu.sync_copy(dst_hbm.at[c, s, pl.ds(blkid * CHB, CHB)], dst_v)

        def pair(q, carry2):
            j0 = 2 * q
            cp0 = pltpu.async_copy(y_hbm.at[src_v.at[j0]], rows0, sem0)
            cp1 = pltpu.async_copy(y_hbm.at[src_v.at[j0 + 1]], rows1, sem1)
            cp0.wait()
            pltpu.sync_copy(rows0, acc.at[dst_v.at[j0]], add=True)
            cp1.wait()
            pltpu.sync_copy(rows1, acc.at[dst_v.at[j0 + 1]], add=True)
            return carry2

        lax.fori_loop(0, CHB // 2, pair, 0)
        return carry

    lax.fori_loop(0, NB, blk, 0)
    plsc.subcore_barrier()
    pltpu.sync_copy(acc.at[pl.ds(r0, RPS)], out_hbm.at[c, pl.ds(r0, RPS)])


@functools.lru_cache(maxsize=None)
def _sc_calls():
    mesh = plsc.VectorSubcoreMesh(core_axis_name="c", subcore_axis_name="s")
    msg_call = pl.kernel(
        _msg_body,
        mesh=mesh,
        out_type=jax.ShapeDtypeStruct((NC, NP_, H), jnp.float32),
        scratch_types=[
            pltpu.VMEM((CHB, K), jnp.int32),
            pltpu.VMEM((CHB, K), jnp.int32),
            pltpu.VMEM((K, H), jnp.float32),
            pltpu.VMEM((K, H), jnp.float32),
            pltpu.VMEM_SHARED((NP_, H), jnp.float32),
            pltpu.SemaphoreType.DMA,
            pltpu.SemaphoreType.DMA,
        ],
    )
    return msg_call



def _dinv_of(deg_blk):
    return 1.0 / jnp.sqrt(deg_blk[:N, 0:1])


def _t1_body(x_ref, deg_ref, g_ref, bb_ref, W1_ref, b1_ref, W2_ref, b2_ref,
             Wg_ref, y_ref):
    x = x_ref[0]
    ones_row = jnp.ones((1, N), jnp.float32)
    m = _dot(ones_row, x, jax.lax.Precision.HIGHEST) * (1.0 / N)
    xc = x - m
    v = _dot(ones_row, xc * xc, jax.lax.Precision.HIGHEST) * (1.0 / N)
    xn = xc / jnp.sqrt(v + EPS) * g_ref[...] + bb_ref[...]
    h = _relu(_dot(xn, W1_ref[0]) + b1_ref[0])
    h = _relu(_dot(h, W2_ref[0]) + b2_ref[0])
    dinv = _dinv_of(deg_ref[0])
    y_ref[:N] = _dot(h, Wg_ref[0]) * dinv
    y_ref[N:] = jnp.zeros((NP_ - N, H), jnp.float32)


def _t2_body(acc_ref, deg_ref, bg_ref, Wg_ref, y_ref):
    dinv = _dinv_of(deg_ref[0])
    h = _relu(acc_ref[0][:N] * dinv + bg_ref[0])
    y_ref[:N] = _dot(h, Wg_ref[0]) * dinv
    y_ref[N:] = jnp.zeros((NP_ - N, H), jnp.float32)


def _t4_body(acc_ref, deg_ref, bg_ref, batch_ref, W1_ref, b1_ref, W2_ref,
             b2_ref, W3_ref, b3_ref, out_ref):
    pooled = []
    ids = lax.broadcasted_iota(jnp.int32, (G, N), 0)
    for b in range(2):
        dinv = _dinv_of(deg_ref[b])
        h = _relu(acc_ref[b, :N] * dinv + bg_ref[b])
        P = (batch_ref[b] == ids).astype(jnp.float32)
        cnt = jnp.sum(P, axis=1, keepdims=True)
        pooled.append(_dot(P, h, jax.lax.Precision.HIGHEST) /
                      jnp.maximum(cnt, 1.0))
    h = jnp.concatenate(pooled, axis=1)
    h = _relu(_dot(h, W1_ref[...]) + b1_ref[...])
    h = _relu(_dot(h, W2_ref[...]) + b2_ref[...])
    out_ref[...] = _dot(h, W3_ref[...]) + b3_ref[...]


_b0 = lambda b: (b, 0, 0)
_s0 = lambda b: (0, 0)

_TC_DEFS = {
    "t1": dict(
        body=_t1_body,
        grid=(2,),
        in_specs=[
            pl.BlockSpec((1, N, F), _b0),
            pl.BlockSpec((1, NP_, H), _b0),
            pl.BlockSpec((1, F), _s0),
            pl.BlockSpec((1, F), _s0),
            pl.BlockSpec((1, F, 2 * H), _b0),
            pl.BlockSpec((1, 1, 2 * H), _b0),
            pl.BlockSpec((1, 2 * H, H), _b0),
            pl.BlockSpec((1, 1, H), _b0),
            pl.BlockSpec((1, H, H), _b0),
        ],
        out_specs=pl.BlockSpec((NP_, H), lambda b: (b, 0)),
        out_shape=jax.ShapeDtypeStruct((NC * NP_, H), jnp.float32),
    ),
    "t2": dict(
        body=_t2_body,
        grid=(2,),
        in_specs=[
            pl.BlockSpec((1, NP_, H), _b0),
            pl.BlockSpec((1, NP_, H), _b0),
            pl.BlockSpec((1, 1, H), _b0),
            pl.BlockSpec((1, H, H), _b0),
        ],
        out_specs=pl.BlockSpec((NP_, H), lambda b: (b, 0)),
        out_shape=jax.ShapeDtypeStruct((NC * NP_, H), jnp.float32),
    ),
    "t4": dict(
        body=_t4_body,
        grid=None,
        in_specs=None,
        out_specs=None,
        out_shape=jax.ShapeDtypeStruct((G, 1), jnp.float32),
    ),
}


def _make_tc(name, interpret=False):
    d = _TC_DEFS[name]
    kw = {}
    if d["grid"] is not None:
        kw = dict(grid=d["grid"], in_specs=d["in_specs"], out_specs=d["out_specs"])
    return pl.pallas_call(d["body"], out_shape=d["out_shape"], interpret=interpret, **kw)


_t1_call = _make_tc("t1")
_t2_call = _make_tc("t2")
_t4_call = _make_tc("t4")



def _edge_blocks(ei, branch):
    src = ei[0].astype(jnp.int32) + branch * NP_
    dst = ei[1].astype(jnp.int32)
    pad = CH * K - EPT
    src = src.reshape(NS, EPT)
    dst = dst.reshape(NS, EPT)
    spread = N + (jnp.arange(pad, dtype=jnp.int32) % (NP_ - N))
    src = jnp.concatenate(
        [src, jnp.full((NS, pad), branch * NP_ + N, jnp.int32)], axis=1)
    dst = jnp.concatenate([dst, jnp.tile(spread, (NS, 1))], axis=1)
    return src.reshape(NS, CH, K), dst.reshape(NS, CH, K)


def kernel(xd_x, xp_x, xd_edge_index, xp_edge_index, xd_batch, xp_batch,
           bn_g, bn_b, Wd1, bd1, Wd2, bd2, Wgd1, bgd1, Wgd2, bgd2, Wgd3, bgd3,
           Wp1, bp1, Wp2, bp2, Wgp1, bgp1, Wgp2, bgp2, Wgp3, bgp3,
           W1, b1, W2, b2, W3, b3):
    sd, dd = _edge_blocks(xd_edge_index, 0)
    sp, dp = _edge_blocks(xp_edge_index, 1)
    src_idx = jnp.stack([sd, sp])
    dst_idx = jnp.stack([dd, dp])

    msg_call = _sc_calls()
    rowmask = (jnp.arange(NC * NP_, dtype=jnp.int32) % NP_) < N
    colmask = jnp.arange(H, dtype=jnp.int32) == 0
    y_deg = jnp.where(rowmask[:, None] & colmask[None, :], 1.0, 0.0)
    deg = msg_call(y_deg, src_idx, dst_idx)

    xs = jnp.stack([xd_x, xp_x])
    W1s = jnp.stack([Wd1, Wp1])
    b1s = jnp.stack([bd1, bp1]).reshape(NC, 1, 2 * H)
    W2s = jnp.stack([Wd2, Wp2])
    b2s = jnp.stack([bd2, bp2]).reshape(NC, 1, H)
    Wg1s = jnp.stack([Wgd1, Wgp1])
    Wg2s = jnp.stack([Wgd2, Wgp2])
    Wg3s = jnp.stack([Wgd3, Wgp3])
    bg1s = jnp.stack([bgd1, bgp1]).reshape(NC, 1, H)
    bg2s = jnp.stack([bgd2, bgp2]).reshape(NC, 1, H)
    bg3s = jnp.stack([bgd3, bgp3]).reshape(NC, 1, H)
    batch = jnp.stack([xd_batch, xp_batch]).reshape(NC, 1, N)

    y = _t1_call(xs, deg, bn_g.reshape(1, F), bn_b.reshape(1, F),
                 W1s, b1s, W2s, b2s, Wg1s)
    acc = msg_call(y, src_idx, dst_idx)
    y = _t2_call(acc, deg, bg1s, Wg2s)
    acc = msg_call(y, src_idx, dst_idx)
    y = _t2_call(acc, deg, bg2s, Wg3s)
    acc = msg_call(y, src_idx, dst_idx)
    return _t4_call(acc, deg, bg3s, batch,
                    W1, b1.reshape(1, 256), W2, b2.reshape(1, 128),
                    W3, b3.reshape(1, 1))

# --- scband reference (transcript-rebuilt; emitter-appended) ---
"""Pipeline reference for scband-bert-gcn-10393820856692 (READ-ONLY COPY).

The authoritative reference and input builder live on the scoring server;
editing this copy changes nothing except your own understanding.
"""

import jax, jax.numpy as jnp
import numpy as np

N = 10000
E = 320000
F = 128
H = 128
G = 64
EPS = 1e-5


def _init_params(key):
    ks = jax.random.split(key, 16)
    def w(k, shape):
        return jax.random.normal(k, shape, dtype=jnp.float32) * 0.05
    p = {}
    p['bn_g'] = jnp.ones((F,), jnp.float32)
    p['bn_b'] = jnp.zeros((F,), jnp.float32)
    p['Wd1'] = w(ks[0], (F, 2 * H)); p['bd1'] = jnp.zeros((2 * H,), jnp.float32)
    p['Wd2'] = w(ks[1], (2 * H, H)); p['bd2'] = jnp.zeros((H,), jnp.float32)
    p['Wgd1'] = w(ks[2], (H, H)); p['bgd1'] = jnp.zeros((H,), jnp.float32)
    p['Wgd2'] = w(ks[3], (H, H)); p['bgd2'] = jnp.zeros((H,), jnp.float32)
    p['Wgd3'] = w(ks[4], (H, H)); p['bgd3'] = jnp.zeros((H,), jnp.float32)
    p['Wp1'] = w(ks[5], (F, 2 * H)); p['bp1'] = jnp.zeros((2 * H,), jnp.float32)
    p['Wp2'] = w(ks[6], (2 * H, H)); p['bp2'] = jnp.zeros((H,), jnp.float32)
    p['Wgp1'] = w(ks[7], (H, H)); p['bgp1'] = jnp.zeros((H,), jnp.float32)
    p['Wgp2'] = w(ks[8], (H, H)); p['bgp2'] = jnp.zeros((H,), jnp.float32)
    p['Wgp3'] = w(ks[9], (H, H)); p['bgp3'] = jnp.zeros((H,), jnp.float32)
    p['W1'] = w(ks[10], (2 * H, 256)); p['b1'] = jnp.zeros((256,), jnp.float32)
    p['W2'] = w(ks[11], (256, 128)); p['b2'] = jnp.zeros((128,), jnp.float32)
    p['W3'] = w(ks[12], (128, 1)); p['b3'] = jnp.zeros((1,), jnp.float32)
    return p


def setup_inputs(seed: int = 0):
    key = jax.random.key(seed)
    k1, k2, k3, k4, k5, k6, kp = jax.random.split(key, 7)
    inp = {}
    inp['xd_x'] = jax.random.normal(k1, (N, F), dtype=jnp.float32)
    inp['xp_x'] = jax.random.normal(k2, (N, F), dtype=jnp.float32)
    inp['xd_edge_index'] = jax.random.randint(k3, (2, E), 0, N, dtype=jnp.int32)
    inp['xp_edge_index'] = jax.random.randint(k4, (2, E), 0, N, dtype=jnp.int32)
    inp['xd_batch'] = jnp.sort(jax.random.randint(k5, (N,), 0, G, dtype=jnp.int32))
    inp['xp_batch'] = jnp.sort(jax.random.randint(k6, (N,), 0, G, dtype=jnp.int32))
    inp.update(_init_params(kp))
    return inp


def _batchnorm(x, g, b):
    m = jnp.mean(x, axis=0)
    v = jnp.var(x, axis=0)
    return (x - m) / jnp.sqrt(v + EPS) * g + b


def _gcn(x, ei, Wt, bt):
    x = x @ Wt
    loop = jnp.arange(N, dtype=ei.dtype)
    src = jnp.concatenate([ei[0], loop])
    dst = jnp.concatenate([ei[1], loop])
    deg = jax.ops.segment_sum(jnp.ones((src.shape[0],), x.dtype), dst, num_segments=N)
    dinv = jnp.where(deg > 0, jax.lax.rsqrt(jnp.maximum(deg, 1e-12)), 0.0)
    norm = dinv[src] * dinv[dst]
    out = jax.ops.segment_sum(x[src] * norm[:, None], dst, num_segments=N)
    return out + bt


def _pool(x, batch):
    s = jax.ops.segment_sum(x, batch, num_segments=G)
    c = jax.ops.segment_sum(jnp.ones((x.shape[0],), x.dtype), batch, num_segments=G)
    return s / jnp.clip(c, 1.0)[:, None]


def _branch(x, ei, batch, bn_g, bn_b, Wl1, bl1, Wl2, bl2, Wg1, bg1, Wg2, bg2, Wg3, bg3):
    h = _batchnorm(x, bn_g, bn_b)
    h = jax.nn.relu(h @ Wl1 + bl1)
    h = jax.nn.relu(h @ Wl2 + bl2)
    h = jax.nn.relu(_gcn(h, ei, Wg1, bg1))
    h = jax.nn.relu(_gcn(h, ei, Wg2, bg2))
    h = jax.nn.relu(_gcn(h, ei, Wg3, bg3))
    return _pool(h, batch)


def reference(xd_x, xp_x, xd_edge_index, xp_edge_index, xd_batch, xp_batch, bn_g, bn_b, Wd1, bd1, Wd2, bd2, Wgd1, bgd1, Wgd2, bgd2, Wgd3, bgd3, Wp1, bp1, Wp2, bp2, Wgp1, bgp1, Wgp2, bgp2, Wgp3, bgp3, W1, b1, W2, b2, W3, b3):
    hd = _branch(xd_x, xd_edge_index, xd_batch, bn_g, bn_b, Wd1, bd1, Wd2, bd2, Wgd1, bgd1, Wgd2, bgd2, Wgd3, bgd3)
    hp = _branch(xp_x, xp_edge_index, xp_batch, bn_g, bn_b, Wp1, bp1, Wp2, bp2, Wgp1, bgp1, Wgp2, bgp2, Wgp3, bgp3)
    h = jnp.concatenate([hd, hp], axis=1)
    h = jax.nn.relu(h @ W1 + b1)
    h = jax.nn.relu(h @ W2 + b2)
    return h @ W3 + b3

if __name__ == "__main__":
    import jax
    _d = setup_inputs()
    print(jax.jit(kernel)(*tuple(_d.values())))

</pallas_src>

<mosaic_0001>
#map = affine_map<(d0, d1) -> (0, 0)>
#map1 = affine_map<(d0, d1) -> (0, 0, 0, 0)>
#map2 = affine_map<(d0, d1) -> (0, 0, 0)>
module attributes {stable_mosaic.version = 14 : i64} {
  func.func @_msg_body(%arg0: i32, %arg1: i32, %arg2: memref<20480x128xf32, #tpu.memory_space<hbm>>, %arg3: memref<2x16x160x128xi32, #tpu.memory_space<hbm>>, %arg4: memref<2x16x160x128xi32, #tpu.memory_space<hbm>>, %arg5: memref<2x10240x128xf32, #tpu.memory_space<hbm>>, %arg6: memref<16x128xi32, #tpu.memory_space<vmem>>, %arg7: memref<16x128xi32, #tpu.memory_space<vmem>>, %arg8: memref<128x128xf32, #tpu.memory_space<vmem>>, %arg9: memref<128x128xf32, #tpu.memory_space<vmem>>, %arg10: memref<10240x128xf32, #tpu.memory_space<vmem_shared>>, %arg11: memref<!tpu.dma_semaphore, #tpu.memory_space<semaphore_mem>>, %arg12: memref<!tpu.dma_semaphore, #tpu.memory_space<semaphore_mem>>) attributes {dimension_semantics = [#tpu.dimension_semantics<core_parallel>, #tpu.dimension_semantics<subcore_parallel>], iteration_bounds = array<i64: 2, 16>, scalar_prefetch = 0 : i64, scratch_operands = 7 : i64, tpu.core_type = #tpu.core_type<sc_vector_subcore>, window_params = [{transform_indices = #map}, {transform_indices = #map1}, {transform_indices = #map1}, {transform_indices = #map2}]} {
    %mul3A = arith.constant 640 : i32
    %mul3A_0 = arith.muli %arg1, %mul3A : i32
    %mul3A_1 = arith.constant 10240 : i32
    %mul3A_2 = arith.muli %arg0, %mul3A_1 : i32
    %add3A = arith.addi %mul3A_2, %mul3A_0 : i32
    "tpu.region"() ({
      %run_scoped3A = tpu.sem_alloc : memref<!tpu.dma_semaphore, #tpu.memory_space<semaphore_mem>>
      %dma_start3A = arith.constant 0 : i32
      %dma_start3A_9 = tpu.memref_slice %arg10[%mul3A_0, %dma_start3A] : memref<10240x128xf32, #tpu.memory_space<vmem_shared>> -> memref<640x128xf32, #tpu.memory_space<vmem_shared>>
      %dma_start3A_10 = arith.constant 0 : i32
      %dma_start3A_11 = tpu.memref_slice %arg2[%add3A, %dma_start3A_10] : memref<20480x128xf32, #tpu.memory_space<hbm>> -> memref<640x128xf32, #tpu.memory_space<hbm>>
      tpu.enqueue_dma source(%dma_start3A_11 : memref<640x128xf32, #tpu.memory_space<hbm>>) target(%dma_start3A_9 : memref<640x128xf32, #tpu.memory_space<vmem_shared>>) target_semaphore(%run_scoped3A : memref<!tpu.dma_semaphore, #tpu.memory_space<semaphore_mem>>)
      %dma_wait3A = arith.constant 0 : i32
      %dma_wait3A_12 = tpu.memref_slice %arg10[%mul3A_0, %dma_wait3A] : memref<10240x128xf32, #tpu.memory_space<vmem_shared>> -> memref<640x128xf32, #tpu.memory_space<vmem_shared>>
      %dma_wait3A_13 = arith.constant 0 : i32
      %dma_wait3A_14 = tpu.memref_slice %arg2[%add3A, %dma_wait3A_13] : memref<20480x128xf32, #tpu.memory_space<hbm>> -> memref<640x128xf32, #tpu.memory_space<hbm>>
      tpu.wait_dma2 semaphore(%run_scoped3A : memref<!tpu.dma_semaphore, #tpu.memory_space<semaphore_mem>>) src(%dma_wait3A_14 : memref<640x128xf32, #tpu.memory_space<hbm>>) dst(%dma_wait3A_12 : memref<640x128xf32, #tpu.memory_space<vmem_shared>>)
      tpu.yield
    }) : () -> ()
    %barrier3A = arith.constant 0 : index
    tpu.barrier barrier_id(%barrier3A)
    %scan3A = arith.constant 0 : i32
    %scan3A_3 = arith.constant 0 : i32
    %scan3A_4 = arith.constant 10 : i32
    %scan3A_5 = arith.addi %scan3A_3, %scan3A_4 : i32
    %scan3A_6 = arith.constant 1 : i32
    scf.for %scan3A_9 = %scan3A_3 to %scan3A_5 step %scan3A_6  : i32 {
      %mul3A_10 = arith.constant 16 : i32
      %mul3A_11 = arith.muli %scan3A_9, %mul3A_10 : i32
      "tpu.region"() ({
        %run_scoped3A = tpu.sem_alloc : memref<!tpu.dma_semaphore, #tpu.memory_space<semaphore_mem>>
        %dma_start3A = arith.constant 0 : i32
        %dma_start3A_20 = tpu.memref_slice %arg3[%arg0, %arg1, %mul3A_11, %dma_start3A] : memref<2x16x160x128xi32, #tpu.memory_space<hbm>> -> memref<1x1x16x128xi32, #tpu.memory_space<hbm>>
        %dma_start3A_21 = tpu.memref_squeeze %dma_start3A_20 : memref<1x1x16x128xi32, #tpu.memory_space<hbm>> -> memref<16x128xi32, #tpu.memory_space<hbm>>
        %dma_start3A_22 = arith.constant 0 : i32
        %dma_start3A_23 = tpu.memref_slice %arg3[%arg0, %arg1, %mul3A_11, %dma_start3A_22] : memref<2x16x160x128xi32, #tpu.memory_space<hbm>> -> memref<1x1x16x128xi32, #tpu.memory_space<hbm>>
        %dma_start3A_24 = tpu.memref_squeeze %dma_start3A_23 : memref<1x1x16x128xi32, #tpu.memory_space<hbm>> -> memref<16x128xi32, #tpu.memory_space<hbm>>
        tpu.enqueue_dma source(%dma_start3A_24 : memref<16x128xi32, #tpu.memory_space<hbm>>) target(%arg6 : memref<16x128xi32, #tpu.memory_space<vmem>>) target_semaphore(%run_scoped3A : memref<!tpu.dma_semaphore, #tpu.memory_space<semaphore_mem>>)
        %dma_wait3A = arith.constant 0 : i32
        %dma_wait3A_25 = tpu.memref_slice %arg3[%arg0, %arg1, %mul3A_11, %dma_wait3A] : memref<2x16x160x128xi32, #tpu.memory_space<hbm>> -> memref<1x1x16x128xi32, #tpu.memory_space<hbm>>
        %dma_wait3A_26 = tpu.memref_squeeze %dma_wait3A_25 : memref<1x1x16x128xi32, #tpu.memory_space<hbm>> -> memref<16x128xi32, #tpu.memory_space<hbm>>
        %dma_wait3A_27 = arith.constant 0 : i32
        %dma_wait3A_28 = tpu.memref_slice %arg3[%arg0, %arg1, %mul3A_11, %dma_wait3A_27] : memref<2x16x160x128xi32, #tpu.memory_space<hbm>> -> memref<1x1x16x128xi32, #tpu.memory_space<hbm>>
        %dma_wait3A_29 = tpu.memref_squeeze %dma_wait3A_28 : memref<1x1x16x128xi32, #tpu.memory_space<hbm>> -> memref<16x128xi32, #tpu.memory_space<hbm>>
        tpu.wait_dma2 semaphore(%run_scoped3A : memref<!tpu.dma_semaphore, #tpu.memory_space<semaphore_mem>>) src(%dma_wait3A_29 : memref<16x128xi32, #tpu.memory_space<hbm>>) dst(%arg6 : memref<16x128xi32, #tpu.memory_space<vmem>>)
        tpu.yield
      }) : () -> ()
      %mul3A_12 = arith.constant 16 : i32
      %mul3A_13 = arith.muli %scan3A_9, %mul3A_12 : i32
      "tpu.region"() ({
        %run_scoped3A = tpu.sem_alloc : memref<!tpu.dma_semaphore, #tpu.memory_space<semaphore_mem>>
        %dma_start3A = arith.constant 0 : i32
        %dma_start3A_20 = tpu.memref_slice %arg4[%arg0, %arg1, %mul3A_13, %dma_start3A] : memref<2x16x160x128xi32, #tpu.memory_space<hbm>> -> memref<1x1x16x128xi32, #tpu.memory_space<hbm>>
        %dma_start3A_21 = tpu.memref_squeeze %dma_start3A_20 : memref<1x1x16x128xi32, #tpu.memory_space<hbm>> -> memref<16x128xi32, #tpu.memory_space<hbm>>
        %dma_start3A_22 = arith.constant 0 : i32
        %dma_start3A_23 = tpu.memref_slice %arg4[%arg0, %arg1, %mul3A_13, %dma_start3A_22] : memref<2x16x160x128xi32, #tpu.memory_space<hbm>> -> memref<1x1x16x128xi32, #tpu.memory_space<hbm>>
        %dma_start3A_24 = tpu.memref_squeeze %dma_start3A_23 : memref<1x1x16x128xi32, #tpu.memory_space<hbm>> -> memref<16x128xi32, #tpu.memory_space<hbm>>
        tpu.enqueue_dma source(%dma_start3A_24 : memref<16x128xi32, #tpu.memory_space<hbm>>) target(%arg7 : memref<16x128xi32, #tpu.memory_space<vmem>>) target_semaphore(%run_scoped3A : memref<!tpu.dma_semaphore, #tpu.memory_space<semaphore_mem>>)
        %dma_wait3A = arith.constant 0 : i32
        %dma_wait3A_25 = tpu.memref_slice %arg4[%arg0, %arg1, %mul3A_13, %dma_wait3A] : memref<2x16x160x128xi32, #tpu.memory_space<hbm>> -> memref<1x1x16x128xi32, #tpu.memory_space<hbm>>
        %dma_wait3A_26 = tpu.memref_squeeze %dma_wait3A_25 : memref<1x1x16x128xi32, #tpu.memory_space<hbm>> -> memref<16x128xi32, #tpu.memory_space<hbm>>
        %dma_wait3A_27 = arith.constant 0 : i32
        %dma_wait3A_28 = tpu.memref_slice %arg4[%arg0, %arg1, %mul3A_13, %dma_wait3A_27] : memref<2x16x160x128xi32, #tpu.memory_space<hbm>> -> memref<1x1x16x128xi32, #tpu.memory_space<hbm>>
        %dma_wait3A_29 = tpu.memref_squeeze %dma_wait3A_28 : memref<1x1x16x128xi32, #tpu.memory_space<hbm>> -> memref<16x128xi32, #tpu.memory_space<hbm>>
        tpu.wait_dma2 semaphore(%run_scoped3A : memref<!tpu.dma_semaphore, #tpu.memory_space<semaphore_mem>>) src(%dma_wait3A_29 : memref<16x128xi32, #tpu.memory_space<hbm>>) dst(%arg7 : memref<16x128xi32, #tpu.memory_space<vmem>>)
        tpu.yield
      }) : () -> ()
      %scan3A_14 = arith.constant 0 : i32
      %scan3A_15 = arith.constant 0 : i32
      %scan3A_16 = arith.constant 8 : i32
      %scan3A_17 = arith.addi %scan3A_15, %scan3A_16 : i32
      %scan3A_18 = arith.constant 1 : i32
      scf.for %scan3A_20 = %scan3A_15 to %scan3A_17 step %scan3A_18  : i32 {
        %mul3A_21 = arith.constant 2 : i32
        %mul3A_22 = arith.muli %mul3A_21, %scan3A_20 : i32
        %dma_start3A = arith.constant 0 : i32
        %dma_start3A_23 = tpu.memref_slice %arg6[%mul3A_22, %dma_start3A] : memref<16x128xi32, #tpu.memory_space<vmem>> -> memref<1x128xi32, #tpu.memory_space<vmem>>
        %dma_start3A_24 = tpu.memref_squeeze %dma_start3A_23 : memref<1x128xi32, #tpu.memory_space<vmem>> -> memref<128xi32, #tpu.memory_space<vmem>>
        %dma_start3A_25 = arith.constant 0 : i32
        %dma_start3A_26 = arith.constant 0 : i32
        %dma_start3A_27 = tpu.memref_slice %arg2[%dma_start3A_25, %dma_start3A_26] : memref<20480x128xf32, #tpu.memory_space<hbm>> -> memref<20480x128xf32, #tpu.memory_space<hbm>>
        tpu.enqueue_indirect_dma source(%dma_start3A_27 : memref<20480x128xf32, #tpu.memory_space<hbm>>) target(%arg8 : memref<128x128xf32, #tpu.memory_space<vmem>>) offsets(%dma_start3A_24 : memref<128xi32, #tpu.memory_space<vmem>>) semaphore(%arg11 : memref<!tpu.dma_semaphore, #tpu.memory_space<semaphore_mem>>)
        %add3A_28 = arith.constant 1 : i32
        %add3A_29 = arith.addi %mul3A_22, %add3A_28 : i32
        %dma_start3A_30 = arith.constant 0 : i32
        %dma_start3A_31 = tpu.memref_slice %arg6[%add3A_29, %dma_start3A_30] : memref<16x128xi32, #tpu.memory_space<vmem>> -> memref<1x128xi32, #tpu.memory_space<vmem>>
        %dma_start3A_32 = tpu.memref_squeeze %dma_start3A_31 : memref<1x128xi32, #tpu.memory_space<vmem>> -> memref<128xi32, #tpu.memory_space<vmem>>
        %dma_start3A_33 = arith.constant 0 : i32
        %dma_start3A_34 = arith.constant 0 : i32
        %dma_start3A_35 = tpu.memref_slice %arg2[%dma_start3A_33, %dma_start3A_34] : memref<20480x128xf32, #tpu.memory_space<hbm>> -> memref<20480x128xf32, #tpu.memory_space<hbm>>
        tpu.enqueue_indirect_dma source(%dma_start3A_35 : memref<20480x128xf32, #tpu.memory_space<hbm>>) target(%arg9 : memref<128x128xf32, #tpu.memory_space<vmem>>) offsets(%dma_start3A_32 : memref<128xi32, #tpu.memory_space<vmem>>) semaphore(%arg12 : memref<!tpu.dma_semaphore, #tpu.memory_space<semaphore_mem>>)
        %dma_wait3A = arith.constant 0 : i32
        %dma_wait3A_36 = tpu.memref_slice %arg6[%mul3A_22, %dma_wait3A] : memref<16x128xi32, #tpu.memory_space<vmem>> -> memref<1x128xi32, #tpu.memory_space<vmem>>
        %dma_wait3A_37 = tpu.memref_squeeze %dma_wait3A_36 : memref<1x128xi32, #tpu.memory_space<vmem>> -> memref<128xi32, #tpu.memory_space<vmem>>
        %dma_wait3A_38 = arith.constant 0 : i32
        %dma_wait3A_39 = arith.constant 0 : i32
        %dma_wait3A_40 = tpu.memref_slice %arg2[%dma_wait3A_38, %dma_wait3A_39] : memref<20480x128xf32, #tpu.memory_space<hbm>> -> memref<20480x128xf32, #tpu.memory_space<hbm>>
        tpu.wait_indirect_dma semaphore(%arg11 : memref<!tpu.dma_semaphore, #tpu.memory_space<semaphore_mem>>) src(%dma_wait3A_40 : memref<20480x128xf32, #tpu.memory_space<hbm>>) dst(%arg8 : memref<128x128xf32, #tpu.memory_space<vmem>>)
        "tpu.region"() ({
          %run_scoped3A = tpu.sem_alloc : memref<!tpu.dma_semaphore, #tpu.memory_space<semaphore_mem>>
          %dma_start3A_49 = arith.constant 0 : i32
          %dma_start3A_50 = tpu.memref_slice %arg7[%mul3A_22, %dma_start3A_49] : memref<16x128xi32, #tpu.memory_space<vmem>> -> memref<1x128xi32, #tpu.memory_space<vmem>>
          %dma_start3A_51 = tpu.memref_squeeze %dma_start3A_50 : memref<1x128xi32, #tpu.memory_space<vmem>> -> memref<128xi32, #tpu.memory_space<vmem>>
          %dma_start3A_52 = arith.constant 0 : i32
          %dma_start3A_53 = arith.constant 0 : i32
          %dma_start3A_54 = tpu.memref_slice %arg10[%dma_start3A_52, %dma_start3A_53] : memref<10240x128xf32, #tpu.memory_space<vmem_shared>> -> memref<10240x128xf32, #tpu.memory_space<vmem_shared>>
          tpu.enqueue_indirect_dma source(%arg8 : memref<128x128xf32, #tpu.memory_space<vmem>>) target(%dma_start3A_54 : memref<10240x128xf32, #tpu.memory_space<vmem_shared>>) offsets(%dma_start3A_51 : memref<128xi32, #tpu.memory_space<vmem>>) semaphore(%run_scoped3A : memref<!tpu.dma_semaphore, #tpu.memory_space<semaphore_mem>>) {add = true}
          %dma_wait3A_55 = arith.constant 0 : i32
          %dma_wait3A_56 = tpu.memref_slice %arg7[%mul3A_22, %dma_wait3A_55] : memref<16x128xi32, #tpu.memory_space<vmem>> -> memref<1x128xi32, #tpu.memory_space<vmem>>
          %dma_wait3A_57 = tpu.memref_squeeze %dma_wait3A_56 : memref<1x128xi32, #tpu.memory_space<vmem>> -> memref<128xi32, #tpu.memory_space<vmem>>
          %dma_wait3A_58 = arith.constant 0 : i32
          %dma_wait3A_59 = arith.constant 0 : i32
          %dma_wait3A_60 = tpu.memref_slice %arg10[%dma_wait3A_58, %dma_wait3A_59] : memref<10240x128xf32, #tpu.memory_space<vmem_shared>> -> memref<10240x128xf32, #tpu.memory_space<vmem_shared>>
          tpu.wait_indirect_dma semaphore(%run_scoped3A : memref<!tpu.dma_semaphore, #tpu.memory_space<semaphore_mem>>) src(%arg8 : memref<128x128xf32, #tpu.memory_space<vmem>>) dst(%dma_wait3A_60 : memref<10240x128xf32, #tpu.memory_space<vmem_shared>>)
          tpu.yield
        }) : () -> ()
        %dma_wait3A_41 = arith.constant 0 : i32
        %dma_wait3A_42 = tpu.memref_slice %arg6[%add3A_29, %dma_wait3A_41] : memref<16x128xi32, #tpu.memory_space<vmem>> -> memref<1x128xi32, #tpu.memory_space<vmem>>
        %dma_wait3A_43 = tpu.memref_squeeze %dma_wait3A_42 : memref<1x128xi32, #tpu.memory_space<vmem>> -> memref<128xi32, #tpu.memory_space<vmem>>
        %dma_wait3A_44 = arith.constant 0 : i32
        %dma_wait3A_45 = arith.constant 0 : i32
        %dma_wait3A_46 = tpu.memref_slice %arg2[%dma_wait3A_44, %dma_wait3A_45] : memref<20480x128xf32, #tpu.memory_space<hbm>> -> memref<20480x128xf32, #tpu.memory_space<hbm>>
        tpu.wait_indirect_dma semaphore(%arg12 : memref<!tpu.dma_semaphore, #tpu.memory_space<semaphore_mem>>) src(%dma_wait3A_46 : memref<20480x128xf32, #tpu.memory_space<hbm>>) dst(%arg9 : memref<128x128xf32, #tpu.memory_space<vmem>>)
        %add3A_47 = arith.constant 1 : i32
        %add3A_48 = arith.addi %mul3A_22, %add3A_47 : i32
        "tpu.region"() ({
          %run_scoped3A = tpu.sem_alloc : memref<!tpu.dma_semaphore, #tpu.memory_space<semaphore_mem>>
          %dma_start3A_49 = arith.constant 0 : i32
          %dma_start3A_50 = tpu.memref_slice %arg7[%add3A_48, %dma_start3A_49] : memref<16x128xi32, #tpu.memory_space<vmem>> -> memref<1x128xi32, #tpu.memory_space<vmem>>
          %dma_start3A_51 = tpu.memref_squeeze %dma_start3A_50 : memref<1x128xi32, #tpu.memory_space<vmem>> -> memref<128xi32, #tpu.memory_space<vmem>>
          %dma_start3A_52 = arith.constant 0 : i32
          %dma_start3A_53 = arith.constant 0 : i32
          %dma_start3A_54 = tpu.memref_slice %arg10[%dma_start3A_52, %dma_start3A_53] : memref<10240x128xf32, #tpu.memory_space<vmem_shared>> -> memref<10240x128xf32, #tpu.memory_space<vmem_shared>>
          tpu.enqueue_indirect_dma source(%arg9 : memref<128x128xf32, #tpu.memory_space<vmem>>) target(%dma_start3A_54 : memref<10240x128xf32, #tpu.memory_space<vmem_shared>>) offsets(%dma_start3A_51 : memref<128xi32, #tpu.memory_space<vmem>>) semaphore(%run_scoped3A : memref<!tpu.dma_semaphore, #tpu.memory_space<semaphore_mem>>) {add = true}
          %dma_wait3A_55 = arith.constant 0 : i32
          %dma_wait3A_56 = tpu.memref_slice %arg7[%add3A_48, %dma_wait3A_55] : memref<16x128xi32, #tpu.memory_space<vmem>> -> memref<1x128xi32, #tpu.memory_space<vmem>>
          %dma_wait3A_57 = tpu.memref_squeeze %dma_wait3A_56 : memref<1x128xi32, #tpu.memory_space<vmem>> -> memref<128xi32, #tpu.memory_space<vmem>>
          %dma_wait3A_58 = arith.constant 0 : i32
          %dma_wait3A_59 = arith.constant 0 : i32
          %dma_wait3A_60 = tpu.memref_slice %arg10[%dma_wait3A_58, %dma_wait3A_59] : memref<10240x128xf32, #tpu.memory_space<vmem_shared>> -> memref<10240x128xf32, #tpu.memory_space<vmem_shared>>
          tpu.wait_indirect_dma semaphore(%run_scoped3A : memref<!tpu.dma_semaphore, #tpu.memory_space<semaphore_mem>>) src(%arg9 : memref<128x128xf32, #tpu.memory_space<vmem>>) dst(%dma_wait3A_60 : memref<10240x128xf32, #tpu.memory_space<vmem_shared>>)
          tpu.yield
        }) : () -> ()
      }
      %scan3A_19 = arith.constant 8 : i32
    }
    %scan3A_7 = arith.constant 10 : i32
    %barrier3A_8 = arith.constant 0 : index
    tpu.barrier barrier_id(%barrier3A_8)
    "tpu.region"() ({
      %run_scoped3A = tpu.sem_alloc : memref<!tpu.dma_semaphore, #tpu.memory_space<semaphore_mem>>
      %dma_start3A = arith.constant 0 : i32
      %dma_start3A_9 = tpu.memref_slice %arg5[%arg0, %mul3A_0, %dma_start3A] : memref<2x10240x128xf32, #tpu.memory_space<hbm>> -> memref<1x640x128xf32, #tpu.memory_space<hbm>>
      %dma_start3A_10 = tpu.memref_squeeze %dma_start3A_9 : memref<1x640x128xf32, #tpu.memory_space<hbm>> -> memref<640x128xf32, #tpu.memory_space<hbm>>
      %dma_start3A_11 = arith.constant 0 : i32
      %dma_start3A_12 = tpu.memref_slice %arg10[%mul3A_0, %dma_start3A_11] : memref<10240x128xf32, #tpu.memory_space<vmem_shared>> -> memref<640x128xf32, #tpu.memory_space<vmem_shared>>
      tpu.enqueue_dma source(%dma_start3A_12 : memref<640x128xf32, #tpu.memory_space<vmem_shared>>) target(%dma_start3A_10 : memref<640x128xf32, #tpu.memory_space<hbm>>) target_semaphore(%run_scoped3A : memref<!tpu.dma_semaphore, #tpu.memory_space<semaphore_mem>>)
      %dma_wait3A = arith.constant 0 : i32
      %dma_wait3A_13 = tpu.memref_slice %arg5[%arg0, %mul3A_0, %dma_wait3A] : memref<2x10240x128xf32, #tpu.memory_space<hbm>> -> memref<1x640x128xf32, #tpu.memory_space<hbm>>
      %dma_wait3A_14 = tpu.memref_squeeze %dma_wait3A_13 : memref<1x640x128xf32, #tpu.memory_space<hbm>> -> memref<640x128xf32, #tpu.memory_space<hbm>>
      %dma_wait3A_15 = arith.constant 0 : i32
      %dma_wait3A_16 = tpu.memref_slice %arg10[%mul3A_0, %dma_wait3A_15] : memref<10240x128xf32, #tpu.memory_space<vmem_shared>> -> memref<640x128xf32, #tpu.memory_space<vmem_shared>>
      tpu.wait_dma2 semaphore(%run_scoped3A : memref<!tpu.dma_semaphore, #tpu.memory_space<semaphore_mem>>) src(%dma_wait3A_16 : memref<640x128xf32, #tpu.memory_space<vmem_shared>>) dst(%dma_wait3A_14 : memref<640x128xf32, #tpu.memory_space<hbm>>)
      tpu.yield
    }) : () -> ()
    return
  }
}

#map = affine_map<(d0, d1) -> (0, 0)>
#map1 = affine_map<(d0, d1) -> (0, 0, 0, 0)>
#map2 = affine_map<(d0, d1) -> (0, 0, 0)>
module attributes {stable_mosaic.version = 14 : i64} {
  func.func @_msg_body(%arg0: i32, %arg1: i32, %arg2: memref<20480x128xf32, #tpu.memory_space<hbm>>, %arg3: memref<2x16x160x128xi32, #tpu.memory_space<hbm>>, %arg4: memref<2x16x160x128xi32, #tpu.memory_space<hbm>>, %arg5: memref<2x10240x128xf32, #tpu.memory_space<hbm>>, %arg6: memref<16x128xi32, #tpu.memory_space<vmem>>, %arg7: memref<16x128xi32, #tpu.memory_space<vmem>>, %arg8: memref<128x128xf32, #tpu.memory_space<vmem>>, %arg9: memref<128x128xf32, #tpu.memory_space<vmem>>, %arg10: memref<10240x128xf32, #tpu.memory_space<vmem_shared>>, %arg11: memref<!tpu.dma_semaphore, #tpu.memory_space<semaphore_mem>>, %arg12: memref<!tpu.dma_semaphore, #tpu.memory_space<semaphore_mem>>) attributes {dimension_semantics = [#tpu.dimension_semantics<core_parallel>, #tpu.dimension_semantics<subcore_parallel>], iteration_bounds = array<i64: 2, 16>, scalar_prefetch = 0 : i64, scratch_operands = 7 : i64, tpu.core_type = #tpu.core_type<sc_vector_subcore>, window_params = [{transform_indices = #map}, {transform_indices = #map1}, {transform_indices = #map1}, {transform_indices = #map2}]} {
    %mul3A = arith.constant 640 : i32
    %mul3A_0 = arith.muli %arg1, %mul3A : i32
    %mul3A_1 = arith.constant 10240 : i32
    %mul3A_2 = arith.muli %arg0, %mul3A_1 : i32
    %add3A = arith.addi %mul3A_2, %mul3A_0 : i32
    "tpu.region"() ({
      %run_scoped3A = tpu.sem_alloc : memref<!tpu.dma_semaphore, #tpu.memory_space<semaphore_mem>>
      %dma_start3A = arith.constant 0 : i32
      %dma_start3A_9 = tpu.memref_slice %arg10[%mul3A_0, %dma_start3A] : memref<10240x128xf32, #tpu.memory_space<vmem_shared>> -> memref<640x128xf32, #tpu.memory_space<vmem_shared>>
      %dma_start3A_10 = arith.constant 0 : i32
      %dma_start3A_11 = tpu.memref_slice %arg2[%add3A, %dma_start3A_10] : memref<20480x128xf32, #tpu.memory_space<hbm>> -> memref<640x128xf32, #tpu.memory_space<hbm>>
      tpu.enqueue_dma source(%dma_start3A_11 : memref<640x128xf32, #tpu.memory_space<hbm>>) target(%dma_start3A_9 : memref<640x128xf32, #tpu.memory_space<vmem_shared>>) target_semaphore(%run_scoped3A : memref<!tpu.dma_semaphore, #tpu.memory_space<semaphore_mem>>)
      %dma_wait3A = arith.constant 0 : i32
      %dma_wait3A_12 = tpu.memref_slice %arg10[%mul3A_0, %dma_wait3A] : memref<10240x128xf32, #tpu.memory_space<vmem_shared>> -> memref<640x128xf32, #tpu.memory_space<vmem_shared>>
      %dma_wait3A_13 = arith.constant 0 : i32
      %dma_wait3A_14 = tpu.memref_slice %arg2[%add3A, %dma_wait3A_13] : memref<20480x128xf32, #tpu.memory_space<hbm>> -> memref<640x128xf32, #tpu.memory_space<hbm>>
      tpu.wait_dma2 semaphore(%run_scoped3A : memref<!tpu.dma_semaphore, #tpu.memory_space<semaphore_mem>>) src(%dma_wait3A_14 : memref<640x128xf32, #tpu.memory_space<hbm>>) dst(%dma_wait3A_12 : memref<640x128xf32, #tpu.memory_space<vmem_shared>>)
      tpu.yield
    }) : () -> ()
    %barrier3A = arith.constant 0 : index
    tpu.barrier barrier_id(%barrier3A)
    %scan3A = arith.constant 0 : i32
    %scan3A_3 = arith.constant 0 : i32
    %scan3A_4 = arith.constant 10 : i32
    %scan3A_5 = arith.addi %scan3A_3, %scan3A_4 : i32
    %scan3A_6 = arith.constant 1 : i32
    scf.for %scan3A_9 = %scan3A_3 to %scan3A_5 step %scan3A_6  : i32 {
      %mul3A_10 = arith.constant 16 : i32
      %mul3A_11 = arith.muli %scan3A_9, %mul3A_10 : i32
      "tpu.region"() ({
        %run_scoped3A = tpu.sem_alloc : memref<!tpu.dma_semaphore, #tpu.memory_space<semaphore_mem>>
        %dma_start3A = arith.constant 0 : i32
        %dma_start3A_20 = tpu.memref_slice %arg3[%arg0, %arg1, %mul3A_11, %dma_start3A] : memref<2x16x160x128xi32, #tpu.memory_space<hbm>> -> memref<1x1x16x128xi32, #tpu.memory_space<hbm>>
        %dma_start3A_21 = tpu.memref_squeeze %dma_start3A_20 : memref<1x1x16x128xi32, #tpu.memory_space<hbm>> -> memref<16x128xi32, #tpu.memory_space<hbm>>
        %dma_start3A_22 = arith.constant 0 : i32
        %dma_start3A_23 = tpu.memref_slice %arg3[%arg0, %arg1, %mul3A_11, %dma_start3A_22] : memref<2x16x160x128xi32, #tpu.memory_space<hbm>> -> memref<1x1x16x128xi32, #tpu.memory_space<hbm>>
        %dma_start3A_24 = tpu.memref_squeeze %dma_start3A_23 : memref<1x1x16x128xi32, #tpu.memory_space<hbm>> -> memref<16x128xi32, #tpu.memory_space<hbm>>
        tpu.enqueue_dma source(%dma_start3A_24 : memref<16x128xi32, #tpu.memory_space<hbm>>) target(%arg6 : memref<16x128xi32, #tpu.memory_space<vmem>>) target_semaphore(%run_scoped3A : memref<!tpu.dma_semaphore, #tpu.memory_space<semaphore_mem>>)
        %dma_wait3A = arith.constant 0 : i32
        %dma_wait3A_25 = tpu.memref_slice %arg3[%arg0, %arg1, %mul3A_11, %dma_wait3A] : memref<2x16x160x128xi32, #tpu.memory_space<hbm>> -> memref<1x1x16x128xi32, #tpu.memory_space<hbm>>
        %dma_wait3A_26 = tpu.memref_squeeze %dma_wait3A_25 : memref<1x1x16x128xi32, #tpu.memory_space<hbm>> -> memref<16x128xi32, #tpu.memory_space<hbm>>
        %dma_wait3A_27 = arith.constant 0 : i32
        %dma_wait3A_28 = tpu.memref_slice %arg3[%arg0, %arg1, %mul3A_11, %dma_wait3A_27] : memref<2x16x160x128xi32, #tpu.memory_space<hbm>> -> memref<1x1x16x128xi32, #tpu.memory_space<hbm>>
        %dma_wait3A_29 = tpu.memref_squeeze %dma_wait3A_28 : memref<1x1x16x128xi32, #tpu.memory_space<hbm>> -> memref<16x128xi32, #tpu.memory_space<hbm>>
        tpu.wait_dma2 semaphore(%run_scoped3A : memref<!tpu.dma_semaphore, #tpu.memory_space<semaphore_mem>>) src(%dma_wait3A_29 : memref<16x128xi32, #tpu.memory_space<hbm>>) dst(%arg6 : memref<16x128xi32, #tpu.memory_space<vmem>>)
        tpu.yield
      }) : () -> ()
      %mul3A_12 = arith.constant 16 : i32
      %mul3A_13 = arith.muli %scan3A_9, %mul3A_12 : i32
      "tpu.region"() ({
        %run_scoped3A = tpu.sem_alloc : memref<!tpu.dma_semaphore, #tpu.memory_space<semaphore_mem>>
        %dma_start3A = arith.constant 0 : i32
        %dma_start3A_20 = tpu.memref_slice %arg4[%arg0, %arg1, %mul3A_13, %dma_start3A] : memref<2x16x160x128xi32, #tpu.memory_space<hbm>> -> memref<1x1x16x128xi32, #tpu.memory_space<hbm>>
        %dma_start3A_21 = tpu.memref_squeeze %dma_start3A_20 : memref<1x1x16x128xi32, #tpu.memory_space<hbm>> -> memref<16x128xi32, #tpu.memory_space<hbm>>
        %dma_start3A_22 = arith.constant 0 : i32
        %dma_start3A_23 = tpu.memref_slice %arg4[%arg0, %arg1, %mul3A_13, %dma_start3A_22] : memref<2x16x160x128xi32, #tpu.memory_space<hbm>> -> memref<1x1x16x128xi32, #tpu.memory_space<hbm>>
        %dma_start3A_24 = tpu.memref_squeeze %dma_start3A_23 : memref<1x1x16x128xi32, #tpu.memory_space<hbm>> -> memref<16x128xi32, #tpu.memory_space<hbm>>
        tpu.enqueue_dma source(%dma_start3A_24 : memref<16x128xi32, #tpu.memory_space<hbm>>) target(%arg7 : memref<16x128xi32, #tpu.memory_space<vmem>>) target_semaphore(%run_scoped3A : memref<!tpu.dma_semaphore, #tpu.memory_space<semaphore_mem>>)
        %dma_wait3A = arith.constant 0 : i32
        %dma_wait3A_25 = tpu.memref_slice %arg4[%arg0, %arg1, %mul3A_13, %dma_wait3A] : memref<2x16x160x128xi32, #tpu.memory_space<hbm>> -> memref<1x1x16x128xi32, #tpu.memory_space<hbm>>
        %dma_wait3A_26 = tpu.memref_squeeze %dma_wait3A_25 : memref<1x1x16x128xi32, #tpu.memory_space<hbm>> -> memref<16x128xi32, #tpu.memory_space<hbm>>
        %dma_wait3A_27 = arith.constant 0 : i32
        %dma_wait3A_28 = tpu.memref_slice %arg4[%arg0, %arg1, %mul3A_13, %dma_wait3A_27] : memref<2x16x160x128xi32, #tpu.memory_space<hbm>> -> memref<1x1x16x128xi32, #tpu.memory_space<hbm>>
        %dma_wait3A_29 = tpu.memref_squeeze %dma_wait3A_28 : memref<1x1x16x128xi32, #tpu.memory_space<hbm>> -> memref<16x128xi32, #tpu.memory_space<hbm>>
        tpu.wait_dma2 semaphore(%run_scoped3A : memref<!tpu.dma_semaphore, #tpu.memory_space<semaphore_mem>>) src(%dma_wait3A_29 : memref<16x128xi32, #tpu.memory_space<hbm>>) dst(%arg7 : memref<16x128xi32, #tpu.memory_space<vmem>>)
        tpu.yield
      }) : () -> ()
      %scan3A_14 = arith.constant 0 : i32
      %scan3A_15 = arith.constant 0 : i32
      %scan3A_16 = arith.constant 8 : i32
      %scan3A_17 = arith.addi %scan3A_15, %scan3A_16 : i32
      %scan3A_18 = arith.constant 1 : i32
      scf.for %scan3A_20 = %scan3A_15 to %scan3A_17 step %scan3A_18  : i32 {
        %mul3A_21 = arith.constant 2 : i32
        %mul3A_22 = arith.muli %mul3A_21, %scan3A_20 : i32
        %dma_start3A = arith.constant 0 : i32
        %dma_start3A_23 = tpu.memref_slice %arg6[%mul3A_22, %dma_start3A] : memref<16x128xi32, #tpu.memory_space<vmem>> -> memref<1x128xi32, #tpu.memory_space<vmem>>
        %dma_start3A_24 = tpu.memref_squeeze %dma_start3A_23 : memref<1x128xi32, #tpu.memory_space<vmem>> -> memref<128xi32, #tpu.memory_space<vmem>>
        %dma_start3A_25 = arith.constant 0 : i32
        %dma_start3A_26 = arith.constant 0 : i32
        %dma_start3A_27 = tpu.memref_slice %arg2[%dma_start3A_25, %dma_start3A_26] : memref<20480x128xf32, #tpu.memory_space<hbm>> -> memref<20480x128xf32, #tpu.memory_space<hbm>>
        tpu.enqueue_indirect_dma source(%dma_start3A_27 : memref<20480x128xf32, #tpu.memory_space<hbm>>) target(%arg8 : memref<128x128xf32, #tpu.memory_space<vmem>>) offsets(%dma_start3A_24 : memref<128xi32, #tpu.memory_space<vmem>>) semaphore(%arg11 : memref<!tpu.dma_semaphore, #tpu.memory_space<semaphore_mem>>)
        %add3A_28 = arith.constant 1 : i32
        %add3A_29 = arith.addi %mul3A_22, %add3A_28 : i32
        %dma_start3A_30 = arith.constant 0 : i32
        %dma_start3A_31 = tpu.memref_slice %arg6[%add3A_29, %dma_start3A_30] : memref<16x128xi32, #tpu.memory_space<vmem>> -> memref<1x128xi32, #tpu.memory_space<vmem>>
        %dma_start3A_32 = tpu.memref_squeeze %dma_start3A_31 : memref<1x128xi32, #tpu.memory_space<vmem>> -> memref<128xi32, #tpu.memory_space<vmem>>
        %dma_start3A_33 = arith.constant 0 : i32
        %dma_start3A_34 = arith.constant 0 : i32
        %dma_start3A_35 = tpu.memref_slice %arg2[%dma_start3A_33, %dma_start3A_34] : memref<20480x128xf32, #tpu.memory_space<hbm>> -> memref<20480x128xf32, #tpu.memory_space<hbm>>
        tpu.enqueue_indirect_dma source(%dma_start3A_35 : memref<20480x128xf32, #tpu.memory_space<hbm>>) target(%arg9 : memref<128x128xf32, #tpu.memory_space<vmem>>) offsets(%dma_start3A_32 : memref<128xi32, #tpu.memory_space<vmem>>) semaphore(%arg12 : memref<!tpu.dma_semaphore, #tpu.memory_space<semaphore_mem>>)
        %dma_wait3A = arith.constant 0 : i32
        %dma_wait3A_36 = tpu.memref_slice %arg6[%mul3A_22, %dma_wait3A] : memref<16x128xi32, #tpu.memory_space<vmem>> -> memref<1x128xi32, #tpu.memory_space<vmem>>
        %dma_wait3A_37 = tpu.memref_squeeze %dma_wait3A_36 : memref<1x128xi32, #tpu.memory_space<vmem>> -> memref<128xi32, #tpu.memory_space<vmem>>
        %dma_wait3A_38 = arith.constant 0 : i32
        %dma_wait3A_39 = arith.constant 0 : i32
        %dma_wait3A_40 = tpu.memref_slice %arg2[%dma_wait3A_38, %dma_wait3A_39] : memref<20480x128xf32, #tpu.memory_space<hbm>> -> memref<20480x128xf32, #tpu.memory_space<hbm>>
        tpu.wait_indirect_dma semaphore(%arg11 : memref<!tpu.dma_semaphore, #tpu.memory_space<semaphore_mem>>) src(%dma_wait3A_40 : memref<20480x128xf32, #tpu.memory_space<hbm>>) dst(%arg8 : memref<128x128xf32, #tpu.memory_space<vmem>>)
        "tpu.region"() ({
          %run_scoped3A = tpu.sem_alloc : memref<!tpu.dma_semaphore, #tpu.memory_space<semaphore_mem>>
          %dma_start3A_49 = arith.constant 0 : i32
          %dma_start3A_50 = tpu.memref_slice %arg7[%mul3A_22, %dma_start3A_49] : memref<16x128xi32, #tpu.memory_space<vmem>> -> memref<1x128xi32, #tpu.memory_space<vmem>>
          %dma_start3A_51 = tpu.memref_squeeze %dma_start3A_50 : memref<1x128xi32, #tpu.memory_space<vmem>> -> memref<128xi32, #tpu.memory_space<vmem>>
          %dma_start3A_52 = arith.constant 0 : i32
          %dma_start3A_53 = arith.constant 0 : i32
          %dma_start3A_54 = tpu.memref_slice %arg10[%dma_start3A_52, %dma_start3A_53] : memref<10240x128xf32, #tpu.memory_space<vmem_shared>> -> memref<10240x128xf32, #tpu.memory_space<vmem_shared>>
          tpu.enqueue_indirect_dma source(%arg8 : memref<128x128xf32, #tpu.memory_space<vmem>>) target(%dma_start3A_54 : memref<10240x128xf32, #tpu.memory_space<vmem_shared>>) offsets(%dma_start3A_51 : memref<128xi32, #tpu.memory_space<vmem>>) semaphore(%run_scoped3A : memref<!tpu.dma_semaphore, #tpu.memory_space<semaphore_mem>>) {add = true}
          %dma_wait3A_55 = arith.constant 0 : i32
          %dma_wait3A_56 = tpu.memref_slice %arg7[%mul3A_22, %dma_wait3A_55] : memref<16x128xi32, #tpu.memory_space<vmem>> -> memref<1x128xi32, #tpu.memory_space<vmem>>
          %dma_wait3A_57 = tpu.memref_squeeze %dma_wait3A_56 : memref<1x128xi32, #tpu.memory_space<vmem>> -> memref<128xi32, #tpu.memory_space<vmem>>
          %dma_wait3A_58 = arith.constant 0 : i32
          %dma_wait3A_59 = arith.constant 0 : i32
          %dma_wait3A_60 = tpu.memref_slice %arg10[%dma_wait3A_58, %dma_wait3A_59] : memref<10240x128xf32, #tpu.memory_space<vmem_shared>> -> memref<10240x128xf32, #tpu.memory_space<vmem_shared>>
          tpu.wait_indirect_dma semaphore(%run_scoped3A : memref<!tpu.dma_semaphore, #tpu.memory_space<semaphore_mem>>) src(%arg8 : memref<128x128xf32, #tpu.memory_space<vmem>>) dst(%dma_wait3A_60 : memref<10240x128xf32, #tpu.memory_space<vmem_shared>>)
          tpu.yield
        }) : () -> ()
        %dma_wait3A_41 = arith.constant 0 : i32
        %dma_wait3A_42 = tpu.memref_slice %arg6[%add3A_29, %dma_wait3A_41] : memref<16x128xi32, #tpu.memory_space<vmem>> -> memref<1x128xi32, #tpu.memory_space<vmem>>
        %dma_wait3A_43 = tpu.memref_squeeze %dma_wait3A_42 : memref<1x128xi32, #tpu.memory_space<vmem>> -> memref<128xi32, #tpu.memory_space<vmem>>
        %dma_wait3A_44 = arith.constant 0 : i32
        %dma_wait3A_45 = arith.constant 0 : i32
        %dma_wait3A_46 = tpu.memref_slice %arg2[%dma_wait3A_44, %dma_wait3A_45] : memref<20480x128xf32, #tpu.memory_space<hbm>> -> memref<20480x128xf32, #tpu.memory_space<hbm>>
        tpu.wait_indirect_dma semaphore(%arg12 : memref<!tpu.dma_semaphore, #tpu.memory_space<semaphore_mem>>) src(%dma_wait3A_46 : memref<20480x128xf32, #tpu.memory_space<hbm>>) dst(%arg9 : memref<128x128xf32, #tpu.memory_space<vmem>>)
        %add3A_47 = arith.constant 1 : i32
        %add3A_48 = arith.addi %mul3A_22, %add3A_47 : i32
        "tpu.region"() ({
          %run_scoped3A = tpu.sem_alloc : memref<!tpu.dma_semaphore, #tpu.memory_space<semaphore_mem>>
          %dma_start3A_49 = arith.constant 0 : i32
          %dma_start3A_50 = tpu.memref_slice %arg7[%add3A_48, %dma_start3A_49] : memref<16x128xi32, #tpu.memory_space<vmem>> -> memref<1x128xi32, #tpu.memory_space<vmem>>
          %dma_start3A_51 = tpu.memref_squeeze %dma_start3A_50 : memref<1x128xi32, #tpu.memory_space<vmem>> -> memref<128xi32, #tpu.memory_space<vmem>>
          %dma_start3A_52 = arith.constant 0 : i32
          %dma_start3A_53 = arith.constant 0 : i32
          %dma_start3A_54 = tpu.memref_slice %arg10[%dma_start3A_52, %dma_start3A_53] : memref<10240x128xf32, #tpu.memory_space<vmem_shared>> -> memref<10240x128xf32, #tpu.memory_space<vmem_shared>>
          tpu.enqueue_indirect_dma source(%arg9 : memref<128x128xf32, #tpu.memory_space<vmem>>) target(%dma_start3A_54 : memref<10240x128xf32, #tpu.memory_space<vmem_shared>>) offsets(%dma_start3A_51 : memref<128xi32, #tpu.memory_space<vmem>>) semaphore(%run_scoped3A : memref<!tpu.dma_semaphore, #tpu.memory_space<semaphore_mem>>) {add = true}
          %dma_wait3A_55 = arith.constant 0 : i32
          %dma_wait3A_56 = tpu.memref_slice %arg7[%add3A_48, %dma_wait3A_55] : memref<16x128xi32, #tpu.memory_space<vmem>> -> memref<1x128xi32, #tpu.memory_space<vmem>>
          %dma_wait3A_57 = tpu.memref_squeeze %dma_wait3A_56 : memref<1x128xi32, #tpu.memory_space<vmem>> -> memref<128xi32, #tpu.memory_space<vmem>>
          %dma_wait3A_58 = arith.constant 0 : i32
          %dma_wait3A_59 = arith.constant 0 : i32
          %dma_wait3A_60 = tpu.memref_slice %arg10[%dma_wait3A_58, %dma_wait3A_59] : memref<10240x128xf32, #tpu.memory_space<vmem_shared>> -> memref<10240x128xf32, #tpu.memory_space<vmem_shared>>
          tpu.wait_indirect_dma semaphore(%run_scoped3A : memref<!tpu.dma_semaphore, #tpu.memory_space<semaphore_mem>>) src(%arg9 : memref<128x128xf32, #tpu.memory_space<vmem>>) dst(%dma_wait3A_60 : memref<10240x128xf32, #tpu.memory_space<vmem_shared>>)
          tpu.yield
        }) : () -> ()
      }
      %scan3A_19 = arith.constant 8 : i32
    }
    %scan3A_7 = arith.constant 10 : i32
    %barrier3A_8 = arith.constant 0 : index
    tpu.barrier barrier_id(%barrier3A_8)
    "tpu.region"() ({
      %run_scoped3A = tpu.sem_alloc : memref<!tpu.dma_semaphore, #tpu.memory_space<semaphore_mem>>
      %dma_start3A = arith.constant 0 : i32
      %dma_start3A_9 = tpu.memref_slice %arg5[%arg0, %mul3A_0, %dma_start3A] : memref<2x10240x128xf32, #tpu.memory_space<hbm>> -> memref<1x640x128xf32, #tpu.memory_space<hbm>>
      %dma_start3A_10 = tpu.memref_squeeze %dma_start3A_9 : memref<1x640x128xf32, #tpu.memory_space<hbm>> -> memref<640x128xf32, #tpu.memory_space<hbm>>
      %dma_start3A_11 = arith.constant 0 : i32
      %dma_start3A_12 = tpu.memref_slice %arg10[%mul3A_0, %dma_start3A_11] : memref<10240x128xf32, #tpu.memory_space<vmem_shared>> -> memref<640x128xf32, #tpu.memory_space<vmem_shared>>
      tpu.enqueue_dma source(%dma_start3A_12 : memref<640x128xf32, #tpu.memory_space<vmem_shared>>) target(%dma_start3A_10 : memref<640x128xf32, #tpu.memory_space<hbm>>) target_semaphore(%run_scoped3A : memref<!tpu.dma_semaphore, #tpu.memory_space<semaphore_mem>>)
      %dma_wait3A = arith.constant 0 : i32
      %dma_wait3A_13 = tpu.memref_slice %arg5[%arg0, %mul3A_0, %dma_wait3A] : memref<2x10240x128xf32, #tpu.memory_space<hbm>> -> memref<1x640x128xf32, #tpu.memory_space<hbm>>
      %dma_wait3A_14 = tpu.memref_squeeze %dma_wait3A_13 : memref<1x640x128xf32, #tpu.memory_space<hbm>> -> memref<640x128xf32, #tpu.memory_space<hbm>>
      %dma_wait3A_15 = arith.constant 0 : i32
      %dma_wait3A_16 = tpu.memref_slice %arg10[%mul3A_0, %dma_wait3A_15] : memref<10240x128xf32, #tpu.memory_space<vmem_shared>> -> memref<640x128xf32, #tpu.memory_space<vmem_shared>>
      tpu.wait_dma2 semaphore(%run_scoped3A : memref<!tpu.dma_semaphore, #tpu.memory_space<semaphore_mem>>) src(%dma_wait3A_16 : memref<640x128xf32, #tpu.memory_space<vmem_shared>>) dst(%dma_wait3A_14 : memref<640x128xf32, #tpu.memory_space<hbm>>)
      tpu.yield
    }) : () -> ()
    return
  }
}

#map = affine_map<(d0, d1) -> (0, 0)>
#map1 = affine_map<(d0, d1) -> (0, 0, 0, 0)>
#map2 = affine_map<(d0, d1) -> (0, 0, 0)>
module attributes {stable_mosaic.version = 14 : i64} {
  func.func @_msg_body(%arg0: i32, %arg1: i32, %arg2: memref<20480x128xf32, #tpu.memory_space<hbm>>, %arg3: memref<2x16x160x128xi32, #tpu.memory_space<hbm>>, %arg4: memref<2x16x160x128xi32, #tpu.memory_space<hbm>>, %arg5: memref<2x10240x128xf32, #tpu.memory_space<hbm>>, %arg6: memref<16x128xi32, #tpu.memory_space<vmem>>, %arg7: memref<16x128xi32, #tpu.memory_space<vmem>>, %arg8: memref<128x128xf32, #tpu.memory_space<vmem>>, %arg9: memref<128x128xf32, #tpu.memory_space<vmem>>, %arg10: memref<10240x128xf32, #tpu.memory_space<vmem_shared>>, %arg11: memref<!tpu.dma_semaphore, #tpu.memory_space<semaphore_mem>>, %arg12: memref<!tpu.dma_semaphore, #tpu.memory_space<semaphore_mem>>) attributes {dimension_semantics = [#tpu.dimension_semantics<core_parallel>, #tpu.dimension_semantics<subcore_parallel>], iteration_bounds = array<i64: 2, 16>, scalar_prefetch = 0 : i64, scratch_operands = 7 : i64, tpu.core_type = #tpu.core_type<sc_vector_subcore>, window_params = [{transform_indices = #map}, {transform_indices = #map1}, {transform_indices = #map1}, {transform_indices = #map2}]} {
    %mul3A = arith.constant 640 : i32
    %mul3A_0 = arith.muli %arg1, %mul3A : i32
    %mul3A_1 = arith.constant 10240 : i32
    %mul3A_2 = arith.muli %arg0, %mul3A_1 : i32
    %add3A = arith.addi %mul3A_2, %mul3A_0 : i32
    "tpu.region"() ({
      %run_scoped3A = tpu.sem_alloc : memref<!tpu.dma_semaphore, #tpu.memory_space<semaphore_mem>>
      %dma_start3A = arith.constant 0 : i32
      %dma_start3A_9 = tpu.memref_slice %arg10[%mul3A_0, %dma_start3A] : memref<10240x128xf32, #tpu.memory_space<vmem_shared>> -> memref<640x128xf32, #tpu.memory_space<vmem_shared>>
      %dma_start3A_10 = arith.constant 0 : i32
      %dma_start3A_11 = tpu.memref_slice %arg2[%add3A, %dma_start3A_10] : memref<20480x128xf32, #tpu.memory_space<hbm>> -> memref<640x128xf32, #tpu.memory_space<hbm>>
      tpu.enqueue_dma source(%dma_start3A_11 : memref<640x128xf32, #tpu.memory_space<hbm>>) target(%dma_start3A_9 : memref<640x128xf32, #tpu.memory_space<vmem_shared>>) target_semaphore(%run_scoped3A : memref<!tpu.dma_semaphore, #tpu.memory_space<semaphore_mem>>)
      %dma_wait3A = arith.constant 0 : i32
      %dma_wait3A_12 = tpu.memref_slice %arg10[%mul3A_0, %dma_wait3A] : memref<10240x128xf32, #tpu.memory_space<vmem_shared>> -> memref<640x128xf32, #tpu.memory_space<vmem_shared>>
      %dma_wait3A_13 = arith.constant 0 : i32
      %dma_wait3A_14 = tpu.memref_slice %arg2[%add3A, %dma_wait3A_13] : memref<20480x128xf32, #tpu.memory_space<hbm>> -> memref<640x128xf32, #tpu.memory_space<hbm>>
      tpu.wait_dma2 semaphore(%run_scoped3A : memref<!tpu.dma_semaphore, #tpu.memory_space<semaphore_mem>>) src(%dma_wait3A_14 : memref<640x128xf32, #tpu.memory_space<hbm>>) dst(%dma_wait3A_12 : memref<640x128xf32, #tpu.memory_space<vmem_shared>>)
      tpu.yield
    }) : () -> ()
    %barrier3A = arith.constant 0 : index
    tpu.barrier barrier_id(%barrier3A)
    %scan3A = arith.constant 0 : i32
    %scan3A_3 = arith.constant 0 : i32
    %scan3A_4 = arith.constant 10 : i32
    %scan3A_5 = arith.addi %scan3A_3, %scan3A_4 : i32
    %scan3A_6 = arith.constant 1 : i32
    scf.for %scan3A_9 = %scan3A_3 to %scan3A_5 step %scan3A_6  : i32 {
      %mul3A_10 = arith.constant 16 : i32
      %mul3A_11 = arith.muli %scan3A_9, %mul3A_10 : i32
      "tpu.region"() ({
        %run_scoped3A = tpu.sem_alloc : memref<!tpu.dma_semaphore, #tpu.memory_space<semaphore_mem>>
        %dma_start3A = arith.constant 0 : i32
        %dma_start3A_20 = tpu.memref_slice %arg3[%arg0, %arg1, %mul3A_11, %dma_start3A] : memref<2x16x160x128xi32, #tpu.memory_space<hbm>> -> memref<1x1x16x128xi32, #tpu.memory_space<hbm>>
        %dma_start3A_21 = tpu.memref_squeeze %dma_start3A_20 : memref<1x1x16x128xi32, #tpu.memory_space<hbm>> -> memref<16x128xi32, #tpu.memory_space<hbm>>
        %dma_start3A_22 = arith.constant 0 : i32
        %dma_start3A_23 = tpu.memref_slice %arg3[%arg0, %arg1, %mul3A_11, %dma_start3A_22] : memref<2x16x160x128xi32, #tpu.memory_space<hbm>> -> memref<1x1x16x128xi32, #tpu.memory_space<hbm>>
        %dma_start3A_24 = tpu.memref_squeeze %dma_start3A_23 : memref<1x1x16x128xi32, #tpu.memory_space<hbm>> -> memref<16x128xi32, #tpu.memory_space<hbm>>
        tpu.enqueue_dma source(%dma_start3A_24 : memref<16x128xi32, #tpu.memory_space<hbm>>) target(%arg6 : memref<16x128xi32, #tpu.memory_space<vmem>>) target_semaphore(%run_scoped3A : memref<!tpu.dma_semaphore, #tpu.memory_space<semaphore_mem>>)
        %dma_wait3A = arith.constant 0 : i32
        %dma_wait3A_25 = tpu.memref_slice %arg3[%arg0, %arg1, %mul3A_11, %dma_wait3A] : memref<2x16x160x128xi32, #tpu.memory_space<hbm>> -> memref<1x1x16x128xi32, #tpu.memory_space<hbm>>
        %dma_wait3A_26 = tpu.memref_squeeze %dma_wait3A_25 : memref<1x1x16x128xi32, #tpu.memory_space<hbm>> -> memref<16x128xi32, #tpu.memory_space<hbm>>
        %dma_wait3A_27 = arith.constant 0 : i32
        %dma_wait3A_28 = tpu.memref_slice %arg3[%arg0, %arg1, %mul3A_11, %dma_wait3A_27] : memref<2x16x160x128xi32, #tpu.memory_space<hbm>> -> memref<1x1x16x128xi32, #tpu.memory_space<hbm>>
        %dma_wait3A_29 = tpu.memref_squeeze %dma_wait3A_28 : memref<1x1x16x128xi32, #tpu.memory_space<hbm>> -> memref<16x128xi32, #tpu.memory_space<hbm>>
        tpu.wait_dma2 semaphore(%run_scoped3A : memref<!tpu.dma_semaphore, #tpu.memory_space<semaphore_mem>>) src(%dma_wait3A_29 : memref<16x128xi32, #tpu.memory_space<hbm>>) dst(%arg6 : memref<16x128xi32, #tpu.memory_space<vmem>>)
        tpu.yield
      }) : () -> ()
      %mul3A_12 = arith.constant 16 : i32
      %mul3A_13 = arith.muli %scan3A_9, %mul3A_12 : i32
      "tpu.region"() ({
        %run_scoped3A = tpu.sem_alloc : memref<!tpu.dma_semaphore, #tpu.memory_space<semaphore_mem>>
        %dma_start3A = arith.constant 0 : i32
        %dma_start3A_20 = tpu.memref_slice %arg4[%arg0, %arg1, %mul3A_13, %dma_start3A] : memref<2x16x160x128xi32, #tpu.memory_space<hbm>> -> memref<1x1x16x128xi32, #tpu.memory_space<hbm>>
        %dma_start3A_21 = tpu.memref_squeeze %dma_start3A_20 : memref<1x1x16x128xi32, #tpu.memory_space<hbm>> -> memref<16x128xi32, #tpu.memory_space<hbm>>
        %dma_start3A_22 = arith.constant 0 : i32
        %dma_start3A_23 = tpu.memref_slice %arg4[%arg0, %arg1, %mul3A_13, %dma_start3A_22] : memref<2x16x160x128xi32, #tpu.memory_space<hbm>> -> memref<1x1x16x128xi32, #tpu.memory_space<hbm>>
        %dma_start3A_24 = tpu.memref_squeeze %dma_start3A_23 : memref<1x1x16x128xi32, #tpu.memory_space<hbm>> -> memref<16x128xi32, #tpu.memory_space<hbm>>
        tpu.enqueue_dma source(%dma_start3A_24 : memref<16x128xi32, #tpu.memory_space<hbm>>) target(%arg7 : memref<16x128xi32, #tpu.memory_space<vmem>>) target_semaphore(%run_scoped3A : memref<!tpu.dma_semaphore, #tpu.memory_space<semaphore_mem>>)
        %dma_wait3A = arith.constant 0 : i32
        %dma_wait3A_25 = tpu.memref_slice %arg4[%arg0, %arg1, %mul3A_13, %dma_wait3A] : memref<2x16x160x128xi32, #tpu.memory_space<hbm>> -> memref<1x1x16x128xi32, #tpu.memory_space<hbm>>
        %dma_wait3A_26 = tpu.memref_squeeze %dma_wait3A_25 : memref<1x1x16x128xi32, #tpu.memory_space<hbm>> -> memref<16x128xi32, #tpu.memory_space<hbm>>
        %dma_wait3A_27 = arith.constant 0 : i32
        %dma_wait3A_28 = tpu.memref_slice %arg4[%arg0, %arg1, %mul3A_13, %dma_wait3A_27] : memref<2x16x160x128xi32, #tpu.memory_space<hbm>> -> memref<1x1x16x128xi32, #tpu.memory_space<hbm>>
        %dma_wait3A_29 = tpu.memref_squeeze %dma_wait3A_28 : memref<1x1x16x128xi32, #tpu.memory_space<hbm>> -> memref<16x128xi32, #tpu.memory_space<hbm>>
        tpu.wait_dma2 semaphore(%run_scoped3A : memref<!tpu.dma_semaphore, #tpu.memory_space<semaphore_mem>>) src(%dma_wait3A_29 : memref<16x128xi32, #tpu.memory_space<hbm>>) dst(%arg7 : memref<16x128xi32, #tpu.memory_space<vmem>>)
        tpu.yield
      }) : () -> ()
      %scan3A_14 = arith.constant 0 : i32
      %scan3A_15 = arith.constant 0 : i32
      %scan3A_16 = arith.constant 8 : i32
      %scan3A_17 = arith.addi %scan3A_15, %scan3A_16 : i32
      %scan3A_18 = arith.constant 1 : i32
      scf.for %scan3A_20 = %scan3A_15 to %scan3A_17 step %scan3A_18  : i32 {
        %mul3A_21 = arith.constant 2 : i32
        %mul3A_22 = arith.muli %mul3A_21, %scan3A_20 : i32
        %dma_start3A = arith.constant 0 : i32
        %dma_start3A_23 = tpu.memref_slice %arg6[%mul3A_22, %dma_start3A] : memref<16x128xi32, #tpu.memory_space<vmem>> -> memref<1x128xi32, #tpu.memory_space<vmem>>
        %dma_start3A_24 = tpu.memref_squeeze %dma_start3A_23 : memref<1x128xi32, #tpu.memory_space<vmem>> -> memref<128xi32, #tpu.memory_space<vmem>>
        %dma_start3A_25 = arith.constant 0 : i32
        %dma_start3A_26 = arith.constant 0 : i32
        %dma_start3A_27 = tpu.memref_slice %arg2[%dma_start3A_25, %dma_start3A_26] : memref<20480x128xf32, #tpu.memory_space<hbm>> -> memref<20480x128xf32, #tpu.memory_space<hbm>>
        tpu.enqueue_indirect_dma source(%dma_start3A_27 : memref<20480x128xf32, #tpu.memory_space<hbm>>) target(%arg8 : memref<128x128xf32, #tpu.memory_space<vmem>>) offsets(%dma_start3A_24 : memref<128xi32, #tpu.memory_space<vmem>>) semaphore(%arg11 : memref<!tpu.dma_semaphore, #tpu.memory_space<semaphore_mem>>)
        %add3A_28 = arith.constant 1 : i32
        %add3A_29 = arith.addi %mul3A_22, %add3A_28 : i32
        %dma_start3A_30 = arith.constant 0 : i32
        %dma_start3A_31 = tpu.memref_slice %arg6[%add3A_29, %dma_start3A_30] : memref<16x128xi32, #tpu.memory_space<vmem>> -> memref<1x128xi32, #tpu.memory_space<vmem>>
        %dma_start3A_32 = tpu.memref_squeeze %dma_start3A_31 : memref<1x128xi32, #tpu.memory_space<vmem>> -> memref<128xi32, #tpu.memory_space<vmem>>
        %dma_start3A_33 = arith.constant 0 : i32
        %dma_start3A_34 = arith.constant 0 : i32
        %dma_start3A_35 = tpu.memref_slice %arg2[%dma_start3A_33, %dma_start3A_34] : memref<20480x128xf32, #tpu.memory_space<hbm>> -> memref<20480x128xf32, #tpu.memory_space<hbm>>
        tpu.enqueue_indirect_dma source(%dma_start3A_35 : memref<20480x128xf32, #tpu.memory_space<hbm>>) target(%arg9 : memref<128x128xf32, #tpu.memory_space<vmem>>) offsets(%dma_start3A_32 : memref<128xi32, #tpu.memory_space<vmem>>) semaphore(%arg12 : memref<!tpu.dma_semaphore, #tpu.memory_space<semaphore_mem>>)
        %dma_wait3A = arith.constant 0 : i32
        %dma_wait3A_36 = tpu.memref_slice %arg6[%mul3A_22, %dma_wait3A] : memref<16x128xi32, #tpu.memory_space<vmem>> -> memref<1x128xi32, #tpu.memory_space<vmem>>
        %dma_wait3A_37 = tpu.memref_squeeze %dma_wait3A_36 : memref<1x128xi32, #tpu.memory_space<vmem>> -> memref<128xi32, #tpu.memory_space<vmem>>
        %dma_wait3A_38 = arith.constant 0 : i32
        %dma_wait3A_39 = arith.constant 0 : i32
        %dma_wait3A_40 = tpu.memref_slice %arg2[%dma_wait3A_38, %dma_wait3A_39] : memref<20480x128xf32, #tpu.memory_space<hbm>> -> memref<20480x128xf32, #tpu.memory_space<hbm>>
        tpu.wait_indirect_dma semaphore(%arg11 : memref<!tpu.dma_semaphore, #tpu.memory_space<semaphore_mem>>) src(%dma_wait3A_40 : memref<20480x128xf32, #tpu.memory_space<hbm>>) dst(%arg8 : memref<128x128xf32, #tpu.memory_space<vmem>>)
        "tpu.region"() ({
          %run_scoped3A = tpu.sem_alloc : memref<!tpu.dma_semaphore, #tpu.memory_space<semaphore_mem>>
          %dma_start3A_49 = arith.constant 0 : i32
          %dma_start3A_50 = tpu.memref_slice %arg7[%mul3A_22, %dma_start3A_49] : memref<16x128xi32, #tpu.memory_space<vmem>> -> memref<1x128xi32, #tpu.memory_space<vmem>>
          %dma_start3A_51 = tpu.memref_squeeze %dma_start3A_50 : memref<1x128xi32, #tpu.memory_space<vmem>> -> memref<128xi32, #tpu.memory_space<vmem>>
          %dma_start3A_52 = arith.constant 0 : i32
          %dma_start3A_53 = arith.constant 0 : i32
          %dma_start3A_54 = tpu.memref_slice %arg10[%dma_start3A_52, %dma_start3A_53] : memref<10240x128xf32, #tpu.memory_space<vmem_shared>> -> memref<10240x128xf32, #tpu.memory_space<vmem_shared>>
          tpu.enqueue_indirect_dma source(%arg8 : memref<128x128xf32, #tpu.memory_space<vmem>>) target(%dma_start3A_54 : memref<10240x128xf32, #tpu.memory_space<vmem_shared>>) offsets(%dma_start3A_51 : memref<128xi32, #tpu.memory_space<vmem>>) semaphore(%run_scoped3A : memref<!tpu.dma_semaphore, #tpu.memory_space<semaphore_mem>>) {add = true}
          %dma_wait3A_55 = arith.constant 0 : i32
          %dma_wait3A_56 = tpu.memref_slice %arg7[%mul3A_22, %dma_wait3A_55] : memref<16x128xi32, #tpu.memory_space<vmem>> -> memref<1x128xi32, #tpu.memory_space<vmem>>
          %dma_wait3A_57 = tpu.memref_squeeze %dma_wait3A_56 : memref<1x128xi32, #tpu.memory_space<vmem>> -> memref<128xi32, #tpu.memory_space<vmem>>
          %dma_wait3A_58 = arith.constant 0 : i32
          %dma_wait3A_59 = arith.constant 0 : i32
          %dma_wait3A_60 = tpu.memref_slice %arg10[%dma_wait3A_58, %dma_wait3A_59] : memref<10240x128xf32, #tpu.memory_space<vmem_shared>> -> memref<10240x128xf32, #tpu.memory_space<vmem_shared>>
          tpu.wait_indirect_dma semaphore(%run_scoped3A : memref<!tpu.dma_semaphore, #tpu.memory_space<semaphore_mem>>) src(%arg8 : memref<128x128xf32, #tpu.memory_space<vmem>>) dst(%dma_wait3A_60 : memref<10240x128xf32, #tpu.memory_space<vmem_shared>>)
          tpu.yield
        }) : () -> ()
        %dma_wait3A_41 = arith.constant 0 : i32
        %dma_wait3A_42 = tpu.memref_slice %arg6[%add3A_29, %dma_wait3A_41] : memref<16x128xi32, #tpu.memory_space<vmem>> -> memref<1x128xi32, #tpu.memory_space<vmem>>
        %dma_wait3A_43 = tpu.memref_squeeze %dma_wait3A_42 : memref<1x128xi32, #tpu.memory_space<vmem>> -> memref<128xi32, #tpu.memory_space<vmem>>
        %dma_wait3A_44 = arith.constant 0 : i32
        %dma_wait3A_45 = arith.constant 0 : i32
        %dma_wait3A_46 = tpu.memref_slice %arg2[%dma_wait3A_44, %dma_wait3A_45] : memref<20480x128xf32, #tpu.memory_space<hbm>> -> memref<20480x128xf32, #tpu.memory_space<hbm>>
        tpu.wait_indirect_dma semaphore(%arg12 : memref<!tpu.dma_semaphore, #tpu.memory_space<semaphore_mem>>) src(%dma_wait3A_46 : memref<20480x128xf32, #tpu.memory_space<hbm>>) dst(%arg9 : memref<128x128xf32, #tpu.memory_space<vmem>>)
        %add3A_47 = arith.constant 1 : i32
        %add3A_48 = arith.addi %mul3A_22, %add3A_47 : i32
        "tpu.region"() ({
          %run_scoped3A = tpu.sem_alloc : memref<!tpu.dma_semaphore, #tpu.memory_space<semaphore_mem>>
          %dma_start3A_49 = arith.constant 0 : i32
          %dma_start3A_50 = tpu.memref_slice %arg7[%add3A_48, %dma_start3A_49] : memref<16x128xi32, #tpu.memory_space<vmem>> -> memref<1x128xi32, #tpu.memory_space<vmem>>
          %dma_start3A_51 = tpu.memref_squeeze %dma_start3A_50 : memref<1x128xi32, #tpu.memory_space<vmem>> -> memref<128xi32, #tpu.memory_space<vmem>>
          %dma_start3A_52 = arith.constant 0 : i32
          %dma_start3A_53 = arith.constant 0 : i32
          %dma_start3A_54 = tpu.memref_slice %arg10[%dma_start3A_52, %dma_start3A_53] : memref<10240x128xf32, #tpu.memory_space<vmem_shared>> -> memref<10240x128xf32, #tpu.memory_space<vmem_shared>>
          tpu.enqueue_indirect_dma source(%arg9 : memref<128x128xf32, #tpu.memory_space<vmem>>) target(%dma_start3A_54 : memref<10240x128xf32, #tpu.memory_space<vmem_shared>>) offsets(%dma_start3A_51 : memref<128xi32, #tpu.memory_space<vmem>>) semaphore(%run_scoped3A : memref<!tpu.dma_semaphore, #tpu.memory_space<semaphore_mem>>) {add = true}
          %dma_wait3A_55 = arith.constant 0 : i32
          %dma_wait3A_56 = tpu.memref_slice %arg7[%add3A_48, %dma_wait3A_55] : memref<16x128xi32, #tpu.memory_space<vmem>> -> memref<1x128xi32, #tpu.memory_space<vmem>>
          %dma_wait3A_57 = tpu.memref_squeeze %dma_wait3A_56 : memref<1x128xi32, #tpu.memory_space<vmem>> -> memref<128xi32, #tpu.memory_space<vmem>>
          %dma_wait3A_58 = arith.constant 0 : i32
          %dma_wait3A_59 = arith.constant 0 : i32
          %dma_wait3A_60 = tpu.memref_slice %arg10[%dma_wait3A_58, %dma_wait3A_59] : memref<10240x128xf32, #tpu.memory_space<vmem_shared>> -> memref<10240x128xf32, #tpu.memory_space<vmem_shared>>
          tpu.wait_indirect_dma semaphore(%run_scoped3A : memref<!tpu.dma_semaphore, #tpu.memory_space<semaphore_mem>>) src(%arg9 : memref<128x128xf32, #tpu.memory_space<vmem>>) dst(%dma_wait3A_60 : memref<10240x128xf32, #tpu.memory_space<vmem_shared>>)
          tpu.yield
        }) : () -> ()
      }
      %scan3A_19 = arith.constant 8 : i32
    }
    %scan3A_7 = arith.constant 10 : i32
    %barrier3A_8 = arith.constant 0 : index
    tpu.barrier barrier_id(%barrier3A_8)
    "tpu.region"() ({
      %run_scoped3A = tpu.sem_alloc : memref<!tpu.dma_semaphore, #tpu.memory_space<semaphore_mem>>
      %dma_start3A = arith.constant 0 : i32
      %dma_start3A_9 = tpu.memref_slice %arg5[%arg0, %mul3A_0, %dma_start3A] : memref<2x10240x128xf32, #tpu.memory_space<hbm>> -> memref<1x640x128xf32, #tpu.memory_space<hbm>>
      %dma_start3A_10 = tpu.memref_squeeze %dma_start3A_9 : memref<1x640x128xf32, #tpu.memory_space<hbm>> -> memref<640x128xf32, #tpu.memory_space<hbm>>
      %dma_start3A_11 = arith.constant 0 : i32
      %dma_start3A_12 = tpu.memref_slice %arg10[%mul3A_0, %dma_start3A_11] : memref<10240x128xf32, #tpu.memory_space<vmem_shared>> -> memref<640x128xf32, #tpu.memory_space<vmem_shared>>
      tpu.enqueue_dma source(%dma_start3A_12 : memref<640x128xf32, #tpu.memory_space<vmem_shared>>) target(%dma_start3A_10 : memref<640x128xf32, #tpu.memory_space<hbm>>) target_semaphore(%run_scoped3A : memref<!tpu.dma_semaphore, #tpu.memory_space<semaphore_mem>>)
      %dma_wait3A = arith.constant 0 : i32
      %dma_wait3A_13 = tpu.memref_slice %arg5[%arg0, %mul3A_0, %dma_wait3A] : memref<2x10240x128xf32, #tpu.memory_space<hbm>> -> memref<1x640x128xf32, #tpu.memory_space<hbm>>
      %dma_wait3A_14 = tpu.memref_squeeze %dma_wait3A_13 : memref<1x640x128xf32, #tpu.memory_space<hbm>> -> memref<640x128xf32, #tpu.memory_space<hbm>>
      %dma_wait3A_15 = arith.constant 0 : i32
      %dma_wait3A_16 = tpu.memref_slice %arg10[%mul3A_0, %dma_wait3A_15] : memref<10240x128xf32, #tpu.memory_space<vmem_shared>> -> memref<640x128xf32, #tpu.memory_space<vmem_shared>>
      tpu.wait_dma2 semaphore(%run_scoped3A : memref<!tpu.dma_semaphore, #tpu.memory_space<semaphore_mem>>) src(%dma_wait3A_16 : memref<640x128xf32, #tpu.memory_space<vmem_shared>>) dst(%dma_wait3A_14 : memref<640x128xf32, #tpu.memory_space<hbm>>)
      tpu.yield
    }) : () -> ()
    return
  }
}

#map = affine_map<(d0, d1) -> (0, 0)>
#map1 = affine_map<(d0, d1) -> (0, 0, 0, 0)>
#map2 = affine_map<(d0, d1) -> (0, 0, 0)>
module attributes {stable_mosaic.version = 14 : i64} {
  func.func @_msg_body(%arg0: i32, %arg1: i32, %arg2: memref<20480x128xf32, #tpu.memory_space<hbm>>, %arg3: memref<2x16x160x128xi32, #tpu.memory_space<hbm>>, %arg4: memref<2x16x160x128xi32, #tpu.memory_space<hbm>>, %arg5: memref<2x10240x128xf32, #tpu.memory_space<hbm>>, %arg6: memref<16x128xi32, #tpu.memory_space<vmem>>, %arg7: memref<16x128xi32, #tpu.memory_space<vmem>>, %arg8: memref<128x128xf32, #tpu.memory_space<vmem>>, %arg9: memref<128x128xf32, #tpu.memory_space<vmem>>, %arg10: memref<10240x128xf32, #tpu.memory_space<vmem_shared>>, %arg11: memref<!tpu.dma_semaphore, #tpu.memory_space<semaphore_mem>>, %arg12: memref<!tpu.dma_semaphore, #tpu.memory_space<semaphore_mem>>) attributes {dimension_semantics = [#tpu.dimension_semantics<core_parallel>, #tpu.dimension_semantics<subcore_parallel>], iteration_bounds = array<i64: 2, 16>, scalar_prefetch = 0 : i64, scratch_operands = 7 : i64, tpu.core_type = #tpu.core_type<sc_vector_subcore>, window_params = [{transform_indices = #map}, {transform_indices = #map1}, {transform_indices = #map1}, {transform_indices = #map2}]} {
    %mul3A = arith.constant 640 : i32
    %mul3A_0 = arith.muli %arg1, %mul3A : i32
    %mul3A_1 = arith.constant 10240 : i32
    %mul3A_2 = arith.muli %arg0, %mul3A_1 : i32
    %add3A = arith.addi %mul3A_2, %mul3A_0 : i32
    "tpu.region"() ({
      %run_scoped3A = tpu.sem_alloc : memref<!tpu.dma_semaphore, #tpu.memory_space<semaphore_mem>>
      %dma_start3A = arith.constant 0 : i32
      %dma_start3A_9 = tpu.memref_slice %arg10[%mul3A_0, %dma_start3A] : memref<10240x128xf32, #tpu.memory_space<vmem_shared>> -> memref<640x128xf32, #tpu.memory_space<vmem_shared>>
      %dma_start3A_10 = arith.constant 0 : i32
      %dma_start3A_11 = tpu.memref_slice %arg2[%add3A, %dma_start3A_10] : memref<20480x128xf32, #tpu.memory_space<hbm>> -> memref<640x128xf32, #tpu.memory_space<hbm>>
      tpu.enqueue_dma source(%dma_start3A_11 : memref<640x128xf32, #tpu.memory_space<hbm>>) target(%dma_start3A_9 : memref<640x128xf32, #tpu.memory_space<vmem_shared>>) target_semaphore(%run_scoped3A : memref<!tpu.dma_semaphore, #tpu.memory_space<semaphore_mem>>)
      %dma_wait3A = arith.constant 0 : i32
      %dma_wait3A_12 = tpu.memref_slice %arg10[%mul3A_0, %dma_wait3A] : memref<10240x128xf32, #tpu.memory_space<vmem_shared>> -> memref<640x128xf32, #tpu.memory_space<vmem_shared>>
      %dma_wait3A_13 = arith.constant 0 : i32
      %dma_wait3A_14 = tpu.memref_slice %arg2[%add3A, %dma_wait3A_13] : memref<20480x128xf32, #tpu.memory_space<hbm>> -> memref<640x128xf32, #tpu.memory_space<hbm>>
      tpu.wait_dma2 semaphore(%run_scoped3A : memref<!tpu.dma_semaphore, #tpu.memory_space<semaphore_mem>>) src(%dma_wait3A_14 : memref<640x128xf32, #tpu.memory_space<hbm>>) dst(%dma_wait3A_12 : memref<640x128xf32, #tpu.memory_space<vmem_shared>>)
      tpu.yield
    }) : () -> ()
    %barrier3A = arith.constant 0 : index
    tpu.barrier barrier_id(%barrier3A)
    %scan3A = arith.constant 0 : i32
    %scan3A_3 = arith.constant 0 : i32
    %scan3A_4 = arith.constant 10 : i32
    %scan3A_5 = arith.addi %scan3A_3, %scan3A_4 : i32
    %scan3A_6 = arith.constant 1 : i32
    scf.for %scan3A_9 = %scan3A_3 to %scan3A_5 step %scan3A_6  : i32 {
      %mul3A_10 = arith.constant 16 : i32
      %mul3A_11 = arith.muli %scan3A_9, %mul3A_10 : i32
      "tpu.region"() ({
        %run_scoped3A = tpu.sem_alloc : memref<!tpu.dma_semaphore, #tpu.memory_space<semaphore_mem>>
        %dma_start3A = arith.constant 0 : i32
        %dma_start3A_20 = tpu.memref_slice %arg3[%arg0, %arg1, %mul3A_11, %dma_start3A] : memref<2x16x160x128xi32, #tpu.memory_space<hbm>> -> memref<1x1x16x128xi32, #tpu.memory_space<hbm>>
        %dma_start3A_21 = tpu.memref_squeeze %dma_start3A_20 : memref<1x1x16x128xi32, #tpu.memory_space<hbm>> -> memref<16x128xi32, #tpu.memory_space<hbm>>
        %dma_start3A_22 = arith.constant 0 : i32
        %dma_start3A_23 = tpu.memref_slice %arg3[%arg0, %arg1, %mul3A_11, %dma_start3A_22] : memref<2x16x160x128xi32, #tpu.memory_space<hbm>> -> memref<1x1x16x128xi32, #tpu.memory_space<hbm>>
        %dma_start3A_24 = tpu.memref_squeeze %dma_start3A_23 : memref<1x1x16x128xi32, #tpu.memory_space<hbm>> -> memref<16x128xi32, #tpu.memory_space<hbm>>
        tpu.enqueue_dma source(%dma_start3A_24 : memref<16x128xi32, #tpu.memory_space<hbm>>) target(%arg6 : memref<16x128xi32, #tpu.memory_space<vmem>>) target_semaphore(%run_scoped3A : memref<!tpu.dma_semaphore, #tpu.memory_space<semaphore_mem>>)
        %dma_wait3A = arith.constant 0 : i32
        %dma_wait3A_25 = tpu.memref_slice %arg3[%arg0, %arg1, %mul3A_11, %dma_wait3A] : memref<2x16x160x128xi32, #tpu.memory_space<hbm>> -> memref<1x1x16x128xi32, #tpu.memory_space<hbm>>
        %dma_wait3A_26 = tpu.memref_squeeze %dma_wait3A_25 : memref<1x1x16x128xi32, #tpu.memory_space<hbm>> -> memref<16x128xi32, #tpu.memory_space<hbm>>
        %dma_wait3A_27 = arith.constant 0 : i32
        %dma_wait3A_28 = tpu.memref_slice %arg3[%arg0, %arg1, %mul3A_11, %dma_wait3A_27] : memref<2x16x160x128xi32, #tpu.memory_space<hbm>> -> memref<1x1x16x128xi32, #tpu.memory_space<hbm>>
        %dma_wait3A_29 = tpu.memref_squeeze %dma_wait3A_28 : memref<1x1x16x128xi32, #tpu.memory_space<hbm>> -> memref<16x128xi32, #tpu.memory_space<hbm>>
        tpu.wait_dma2 semaphore(%run_scoped3A : memref<!tpu.dma_semaphore, #tpu.memory_space<semaphore_mem>>) src(%dma_wait3A_29 : memref<16x128xi32, #tpu.memory_space<hbm>>) dst(%arg6 : memref<16x128xi32, #tpu.memory_space<vmem>>)
        tpu.yield
      }) : () -> ()
      %mul3A_12 = arith.constant 16 : i32
      %mul3A_13 = arith.muli %scan3A_9, %mul3A_12 : i32
      "tpu.region"() ({
        %run_scoped3A = tpu.sem_alloc : memref<!tpu.dma_semaphore, #tpu.memory_space<semaphore_mem>>
        %dma_start3A = arith.constant 0 : i32
        %dma_start3A_20 = tpu.memref_slice %arg4[%arg0, %arg1, %mul3A_13, %dma_start3A] : memref<2x16x160x128xi32, #tpu.memory_space<hbm>> -> memref<1x1x16x128xi32, #tpu.memory_space<hbm>>
        %dma_start3A_21 = tpu.memref_squeeze %dma_start3A_20 : memref<1x1x16x128xi32, #tpu.memory_space<hbm>> -> memref<16x128xi32, #tpu.memory_space<hbm>>
        %dma_start3A_22 = arith.constant 0 : i32
        %dma_start3A_23 = tpu.memref_slice %arg4[%arg0, %arg1, %mul3A_13, %dma_start3A_22] : memref<2x16x160x128xi32, #tpu.memory_space<hbm>> -> memref<1x1x16x128xi32, #tpu.memory_space<hbm>>
        %dma_start3A_24 = tpu.memref_squeeze %dma_start3A_23 : memref<1x1x16x128xi32, #tpu.memory_space<hbm>> -> memref<16x128xi32, #tpu.memory_space<hbm>>
        tpu.enqueue_dma source(%dma_start3A_24 : memref<16x128xi32, #tpu.memory_space<hbm>>) target(%arg7 : memref<16x128xi32, #tpu.memory_space<vmem>>) target_semaphore(%run_scoped3A : memref<!tpu.dma_semaphore, #tpu.memory_space<semaphore_mem>>)
        %dma_wait3A = arith.constant 0 : i32
        %dma_wait3A_25 = tpu.memref_slice %arg4[%arg0, %arg1, %mul3A_13, %dma_wait3A] : memref<2x16x160x128xi32, #tpu.memory_space<hbm>> -> memref<1x1x16x128xi32, #tpu.memory_space<hbm>>
        %dma_wait3A_26 = tpu.memref_squeeze %dma_wait3A_25 : memref<1x1x16x128xi32, #tpu.memory_space<hbm>> -> memref<16x128xi32, #tpu.memory_space<hbm>>
        %dma_wait3A_27 = arith.constant 0 : i32
        %dma_wait3A_28 = tpu.memref_slice %arg4[%arg0, %arg1, %mul3A_13, %dma_wait3A_27] : memref<2x16x160x128xi32, #tpu.memory_space<hbm>> -> memref<1x1x16x128xi32, #tpu.memory_space<hbm>>
        %dma_wait3A_29 = tpu.memref_squeeze %dma_wait3A_28 : memref<1x1x16x128xi32, #tpu.memory_space<hbm>> -> memref<16x128xi32, #tpu.memory_space<hbm>>
        tpu.wait_dma2 semaphore(%run_scoped3A : memref<!tpu.dma_semaphore, #tpu.memory_space<semaphore_mem>>) src(%dma_wait3A_29 : memref<16x128xi32, #tpu.memory_space<hbm>>) dst(%arg7 : memref<16x128xi32, #tpu.memory_space<vmem>>)
        tpu.yield
      }) : () -> ()
      %scan3A_14 = arith.constant 0 : i32
      %scan3A_15 = arith.constant 0 : i32
      %scan3A_16 = arith.constant 8 : i32
      %scan3A_17 = arith.addi %scan3A_15, %scan3A_16 : i32
      %scan3A_18 = arith.constant 1 : i32
      scf.for %scan3A_20 = %scan3A_15 to %scan3A_17 step %scan3A_18  : i32 {
        %mul3A_21 = arith.constant 2 : i32
        %mul3A_22 = arith.muli %mul3A_21, %scan3A_20 : i32
        %dma_start3A = arith.constant 0 : i32
        %dma_start3A_23 = tpu.memref_slice %arg6[%mul3A_22, %dma_start3A] : memref<16x128xi32, #tpu.memory_space<vmem>> -> memref<1x128xi32, #tpu.memory_space<vmem>>
        %dma_start3A_24 = tpu.memref_squeeze %dma_start3A_23 : memref<1x128xi32, #tpu.memory_space<vmem>> -> memref<128xi32, #tpu.memory_space<vmem>>
        %dma_start3A_25 = arith.constant 0 : i32
        %dma_start3A_26 = arith.constant 0 : i32
        %dma_start3A_27 = tpu.memref_slice %arg2[%dma_start3A_25, %dma_start3A_26] : memref<20480x128xf32, #tpu.memory_space<hbm>> -> memref<20480x128xf32, #tpu.memory_space<hbm>>
        tpu.enqueue_indirect_dma source(%dma_start3A_27 : memref<20480x128xf32, #tpu.memory_space<hbm>>) target(%arg8 : memref<128x128xf32, #tpu.memory_space<vmem>>) offsets(%dma_start3A_24 : memref<128xi32, #tpu.memory_space<vmem>>) semaphore(%arg11 : memref<!tpu.dma_semaphore, #tpu.memory_space<semaphore_mem>>)
        %add3A_28 = arith.constant 1 : i32
        %add3A_29 = arith.addi %mul3A_22, %add3A_28 : i32
        %dma_start3A_30 = arith.constant 0 : i32
        %dma_start3A_31 = tpu.memref_slice %arg6[%add3A_29, %dma_start3A_30] : memref<16x128xi32, #tpu.memory_space<vmem>> -> memref<1x128xi32, #tpu.memory_space<vmem>>
        %dma_start3A_32 = tpu.memref_squeeze %dma_start3A_31 : memref<1x128xi32, #tpu.memory_space<vmem>> -> memref<128xi32, #tpu.memory_space<vmem>>
        %dma_start3A_33 = arith.constant 0 : i32
        %dma_start3A_34 = arith.constant 0 : i32
        %dma_start3A_35 = tpu.memref_slice %arg2[%dma_start3A_33, %dma_start3A_34] : memref<20480x128xf32, #tpu.memory_space<hbm>> -> memref<20480x128xf32, #tpu.memory_space<hbm>>
        tpu.enqueue_indirect_dma source(%dma_start3A_35 : memref<20480x128xf32, #tpu.memory_space<hbm>>) target(%arg9 : memref<128x128xf32, #tpu.memory_space<vmem>>) offsets(%dma_start3A_32 : memref<128xi32, #tpu.memory_space<vmem>>) semaphore(%arg12 : memref<!tpu.dma_semaphore, #tpu.memory_space<semaphore_mem>>)
        %dma_wait3A = arith.constant 0 : i32
        %dma_wait3A_36 = tpu.memref_slice %arg6[%mul3A_22, %dma_wait3A] : memref<16x128xi32, #tpu.memory_space<vmem>> -> memref<1x128xi32, #tpu.memory_space<vmem>>
        %dma_wait3A_37 = tpu.memref_squeeze %dma_wait3A_36 : memref<1x128xi32, #tpu.memory_space<vmem>> -> memref<128xi32, #tpu.memory_space<vmem>>
        %dma_wait3A_38 = arith.constant 0 : i32
        %dma_wait3A_39 = arith.constant 0 : i32
        %dma_wait3A_40 = tpu.memref_slice %arg2[%dma_wait3A_38, %dma_wait3A_39] : memref<20480x128xf32, #tpu.memory_space<hbm>> -> memref<20480x128xf32, #tpu.memory_space<hbm>>
        tpu.wait_indirect_dma semaphore(%arg11 : memref<!tpu.dma_semaphore, #tpu.memory_space<semaphore_mem>>) src(%dma_wait3A_40 : memref<20480x128xf32, #tpu.memory_space<hbm>>) dst(%arg8 : memref<128x128xf32, #tpu.memory_space<vmem>>)
        "tpu.region"() ({
          %run_scoped3A = tpu.sem_alloc : memref<!tpu.dma_semaphore, #tpu.memory_space<semaphore_mem>>
          %dma_start3A_49 = arith.constant 0 : i32
          %dma_start3A_50 = tpu.memref_slice %arg7[%mul3A_22, %dma_start3A_49] : memref<16x128xi32, #tpu.memory_space<vmem>> -> memref<1x128xi32, #tpu.memory_space<vmem>>
          %dma_start3A_51 = tpu.memref_squeeze %dma_start3A_50 : memref<1x128xi32, #tpu.memory_space<vmem>> -> memref<128xi32, #tpu.memory_space<vmem>>
          %dma_start3A_52 = arith.constant 0 : i32
          %dma_start3A_53 = arith.constant 0 : i32
          %dma_start3A_54 = tpu.memref_slice %arg10[%dma_start3A_52, %dma_start3A_53] : memref<10240x128xf32, #tpu.memory_space<vmem_shared>> -> memref<10240x128xf32, #tpu.memory_space<vmem_shared>>
          tpu.enqueue_indirect_dma source(%arg8 : memref<128x128xf32, #tpu.memory_space<vmem>>) target(%dma_start3A_54 : memref<10240x128xf32, #tpu.memory_space<vmem_shared>>) offsets(%dma_start3A_51 : memref<128xi32, #tpu.memory_space<vmem>>) semaphore(%run_scoped3A : memref<!tpu.dma_semaphore, #tpu.memory_space<semaphore_mem>>) {add = true}
          %dma_wait3A_55 = arith.constant 0 : i32
          %dma_wait3A_56 = tpu.memref_slice %arg7[%mul3A_22, %dma_wait3A_55] : memref<16x128xi32, #tpu.memory_space<vmem>> -> memref<1x128xi32, #tpu.memory_space<vmem>>
          %dma_wait3A_57 = tpu.memref_squeeze %dma_wait3A_56 : memref<1x128xi32, #tpu.memory_space<vmem>> -> memref<128xi32, #tpu.memory_space<vmem>>
          %dma_wait3A_58 = arith.constant 0 : i32
          %dma_wait3A_59 = arith.constant 0 : i32
          %dma_wait3A_60 = tpu.memref_slice %arg10[%dma_wait3A_58, %dma_wait3A_59] : memref<10240x128xf32, #tpu.memory_space<vmem_shared>> -> memref<10240x128xf32, #tpu.memory_space<vmem_shared>>
          tpu.wait_indirect_dma semaphore(%run_scoped3A : memref<!tpu.dma_semaphore, #tpu.memory_space<semaphore_mem>>) src(%arg8 : memref<128x128xf32, #tpu.memory_space<vmem>>) dst(%dma_wait3A_60 : memref<10240x128xf32, #tpu.memory_space<vmem_shared>>)
          tpu.yield
        }) : () -> ()
        %dma_wait3A_41 = arith.constant 0 : i32
        %dma_wait3A_42 = tpu.memref_slice %arg6[%add3A_29, %dma_wait3A_41] : memref<16x128xi32, #tpu.memory_space<vmem>> -> memref<1x128xi32, #tpu.memory_space<vmem>>
        %dma_wait3A_43 = tpu.memref_squeeze %dma_wait3A_42 : memref<1x128xi32, #tpu.memory_space<vmem>> -> memref<128xi32, #tpu.memory_space<vmem>>
        %dma_wait3A_44 = arith.constant 0 : i32
        %dma_wait3A_45 = arith.constant 0 : i32
        %dma_wait3A_46 = tpu.memref_slice %arg2[%dma_wait3A_44, %dma_wait3A_45] : memref<20480x128xf32, #tpu.memory_space<hbm>> -> memref<20480x128xf32, #tpu.memory_space<hbm>>
        tpu.wait_indirect_dma semaphore(%arg12 : memref<!tpu.dma_semaphore, #tpu.memory_space<semaphore_mem>>) src(%dma_wait3A_46 : memref<20480x128xf32, #tpu.memory_space<hbm>>) dst(%arg9 : memref<128x128xf32, #tpu.memory_space<vmem>>)
        %add3A_47 = arith.constant 1 : i32
        %add3A_48 = arith.addi %mul3A_22, %add3A_47 : i32
        "tpu.region"() ({
          %run_scoped3A = tpu.sem_alloc : memref<!tpu.dma_semaphore, #tpu.memory_space<semaphore_mem>>
          %dma_start3A_49 = arith.constant 0 : i32
          %dma_start3A_50 = tpu.memref_slice %arg7[%add3A_48, %dma_start3A_49] : memref<16x128xi32, #tpu.memory_space<vmem>> -> memref<1x128xi32, #tpu.memory_space<vmem>>
          %dma_start3A_51 = tpu.memref_squeeze %dma_start3A_50 : memref<1x128xi32, #tpu.memory_space<vmem>> -> memref<128xi32, #tpu.memory_space<vmem>>
          %dma_start3A_52 = arith.constant 0 : i32
          %dma_start3A_53 = arith.constant 0 : i32
          %dma_start3A_54 = tpu.memref_slice %arg10[%dma_start3A_52, %dma_start3A_53] : memref<10240x128xf32, #tpu.memory_space<vmem_shared>> -> memref<10240x128xf32, #tpu.memory_space<vmem_shared>>
          tpu.enqueue_indirect_dma source(%arg9 : memref<128x128xf32, #tpu.memory_space<vmem>>) target(%dma_start3A_54 : memref<10240x128xf32, #tpu.memory_space<vmem_shared>>) offsets(%dma_start3A_51 : memref<128xi32, #tpu.memory_space<vmem>>) semaphore(%run_scoped3A : memref<!tpu.dma_semaphore, #tpu.memory_space<semaphore_mem>>) {add = true}
          %dma_wait3A_55 = arith.constant 0 : i32
          %dma_wait3A_56 = tpu.memref_slice %arg7[%add3A_48, %dma_wait3A_55] : memref<16x128xi32, #tpu.memory_space<vmem>> -> memref<1x128xi32, #tpu.memory_space<vmem>>
          %dma_wait3A_57 = tpu.memref_squeeze %dma_wait3A_56 : memref<1x128xi32, #tpu.memory_space<vmem>> -> memref<128xi32, #tpu.memory_space<vmem>>
          %dma_wait3A_58 = arith.constant 0 : i32
          %dma_wait3A_59 = arith.constant 0 : i32
          %dma_wait3A_60 = tpu.memref_slice %arg10[%dma_wait3A_58, %dma_wait3A_59] : memref<10240x128xf32, #tpu.memory_space<vmem_shared>> -> memref<10240x128xf32, #tpu.memory_space<vmem_shared>>
          tpu.wait_indirect_dma semaphore(%run_scoped3A : memref<!tpu.dma_semaphore, #tpu.memory_space<semaphore_mem>>) src(%arg9 : memref<128x128xf32, #tpu.memory_space<vmem>>) dst(%dma_wait3A_60 : memref<10240x128xf32, #tpu.memory_space<vmem_shared>>)
          tpu.yield
        }) : () -> ()
      }
      %scan3A_19 = arith.constant 8 : i32
    }
    %scan3A_7 = arith.constant 10 : i32
    %barrier3A_8 = arith.constant 0 : index
    tpu.barrier barrier_id(%barrier3A_8)
    "tpu.region"() ({
      %run_scoped3A = tpu.sem_alloc : memref<!tpu.dma_semaphore, #tpu.memory_space<semaphore_mem>>
      %dma_start3A = arith.constant 0 : i32
      %dma_start3A_9 = tpu.memref_slice %arg5[%arg0, %mul3A_0, %dma_start3A] : memref<2x10240x128xf32, #tpu.memory_space<hbm>> -> memref<1x640x128xf32, #tpu.memory_space<hbm>>
      %dma_start3A_10 = tpu.memref_squeeze %dma_start3A_9 : memref<1x640x128xf32, #tpu.memory_space<hbm>> -> memref<640x128xf32, #tpu.memory_space<hbm>>
      %dma_start3A_11 = arith.constant 0 : i32
      %dma_start3A_12 = tpu.memref_slice %arg10[%mul3A_0, %dma_start3A_11] : memref<10240x128xf32, #tpu.memory_space<vmem_shared>> -> memref<640x128xf32, #tpu.memory_space<vmem_shared>>
      tpu.enqueue_dma source(%dma_start3A_12 : memref<640x128xf32, #tpu.memory_space<vmem_shared>>) target(%dma_start3A_10 : memref<640x128xf32, #tpu.memory_space<hbm>>) target_semaphore(%run_scoped3A : memref<!tpu.dma_semaphore, #tpu.memory_space<semaphore_mem>>)
      %dma_wait3A = arith.constant 0 : i32
      %dma_wait3A_13 = tpu.memref_slice %arg5[%arg0, %mul3A_0, %dma_wait3A] : memref<2x10240x128xf32, #tpu.memory_space<hbm>> -> memref<1x640x128xf32, #tpu.memory_space<hbm>>
      %dma_wait3A_14 = tpu.memref_squeeze %dma_wait3A_13 : memref<1x640x128xf32, #tpu.memory_space<hbm>> -> memref<640x128xf32, #tpu.memory_space<hbm>>
      %dma_wait3A_15 = arith.constant 0 : i32
      %dma_wait3A_16 = tpu.memref_slice %arg10[%mul3A_0, %dma_wait3A_15] : memref<10240x128xf32, #tpu.memory_space<vmem_shared>> -> memref<640x128xf32, #tpu.memory_space<vmem_shared>>
      tpu.wait_dma2 semaphore(%run_scoped3A : memref<!tpu.dma_semaphore, #tpu.memory_space<semaphore_mem>>) src(%dma_wait3A_16 : memref<640x128xf32, #tpu.memory_space<vmem_shared>>) dst(%dma_wait3A_14 : memref<640x128xf32, #tpu.memory_space<hbm>>)
      tpu.yield
    }) : () -> ()
    return
  }
}

module attributes {stable_mosaic.version = 14 : i64} {
  func.func @_t1_body(%arg0: i32, %arg1: memref<1x10000x128xf32, #tpu.memory_space<vmem>>, %arg2: memref<1x10240x128xf32, #tpu.memory_space<vmem>>, %arg3: memref<1x128xf32, #tpu.memory_space<vmem>>, %arg4: memref<1x128xf32, #tpu.memory_space<vmem>>, %arg5: memref<1x128x256xf32, #tpu.memory_space<vmem>>, %arg6: memref<1x1x256xf32, #tpu.memory_space<vmem>>, %arg7: memref<1x256x128xf32, #tpu.memory_space<vmem>>, %arg8: memref<1x1x128xf32, #tpu.memory_space<vmem>>, %arg9: memref<1x128x128xf32, #tpu.memory_space<vmem>>, %arg10: memref<10240x128xf32, #tpu.memory_space<vmem>>) attributes {dimension_semantics = [#tpu.dimension_semantics<arbitrary>], iteration_bounds = array<i64: 2>, scalar_prefetch = 0 : i64, scratch_operands = 0 : i64, tpu.core_type = #tpu.core_type<tc>, window_params = [{transform_indices = @transform_0, window_bounds = array<i64: 1, 10000, 128>}, {transform_indices = @transform_1, window_bounds = array<i64: 1, 10240, 128>}, {pipeline_mode = #tpu.pipeline_mode<synchronous>, transform_indices = @transform_2, window_bounds = array<i64: 1, 128>}, {pipeline_mode = #tpu.pipeline_mode<synchronous>, transform_indices = @transform_3, window_bounds = array<i64: 1, 128>}, {transform_indices = @transform_4, window_bounds = array<i64: 1, 128, 256>}, {transform_indices = @transform_5, window_bounds = array<i64: 1, 1, 256>}, {transform_indices = @transform_6, window_bounds = array<i64: 1, 256, 128>}, {transform_indices = @transform_7, window_bounds = array<i64: 1, 1, 128>}, {transform_indices = @transform_8, window_bounds = array<i64: 1, 128, 128>}, {transform_indices = @transform_9, window_bounds = array<i64: 10240, 128>}]} {
    %get3A = arith.constant 0 : index
    %get3A_0 = arith.constant 0 : index
    %get3A_1 = arith.constant 0 : index
    %get3A_2 = vector.load %arg1[%get3A, %get3A_0, %get3A_1] : memref<1x10000x128xf32, #tpu.memory_space<vmem>>, vector<1x10000x128xf32>
    %get3A_3 = vector.shape_cast %get3A_2 : vector<1x10000x128xf32> to vector<10000x128xf32>
    %broadcast_in_dim3A = arith.constant 1.000000e+00 : f32
    %broadcast_in_dim3A_4 = vector.broadcast %broadcast_in_dim3A : f32 to vector<1x10000xf32>
    %dot_general3A = arith.constant dense<0.000000e+00> : vector<1x128xf32>
    %dot_general3A_5 = tpu.matmul %broadcast_in_dim3A_4, %get3A_3, %dot_general3A {dimension_numbers = #tpu.dot_dimension_numbers<[1], [0], [0], [1], [0, 0, 1, 1], [], []>, precision = #tpu.contract_precision<fp32>, transpose_lhs_hint = false} : vector<1x10000xf32>, vector<10000x128xf32>, vector<1x128xf32> -> vector<1x128xf32>
    %mul3A = arith.constant 9.99999974E-5 : f32
    %mul3A_6 = vector.broadcast %mul3A : f32 to vector<1x128xf32>
    %mul3A_7 = arith.mulf %dot_general3A_5, %mul3A_6 : vector<1x128xf32>
    %sub3A = vector.broadcast %mul3A_7 : vector<1x128xf32> to vector<10000x128xf32>
    %sub3A_8 = arith.subf %get3A_3, %sub3A : vector<10000x128xf32>
    %mul3A_9 = arith.mulf %sub3A_8, %sub3A_8 : vector<10000x128xf32>
    %dot_general3A_10 = arith.constant dense<0.000000e+00> : vector<1x128xf32>
    %dot_general3A_11 = tpu.matmul %broadcast_in_dim3A_4, %mul3A_9, %dot_general3A_10 {dimension_numbers = #tpu.dot_dimension_numbers<[1], [0], [0], [1], [0, 0, 1, 1], [], []>, precision = #tpu.contract_precision<fp32>, transpose_lhs_hint = false} : vector<1x10000xf32>, vector<10000x128xf32>, vector<1x128xf32> -> vector<1x128xf32>
    %mul3A_12 = arith.constant 9.99999974E-5 : f32
    %mul3A_13 = vector.broadcast %mul3A_12 : f32 to vector<1x128xf32>
    %mul3A_14 = arith.mulf %dot_general3A_11, %mul3A_13 : vector<1x128xf32>
    %add3A = arith.constant 9.99999974E-6 : f32
    %add3A_15 = vector.broadcast %add3A : f32 to vector<1x128xf32>
    %add3A_16 = arith.addf %mul3A_14, %add3A_15 : vector<1x128xf32>
    %sqrt3A = math.sqrt %add3A_16 : vector<1x128xf32>
    %div3A = vector.broadcast %sqrt3A : vector<1x128xf32> to vector<10000x128xf32>
    %div3A_17 = arith.divf %sub3A_8, %div3A : vector<10000x128xf32>
    %get3A_18 = arith.constant 0 : index
    %get3A_19 = arith.constant 0 : index
    %get3A_20 = vector.load %arg3[%get3A_18, %get3A_19] : memref<1x128xf32, #tpu.memory_space<vmem>>, vector<1x128xf32>
    %mul3A_21 = vector.broadcast %get3A_20 : vector<1x128xf32> to vector<10000x128xf32>
    %mul3A_22 = arith.mulf %div3A_17, %mul3A_21 : vector<10000x128xf32>
    %get3A_23 = arith.constant 0 : index
    %get3A_24 = arith.constant 0 : index
    %get3A_25 = vector.load %arg4[%get3A_23, %get3A_24] : memref<1x128xf32, #tpu.memory_space<vmem>>, vector<1x128xf32>
    %add3A_26 = vector.broadcast %get3A_25 : vector<1x128xf32> to vector<10000x128xf32>
    %add3A_27 = arith.addf %mul3A_22, %add3A_26 : vector<10000x128xf32>
    %get3A_28 = arith.constant 0 : index
    %get3A_29 = arith.constant 0 : index
    %get3A_30 = arith.constant 0 : index
    %get3A_31 = vector.load %arg5[%get3A_28, %get3A_29, %get3A_30] : memref<1x128x256xf32, #tpu.memory_space<vmem>>, vector<1x128x256xf32>
    %get3A_32 = vector.shape_cast %get3A_31 : vector<1x128x256xf32> to vector<128x256xf32>
    %dot_general3A_33 = arith.constant dense<0.000000e+00> : vector<10000x256xf32>
    %dot_general3A_34 = tpu.matmul %add3A_27, %get3A_32, %dot_general3A_33 {dimension_numbers = #tpu.dot_dimension_numbers<[1], [0], [0], [1], [0, 0, 1, 1], [], []>, transpose_lhs_hint = false} : vector<10000x128xf32>, vector<128x256xf32>, vector<10000x256xf32> -> vector<10000x256xf32>
    %get3A_35 = arith.constant 0 : index
    %get3A_36 = arith.constant 0 : index
    %get3A_37 = arith.constant 0 : index
    %get3A_38 = vector.load %arg6[%get3A_35, %get3A_36, %get3A_37] : memref<1x1x256xf32, #tpu.memory_space<vmem>>, vector<1x1x256xf32>
    %get3A_39 = vector.shape_cast %get3A_38 : vector<1x1x256xf32> to vector<1x256xf32>
    %add3A_40 = vector.broadcast %get3A_39 : vector<1x256xf32> to vector<10000x256xf32>
    %add3A_41 = arith.addf %dot_general3A_34, %add3A_40 : vector<10000x256xf32>
    %max3A = arith.constant 0.000000e+00 : f32
    %max3A_42 = vector.broadcast %max3A : f32 to vector<10000x256xf32>
    %max3A_43 = arith.maximumf %add3A_41, %max3A_42 : vector<10000x256xf32>
    %get3A_44 = arith.constant 0 : index
    %get3A_45 = arith.constant 0 : index
    %get3A_46 = arith.constant 0 : index
    %get3A_47 = vector.load %arg7[%get3A_44, %get3A_45, %get3A_46] : memref<1x256x128xf32, #tpu.memory_space<vmem>>, vector<1x256x128xf32>
    %get3A_48 = vector.shape_cast %get3A_47 : vector<1x256x128xf32> to vector<256x128xf32>
    %dot_general3A_49 = arith.constant dense<0.000000e+00> : vector<10000x128xf32>
    %dot_general3A_50 = tpu.matmul %max3A_43, %get3A_48, %dot_general3A_49 {dimension_numbers = #tpu.dot_dimension_numbers<[1], [0], [0], [1], [0, 0, 1, 1], [], []>, transpose_lhs_hint = false} : vector<10000x256xf32>, vector<256x128xf32>, vector<10000x128xf32> -> vector<10000x128xf32>
    %get3A_51 = arith.constant 0 : index
    %get3A_52 = arith.constant 0 : index
    %get3A_53 = arith.constant 0 : index
    %get3A_54 = vector.load %arg8[%get3A_51, %get3A_52, %get3A_53] : memref<1x1x128xf32, #tpu.memory_space<vmem>>, vector<1x1x128xf32>
    %get3A_55 = vector.shape_cast %get3A_54 : vector<1x1x128xf32> to vector<1x128xf32>
    %add3A_56 = vector.broadcast %get3A_55 : vector<1x128xf32> to vector<10000x128xf32>
    %add3A_57 = arith.addf %dot_general3A_50, %add3A_56 : vector<10000x128xf32>
    %max3A_58 = arith.constant 0.000000e+00 : f32
    %max3A_59 = vector.broadcast %max3A_58 : f32 to vector<10000x128xf32>
    %max3A_60 = arith.maximumf %add3A_57, %max3A_59 : vector<10000x128xf32>
    %get3A_61 = arith.constant 0 : index
    %get3A_62 = arith.constant 0 : index
    %get3A_63 = arith.constant 0 : index
    %get3A_64 = vector.load %arg2[%get3A_61, %get3A_62, %get3A_63] : memref<1x10240x128xf32, #tpu.memory_space<vmem>>, vector<1x10240x128xf32>
    %get3A_65 = vector.shape_cast %get3A_64 : vector<1x10240x128xf32> to vector<10240x128xf32>
    %slice3A = vector.extract_strided_slice %get3A_65 {offsets = [0, 0], sizes = [10000, 1], strides = [1, 1]} : vector<10240x128xf32> to vector<10000x1xf32>
    %sqrt3A_66 = math.sqrt %slice3A : vector<10000x1xf32>
    %div3A_67 = arith.constant 1.000000e+00 : f32
    %div3A_68 = vector.broadcast %div3A_67 : f32 to vector<10000x1xf32>
    %div3A_69 = arith.divf %div3A_68, %sqrt3A_66 : vector<10000x1xf32>
    %get3A_70 = arith.constant 0 : index
    %get3A_71 = arith.constant 0 : index
    %get3A_72 = arith.constant 0 : index
    %get3A_73 = vector.load %arg9[%get3A_70, %get3A_71, %get3A_72] : memref<1x128x128xf32, #tpu.memory_space<vmem>>, vector<1x128x128xf32>
    %get3A_74 = vector.shape_cast %get3A_73 : vector<1x128x128xf32> to vector<128x128xf32>
    %dot_general3A_75 = arith.constant dense<0.000000e+00> : vector<10000x128xf32>
    %dot_general3A_76 = tpu.matmul %max3A_60, %get3A_74, %dot_general3A_75 {dimension_numbers = #tpu.dot_dimension_numbers<[1], [0], [0], [1], [0, 0, 1, 1], [], []>, transpose_lhs_hint = false} : vector<10000x128xf32>, vector<128x128xf32>, vector<10000x128xf32> -> vector<10000x128xf32>
    %mul3A_77 = vector.broadcast %div3A_69 : vector<10000x1xf32> to vector<10000x128xf32>
    %mul3A_78 = arith.mulf %dot_general3A_76, %mul3A_77 : vector<10000x128xf32>
    %swap3A = arith.constant 0 : index
    %swap3A_79 = arith.constant 0 : index
    %swap3A_80 = vector.load %arg10[%swap3A, %swap3A_79] : memref<10240x128xf32, #tpu.memory_space<vmem>>, vector<10000x128xf32>
    tpu.vector_store %arg10[%swap3A, %swap3A_79], %mul3A_78 {strides = array<i32>} : memref<10240x128xf32, #tpu.memory_space<vmem>>, vector<10000x128xf32>,
    %broadcast_in_dim3A_81 = arith.constant 0.000000e+00 : f32
    %broadcast_in_dim3A_82 = vector.broadcast %broadcast_in_dim3A_81 : f32 to vector<240x128xf32>
    %swap3A_83 = arith.constant 10000 : index
    %swap3A_84 = arith.constant 0 : index
    %swap3A_85 = vector.load %arg10[%swap3A_83, %swap3A_84] : memref<10240x128xf32, #tpu.memory_space<vmem>>, vector<240x128xf32>
    tpu.vector_store %arg10[%swap3A_83, %swap3A_84], %broadcast_in_dim3A_82 {strides = array<i32>} : memref<10240x128xf32, #tpu.memory_space<vmem>>, vector<240x128xf32>,
    return
  }
  func.func @transform_0(%arg0: i32) -> (i32, i32, i32) {
    %c0_i32 = arith.constant 0 : i32
    %c0_i32_0 = arith.constant 0 : i32
    %c0_i32_1 = arith.constant 0 : i32
    return %arg0, %c0_i32, %c0_i32_0 : i32, i32, i32
  }
  func.func @transform_1(%arg0: i32) -> (i32, i32, i32) {
    %c0_i32 = arith.constant 0 : i32
    %c0_i32_0 = arith.constant 0 : i32
    %c0_i32_1 = arith.constant 0 : i32
    return %arg0, %c0_i32, %c0_i32_0 : i32, i32, i32
  }
  func.func @transform_2(%arg0: i32) -> (i32, i32) {
    %c0_i32 = arith.constant 0 : i32
    %c0_i32_0 = arith.constant 0 : i32
    %c0_i32_1 = arith.constant 0 : i32
    return %c0_i32, %c0_i32_0 : i32, i32
  }
  func.func @transform_3(%arg0: i32) -> (i32, i32) {
    %c0_i32 = arith.constant 0 : i32
    %c0_i32_0 = arith.constant 0 : i32
    %c0_i32_1 = arith.constant 0 : i32
    return %c0_i32, %c0_i32_0 : i32, i32
  }
  func.func @transform_4(%arg0: i32) -> (i32, i32, i32) {
    %c0_i32 = arith.constant 0 : i32
    %c0_i32_0 = arith.constant 0 : i32
    %c0_i32_1 = arith.constant 0 : i32
    return %arg0, %c0_i32, %c0_i32_0 : i32, i32, i32
  }
  func.func @transform_5(%arg0: i32) -> (i32, i32, i32) {
    %c0_i32 = arith.constant 0 : i32
    %c0_i32_0 = arith.constant 0 : i32
    %c0_i32_1 = arith.constant 0 : i32
    return %arg0, %c0_i32, %c0_i32_0 : i32, i32, i32
  }
  func.func @transform_6(%arg0: i32) -> (i32, i32, i32) {
    %c0_i32 = arith.constant 0 : i32
    %c0_i32_0 = arith.constant 0 : i32
    %c0_i32_1 = arith.constant 0 : i32
    return %arg0, %c0_i32, %c0_i32_0 : i32, i32, i32
  }
  func.func @transform_7(%arg0: i32) -> (i32, i32, i32) {
    %c0_i32 = arith.constant 0 : i32
    %c0_i32_0 = arith.constant 0 : i32
    %c0_i32_1 = arith.constant 0 : i32
    return %arg0, %c0_i32, %c0_i32_0 : i32, i32, i32
  }
  func.func @transform_8(%arg0: i32) -> (i32, i32, i32) {
    %c0_i32 = arith.constant 0 : i32
    %c0_i32_0 = arith.constant 0 : i32
    %c0_i32_1 = arith.constant 0 : i32
    return %arg0, %c0_i32, %c0_i32_0 : i32, i32, i32
  }
  func.func @transform_9(%arg0: i32) -> (i32, i32) {
    %c0_i32 = arith.constant 0 : i32
    %c0_i32_0 = arith.constant 0 : i32
    return %arg0, %c0_i32 : i32, i32
  }
}

module attributes {stable_mosaic.version = 14 : i64} {
  func.func @_t2_body(%arg0: i32, %arg1: memref<1x10240x128xf32, #tpu.memory_space<vmem>>, %arg2: memref<1x10240x128xf32, #tpu.memory_space<vmem>>, %arg3: memref<1x1x128xf32, #tpu.memory_space<vmem>>, %arg4: memref<1x128x128xf32, #tpu.memory_space<vmem>>, %arg5: memref<10240x128xf32, #tpu.memory_space<vmem>>) attributes {dimension_semantics = [#tpu.dimension_semantics<arbitrary>], iteration_bounds = array<i64: 2>, scalar_prefetch = 0 : i64, scratch_operands = 0 : i64, tpu.core_type = #tpu.core_type<tc>, window_params = [{transform_indices = @transform_0, window_bounds = array<i64: 1, 10240, 128>}, {transform_indices = @transform_1, window_bounds = array<i64: 1, 10240, 128>}, {transform_indices = @transform_2, window_bounds = array<i64: 1, 1, 128>}, {transform_indices = @transform_3, window_bounds = array<i64: 1, 128, 128>}, {transform_indices = @transform_4, window_bounds = array<i64: 10240, 128>}]} {
    %get3A = arith.constant 0 : index
    %get3A_0 = arith.constant 0 : index
    %get3A_1 = arith.constant 0 : index
    %get3A_2 = vector.load %arg2[%get3A, %get3A_0, %get3A_1] : memref<1x10240x128xf32, #tpu.memory_space<vmem>>, vector<1x10240x128xf32>
    %get3A_3 = vector.shape_cast %get3A_2 : vector<1x10240x128xf32> to vector<10240x128xf32>
    %slice3A = vector.extract_strided_slice %get3A_3 {offsets = [0, 0], sizes = [10000, 1], strides = [1, 1]} : vector<10240x128xf32> to vector<10000x1xf32>
    %sqrt3A = math.sqrt %slice3A : vector<10000x1xf32>
    %div3A = arith.constant 1.000000e+00 : f32
    %div3A_4 = vector.broadcast %div3A : f32 to vector<10000x1xf32>
    %div3A_5 = arith.divf %div3A_4, %sqrt3A : vector<10000x1xf32>
    %get3A_6 = arith.constant 0 : index
    %get3A_7 = arith.constant 0 : index
    %get3A_8 = arith.constant 0 : index
    %get3A_9 = vector.load %arg1[%get3A_6, %get3A_7, %get3A_8] : memref<1x10240x128xf32, #tpu.memory_space<vmem>>, vector<1x10240x128xf32>
    %get3A_10 = vector.shape_cast %get3A_9 : vector<1x10240x128xf32> to vector<10240x128xf32>
    %slice3A_11 = vector.extract_strided_slice %get3A_10 {offsets = [0, 0], sizes = [10000, 128], strides = [1, 1]} : vector<10240x128xf32> to vector<10000x128xf32>
    %mul3A = vector.broadcast %div3A_5 : vector<10000x1xf32> to vector<10000x128xf32>
    %mul3A_12 = arith.mulf %slice3A_11, %mul3A : vector<10000x128xf32>
    %get3A_13 = arith.constant 0 : index
    %get3A_14 = arith.constant 0 : index
    %get3A_15 = arith.constant 0 : index
    %get3A_16 = vector.load %arg3[%get3A_13, %get3A_14, %get3A_15] : memref<1x1x128xf32, #tpu.memory_space<vmem>>, vector<1x1x128xf32>
    %get3A_17 = vector.shape_cast %get3A_16 : vector<1x1x128xf32> to vector<1x128xf32>
    %add3A = vector.broadcast %get3A_17 : vector<1x128xf32> to vector<10000x128xf32>
    %add3A_18 = arith.addf %mul3A_12, %add3A : vector<10000x128xf32>
    %max3A = arith.constant 0.000000e+00 : f32
    %max3A_19 = vector.broadcast %max3A : f32 to vector<10000x128xf32>
    %max3A_20 = arith.maximumf %add3A_18, %max3A_19 : vector<10000x128xf32>
    %get3A_21 = arith.constant 0 : index
    %get3A_22 = arith.constant 0 : index
    %get3A_23 = arith.constant 0 : index
    %get3A_24 = vector.load %arg4[%get3A_21, %get3A_22, %get3A_23] : memref<1x128x128xf32, #tpu.memory_space<vmem>>, vector<1x128x128xf32>
    %get3A_25 = vector.shape_cast %get3A_24 : vector<1x128x128xf32> to vector<128x128xf32>
    %dot_general3A = arith.constant dense<0.000000e+00> : vector<10000x128xf32>
    %dot_general3A_26 = tpu.matmul %max3A_20, %get3A_25, %dot_general3A {dimension_numbers = #tpu.dot_dimension_numbers<[1], [0], [0], [1], [0, 0, 1, 1], [], []>, transpose_lhs_hint = false} : vector<10000x128xf32>, vector<128x128xf32>, vector<10000x128xf32> -> vector<10000x128xf32>
    %mul3A_27 = vector.broadcast %div3A_5 : vector<10000x1xf32> to vector<10000x128xf32>
    %mul3A_28 = arith.mulf %dot_general3A_26, %mul3A_27 : vector<10000x128xf32>
    %swap3A = arith.constant 0 : index
    %swap3A_29 = arith.constant 0 : index
    %swap3A_30 = vector.load %arg5[%swap3A, %swap3A_29] : memref<10240x128xf32, #tpu.memory_space<vmem>>, vector<10000x128xf32>
    tpu.vector_store %arg5[%swap3A, %swap3A_29], %mul3A_28 {strides = array<i32>} : memref<10240x128xf32, #tpu.memory_space<vmem>>, vector<10000x128xf32>,
    %broadcast_in_dim3A = arith.constant 0.000000e+00 : f32
    %broadcast_in_dim3A_31 = vector.broadcast %broadcast_in_dim3A : f32 to vector<240x128xf32>
    %swap3A_32 = arith.constant 10000 : index
    %swap3A_33 = arith.constant 0 : index
    %swap3A_34 = vector.load %arg5[%swap3A_32, %swap3A_33] : memref<10240x128xf32, #tpu.memory_space<vmem>>, vector<240x128xf32>
    tpu.vector_store %arg5[%swap3A_32, %swap3A_33], %broadcast_in_dim3A_31 {strides = array<i32>} : memref<10240x128xf32, #tpu.memory_space<vmem>>, vector<240x128xf32>,
    return
  }
  func.func @transform_0(%arg0: i32) -> (i32, i32, i32) {
    %c0_i32 = arith.constant 0 : i32
    %c0_i32_0 = arith.constant 0 : i32
    %c0_i32_1 = arith.constant 0 : i32
    return %arg0, %c0_i32, %c0_i32_0 : i32, i32, i32
  }
  func.func @transform_1(%arg0: i32) -> (i32, i32, i32) {
    %c0_i32 = arith.constant 0 : i32
    %c0_i32_0 = arith.constant 0 : i32
    %c0_i32_1 = arith.constant 0 : i32
    return %arg0, %c0_i32, %c0_i32_0 : i32, i32, i32
  }
  func.func @transform_2(%arg0: i32) -> (i32, i32, i32) {
    %c0_i32 = arith.constant 0 : i32
    %c0_i32_0 = arith.constant 0 : i32
    %c0_i32_1 = arith.constant 0 : i32
    return %arg0, %c0_i32, %c0_i32_0 : i32, i32, i32
  }
  func.func @transform_3(%arg0: i32) -> (i32, i32, i32) {
    %c0_i32 = arith.constant 0 : i32
    %c0_i32_0 = arith.constant 0 : i32
    %c0_i32_1 = arith.constant 0 : i32
    return %arg0, %c0_i32, %c0_i32_0 : i32, i32, i32
  }
  func.func @transform_4(%arg0: i32) -> (i32, i32) {
    %c0_i32 = arith.constant 0 : i32
    %c0_i32_0 = arith.constant 0 : i32
    return %arg0, %c0_i32 : i32, i32
  }
}

module attributes {stable_mosaic.version = 14 : i64} {
  func.func @_t4_body(%arg0: memref<2x10240x128xf32, #tpu.memory_space<vmem>>, %arg1: memref<2x10240x128xf32, #tpu.memory_space<vmem>>, %arg2: memref<2x1x128xf32, #tpu.memory_space<vmem>>, %arg3: memref<2x1x10000xi32, #tpu.memory_space<vmem>>, %arg4: memref<256x256xf32, #tpu.memory_space<vmem>>, %arg5: memref<1x256xf32, #tpu.memory_space<vmem>>, %arg6: memref<256x128xf32, #tpu.memory_space<vmem>>, %arg7: memref<1x128xf32, #tpu.memory_space<vmem>>, %arg8: memref<128x1xf32, #tpu.memory_space<vmem>>, %arg9: memref<1x1xf32, #tpu.memory_space<vmem>>, %arg10: memref<64x1xf32, #tpu.memory_space<vmem>>) attributes {dimension_semantics = [], scalar_prefetch = 0 : i64, scratch_operands = 0 : i64, tpu.core_type = #tpu.core_type<tc>} {
    %iota3A = tpu.iota {dimensions = array<i32: 0>} : vector<64x10000xi32>
    %get3A = arith.constant 0 : index
    %get3A_0 = arith.constant 0 : index
    %get3A_1 = arith.constant 0 : index
    %get3A_2 = vector.load %arg1[%get3A, %get3A_0, %get3A_1] : memref<2x10240x128xf32, #tpu.memory_space<vmem>>, vector<1x10240x128xf32>
    %get3A_3 = vector.shape_cast %get3A_2 : vector<1x10240x128xf32> to vector<10240x128xf32>
    %slice3A = vector.extract_strided_slice %get3A_3 {offsets = [0, 0], sizes = [10000, 1], strides = [1, 1]} : vector<10240x128xf32> to vector<10000x1xf32>
    %sqrt3A = math.sqrt %slice3A : vector<10000x1xf32>
    %div3A = arith.constant 1.000000e+00 : f32
    %div3A_4 = vector.broadcast %div3A : f32 to vector<10000x1xf32>
    %div3A_5 = arith.divf %div3A_4, %sqrt3A : vector<10000x1xf32>
    %get3A_6 = arith.constant 0 : index
    %get3A_7 = arith.constant 0 : index
    %get3A_8 = arith.constant 0 : index
    %get3A_9 = vector.load %arg0[%get3A_6, %get3A_7, %get3A_8] : memref<2x10240x128xf32, #tpu.memory_space<vmem>>, vector<1x10000x128xf32>
    %get3A_10 = vector.shape_cast %get3A_9 : vector<1x10000x128xf32> to vector<10000x128xf32>
    %mul3A = vector.broadcast %div3A_5 : vector<10000x1xf32> to vector<10000x128xf32>
    %mul3A_11 = arith.mulf %get3A_10, %mul3A : vector<10000x128xf32>
    %get3A_12 = arith.constant 0 : index
    %get3A_13 = arith.constant 0 : index
    %get3A_14 = arith.constant 0 : index
    %get3A_15 = vector.load %arg2[%get3A_12, %get3A_13, %get3A_14] : memref<2x1x128xf32, #tpu.memory_space<vmem>>, vector<1x1x128xf32>
    %get3A_16 = vector.shape_cast %get3A_15 : vector<1x1x128xf32> to vector<1x128xf32>
    %add3A = vector.broadcast %get3A_16 : vector<1x128xf32> to vector<10000x128xf32>
    %add3A_17 = arith.addf %mul3A_11, %add3A : vector<10000x128xf32>
    %max3A = arith.constant 0.000000e+00 : f32
    %max3A_18 = vector.broadcast %max3A : f32 to vector<10000x128xf32>
    %max3A_19 = arith.maximumf %add3A_17, %max3A_18 : vector<10000x128xf32>
    %get3A_20 = arith.constant 0 : index
    %get3A_21 = arith.constant 0 : index
    %get3A_22 = arith.constant 0 : index
    %get3A_23 = vector.load %arg3[%get3A_20, %get3A_21, %get3A_22] : memref<2x1x10000xi32, #tpu.memory_space<vmem>>, vector<1x1x10000xi32>
    %get3A_24 = vector.shape_cast %get3A_23 : vector<1x1x10000xi32> to vector<1x10000xi32>
    %eq3A = vector.broadcast %get3A_24 : vector<1x10000xi32> to vector<64x10000xi32>
    %eq3A_25 = arith.cmpi eq, %eq3A, %iota3A : vector<64x10000xi32>
    %convert_element_type3A = arith.extui %eq3A_25 : vector<64x10000xi1> to vector<64x10000xi32>
    %convert_element_type3A_26 = arith.sitofp %convert_element_type3A : vector<64x10000xi32> to vector<64x10000xf32>
    %reduce_sum3A = arith.constant dense<0.000000e+00> : vector<64xf32>
    %reduce_sum3A_27 = vector.multi_reduction <add>, %convert_element_type3A_26, %reduce_sum3A [1] : vector<64x10000xf32> to vector<64xf32>
    %broadcast_in_dim3A = vector.shape_cast %reduce_sum3A_27 : vector<64xf32> to vector<64x1xf32>
    %dot_general3A = arith.constant dense<0.000000e+00> : vector<64x128xf32>
    %dot_general3A_28 = tpu.matmul %convert_element_type3A_26, %max3A_19, %dot_general3A {dimension_numbers = #tpu.dot_dimension_numbers<[1], [0], [0], [1], [0, 0, 1, 1], [], []>, precision = #tpu.contract_precision<fp32>, transpose_lhs_hint = false} : vector<64x10000xf32>, vector<10000x128xf32>, vector<64x128xf32> -> vector<64x128xf32>
    %max3A_29 = arith.constant 1.000000e+00 : f32
    %max3A_30 = vector.broadcast %max3A_29 : f32 to vector<64x1xf32>
    %max3A_31 = arith.maximumf %broadcast_in_dim3A, %max3A_30 : vector<64x1xf32>
    %div3A_32 = vector.broadcast %max3A_31 : vector<64x1xf32> to vector<64x128xf32>
    %div3A_33 = arith.divf %dot_general3A_28, %div3A_32 : vector<64x128xf32>
    %get3A_34 = arith.constant 1 : index
    %get3A_35 = arith.constant 0 : index
    %get3A_36 = arith.constant 0 : index
    %get3A_37 = vector.load %arg1[%get3A_34, %get3A_35, %get3A_36] : memref<2x10240x128xf32, #tpu.memory_space<vmem>>, vector<1x10240x128xf32>
    %get3A_38 = vector.shape_cast %get3A_37 : vector<1x10240x128xf32> to vector<10240x128xf32>
    %slice3A_39 = vector.extract_strided_slice %get3A_38 {offsets = [0, 0], sizes = [10000, 1], strides = [1, 1]} : vector<10240x128xf32> to vector<10000x1xf32>
    %sqrt3A_40 = math.sqrt %slice3A_39 : vector<10000x1xf32>
    %div3A_41 = arith.constant 1.000000e+00 : f32
    %div3A_42 = vector.broadcast %div3A_41 : f32 to vector<10000x1xf32>
    %div3A_43 = arith.divf %div3A_42, %sqrt3A_40 : vector<10000x1xf32>
    %get3A_44 = arith.constant 1 : index
    %get3A_45 = arith.constant 0 : index
    %get3A_46 = arith.constant 0 : index
    %get3A_47 = vector.load %arg0[%get3A_44, %get3A_45, %get3A_46] : memref<2x10240x128xf32, #tpu.memory_space<vmem>>, vector<1x10000x128xf32>
    %get3A_48 = vector.shape_cast %get3A_47 : vector<1x10000x128xf32> to vector<10000x128xf32>
    %mul3A_49 = vector.broadcast %div3A_43 : vector<10000x1xf32> to vector<10000x128xf32>
    %mul3A_50 = arith.mulf %get3A_48, %mul3A_49 : vector<10000x128xf32>
    %get3A_51 = arith.constant 1 : index
    %get3A_52 = arith.constant 0 : index
    %get3A_53 = arith.constant 0 : index
    %get3A_54 = vector.load %arg2[%get3A_51, %get3A_52, %get3A_53] : memref<2x1x128xf32, #tpu.memory_space<vmem>>, vector<1x1x128xf32>
    %get3A_55 = vector.shape_cast %get3A_54 : vector<1x1x128xf32> to vector<1x128xf32>
    %add3A_56 = vector.broadcast %get3A_55 : vector<1x128xf32> to vector<10000x128xf32>
    %add3A_57 = arith.addf %mul3A_50, %add3A_56 : vector<10000x128xf32>
    %max3A_58 = arith.constant 0.000000e+00 : f32
    %max3A_59 = vector.broadcast %max3A_58 : f32 to vector<10000x128xf32>
    %max3A_60 = arith.maximumf %add3A_57, %max3A_59 : vector<10000x128xf32>
    %get3A_61 = arith.constant 1 : index
    %get3A_62 = arith.constant 0 : index
    %get3A_63 = arith.constant 0 : index
    %get3A_64 = vector.load %arg3[%get3A_61, %get3A_62, %get3A_63] : memref<2x1x10000xi32, #tpu.memory_space<vmem>>, vector<1x1x10000xi32>
    %get3A_65 = vector.shape_cast %get3A_64 : vector<1x1x10000xi32> to vector<1x10000xi32>
    %eq3A_66 = vector.broadcast %get3A_65 : vector<1x10000xi32> to vector<64x10000xi32>
    %eq3A_67 = arith.cmpi eq, %eq3A_66, %iota3A : vector<64x10000xi32>
    %convert_element_type3A_68 = arith.extui %eq3A_67 : vector<64x10000xi1> to vector<64x10000xi32>
    %convert_element_type3A_69 = arith.sitofp %convert_element_type3A_68 : vector<64x10000xi32> to vector<64x10000xf32>
    %reduce_sum3A_70 = arith.constant dense<0.000000e+00> : vector<64xf32>
    %reduce_sum3A_71 = vector.multi_reduction <add>, %convert_element_type3A_69, %reduce_sum3A_70 [1] : vector<64x10000xf32> to vector<64xf32>
    %broadcast_in_dim3A_72 = vector.shape_cast %reduce_sum3A_71 : vector<64xf32> to vector<64x1xf32>
    %dot_general3A_73 = arith.constant dense<0.000000e+00> : vector<64x128xf32>
    %dot_general3A_74 = tpu.matmul %convert_element_type3A_69, %max3A_60, %dot_general3A_73 {dimension_numbers = #tpu.dot_dimension_numbers<[1], [0], [0], [1], [0, 0, 1, 1], [], []>, precision = #tpu.contract_precision<fp32>, transpose_lhs_hint = false} : vector<64x10000xf32>, vector<10000x128xf32>, vector<64x128xf32> -> vector<64x128xf32>
    %max3A_75 = arith.constant 1.000000e+00 : f32
    %max3A_76 = vector.broadcast %max3A_75 : f32 to vector<64x1xf32>
    %max3A_77 = arith.maximumf %broadcast_in_dim3A_72, %max3A_76 : vector<64x1xf32>
    %div3A_78 = vector.broadcast %max3A_77 : vector<64x1xf32> to vector<64x128xf32>
    %div3A_79 = arith.divf %dot_general3A_74, %div3A_78 : vector<64x128xf32>
    %concatenate3A = tpu.concatenate %div3A_33, %div3A_79 in 1 : vector<64x128xf32>, vector<64x128xf32> -> vector<64x256xf32>
    %get3A_80 = arith.constant 0 : index
    %get3A_81 = arith.constant 0 : index
    %get3A_82 = vector.load %arg4[%get3A_80, %get3A_81] : memref<256x256xf32, #tpu.memory_space<vmem>>, vector<256x256xf32>
    %dot_general3A_83 = arith.constant dense<0.000000e+00> : vector<64x256xf32>
    %dot_general3A_84 = tpu.matmul %concatenate3A, %get3A_82, %dot_general3A_83 {dimension_numbers = #tpu.dot_dimension_numbers<[1], [0], [0], [1], [0, 0, 1, 1], [], []>, transpose_lhs_hint = false} : vector<64x256xf32>, vector<256x256xf32>, vector<64x256xf32> -> vector<64x256xf32>
    %get3A_85 = arith.constant 0 : index
    %get3A_86 = arith.constant 0 : index
    %get3A_87 = vector.load %arg5[%get3A_85, %get3A_86] : memref<1x256xf32, #tpu.memory_space<vmem>>, vector<1x256xf32>
    %add3A_88 = vector.broadcast %get3A_87 : vector<1x256xf32> to vector<64x256xf32>
    %add3A_89 = arith.addf %dot_general3A_84, %add3A_88 : vector<64x256xf32>
    %max3A_90 = arith.constant 0.000000e+00 : f32
    %max3A_91 = vector.broadcast %max3A_90 : f32 to vector<64x256xf32>
    %max3A_92 = arith.maximumf %add3A_89, %max3A_91 : vector<64x256xf32>
    %get3A_93 = arith.constant 0 : index
    %get3A_94 = arith.constant 0 : index
    %get3A_95 = vector.load %arg6[%get3A_93, %get3A_94] : memref<256x128xf32, #tpu.memory_space<vmem>>, vector<256x128xf32>
    %dot_general3A_96 = arith.constant dense<0.000000e+00> : vector<64x128xf32>
    %dot_general3A_97 = tpu.matmul %max3A_92, %get3A_95, %dot_general3A_96 {dimension_numbers = #tpu.dot_dimension_numbers<[1], [0], [0], [1], [0, 0, 1, 1], [], []>, transpose_lhs_hint = false} : vector<64x256xf32>, vector<256x128xf32>, vector<64x128xf32> -> vector<64x128xf32>
    %get3A_98 = arith.constant 0 : index
    %get3A_99 = arith.constant 0 : index
    %get3A_100 = vector.load %arg7[%get3A_98, %get3A_99] : memref<1x128xf32, #tpu.memory_space<vmem>>, vector<1x128xf32>
    %add3A_101 = vector.broadcast %get3A_100 : vector<1x128xf32> to vector<64x128xf32>
    %add3A_102 = arith.addf %dot_general3A_97, %add3A_101 : vector<64x128xf32>
    %max3A_103 = arith.constant 0.000000e+00 : f32
    %max3A_104 = vector.broadcast %max3A_103 : f32 to vector<64x128xf32>
    %max3A_105 = arith.maximumf %add3A_102, %max3A_104 : vector<64x128xf32>
    %get3A_106 = arith.constant 0 : index
    %get3A_107 = arith.constant 0 : index
    %get3A_108 = vector.load %arg8[%get3A_106, %get3A_107] : memref<128x1xf32, #tpu.memory_space<vmem>>, vector<128x1xf32>
    %dot_general3A_109 = arith.constant dense<0.000000e+00> : vector<64x1xf32>
    %dot_general3A_110 = tpu.matmul %max3A_105, %get3A_108, %dot_general3A_109 {dimension_numbers = #tpu.dot_dimension_numbers<[1], [0], [0], [1], [0, 0, 1, 1], [], []>, transpose_lhs_hint = false} : vector<64x128xf32>, vector<128x1xf32>, vector<64x1xf32> -> vector<64x1xf32>
    %get3A_111 = arith.constant 0 : index
    %get3A_112 = arith.constant 0 : index
    %get3A_113 = vector.load %arg9[%get3A_111, %get3A_112] : memref<1x1xf32, #tpu.memory_space<vmem>>, vector<1x1xf32>
    %add3A_114 = vector.broadcast %get3A_113 : vector<1x1xf32> to vector<64x1xf32>
    %add3A_115 = arith.addf %dot_general3A_110, %add3A_114 : vector<64x1xf32>
    %swap3A = arith.constant 0 : index
    %swap3A_116 = arith.constant 0 : index
    %swap3A_117 = vector.load %arg10[%swap3A, %swap3A_116] : memref<64x1xf32, #tpu.memory_space<vmem>>, vector<64x1xf32>
    tpu.vector_store %arg10[%swap3A, %swap3A_116], %add3A_115 {strides = array<i32>} : memref<64x1xf32, #tpu.memory_space<vmem>>, vector<64x1xf32>,
    return
  }
}

</mosaic_0001>

<sc_bundles>
// kernel: kernel.10.cloned.1.call-start
scs
__scs_entry_jumppad:
0x0: {  	(pc) =	sbr.rel $0x88, $3  }
0x1: {  	(tag) =	ssettag $0x0;
	lr =	simm.s32 $0x1  }
0x2: {  	[smem:$0x3F7F] =	sst lr;
	_ =	strace $0xD0000000  }
0x3: {  	_ = 	snop  }
0x4: {  	_ = 	snop  }
0x5: {  	_ = 	snop  }
0x6: {  	_ = 	snop  }
0x7: {  	_ = 	snop  }
__scs_overlays_trampoline_lowered:
0x8: {  	[smem:$0x3F8E] =	sst s0  }
0x9: {  	[smem:$0x3F8F] =	sst s1  }
0xa: {  	[smem:$0x3F90] =	sst s2  }
0xb: {  	[smem:$0x3F91] =	sst s3  }
0xc: {  	[smem:$0x3F92] =	sst s4  }
0xd: {  	[smem:$0x3F93] =	sst s5  }
0xe: {  	[smem:$0x3F94] =	sst s6  }
0xf: {  	[smem:$0x3F95] =	sst s7  }
0x10: {  	[smem:$0x3F96] =	sst s8  }
0x11: {  	[smem:$0x3F97] =	sst s9;
	s0 =	simm.s32 @!p0 $0x0  }
0x12: {  	s1 =	sld [smem:$0x3F7D];
	s0 =	simm.s32 @p0 $0x1  }
0x13: {  	[smem:$0x3F98] =	sst s0;
	s0 =	simm.s32 @!p1 $0x0  }
0x14: {  	s2 =	sld [smem:$0x3F7C];
	s0 =	simm.s32 @p1 $0x1  }
0x15: {  	[smem:$0x3F99] =	sst s0;
	s0 =	simm.s32 @!p2 $0x0  }
0x16: {  	s3 =	sld [smem:$0x3FDB];
	s0 =	simm.s32 @p2 $0x1  }
0x17: {  	s4 =	simm.s32 $0x1BF5;
	[smem:$0x3F9B] =	sst s0  }
0x18: {  	s0 =	sld [smem:$0x3F7E];
	_ =	swait.ge [sflag:s4], $0x0  }
0x19: {  	s7 =	sld [smem:$0x3F7F]  }
0x1a: {  	s8 =	sadd.s32 $0xFFFFE003, lr  }
0x1b: {  	s9 =	sadd.s32 $0xFFFFFEF7, lr;
	s5 =	simm.s32 $0xFFFFFFFF;
	p2 =	slt.u32 s8, $0xFFFFF086  }
0x1c: {  	p1 =	slt.u32 s9, $0xF7A;
	s5 =	simm.s32 @!p2 $0x0  }
0x1d: {  	s5 =	simm.s32 @p1 $0x1;
	p0 =	seq.s32 s7, s2  }
0x1e: {  	s7 =	smul.u32 @!p0 $0xF7A, s2;
	p2 =	seq.s32 @!p0 s5, $0x0  }
0x1f: {  	s9 =	smul.u32 $0xF7A, s1;
	s8 =	simm.s32 @!p0 $0x1BF5;
	p2 =	por !p2, p0  }
0x20: {  	[sflag:s8] =	ssyncset.s32 @!p0 $0xFFFFF086;
	s6 =	sadd.s32 @!p0 s3, s7;
	s7 =	simm.s32 @!p0 $0x108  }
0x21: {  	s3 =	sadd.s32 s3, s9;
	s6 =	sadd.s32 @!p0 $0x88, s6;
	s7 =	simm.s32 @p2 $0x1082  }
0x22: {  	[simem:s7], [sflag:s8] =	dma.local @!p0 [hbm:s6], $0xF7A  }
0x23: {  	s9 =	sor.u32 $0xD0000000, s2;
	s6 =	simm.s32 $0x108;
	_ =	swait.ge @!p0 [sflag:s8], $0x0  }
0x24: {  	s3 =	sadd.s32 $0x88, s3;
	s6 =	simm.s32 @!p1 $0x1082;
	[sflag:s4] =	ssyncset.s32 $0xFFFFF086  }
0x25: {  	[simem:s6], [sflag:s4] =	dma.local [hbm:s3], $0xF7A  }
0x26: {  	[smem:$0x3F7F] =	sst s1;
	(tag) =	ssettag s2;
	_ =	strace s9  }
0x27: {  	s1 =	sld [smem:$0x3F8F]  }
0x28: {  	s2 =	sld [smem:$0x3F90]  }
0x29: {  	s4 =	sld [smem:$0x3F92]  }
0x2a: {  	p0 =	seq.s32 s5, $0x0;
	s5 =	sld [smem:$0x3F93]  }
0x2b: {  	s6 =	sld [smem:$0x3F94]  }
0x2c: {  	s7 =	sld [smem:$0x3F95]  }
0x2d: {  	s3 =	simm.s32 $0x108;
	s8 =	sld [smem:$0x3F96]  }
0x2e: {  	s3 =	simm.s32 @!p0 $0x1082;
	s9 =	sld [smem:$0x3F97]  }
0x2f: {  	lr =	sadd.s32 s0, s3;
	s0 =	sld [smem:$0x3F8E]  }
0x30: {  	s3 =	sld [smem:$0x3F91]  }
0x31: {  	[smem:$0x3F9A] =	sst s10  }
0x32: {  	s10 =	sld [smem:$0x3F98];
	_ =	sdelay $0x3  }
0x33: {  	p0 =	seq.s32 s10, $0x1;
	s10 =	sld [smem:$0x3F9A];
	_ =	sdelay $0x3  }
0x34: {  	[smem:$0x3F9A] =	sst s10  }
0x35: {  	s10 =	sld [smem:$0x3F99];
	_ =	sdelay $0x3  }
0x36: {  	p1 =	seq.s32 s10, $0x1;
	s10 =	sld [smem:$0x3F9A];
	_ =	sdelay $0x3  }
0x37: {  	[smem:$0x3F9A] =	sst s10  }
0x38: {  	s10 =	sld [smem:$0x3F9B]  }
0x39: {  	_ = 	snop;
	(pc) =	sbr.ind lr, $3  }
0x3a: {  	_ = 	snop  }
0x3b: {  	_ = 	snop  }
0x3c: {  	p2 =	seq.s32 s10, $0x1;
	s10 =	sld [smem:$0x3F9A]  }
0x3d: {  	_ =	shalt  }
0x3e: {  	_ =	shalt  }
0x3f: {  	_ =	shalt  }
0x40: {  	_ =	shalt  }
0x41: {  	_ =	shalt  }
0x42: {  	_ =	shalt  }
0x43: {  	_ =	shalt  }
0x44: {  	_ =	shalt  }
0x45: {  	_ =	shalt  }
0x46: {  	_ =	shalt  }
0x47: {  	_ =	shalt  }
0x48: {  	_ =	shalt  }
0x49: {  	_ =	shalt  }
0x4a: {  	_ =	shalt  }
0x4b: {  	_ =	shalt  }
0x4c: {  	_ =	shalt  }
0x4d: {  	_ =	shalt  }
0x4e: {  	_ =	shalt  }
0x4f: {  	_ =	shalt  }
0x50: {  	_ =	shalt  }
0x51: {  	_ =	shalt  }
0x52: {  	_ =	shalt  }
0x53: {  	_ =	shalt  }
0x54: {  	_ =	shalt  }
0x55: {  	_ =	shalt  }
0x56: {  	_ =	shalt  }
0x57: {  	_ =	shalt  }
0x58: {  	_ =	shalt  }
0x59: {  	_ =	shalt  }
0x5a: {  	_ =	shalt  }
0x5b: {  	_ =	shalt  }
0x5c: {  	_ =	shalt  }
0x5d: {  	_ =	shalt  }
0x5e: {  	_ =	shalt  }
0x5f: {  	_ =	shalt  }
0x60: {  	_ =	shalt  }
0x61: {  	_ =	shalt  }
0x62: {  	_ =	shalt  }
0x63: {  	_ =	shalt  }
0x64: {  	_ =	shalt  }
0x65: {  	_ =	shalt  }
0x66: {  	_ =	shalt  }
0x67: {  	_ =	shalt  }
0x68: {  	_ =	shalt  }
0x69: {  	_ =	shalt  }
0x6a: {  	_ =	shalt  }
0x6b: {  	_ =	shalt  }
0x6c: {  	_ =	shalt  }
0x6d: {  	_ =	shalt  }
0x6e: {  	_ =	shalt  }
0x6f: {  	_ =	shalt  }
0x70: {  	_ =	shalt  }
0x71: {  	_ =	shalt  }
0x72: {  	_ =	shalt  }
0x73: {  	_ =	shalt  }
0x74: {  	_ =	shalt  }
0x75: {  	_ =	shalt  }
0x76: {  	_ =	shalt  }
0x77: {  	_ =	shalt  }
0x78: {  	_ =	shalt  }
0x79: {  	_ =	shalt  }
0x7a: {  	_ =	shalt  }
0x7b: {  	_ =	shalt  }
0x7c: {  	_ =	shalt  }
0x7d: {  	_ =	shalt  }
0x7e: {  	_ =	shalt  }
0x7f: {  	_ =	shalt  }
0x80: {  	_ =	shalt  }
0x81: {  	_ =	shalt  }
0x82: {  	_ =	shalt  }
0x83: {  	_ =	shalt  }
0x84: {  	_ =	shalt  }
0x85: {  	_ =	shalt  }
0x86: {  	_ =	shalt  }
0x87: {  	_ =	shalt  }
.Lfunc_end0:
.L_simem_size_0:
called_computation_lowered:
.L_overlay_start_0:
0x88: {  	s2 =	sld [smem:$0x3FD9]  }
0x89: {  	s3 =	sld [smem:$0x3FFE];
	_ =	sdelay $0x1  }
0x8a: {  	s1 =	srdreg.scid  }
0x8b: {  	s0 =	sand.u32 $0x1, s1  }
0x8c: {  	s16 =	sshll.u32 s0, $0xA;
	s2 =	sadd.s32 s3, s2  }
0x8d: {  	s2 =	sadd.s32 s2, s16  }
0x8e: {  	[smem:$0x3FA6] =	sst s2  }
0x8f: {  	_ = 	snop  }
0x90: {  	(tm) =	ssettm $0x1  }
0x91: {  	s17 =	sld [smem:$0x3FFB];
	_ =	sdelay $0x3  }
0x92: {  	_ =	strace s17  }
0x93: {  	s2 =	sld [smem:$0x3FFC];
	_ =	sdelay $0x3  }
0x94: {  	_ =	strace s2  }
0x95: {  	s2 =	sld [smem:$0x3FFD];
	_ =	sdelay $0x3  }
0x96: {  	_ =	strace s2  }
0x97: {  	_ =	strace $0x8FFFFFFF  }
0x98: {  	s18 =	sld [smem:$0x3FDB];
	_ =	sdelay $0x1  }
0x99: {  	s19 =	simm.s32 $_scs_section_size  }
0x9a: {  	s4 =	simm.s32 $_size__tile_overlayer_lowered;
	s5 =	simm.s32 $_tile_overlayer_lowered  }
0x9b: {  	s22 =	simm.s32 $0x1BFF;
	s21 =	sshll.u32 s5, $0x1;
	s2 =	sadd.s32 s19, s18  }
0x9c: {  	s6 =	simm.s32 $0x0;
	s20 =	sshll.u32 s4, $0x1;
	s4 =	sadd.s32 s21, s2  }
0x9d: {  	[timem:s6], [sflag:s22] =	dma.local [hbm:s4], s20  }
0x9e: {  	_ =	swait.ge [sflag:s22], s20  }
0x9f: {  	s3 =	ssub.s32 $0x0, s20;
	[sflag:s22] =	ssyncset.done $0x0  }
0xa0: {  	[sflag:s22] =	ssyncadd.s32 s3;
	_ =	sdelay $0x1  }
0xa1: {  	s23 =	simm.s32 $0x1B8B  }
0xa2: {  	_ =	swait.ge [sflag:s23], $0x1  }
0xa3: {  	[sflag:s23] =	ssyncset.done $0x0  }
0xa4: {  	s25 =	simm.s32 $0x1B8E;
	s24 =	sld [smem:$0x3FFE];
	[sflag:s23] =	ssyncadd.s32 $0xFFFFFFFF  }
0xa5: {  	s26 =	simm.s32 $execute0_lowered;
	[smem:$0x3FD2] =	sst s25  }
0xa6: {  	s4 =	sshll.u32 s26, $0x1;
	_ =	strace $0x80000046;
	[dreg:$0x1] =	wrdreg $0xFFFFFFFF  }
0xa7: {  	s28 =	simm.s32 $_size_execute0_lowered;
	s2 =	sadd.s32 s2, s4;
	[dreg:$0x0] =	wrdreg $0x0  }
0xa8: {  	s4 =	sshll.u32 s28, $0x1;
	[dreg:$0x2] =	wrdreg s2  }
0xa9: {  	[dreg:$0x3] =	wrdreg s4  }
0xaa: {  	[dreg:$0x4] =	wrdreg $0xC0  }
0xab: {  	_ =	task [dreg:s6], $0x5FFFF  }
0xac: {  	[dreg:$0x1] =	wrdreg $0xFFFFFFFF  }
0xad: {  	[dreg:$0x0] =	wrdreg $0x60  }
0xae: {  	[dreg:$0x2] =	wrdreg s24  }
0xaf: {  	[dreg:$0x3] =	wrdreg $0x90000  }
0xb0: {  	[dreg:$0x4] =	wrdreg $0x9  }
0xb1: {  	_ =	task.clear_ibuf [dreg:s6], $0x5FFFF;
	_ =	strace $0x90000046  }
0xb2: {  	s29 =	simm.s32 $0x9;
	_ =	strace $0x80000048  }
0xb3: {  	_ =	swait.ge [sflag:s29], $0x1  }
0xb4: {  	[sflag:s29] =	ssyncadd.s32 $0xFFFFFFFF  }
0xb5: {  	_ =	strace $0x90000048  }
0xb6: {  	_ =	sfence  }
0xb7: {  	s30 =	sld [smem:$0x0];
	_ =	sdelay $0x2  }
0xb8: {  	s31 =	sshll.u32 s1, $0xD;
	s1 =	sshrl.u32 s1, $0x2  }
0xb9: {  	s3 =	sand.u32 $0x4000, s31;
	s1 =	sadd.s32 s1, s30  }
0xba: {  	s0 =	sor.u32 s3, s0;
	s1 =	sshll.u32 s1, $0x11  }
0xbb: {  	s0 =	sor.u32 s1, s0  }
0xbc: {  	s0 =	sadd.s32 $0x8F2B, s0  }
0xbd: {  	[sflag:s0] =	ssyncadd.remote.s32 $0x1  }
0xbe: {  	_ =	sfence.sel $0xFFFF  }
0xbf: {  	[dreg:$0x0] =	wrdreg $0xFFFFFFFF;
	(pc) =	sbr.abs _section_cstart, $3  }
0xc0: {  	[dreg:$0x1] =	wrdreg $0xFFFFFFFF  }
0xc1: {  	_ =	task.clear_ibuf [dreg:s6], $0x2FFFF;
	_ =	strace $0x9FFFFFFF  }
0xc2: {  	(tm) =	ssettm $0x7FFFFFFF  }
0xc3: {  	_ =	shalt  }
tec
execute0_lowered:
.L_overlay_start_1:
0x0: {  	(tag) =	ssettag $0x1  }
0x1: {  	s0 =	srdreg.scid;
	s1 =	rddreg [dreg:$0x0]  }
0x2: {  	s10 =	stileid.u32;
	s2 =	rddreg [dreg:$0x1];
	s3 =	simm.s32 $0x0  }
0x3: {  	s13 =	simm.s32 $0x880;
	s14 =	simm.s32 $0x100;
	s16 =	simm.s32 $0x180  }
0x4: {  	s17 =	simm.s32 $0x900;
	s18 =	simm.s32 $0x980;
	s20 =	simm.s32 $0x200  }
0x5: {  	s21 =	simm.s32 $0x280;
	s22 =	simm.s32 $0xA00;
	[smem:$0x7FF] =	sst s3  }
0x6: {  	s23 =	simm.s32 $0xA80;
	_ =	strace $0x80000047;
	[dreg:$0x5] =	wrdreg s13  }
0x7: {  	s24 =	simm.s32 $0x300;
	s28 =	simm.s32 $0x680;
	[dreg:$0x6] =	wrdreg s14  }
0x8: {  	s29 =	simm.s32 $0xE00;
	s5 =	smul.u32 $0x5000, s10;
	[dreg:$0x7] =	wrdreg s16  }
0x9: {  	s30 =	simm.s32 $0xE80;
	s7 =	smul.u32 $0x14000, s10;
	[dreg:$0x8] =	wrdreg s17  }
0xa: {  	s31 =	simm.s32 $0x700;
	s9 =	smul.u32 $0x50000, s10;
	[dreg:$0x9] =	wrdreg s18  }
0xb: {  	s0 =	sand.u32 $0x1, s0;
	s11 =	smul.u32 $0x2800, s10;
	[dreg:$0xa] =	wrdreg s20  }
0xc: {  	s15 =	sshll.u32 s10, $0x6;
	s4 =	smul.u32 $0x50000, s0;
	[dreg:$0xb] =	wrdreg s21  }
0xd: {  	s10 =	simm.s32 $0x3;
	s6 =	smul.u32 $0x140000, s0;
	[dreg:$0xc] =	wrdreg s22  }
0xe: {  	s25 =	ssub.s32 $0x2, s0;
	s0 =	smul.u32 $0x28000, s0;
	[dreg:$0xd] =	wrdreg s23  }
0xf: {  	s13 =	simm.s32 $0x1000;
	[dreg:$0xe] =	wrdreg s24;
	s14 =	simm.s32 $0x5000  }
0x10: {  	s16 =	simm.s32 $0x2;
	s17 =	simm.s32 $0xB80;
	s18 =	simm.s32 $0x400  }
0x11: {  	s20 =	simm.s32 $0xC00;
	s21 =	simm.s32 $0xC80;
	s22 =	simm.s32 $0x500  }
0x12: {  	s23 =	simm.s32 $0x580;
	s24 =	simm.s32 $0xD00;
	s8 =	sshrl.u32 s25, $0x1  }
0x13: {  	s9 =	sshrl.u32 s9, $0x2;
	s5 =	sadd.s32 s5, s4;
	s4 =	sadd.s32 $0x6A00, s1  }
0x14: {  	s6 =	sadd.s32 s7, s6;
	s26 =	ssub.s32 s25, s8;
	s7 =	sadd.s32 s9, s2  }
0x15: {  	s0 =	sadd.s32 s11, s0;
	s8 =	sor.u32 $0x1C03, s15;
	s25 =	simm.s32 $0x380  }
0x16: {  	s11 =	simm.s32 $0x800;
	s15 =	simm.s32 $0x1;
	[dreg:$0xf] =	wrdreg s25  }
0x17: {  	s9 =	simm.s32 $0x0;
	s0 =	sadd.s32 s4, s0;
	[dreg:$0x12] =	wrdreg s8  }
0x18: {  	s5 =	sshrl.u32 s5, $0x3;
	s19 =	smax.u32 s26, $0x1;
	[dreg:$0x11] =	wrdreg s0  }
0x19: {  	s6 =	sshrl.u32 s6, $0x3;
	s26 =	simm.s32 $0xB00;
	[dreg:$0x14] =	wrdreg s19  }
0x1a: {  	s7 =	sshrl.u32 s7, $0x3;
	s5 =	sadd.s32 s5, s1;
	[dreg:$0x10] =	wrdreg s26  }
0x1b: {  	s25 =	simm.s32 $0xD80;
	[dreg:$0x15] =	wrdreg s7;
	s12 =	sadd.s32 $0x56A00, s5  }
0x1c: {  	s1 =	sadd.s32 s6, s1;
	s5 =	sadd.s32 $0x6AA00, s5;
	[dreg:$0x3] =	wrdreg s12  }
0x1d: {  	s19 =	simm.s32 $0x480;
	s1 =	sadd.s32 $0x7EA00, s1;
	[dreg:$0x4] =	wrdreg s5  }
0x1e: {  	s26 =	simm.s32 $0x600;
	s0 =	simm.s32 $0xF00;
	[dreg:$0x13] =	wrdreg s1  }
0x1f: {  	s12 =	simm.s32 $0x80;
	s1 =	simm.s32 $0x780;
	s5 =	simm.s32 $0xF80  }
.LBB2_1:
0x20: {  	[dreg:$0x16] =	wrdreg s9  }
0x21: {  	s6 =	rddreg [dreg:$0x11]  }
0x22: {  	[spmem:s7], [sflag:s8] =	dma.local [hbm:s6], $0x2800  }
0x23: {  	_ =	swait.ge [sflag:s10], $0x2800  }
0x24: {  	[sflag:s10] =	ssyncset.done $0x0  }
0x25: {  	[sflag:s10] =	ssyncadd.s32 $0xFFFFD800  }
0x26: {  	[bflag:$0x0] =	sbarrier.arrive $0xFFFF  }
0x27: {  	s9 =	rddreg [dreg:$0x4]  }
0x28: {  	s6 =	sadd.s32 $0x0, s9  }
0x29: {  	[tilespmem:s3], [sflag:$0x3] =	stream.linear.gather [hbm4b:s6+s3], $0x800, $0x38;
	[tilespmem:$0x1D000] =	vst v63  }
0x2a: {  	_ =	swait.ge [sflag:s10], $0x800  }
0x2b: {  	s7 =	rddreg [dreg:$0x3];
	[sflag:s10] =	ssyncset.done $0x0  }
0x2c: {  	[sflag:s10] =	ssyncadd.s32 $0xFFFFF800;
	s6 =	sadd.s32 $0x0, s7  }
0x2d: {  	[tilespmem:s11], [sflag:$0x3] =	stream.linear.gather [hbm4b:s6+s3], $0x800, $0x38;
	[tilespmem:$0x1D000] =	vst v63  }
0x2e: {  	_ =	swait.ge [sflag:s10], $0x800  }
0x2f: {  	[sflag:s10] =	ssyncset.done $0x0  }
0x30: {  	[sflag:s10] =	ssyncadd.s32 $0xFFFFF800  }
0x31: {  	[tilespmem:s13], [sflag:$0x1] =	stream.indirect.gather [hbm4b:s4+s12], $0x80, s3, s12, $0xb8;
	[tilespmem:$0x1D000] =	vst v63  }
0x32: {  	_ = 	snop  }
0x33: {  	[tilespmem:s14], [sflag:$0x2] =	stream.indirect.gather [hbm4b:s4+s12], $0x80, s12, s12, $0xb8;
	[tilespmem:$0x1D000] =	vst v63  }
0x34: {  	_ =	swait.ge [sflag:s15], $0x4000  }
0x35: {  	[sflag:s15] =	ssyncset.done $0x0  }
0x36: {  	[sflag:s15] =	ssyncadd.s32 $0xFFFFC000  }
0x37: {  	[spmem:s2] =	stream.indirect.scatter.add.f32 [tilespmem:s13], [sflag:$0x3], $0x80, s11, s12, $0xb8;
	[tilespmem:$0x1D000] =	vst v63  }
0x38: {  	_ =	swait.ge [sflag:s10], $0x4000  }
0x39: {  	[sflag:s10] =	ssyncset.done $0x0  }
0x3a: {  	[sflag:s10] =	ssyncadd.s32 $0xFFFFC000  }
0x3b: {  	_ =	swait.ge [sflag:s16], $0x4000  }
0x3c: {  	[sflag:s16] =	ssyncset.done $0x0  }
0x3d: {  	s8 =	rddreg [dreg:$0x5];
	[sflag:s16] =	ssyncadd.s32 $0xFFFFC000  }
0x3e: {  	[spmem:s2] =	stream.indirect.scatter.add.f32 [tilespmem:s14], [sflag:$0x3], $0x80, s8, s12, $0xb8;
	[tilespmem:$0x1D000] =	vst v63  }
0x3f: {  	_ =	swait.ge [sflag:s10], $0x4000  }
0x40: {  	[sflag:s10] =	ssyncset.done $0x0  }
0x41: {  	s9 =	rddreg [dreg:$0x6];
	[sflag:s10] =	ssyncadd.s32 $0xFFFFC000  }
0x42: {  	[tilespmem:s13], [sflag:$0x1] =	stream.indirect.gather [hbm4b:s4+s12], $0x80, s9, s12, $0xb8;
	[tilespmem:$0x1D000] =	vst v63  }
0x43: {  	s7 =	rddreg [dreg:$0x7]  }
0x44: {  	[tilespmem:s14], [sflag:$0x2] =	stream.indirect.gather [hbm4b:s4+s12], $0x80, s7, s12, $0xb8;
	[tilespmem:$0x1D000] =	vst v63  }
0x45: {  	_ =	swait.ge [sflag:s15], $0x4000  }
0x46: {  	[sflag:s15] =	ssyncset.done $0x0  }
0x47: {  	s9 =	rddreg [dreg:$0x8];
	[sflag:s15] =	ssyncadd.s32 $0xFFFFC000  }
0x48: {  	[spmem:s2] =	stream.indirect.scatter.add.f32 [tilespmem:s13], [sflag:$0x3], $0x80, s9, s12, $0xb8;
	[tilespmem:$0x1D000] =	vst v63  }
0x49: {  	_ =	swait.ge [sflag:s10], $0x4000  }
0x4a: {  	[sflag:s10] =	ssyncset.done $0x0  }
0x4b: {  	[sflag:s10] =	ssyncadd.s32 $0xFFFFC000  }
0x4c: {  	_ =	swait.ge [sflag:s16], $0x4000  }
0x4d: {  	[sflag:s16] =	ssyncset.done $0x0  }
0x4e: {  	s7 =	rddreg [dreg:$0x9];
	[sflag:s16] =	ssyncadd.s32 $0xFFFFC000  }
0x4f: {  	[spmem:s2] =	stream.indirect.scatter.add.f32 [tilespmem:s14], [sflag:$0x3], $0x80, s7, s12, $0xb8;
	[tilespmem:$0x1D000] =	vst v63  }
0x50: {  	_ =	swait.ge [sflag:s10], $0x4000  }
0x51: {  	[sflag:s10] =	ssyncset.done $0x0  }
0x52: {  	s8 =	rddreg [dreg:$0xa];
	[sflag:s10] =	ssyncadd.s32 $0xFFFFC000  }
0x53: {  	[tilespmem:s13], [sflag:$0x1] =	stream.indirect.gather [hbm4b:s4+s12], $0x80, s8, s12, $0xb8;
	[tilespmem:$0x1D000] =	vst v63  }
0x54: {  	s9 =	rddreg [dreg:$0xb]  }
0x55: {  	[tilespmem:s14], [sflag:$0x2] =	stream.indirect.gather [hbm4b:s4+s12], $0x80, s9, s12, $0xb8;
	[tilespmem:$0x1D000] =	vst v63  }
0x56: {  	_ =	swait.ge [sflag:s15], $0x4000  }
0x57: {  	[sflag:s15] =	ssyncset.done $0x0  }
0x58: {  	s7 =	rddreg [dreg:$0xc];
	[sflag:s15] =	ssyncadd.s32 $0xFFFFC000  }
0x59: {  	[spmem:s2] =	stream.indirect.scatter.add.f32 [tilespmem:s13], [sflag:$0x3], $0x80, s7, s12, $0xb8;
	[tilespmem:$0x1D000] =	vst v63  }
0x5a: {  	_ =	swait.ge [sflag:s10], $0x4000  }
0x5b: {  	[sflag:s10] =	ssyncset.done $0x0  }
0x5c: {  	[sflag:s10] =	ssyncadd.s32 $0xFFFFC000  }
0x5d: {  	_ =	swait.ge [sflag:s16], $0x4000  }
0x5e: {  	[sflag:s16] =	ssyncset.done $0x0  }
0x5f: {  	s8 =	rddreg [dreg:$0xd];
	[sflag:s16] =	ssyncadd.s32 $0xFFFFC000  }
0x60: {  	[spmem:s2] =	stream.indirect.scatter.add.f32 [tilespmem:s14], [sflag:$0x3], $0x80, s8, s12, $0xb8;
	[tilespmem:$0x1D000] =	vst v63  }
0x61: {  	_ =	swait.ge [sflag:s10], $0x4000  }
0x62: {  	[sflag:s10] =	ssyncset.done $0x0  }
0x63: {  	s9 =	rddreg [dreg:$0xe];
	[sflag:s10] =	ssyncadd.s32 $0xFFFFC000  }
0x64: {  	[tilespmem:s13], [sflag:$0x1] =	stream.indirect.gather [hbm4b:s4+s12], $0x80, s9, s12, $0xb8;
	[tilespmem:$0x1D000] =	vst v63  }
0x65: {  	s7 =	rddreg [dreg:$0xf]  }
0x66: {  	[tilespmem:s14], [sflag:$0x2] =	stream.indirect.gather [hbm4b:s4+s12], $0x80, s7, s12, $0xb8;
	[tilespmem:$0x1D000] =	vst v63  }
0x67: {  	_ =	swait.ge [sflag:s15], $0x4000  }
0x68: {  	[sflag:s15] =	ssyncset.done $0x0  }
0x69: {  	s9 =	rddreg [dreg:$0x10];
	[sflag:s15] =	ssyncadd.s32 $0xFFFFC000  }
0x6a: {  	[spmem:s2] =	stream.indirect.scatter.add.f32 [tilespmem:s13], [sflag:$0x3], $0x80, s9, s12, $0xb8;
	[tilespmem:$0x1D000] =	vst v63  }
0x6b: {  	_ =	swait.ge [sflag:s10], $0x4000  }
0x6c: {  	[sflag:s10] =	ssyncset.done $0x0  }
0x6d: {  	[sflag:s10] =	ssyncadd.s32 $0xFFFFC000  }
0x6e: {  	_ =	swait.ge [sflag:s16], $0x4000  }
0x6f: {  	[sflag:s16] =	ssyncset.done $0x0  }
0x70: {  	[sflag:s16] =	ssyncadd.s32 $0xFFFFC000  }
0x71: {  	[spmem:s2] =	stream.indirect.scatter.add.f32 [tilespmem:s14], [sflag:$0x3], $0x80, s17, s12, $0xb8;
	[tilespmem:$0x1D000] =	vst v63  }
0x72: {  	_ =	swait.ge [sflag:s10], $0x4000  }
0x73: {  	[sflag:s10] =	ssyncset.done $0x0  }
0x74: {  	[sflag:s10] =	ssyncadd.s32 $0xFFFFC000  }
0x75: {  	[tilespmem:s13], [sflag:$0x1] =	stream.indirect.gather [hbm4b:s4+s12], $0x80, s18, s12, $0xb8;
	[tilespmem:$0x1D000] =	vst v63  }
0x76: {  	_ = 	snop  }
0x77: {  	[tilespmem:s14], [sflag:$0x2] =	stream.indirect.gather [hbm4b:s4+s12], $0x80, s19, s12, $0xb8;
	[tilespmem:$0x1D000] =	vst v63  }
0x78: {  	_ =	swait.ge [sflag:s15], $0x4000  }
0x79: {  	[sflag:s15] =	ssyncset.done $0x0  }
0x7a: {  	[sflag:s15] =	ssyncadd.s32 $0xFFFFC000  }
0x7b: {  	[spmem:s2] =	stream.indirect.scatter.add.f32 [tilespmem:s13], [sflag:$0x3], $0x80, s20, s12, $0xb8;
	[tilespmem:$0x1D000] =	vst v63  }
0x7c: {  	_ =	swait.ge [sflag:s10], $0x4000  }
0x7d: {  	[sflag:s10] =	ssyncset.done $0x0  }
0x7e: {  	[sflag:s10] =	ssyncadd.s32 $0xFFFFC000  }
0x7f: {  	_ =	swait.ge [sflag:s16], $0x4000  }
0x80: {  	[sflag:s16] =	ssyncset.done $0x0  }
0x81: {  	[sflag:s16] =	ssyncadd.s32 $0xFFFFC000  }
0x82: {  	[spmem:s2] =	stream.indirect.scatter.add.f32 [tilespmem:s14], [sflag:$0x3], $0x80, s21, s12, $0xb8;
	[tilespmem:$0x1D000] =	vst v63  }
0x83: {  	_ =	swait.ge [sflag:s10], $0x4000  }
0x84: {  	[sflag:s10] =	ssyncset.done $0x0  }
0x85: {  	[sflag:s10] =	ssyncadd.s32 $0xFFFFC000  }
0x86: {  	[tilespmem:s13], [sflag:$0x1] =	stream.indirect.gather [hbm4b:s4+s12], $0x80, s22, s12, $0xb8;
	[tilespmem:$0x1D000] =	vst v63  }
0x87: {  	_ = 	snop  }
0x88: {  	[tilespmem:s14], [sflag:$0x2] =	stream.indirect.gather [hbm4b:s4+s12], $0x80, s23, s12, $0xb8;
	[tilespmem:$0x1D000] =	vst v63  }
0x89: {  	_ =	swait.ge [sflag:s15], $0x4000  }
0x8a: {  	[sflag:s15] =	ssyncset.done $0x0  }
0x8b: {  	[sflag:s15] =	ssyncadd.s32 $0xFFFFC000  }
0x8c: {  	[spmem:s2] =	stream.indirect.scatter.add.f32 [tilespmem:s13], [sflag:$0x3], $0x80, s24, s12, $0xb8;
	[tilespmem:$0x1D000] =	vst v63  }
0x8d: {  	_ =	swait.ge [sflag:s10], $0x4000  }
0x8e: {  	[sflag:s10] =	ssyncset.done $0x0  }
0x8f: {  	[sflag:s10] =	ssyncadd.s32 $0xFFFFC000  }
0x90: {  	_ =	swait.ge [sflag:s16], $0x4000  }
0x91: {  	[sflag:s16] =	ssyncset.done $0x0  }
0x92: {  	[sflag:s16] =	ssyncadd.s32 $0xFFFFC000  }
0x93: {  	[spmem:s2] =	stream.indirect.scatter.add.f32 [tilespmem:s14], [sflag:$0x3], $0x80, s25, s12, $0xb8;
	[tilespmem:$0x1D000] =	vst v63  }
0x94: {  	_ =	swait.ge [sflag:s10], $0x4000  }
0x95: {  	[sflag:s10] =	ssyncset.done $0x0  }
0x96: {  	[sflag:s10] =	ssyncadd.s32 $0xFFFFC000  }
0x97: {  	[tilespmem:s13], [sflag:$0x1] =	stream.indirect.gather [hbm4b:s4+s12], $0x80, s26, s12, $0xb8;
	[tilespmem:$0x1D000] =	vst v63  }
0x98: {  	_ = 	snop  }
0x99: {  	[tilespmem:s14], [sflag:$0x2] =	stream.indirect.gather [hbm4b:s4+s12], $0x80, s28, s12, $0xb8;
	[tilespmem:$0x1D000] =	vst v63  }
0x9a: {  	_ =	swait.ge [sflag:s15], $0x4000  }
0x9b: {  	[sflag:s15] =	ssyncset.done $0x0  }
0x9c: {  	[sflag:s15] =	ssyncadd.s32 $0xFFFFC000  }
0x9d: {  	[spmem:s2] =	stream.indirect.scatter.add.f32 [tilespmem:s13], [sflag:$0x3], $0x80, s29, s12, $0xb8;
	[tilespmem:$0x1D000] =	vst v63  }
0x9e: {  	_ =	swait.ge [sflag:s10], $0x4000  }
0x9f: {  	[sflag:s10] =	ssyncset.done $0x0  }
0xa0: {  	[sflag:s10] =	ssyncadd.s32 $0xFFFFC000  }
0xa1: {  	_ =	swait.ge [sflag:s16], $0x4000  }
0xa2: {  	[sflag:s16] =	ssyncset.done $0x0  }
0xa3: {  	[sflag:s16] =	ssyncadd.s32 $0xFFFFC000  }
0xa4: {  	[spmem:s2] =	stream.indirect.scatter.add.f32 [tilespmem:s14], [sflag:$0x3], $0x80, s30, s12, $0xb8;
	[tilespmem:$0x1D000] =	vst v63  }
0xa5: {  	_ =	swait.ge [sflag:s10], $0x4000  }
0xa6: {  	[sflag:s10] =	ssyncset.done $0x0  }
0xa7: {  	[sflag:s10] =	ssyncadd.s32 $0xFFFFC000  }
0xa8: {  	[tilespmem:s13], [sflag:$0x1] =	stream.indirect.gather [hbm4b:s4+s12], $0x80, s31, s12, $0xb8;
	[tilespmem:$0x1D000] =	vst v63  }
0xa9: {  	_ = 	snop  }
0xaa: {  	[tilespmem:s14], [sflag:$0x2] =	stream.indirect.gather [hbm4b:s4+s12], $0x80, s1, s12, $0xb8;
	[tilespmem:$0x1D000] =	vst v63  }
0xab: {  	_ =	swait.ge [sflag:s15], $0x4000  }
0xac: {  	[sflag:s15] =	ssyncset.done $0x0  }
0xad: {  	[sflag:s15] =	ssyncadd.s32 $0xFFFFC000  }
0xae: {  	[spmem:s2] =	stream.indirect.scatter.add.f32 [tilespmem:s13], [sflag:$0x3], $0x80, s0, s12, $0xb8;
	[tilespmem:$0x1D000] =	vst v63  }
0xaf: {  	_ =	swait.ge [sflag:s10], $0x4000  }
0xb0: {  	[sflag:s10] =	ssyncset.done $0x0  }
0xb1: {  	[sflag:s10] =	ssyncadd.s32 $0xFFFFC000  }
0xb2: {  	_ =	swait.ge [sflag:s16], $0x4000  }
0xb3: {  	[sflag:s16] =	ssyncset.done $0x0  }
0xb4: {  	[sflag:s16] =	ssyncadd.s32 $0xFFFFC000  }
0xb5: {  	[spmem:s2] =	stream.indirect.scatter.add.f32 [tilespmem:s14], [sflag:$0x3], $0x80, s5, s12, $0xb8;
	[tilespmem:$0x1D000] =	vst v63  }
0xb6: {  	s6 =	simm.s32 $0x200;
	_ =	swait.ge [sflag:s10], $0x4000  }
0xb7: {  	s8 =	simm.s32 $0x100;
	s9 =	rddreg [dreg:$0x4];
	[sflag:s10] =	ssyncset.done $0x0  }
.LBB2_2:
0xb8: {  	[sflag:s10] =	ssyncadd.s32 $0xFFFFC000;
	s9 =	sadd.s32 s8, s9  }
0xb9: {  	[tilespmem:s3], [sflag:$0x3] =	stream.linear.gather [hbm4b:s9+s3], $0x800, $0x38;
	[tilespmem:$0x1D000] =	vst v63  }
0xba: {  	_ =	swait.ge [sflag:s10], $0x800  }
0xbb: {  	s9 =	rddreg [dreg:$0x3];
	[sflag:s10] =	ssyncset.done $0x0  }
0xbc: {  	[sflag:s10] =	ssyncadd.s32 $0xFFFFF800;
	s9 =	sadd.s32 s8, s9  }
0xbd: {  	[tilespmem:s11], [sflag:$0x3] =	stream.linear.gather [hbm4b:s9+s3], $0x800, $0x38;
	[tilespmem:$0x1D000] =	vst v63  }
0xbe: {  	_ =	swait.ge [sflag:s10], $0x800  }
0xbf: {  	[sflag:s10] =	ssyncset.done $0x0  }
0xc0: {  	[sflag:s10] =	ssyncadd.s32 $0xFFFFF800  }
0xc1: {  	[tilespmem:s13], [sflag:$0x1] =	stream.indirect.gather [hbm4b:s4+s12], $0x80, s3, s12, $0xb8;
	[tilespmem:$0x1D000] =	vst v63  }
0xc2: {  	_ = 	snop  }
0xc3: {  	[tilespmem:s14], [sflag:$0x2] =	stream.indirect.gather [hbm4b:s4+s12], $0x80, s12, s12, $0xb8;
	[tilespmem:$0x1D000] =	vst v63  }
0xc4: {  	_ =	swait.ge [sflag:s15], $0x4000  }
0xc5: {  	[sflag:s15] =	ssyncset.done $0x0  }
0xc6: {  	[sflag:s15] =	ssyncadd.s32 $0xFFFFC000  }
0xc7: {  	[spmem:s2] =	stream.indirect.scatter.add.f32 [tilespmem:s13], [sflag:$0x3], $0x80, s11, s12, $0xb8;
	[tilespmem:$0x1D000] =	vst v63  }
0xc8: {  	_ =	swait.ge [sflag:s10], $0x4000  }
0xc9: {  	[sflag:s10] =	ssyncset.done $0x0  }
0xca: {  	[sflag:s10] =	ssyncadd.s32 $0xFFFFC000  }
0xcb: {  	_ =	swait.ge [sflag:s16], $0x4000  }
0xcc: {  	[sflag:s16] =	ssyncset.done $0x0  }
0xcd: {  	s9 =	rddreg [dreg:$0x5];
	[sflag:s16] =	ssyncadd.s32 $0xFFFFC000  }
0xce: {  	[spmem:s2] =	stream.indirect.scatter.add.f32 [tilespmem:s14], [sflag:$0x3], $0x80, s9, s12, $0xb8;
	[tilespmem:$0x1D000] =	vst v63  }
0xcf: {  	_ =	swait.ge [sflag:s10], $0x4000  }
0xd0: {  	s7 =	smov.u32 s6;
	[sflag:s10] =	ssyncset.done $0x0  }
0xd1: {  	s8 =	smov.u32 s7;
	s7 =	rddreg [dreg:$0x6];
	[sflag:s10] =	ssyncadd.s32 $0xFFFFC000  }
0xd2: {  	[tilespmem:s13], [sflag:$0x1] =	stream.indirect.gather [hbm4b:s4+s12], $0x80, s7, s12, $0xb8;
	[tilespmem:$0x1D000] =	vst v63  }
0xd3: {  	s9 =	rddreg [dreg:$0x7]  }
0xd4: {  	[tilespmem:s14], [sflag:$0x2] =	stream.indirect.gather [hbm4b:s4+s12], $0x80, s9, s12, $0xb8;
	[tilespmem:$0x1D000] =	vst v63  }
0xd5: {  	_ =	swait.ge [sflag:s15], $0x4000  }
0xd6: {  	[sflag:s15] =	ssyncset.done $0x0  }
0xd7: {  	s9 =	rddreg [dreg:$0x8];
	[sflag:s15] =	ssyncadd.s32 $0xFFFFC000  }
0xd8: {  	[spmem:s2] =	stream.indirect.scatter.add.f32 [tilespmem:s13], [sflag:$0x3], $0x80, s9, s12, $0xb8;
	[tilespmem:$0x1D000] =	vst v63  }
0xd9: {  	_ =	swait.ge [sflag:s10], $0x4000  }
0xda: {  	[sflag:s10] =	ssyncset.done $0x0  }
0xdb: {  	[sflag:s10] =	ssyncadd.s32 $0xFFFFC000  }
0xdc: {  	_ =	swait.ge [sflag:s16], $0x4000  }
0xdd: {  	[sflag:s16] =	ssyncset.done $0x0  }
0xde: {  	s9 =	rddreg [dreg:$0x9];
	[sflag:s16] =	ssyncadd.s32 $0xFFFFC000  }
0xdf: {  	[spmem:s2] =	stream.indirect.scatter.add.f32 [tilespmem:s14], [sflag:$0x3], $0x80, s9, s12, $0xb8;
	[tilespmem:$0x1D000] =	vst v63  }
0xe0: {  	_ =	swait.ge [sflag:s10], $0x4000  }
0xe1: {  	[sflag:s10] =	ssyncset.done $0x0  }
0xe2: {  	s7 =	rddreg [dreg:$0xa];
	[sflag:s10] =	ssyncadd.s32 $0xFFFFC000  }
0xe3: {  	[tilespmem:s13], [sflag:$0x1] =	stream.indirect.gather [hbm4b:s4+s12], $0x80, s7, s12, $0xb8;
	[tilespmem:$0x1D000] =	vst v63  }
0xe4: {  	s9 =	rddreg [dreg:$0xb]  }
0xe5: {  	[tilespmem:s14], [sflag:$0x2] =	stream.indirect.gather [hbm4b:s4+s12], $0x80, s9, s12, $0xb8;
	[tilespmem:$0x1D000] =	vst v63  }
0xe6: {  	_ =	swait.ge [sflag:s15], $0x4000  }
0xe7: {  	[sflag:s15] =	ssyncset.done $0x0  }
0xe8: {  	s9 =	rddreg [dreg:$0xc];
	[sflag:s15] =	ssyncadd.s32 $0xFFFFC000  }
0xe9: {  	[spmem:s2] =	stream.indirect.scatter.add.f32 [tilespmem:s13], [sflag:$0x3], $0x80, s9, s12, $0xb8;
	[tilespmem:$0x1D000] =	vst v63  }
0xea: {  	_ =	swait.ge [sflag:s10], $0x4000  }
0xeb: {  	[sflag:s10] =	ssyncset.done $0x0  }
0xec: {  	[sflag:s10] =	ssyncadd.s32 $0xFFFFC000  }
0xed: {  	_ =	swait.ge [sflag:s16], $0x4000  }
0xee: {  	[sflag:s16] =	ssyncset.done $0x0  }
0xef: {  	s9 =	rddreg [dreg:$0xd];
	[sflag:s16] =	ssyncadd.s32 $0xFFFFC000  }
0xf0: {  	[spmem:s2] =	stream.indirect.scatter.add.f32 [tilespmem:s14], [sflag:$0x3], $0x80, s9, s12, $0xb8;
	[tilespmem:$0x1D000] =	vst v63  }
0xf1: {  	_ =	swait.ge [sflag:s10], $0x4000  }
0xf2: {  	[sflag:s10] =	ssyncset.done $0x0  }
0xf3: {  	s7 =	rddreg [dreg:$0xe];
	[sflag:s10] =	ssyncadd.s32 $0xFFFFC000  }
0xf4: {  	[tilespmem:s13], [sflag:$0x1] =	stream.indirect.gather [hbm4b:s4+s12], $0x80, s7, s12, $0xb8;
	[tilespmem:$0x1D000] =	vst v63  }
0xf5: {  	s9 =	rddreg [dreg:$0xf]  }
0xf6: {  	[tilespmem:s14], [sflag:$0x2] =	stream.indirect.gather [hbm4b:s4+s12], $0x80, s9, s12, $0xb8;
	[tilespmem:$0x1D000] =	vst v63  }
0xf7: {  	_ =	swait.ge [sflag:s15], $0x4000  }
0xf8: {  	[sflag:s15] =	ssyncset.done $0x0  }
0xf9: {  	s9 =	rddreg [dreg:$0x10];
	[sflag:s15] =	ssyncadd.s32 $0xFFFFC000  }
0xfa: {  	[spmem:s2] =	stream.indirect.scatter.add.f32 [tilespmem:s13], [sflag:$0x3], $0x80, s9, s12, $0xb8;
	[tilespmem:$0x1D000] =	vst v63  }
0xfb: {  	_ =	swait.ge [sflag:s10], $0x4000  }
0xfc: {  	[sflag:s10] =	ssyncset.done $0x0  }
0xfd: {  	[sflag:s10] =	ssyncadd.s32 $0xFFFFC000  }
0xfe: {  	_ =	swait.ge [sflag:s16], $0x4000  }
0xff: {  	[sflag:s16] =	ssyncset.done $0x0  }
0x100: {  	[sflag:s16] =	ssyncadd.s32 $0xFFFFC000  }
0x101: {  	[spmem:s2] =	stream.indirect.scatter.add.f32 [tilespmem:s14], [sflag:$0x3], $0x80, s17, s12, $0xb8;
	[tilespmem:$0x1D000] =	vst v63  }
0x102: {  	_ =	swait.ge [sflag:s10], $0x4000  }
0x103: {  	[sflag:s10] =	ssyncset.done $0x0  }
0x104: {  	[sflag:s10] =	ssyncadd.s32 $0xFFFFC000  }
0x105: {  	[tilespmem:s13], [sflag:$0x1] =	stream.indirect.gather [hbm4b:s4+s12], $0x80, s18, s12, $0xb8;
	[tilespmem:$0x1D000] =	vst v63  }
0x106: {  	_ = 	snop  }
0x107: {  	[tilespmem:s14], [sflag:$0x2] =	stream.indirect.gather [hbm4b:s4+s12], $0x80, s19, s12, $0xb8;
	[tilespmem:$0x1D000] =	vst v63  }
0x108: {  	_ =	swait.ge [sflag:s15], $0x4000  }
0x109: {  	[sflag:s15] =	ssyncset.done $0x0  }
0x10a: {  	[sflag:s15] =	ssyncadd.s32 $0xFFFFC000  }
0x10b: {  	[spmem:s2] =	stream.indirect.scatter.add.f32 [tilespmem:s13], [sflag:$0x3], $0x80, s20, s12, $0xb8;
	[tilespmem:$0x1D000] =	vst v63  }
0x10c: {  	_ =	swait.ge [sflag:s10], $0x4000  }
0x10d: {  	[sflag:s10] =	ssyncset.done $0x0  }
0x10e: {  	[sflag:s10] =	ssyncadd.s32 $0xFFFFC000  }
0x10f: {  	_ =	swait.ge [sflag:s16], $0x4000  }
0x110: {  	[sflag:s16] =	ssyncset.done $0x0  }
0x111: {  	[sflag:s16] =	ssyncadd.s32 $0xFFFFC000  }
0x112: {  	[spmem:s2] =	stream.indirect.scatter.add.f32 [tilespmem:s14], [sflag:$0x3], $0x80, s21, s12, $0xb8;
	[tilespmem:$0x1D000] =	vst v63  }
0x113: {  	_ =	swait.ge [sflag:s10], $0x4000  }
0x114: {  	[sflag:s10] =	ssyncset.done $0x0  }
0x115: {  	[sflag:s10] =	ssyncadd.s32 $0xFFFFC000  }
0x116: {  	[tilespmem:s13], [sflag:$0x1] =	stream.indirect.gather [hbm4b:s4+s12], $0x80, s22, s12, $0xb8;
	[tilespmem:$0x1D000] =	vst v63  }
0x117: {  	_ = 	snop  }
0x118: {  	[tilespmem:s14], [sflag:$0x2] =	stream.indirect.gather [hbm4b:s4+s12], $0x80, s23, s12, $0xb8;
	[tilespmem:$0x1D000] =	vst v63  }
0x119: {  	_ =	swait.ge [sflag:s15], $0x4000  }
0x11a: {  	[sflag:s15] =	ssyncset.done $0x0  }
0x11b: {  	[sflag:s15] =	ssyncadd.s32 $0xFFFFC000  }
0x11c: {  	[spmem:s2] =	stream.indirect.scatter.add.f32 [tilespmem:s13], [sflag:$0x3], $0x80, s24, s12, $0xb8;
	[tilespmem:$0x1D000] =	vst v63  }
0x11d: {  	_ =	swait.ge [sflag:s10], $0x4000  }
0x11e: {  	[sflag:s10] =	ssyncset.done $0x0  }
0x11f: {  	[sflag:s10] =	ssyncadd.s32 $0xFFFFC000  }
0x120: {  	_ =	swait.ge [sflag:s16], $0x4000  }
0x121: {  	[sflag:s16] =	ssyncset.done $0x0  }
0x122: {  	[sflag:s16] =	ssyncadd.s32 $0xFFFFC000  }
0x123: {  	[spmem:s2] =	stream.indirect.scatter.add.f32 [tilespmem:s14], [sflag:$0x3], $0x80, s25, s12, $0xb8;
	[tilespmem:$0x1D000] =	vst v63  }
0x124: {  	_ =	swait.ge [sflag:s10], $0x4000  }
0x125: {  	[sflag:s10] =	ssyncset.done $0x0  }
0x126: {  	[sflag:s10] =	ssyncadd.s32 $0xFFFFC000  }
0x127: {  	[tilespmem:s13], [sflag:$0x1] =	stream.indirect.gather [hbm4b:s4+s12], $0x80, s26, s12, $0xb8;
	[tilespmem:$0x1D000] =	vst v63  }
0x128: {  	_ = 	snop  }
0x129: {  	[tilespmem:s14], [sflag:$0x2] =	stream.indirect.gather [hbm4b:s4+s12], $0x80, s28, s12, $0xb8;
	[tilespmem:$0x1D000] =	vst v63  }
0x12a: {  	_ =	swait.ge [sflag:s15], $0x4000  }
0x12b: {  	[sflag:s15] =	ssyncset.done $0x0  }
0x12c: {  	[sflag:s15] =	ssyncadd.s32 $0xFFFFC000  }
0x12d: {  	[spmem:s2] =	stream.indirect.scatter.add.f32 [tilespmem:s13], [sflag:$0x3], $0x80, s29, s12, $0xb8;
	[tilespmem:$0x1D000] =	vst v63  }
0x12e: {  	_ =	swait.ge [sflag:s10], $0x4000  }
0x12f: {  	[sflag:s10] =	ssyncset.done $0x0  }
0x130: {  	[sflag:s10] =	ssyncadd.s32 $0xFFFFC000  }
0x131: {  	_ =	swait.ge [sflag:s16], $0x4000  }
0x132: {  	[sflag:s16] =	ssyncset.done $0x0  }
0x133: {  	[sflag:s16] =	ssyncadd.s32 $0xFFFFC000  }
0x134: {  	[spmem:s2] =	stream.indirect.scatter.add.f32 [tilespmem:s14], [sflag:$0x3], $0x80, s30, s12, $0xb8;
	[tilespmem:$0x1D000] =	vst v63  }
0x135: {  	_ =	swait.ge [sflag:s10], $0x4000  }
0x136: {  	[sflag:s10] =	ssyncset.done $0x0  }
0x137: {  	[sflag:s10] =	ssyncadd.s32 $0xFFFFC000  }
0x138: {  	[tilespmem:s13], [sflag:$0x1] =	stream.indirect.gather [hbm4b:s4+s12], $0x80, s31, s12, $0xb8;
	[tilespmem:$0x1D000] =	vst v63  }
0x139: {  	_ = 	snop  }
0x13a: {  	[tilespmem:s14], [sflag:$0x2] =	stream.indirect.gather [hbm4b:s4+s12], $0x80, s1, s12, $0xb8;
	[tilespmem:$0x1D000] =	vst v63  }
0x13b: {  	_ =	swait.ge [sflag:s15], $0x4000  }
0x13c: {  	[sflag:s15] =	ssyncset.done $0x0  }
0x13d: {  	[sflag:s15] =	ssyncadd.s32 $0xFFFFC000  }
0x13e: {  	[spmem:s2] =	stream.indirect.scatter.add.f32 [tilespmem:s13], [sflag:$0x3], $0x80, s0, s12, $0xb8;
	[tilespmem:$0x1D000] =	vst v63  }
0x13f: {  	_ =	swait.ge [sflag:s10], $0x4000  }
0x140: {  	[sflag:s10] =	ssyncset.done $0x0  }
0x141: {  	[sflag:s10] =	ssyncadd.s32 $0xFFFFC000  }
0x142: {  	p0 =	sne.s32 s6, $0x900;
	_ =	swait.ge [sflag:s16], $0x4000  }
.Ltmp0:
0x143: {  	[sflag:s16] =	ssyncset.done $0x0;
	(pc) =	sbr.rel @p0 .LBB2_2-.Ltmp0, $4  }
0x144: {  	[sflag:s16] =	ssyncadd.s32 $0xFFFFC000  }
0x145: {  	[spmem:s2] =	stream.indirect.scatter.add.f32 [tilespmem:s14], [sflag:$0x3], $0x80, s5, s12, $0xb8;
	[tilespmem:$0x1D000] =	vst v63  }
0x146: {  	_ =	swait.ge [sflag:s10], $0x4000  }
0x147: {  	s6 =	sadd.s32 $0x100, s6;
	s9 =	rddreg [dreg:$0x4];
	[sflag:s10] =	ssyncset.done $0x0  }
0x148: {  	[sflag:s10] =	ssyncadd.s32 $0xFFFFC000;
	s6 =	sadd.s32 s8, s9  }
0x149: {  	[tilespmem:s3], [sflag:$0x3] =	stream.linear.gather [hbm4b:s6+s3], $0x800, $0x38;
	[tilespmem:$0x1D000] =	vst v63  }
0x14a: {  	_ =	swait.ge [sflag:s10], $0x800  }
0x14b: {  	s7 =	rddreg [dreg:$0x3];
	[sflag:s10] =	ssyncset.done $0x0  }
0x14c: {  	[sflag:s10] =	ssyncadd.s32 $0xFFFFF800;
	s6 =	sadd.s32 s8, s7  }
0x14d: {  	[tilespmem:s11], [sflag:$0x3] =	stream.linear.gather [hbm4b:s6+s3], $0x800, $0x38;
	[tilespmem:$0x1D000] =	vst v63  }
0x14e: {  	_ =	swait.ge [sflag:s10], $0x800  }
0x14f: {  	[sflag:s10] =	ssyncset.done $0x0  }
0x150: {  	[sflag:s10] =	ssyncadd.s32 $0xFFFFF800  }
0x151: {  	[tilespmem:s13], [sflag:$0x1] =	stream.indirect.gather [hbm4b:s4+s12], $0x80, s3, s12, $0xb8;
	[tilespmem:$0x1D000] =	vst v63  }
0x152: {  	_ = 	snop  }
0x153: {  	[tilespmem:s14], [sflag:$0x2] =	stream.indirect.gather [hbm4b:s4+s12], $0x80, s12, s12, $0xb8;
	[tilespmem:$0x1D000] =	vst v63  }
0x154: {  	_ =	swait.ge [sflag:s15], $0x4000  }
0x155: {  	[sflag:s15] =	ssyncset.done $0x0  }
0x156: {  	[sflag:s15] =	ssyncadd.s32 $0xFFFFC000  }
0x157: {  	[spmem:s2] =	stream.indirect.scatter.add.f32 [tilespmem:s13], [sflag:$0x3], $0x80, s11, s12, $0xb8;
	[tilespmem:$0x1D000] =	vst v63  }
0x158: {  	_ =	swait.ge [sflag:s10], $0x4000  }
0x159: {  	[sflag:s10] =	ssyncset.done $0x0  }
0x15a: {  	[sflag:s10] =	ssyncadd.s32 $0xFFFFC000  }
0x15b: {  	_ =	swait.ge [sflag:s16], $0x4000  }
0x15c: {  	[sflag:s16] =	ssyncset.done $0x0  }
0x15d: {  	s8 =	rddreg [dreg:$0x5];
	[sflag:s16] =	ssyncadd.s32 $0xFFFFC000  }
0x15e: {  	[spmem:s2] =	stream.indirect.scatter.add.f32 [tilespmem:s14], [sflag:$0x3], $0x80, s8, s12, $0xb8;
	[tilespmem:$0x1D000] =	vst v63  }
0x15f: {  	_ =	swait.ge [sflag:s10], $0x4000  }
0x160: {  	[sflag:s10] =	ssyncset.done $0x0  }
0x161: {  	s9 =	rddreg [dreg:$0x6];
	[sflag:s10] =	ssyncadd.s32 $0xFFFFC000  }
0x162: {  	[tilespmem:s13], [sflag:$0x1] =	stream.indirect.gather [hbm4b:s4+s12], $0x80, s9, s12, $0xb8;
	[tilespmem:$0x1D000] =	vst v63  }
0x163: {  	s7 =	rddreg [dreg:$0x7]  }
0x164: {  	[tilespmem:s14], [sflag:$0x2] =	stream.indirect.gather [hbm4b:s4+s12], $0x80, s7, s12, $0xb8;
	[tilespmem:$0x1D000] =	vst v63  }
0x165: {  	_ =	swait.ge [sflag:s15], $0x4000  }
0x166: {  	[sflag:s15] =	ssyncset.done $0x0  }
0x167: {  	s8 =	rddreg [dreg:$0x8];
	[sflag:s15] =	ssyncadd.s32 $0xFFFFC000  }
0x168: {  	[spmem:s2] =	stream.indirect.scatter.add.f32 [tilespmem:s13], [sflag:$0x3], $0x80, s8, s12, $0xb8;
	[tilespmem:$0x1D000] =	vst v63  }
0x169: {  	_ =	swait.ge [sflag:s10], $0x4000  }
0x16a: {  	[sflag:s10] =	ssyncset.done $0x0  }
0x16b: {  	[sflag:s10] =	ssyncadd.s32 $0xFFFFC000  }
0x16c: {  	_ =	swait.ge [sflag:s16], $0x4000  }
0x16d: {  	[sflag:s16] =	ssyncset.done $0x0  }
0x16e: {  	s9 =	rddreg [dreg:$0x9];
	[sflag:s16] =	ssyncadd.s32 $0xFFFFC000  }
0x16f: {  	[spmem:s2] =	stream.indirect.scatter.add.f32 [tilespmem:s14], [sflag:$0x3], $0x80, s9, s12, $0xb8;
	[tilespmem:$0x1D000] =	vst v63  }
0x170: {  	_ =	swait.ge [sflag:s10], $0x4000  }
0x171: {  	[sflag:s10] =	ssyncset.done $0x0  }
0x172: {  	s7 =	rddreg [dreg:$0xa];
	[sflag:s10] =	ssyncadd.s32 $0xFFFFC000  }
0x173: {  	[tilespmem:s13], [sflag:$0x1] =	stream.indirect.gather [hbm4b:s4+s12], $0x80, s7, s12, $0xb8;
	[tilespmem:$0x1D000] =	vst v63  }
0x174: {  	s8 =	rddreg [dreg:$0xb]  }
0x175: {  	[tilespmem:s14], [sflag:$0x2] =	stream.indirect.gather [hbm4b:s4+s12], $0x80, s8, s12, $0xb8;
	[tilespmem:$0x1D000] =	vst v63  }
0x176: {  	_ =	swait.ge [sflag:s15], $0x4000  }
0x177: {  	[sflag:s15] =	ssyncset.done $0x0  }
0x178: {  	s9 =	rddreg [dreg:$0xc];
	[sflag:s15] =	ssyncadd.s32 $0xFFFFC000  }
0x179: {  	[spmem:s2] =	stream.indirect.scatter.add.f32 [tilespmem:s13], [sflag:$0x3], $0x80, s9, s12, $0xb8;
	[tilespmem:$0x1D000] =	vst v63  }
0x17a: {  	_ =	swait.ge [sflag:s10], $0x4000  }
0x17b: {  	[sflag:s10] =	ssyncset.done $0x0  }
0x17c: {  	[sflag:s10] =	ssyncadd.s32 $0xFFFFC000  }
0x17d: {  	_ =	swait.ge [sflag:s16], $0x4000  }
0x17e: {  	[sflag:s16] =	ssyncset.done $0x0  }
0x17f: {  	s7 =	rddreg [dreg:$0xd];
	[sflag:s16] =	ssyncadd.s32 $0xFFFFC000  }
0x180: {  	[spmem:s2] =	stream.indirect.scatter.add.f32 [tilespmem:s14], [sflag:$0x3], $0x80, s7, s12, $0xb8;
	[tilespmem:$0x1D000] =	vst v63  }
0x181: {  	_ =	swait.ge [sflag:s10], $0x4000  }
0x182: {  	[sflag:s10] =	ssyncset.done $0x0  }
0x183: {  	s8 =	rddreg [dreg:$0xe];
	[sflag:s10] =	ssyncadd.s32 $0xFFFFC000  }
0x184: {  	[tilespmem:s13], [sflag:$0x1] =	stream.indirect.gather [hbm4b:s4+s12], $0x80, s8, s12, $0xb8;
	[tilespmem:$0x1D000] =	vst v63  }
0x185: {  	s9 =	rddreg [dreg:$0xf]  }
0x186: {  	[tilespmem:s14], [sflag:$0x2] =	stream.indirect.gather [hbm4b:s4+s12], $0x80, s9, s12, $0xb8;
	[tilespmem:$0x1D000] =	vst v63  }
0x187: {  	_ =	swait.ge [sflag:s15], $0x4000  }
0x188: {  	[sflag:s15] =	ssyncset.done $0x0  }
0x189: {  	s8 =	rddreg [dreg:$0x10];
	[sflag:s15] =	ssyncadd.s32 $0xFFFFC000  }
0x18a: {  	[spmem:s2] =	stream.indirect.scatter.add.f32 [tilespmem:s13], [sflag:$0x3], $0x80, s8, s12, $0xb8;
	[tilespmem:$0x1D000] =	vst v63  }
0x18b: {  	_ =	swait.ge [sflag:s10], $0x4000  }
0x18c: {  	[sflag:s10] =	ssyncset.done $0x0  }
0x18d: {  	[sflag:s10] =	ssyncadd.s32 $0xFFFFC000  }
0x18e: {  	_ =	swait.ge [sflag:s16], $0x4000  }
0x18f: {  	[sflag:s16] =	ssyncset.done $0x0  }
0x190: {  	[sflag:s16] =	ssyncadd.s32 $0xFFFFC000  }
0x191: {  	[spmem:s2] =	stream.indirect.scatter.add.f32 [tilespmem:s14], [sflag:$0x3], $0x80, s17, s12, $0xb8;
	[tilespmem:$0x1D000] =	vst v63  }
0x192: {  	_ =	swait.ge [sflag:s10], $0x4000  }
0x193: {  	[sflag:s10] =	ssyncset.done $0x0  }
0x194: {  	[sflag:s10] =	ssyncadd.s32 $0xFFFFC000  }
0x195: {  	[tilespmem:s13], [sflag:$0x1] =	stream.indirect.gather [hbm4b:s4+s12], $0x80, s18, s12, $0xb8;
	[tilespmem:$0x1D000] =	vst v63  }
0x196: {  	_ = 	snop  }
0x197: {  	[tilespmem:s14], [sflag:$0x2] =	stream.indirect.gather [hbm4b:s4+s12], $0x80, s19, s12, $0xb8;
	[tilespmem:$0x1D000] =	vst v63  }
0x198: {  	_ =	swait.ge [sflag:s15], $0x4000  }
0x199: {  	[sflag:s15] =	ssyncset.done $0x0  }
0x19a: {  	[sflag:s15] =	ssyncadd.s32 $0xFFFFC000  }
0x19b: {  	[spmem:s2] =	stream.indirect.scatter.add.f32 [tilespmem:s13], [sflag:$0x3], $0x80, s20, s12, $0xb8;
	[tilespmem:$0x1D000] =	vst v63  }
0x19c: {  	_ =	swait.ge [sflag:s10], $0x4000  }
0x19d: {  	[sflag:s10] =	ssyncset.done $0x0  }
0x19e: {  	[sflag:s10] =	ssyncadd.s32 $0xFFFFC000  }
0x19f: {  	_ =	swait.ge [sflag:s16], $0x4000  }
0x1a0: {  	[sflag:s16] =	ssyncset.done $0x0  }
0x1a1: {  	[sflag:s16] =	ssyncadd.s32 $0xFFFFC000  }
0x1a2: {  	[spmem:s2] =	stream.indirect.scatter.add.f32 [tilespmem:s14], [sflag:$0x3], $0x80, s21, s12, $0xb8;
	[tilespmem:$0x1D000] =	vst v63  }
0x1a3: {  	_ =	swait.ge [sflag:s10], $0x4000  }
0x1a4: {  	[sflag:s10] =	ssyncset.done $0x0  }
0x1a5: {  	[sflag:s10] =	ssyncadd.s32 $0xFFFFC000  }
0x1a6: {  	[tilespmem:s13], [sflag:$0x1] =	stream.indirect.gather [hbm4b:s4+s12], $0x80, s22, s12, $0xb8;
	[tilespmem:$0x1D000] =	vst v63  }
0x1a7: {  	_ = 	snop  }
0x1a8: {  	[tilespmem:s14], [sflag:$0x2] =	stream.indirect.gather [hbm4b:s4+s12], $0x80, s23, s12, $0xb8;
	[tilespmem:$0x1D000] =	vst v63  }
0x1a9: {  	_ =	swait.ge [sflag:s15], $0x4000  }
0x1aa: {  	[sflag:s15] =	ssyncset.done $0x0  }
0x1ab: {  	[sflag:s15] =	ssyncadd.s32 $0xFFFFC000  }
0x1ac: {  	[spmem:s2] =	stream.indirect.scatter.add.f32 [tilespmem:s13], [sflag:$0x3], $0x80, s24, s12, $0xb8;
	[tilespmem:$0x1D000] =	vst v63  }
0x1ad: {  	_ =	swait.ge [sflag:s10], $0x4000  }
0x1ae: {  	[sflag:s10] =	ssyncset.done $0x0  }
0x1af: {  	[sflag:s10] =	ssyncadd.s32 $0xFFFFC000  }
0x1b0: {  	_ =	swait.ge [sflag:s16], $0x4000  }
0x1b1: {  	[sflag:s16] =	ssyncset.done $0x0  }
0x1b2: {  	[sflag:s16] =	ssyncadd.s32 $0xFFFFC000  }
0x1b3: {  	[spmem:s2] =	stream.indirect.scatter.add.f32 [tilespmem:s14], [sflag:$0x3], $0x80, s25, s12, $0xb8;
	[tilespmem:$0x1D000] =	vst v63  }
0x1b4: {  	_ =	swait.ge [sflag:s10], $0x4000  }
0x1b5: {  	[sflag:s10] =	ssyncset.done $0x0  }
0x1b6: {  	[sflag:s10] =	ssyncadd.s32 $0xFFFFC000  }
0x1b7: {  	[tilespmem:s13], [sflag:$0x1] =	stream.indirect.gather [hbm4b:s4+s12], $0x80, s26, s12, $0xb8;
	[tilespmem:$0x1D000] =	vst v63  }
0x1b8: {  	_ = 	snop  }
0x1b9: {  	[tilespmem:s14], [sflag:$0x2] =	stream.indirect.gather [hbm4b:s4+s12], $0x80, s28, s12, $0xb8;
	[tilespmem:$0x1D000] =	vst v63  }
0x1ba: {  	_ =	swait.ge [sflag:s15], $0x4000  }
0x1bb: {  	[sflag:s15] =	ssyncset.done $0x0  }
0x1bc: {  	[sflag:s15] =	ssyncadd.s32 $0xFFFFC000  }
0x1bd: {  	[spmem:s2] =	stream.indirect.scatter.add.f32 [tilespmem:s13], [sflag:$0x3], $0x80, s29, s12, $0xb8;
	[tilespmem:$0x1D000] =	vst v63  }
0x1be: {  	_ =	swait.ge [sflag:s10], $0x4000  }
0x1bf: {  	[sflag:s10] =	ssyncset.done $0x0  }
0x1c0: {  	[sflag:s10] =	ssyncadd.s32 $0xFFFFC000  }
0x1c1: {  	_ =	swait.ge [sflag:s16], $0x4000  }
0x1c2: {  	[sflag:s16] =	ssyncset.done $0x0  }
0x1c3: {  	[sflag:s16] =	ssyncadd.s32 $0xFFFFC000  }
0x1c4: {  	[spmem:s2] =	stream.indirect.scatter.add.f32 [tilespmem:s14], [sflag:$0x3], $0x80, s30, s12, $0xb8;
	[tilespmem:$0x1D000] =	vst v63  }
0x1c5: {  	_ =	swait.ge [sflag:s10], $0x4000  }
0x1c6: {  	[sflag:s10] =	ssyncset.done $0x0  }
0x1c7: {  	[sflag:s10] =	ssyncadd.s32 $0xFFFFC000  }
0x1c8: {  	[tilespmem:s13], [sflag:$0x1] =	stream.indirect.gather [hbm4b:s4+s12], $0x80, s31, s12, $0xb8;
	[tilespmem:$0x1D000] =	vst v63  }
0x1c9: {  	_ = 	snop  }
0x1ca: {  	[tilespmem:s14], [sflag:$0x2] =	stream.indirect.gather [hbm4b:s4+s12], $0x80, s1, s12, $0xb8;
	[tilespmem:$0x1D000] =	vst v63  }
0x1cb: {  	_ =	swait.ge [sflag:s15], $0x4000  }
0x1cc: {  	[sflag:s15] =	ssyncset.done $0x0  }
0x1cd: {  	[sflag:s15] =	ssyncadd.s32 $0xFFFFC000  }
0x1ce: {  	[spmem:s2] =	stream.indirect.scatter.add.f32 [tilespmem:s13], [sflag:$0x3], $0x80, s0, s12, $0xb8;
	[tilespmem:$0x1D000] =	vst v63  }
0x1cf: {  	_ =	swait.ge [sflag:s10], $0x4000  }
0x1d0: {  	[sflag:s10] =	ssyncset.done $0x0  }
0x1d1: {  	[sflag:s10] =	ssyncadd.s32 $0xFFFFC000  }
0x1d2: {  	_ =	swait.ge [sflag:s16], $0x4000  }
0x1d3: {  	[sflag:s16] =	ssyncset.done $0x0  }
0x1d4: {  	[sflag:s16] =	ssyncadd.s32 $0xFFFFC000  }
0x1d5: {  	[spmem:s2] =	stream.indirect.scatter.add.f32 [tilespmem:s14], [sflag:$0x3], $0x80, s5, s12, $0xb8;
	[tilespmem:$0x1D000] =	vst v63  }
0x1d6: {  	_ =	swait.ge [sflag:s10], $0x4000  }
0x1d7: {  	[sflag:s10] =	ssyncset.done $0x0  }
0x1d8: {  	[sflag:s10] =	ssyncadd.s32 $0xFFFFC000  }
0x1d9: {  	[bflag:$0x0] =	sbarrier.arrive $0xFFFF  }
0x1da: {  	s8 =	rddreg [dreg:$0x12]  }
0x1db: {  	s9 =	rddreg [dreg:$0x13]  }
0x1dc: {  	s7 =	rddreg [dreg:$0x15]  }
0x1dd: {  	[hbm:s9], [sflag:s8] =	dma.local [spmem:s7], $0x2800  }
0x1de: {  	_ =	swait.ge [sflag:s10], $0x2800  }
0x1df: {  	s6 =	rddreg [dreg:$0x16]  }
0x1e0: {  	s9 =	sadd.s32 $0x1, s6;
	s6 =	rddreg [dreg:$0x14]  }
0x1e1: {  	p0 =	sne.s32 s9, s6  }
.Ltmp1:
0x1e2: {  	_ = 	snop;
	(pc) =	sbr.rel @p0 .LBB2_1-.Ltmp1, $3  }
0x1e3: {  	_ =	sdelay $0x1  }
0x1e4: {  	[sflag:s10] =	ssyncset.done $0x0  }
0x1e5: {  	[sflag:s10] =	ssyncadd.s32 $0xFFFFD800  }
0x1e6: {  	_ =	sfence.sel $0x180000  }
0x1e7: {  	[bflag:$0x0] =	sbarrier.arrive $0xFFFF  }
0x1e8: {  	_ =	strace $0x90000047  }
0x1e9: {  	s0 =	stileid.u32;
	[bflag:$0x2] =	sbarrier.arrive $0xFFFF  }
0x1ea: {  	p0 =	sne.s32 s0, $0x0;
	s0 =	rddreg [dreg:$0x2]  }
0x1eb: {  	s0 =	sadd.s32 @!p0 $0x100000, s0  }
0x1ec: {  	[sflag:s0] =	ssyncadd.tile.s32 @!p0 $0x1;
	_ =	shalt  }
.Lfunc_end2:
_tile_overlayer_lowered:
.L_overlay_start_2:
0x1ed: {  	(tag) =	ssettag $0x2  }
0x1ee: {  	s0 =	rddreg [dreg:$0x0];
	s2 =	stileid.u32  }
0x1ef: {  	s1 =	rddreg [dreg:$0x1];
	p0 =	sne.s32 s2, $0x0  }
0x1f0: {  	s3 =	rddreg [dreg:$0x2];
	[bflag:$0x3] =	sbarrier.arrive $0xFFFF;
	s2 =	simm.s32 @!p0 $0x1C03  }
0x1f1: {  	[timem:s3], [sflag:s2] =	dma.local @!p0 [hbm:s0], s1  }
0x1f2: {  	s0 =	simm.s32 @!p0 $0x3  }
0x1f3: {  	_ =	swait.ge @!p0 [sflag:s0], s1  }
0x1f4: {  	s1 =	ssub.s32 @!p0 $0x0, s1;
	[sflag:s0] =	ssyncset.done @!p0 $0x0  }
0x1f5: {  	[sflag:s0] =	ssyncadd.s32 @!p0 s1  }
0x1f6: {  	[bflag:$0x3] =	sbarrier.arrive $0xFFFF  }
0x1f7: {  	_ =	shalt  }

// kernel: kernel.13.cloned.1.call-start
scs
__scs_entry_jumppad:
0x0: {  	(pc) =	sbr.rel $0x88, $3  }
0x1: {  	(tag) =	ssettag $0x0;
	lr =	simm.s32 $0x1  }
0x2: {  	[smem:$0x3F7F] =	sst lr;
	_ =	strace $0xD0000000  }
0x3: {  	_ = 	snop  }
0x4: {  	_ = 	snop  }
0x5: {  	_ = 	snop  }
0x6: {  	_ = 	snop  }
0x7: {  	_ = 	snop  }
__scs_overlays_trampoline_lowered:
0x8: {  	[smem:$0x3F8E] =	sst s0  }
0x9: {  	[smem:$0x3F8F] =	sst s1  }
0xa: {  	[smem:$0x3F90] =	sst s2  }
0xb: {  	[smem:$0x3F91] =	sst s3  }
0xc: {  	[smem:$0x3F92] =	sst s4  }
0xd: {  	[smem:$0x3F93] =	sst s5  }
0xe: {  	[smem:$0x3F94] =	sst s6  }
0xf: {  	[smem:$0x3F95] =	sst s7  }
0x10: {  	[smem:$0x3F96] =	sst s8  }
0x11: {  	[smem:$0x3F97] =	sst s9;
	s0 =	simm.s32 @!p0 $0x0  }
0x12: {  	s1 =	sld [smem:$0x3F7D];
	s0 =	simm.s32 @p0 $0x1  }
0x13: {  	[smem:$0x3F98] =	sst s0;
	s0 =	simm.s32 @!p1 $0x0  }
0x14: {  	s2 =	sld [smem:$0x3F7C];
	s0 =	simm.s32 @p1 $0x1  }
0x15: {  	[smem:$0x3F99] =	sst s0;
	s0 =	simm.s32 @!p2 $0x0  }
0x16: {  	s3 =	sld [smem:$0x3FDB];
	s0 =	simm.s32 @p2 $0x1  }
0x17: {  	s4 =	simm.s32 $0x1BF5;
	[smem:$0x3F9B] =	sst s0  }
0x18: {  	s0 =	sld [smem:$0x3F7E];
	_ =	swait.ge [sflag:s4], $0x0  }
0x19: {  	s7 =	sld [smem:$0x3F7F]  }
0x1a: {  	s8 =	sadd.s32 $0xFFFFE003, lr  }
0x1b: {  	s9 =	sadd.s32 $0xFFFFFEF7, lr;
	s5 =	simm.s32 $0xFFFFFFFF;
	p2 =	slt.u32 s8, $0xFFFFF086  }
0x1c: {  	p1 =	slt.u32 s9, $0xF7A;
	s5 =	simm.s32 @!p2 $0x0  }
0x1d: {  	s5 =	simm.s32 @p1 $0x1;
	p0 =	seq.s32 s7, s2  }
0x1e: {  	s7 =	smul.u32 @!p0 $0xF7A, s2;
	p2 =	seq.s32 @!p0 s5, $0x0  }
0x1f: {  	s9 =	smul.u32 $0xF7A, s1;
	s8 =	simm.s32 @!p0 $0x1BF5;
	p2 =	por !p2, p0  }
0x20: {  	[sflag:s8] =	ssyncset.s32 @!p0 $0xFFFFF086;
	s6 =	sadd.s32 @!p0 s3, s7;
	s7 =	simm.s32 @!p0 $0x108  }
0x21: {  	s3 =	sadd.s32 s3, s9;
	s6 =	sadd.s32 @!p0 $0x88, s6;
	s7 =	simm.s32 @p2 $0x1082  }
0x22: {  	[simem:s7], [sflag:s8] =	dma.local @!p0 [hbm:s6], $0xF7A  }
0x23: {  	s9 =	sor.u32 $0xD0000000, s2;
	s6 =	simm.s32 $0x108;
	_ =	swait.ge @!p0 [sflag:s8], $0x0  }
0x24: {  	s3 =	sadd.s32 $0x88, s3;
	s6 =	simm.s32 @!p1 $0x1082;
	[sflag:s4] =	ssyncset.s32 $0xFFFFF086  }
0x25: {  	[simem:s6], [sflag:s4] =	dma.local [hbm:s3], $0xF7A  }
0x26: {  	[smem:$0x3F7F] =	sst s1;
	(tag) =	ssettag s2;
	_ =	strace s9  }
0x27: {  	s1 =	sld [smem:$0x3F8F]  }
0x28: {  	s2 =	sld [smem:$0x3F90]  }
0x29: {  	s4 =	sld [smem:$0x3F92]  }
0x2a: {  	p0 =	seq.s32 s5, $0x0;
	s5 =	sld [smem:$0x3F93]  }
0x2b: {  	s6 =	sld [smem:$0x3F94]  }
0x2c: {  	s7 =	sld [smem:$0x3F95]  }
0x2d: {  	s3 =	simm.s32 $0x108;
	s8 =	sld [smem:$0x3F96]  }
0x2e: {  	s3 =	simm.s32 @!p0 $0x1082;
	s9 =	sld [smem:$0x3F97]  }
0x2f: {  	lr =	sadd.s32 s0, s3;
	s0 =	sld [smem:$0x3F8E]  }
0x30: {  	s3 =	sld [smem:$0x3F91]  }
0x31: {  	[smem:$0x3F9A] =	sst s10  }
0x32: {  	s10 =	sld [smem:$0x3F98];
	_ =	sdelay $0x3  }
0x33: {  	p0 =	seq.s32 s10, $0x1;
	s10 =	sld [smem:$0x3F9A];
	_ =	sdelay $0x3  }
0x34: {  	[smem:$0x3F9A] =	sst s10  }
0x35: {  	s10 =	sld [smem:$0x3F99];
	_ =	sdelay $0x3  }
0x36: {  	p1 =	seq.s32 s10, $0x1;
	s10 =	sld [smem:$0x3F9A];
	_ =	sdelay $0x3  }
0x37: {  	[smem:$0x3F9A] =	sst s10  }
0x38: {  	s10 =	sld [smem:$0x3F9B]  }
0x39: {  	_ = 	snop;
	(pc) =	sbr.ind lr, $3  }
0x3a: {  	_ = 	snop  }
0x3b: {  	_ = 	snop  }
0x3c: {  	p2 =	seq.s32 s10, $0x1;
	s10 =	sld [smem:$0x3F9A]  }
0x3d: {  	_ =	shalt  }
0x3e: {  	_ =	shalt  }
0x3f: {  	_ =	shalt  }
0x40: {  	_ =	shalt  }
0x41: {  	_ =	shalt  }
0x42: {  	_ =	shalt  }
0x43: {  	_ =	shalt  }
0x44: {  	_ =	shalt  }
0x45: {  	_ =	shalt  }
0x46: {  	_ =	shalt  }
0x47: {  	_ =	shalt  }
0x48: {  	_ =	shalt  }
0x49: {  	_ =	shalt  }
0x4a: {  	_ =	shalt  }
0x4b: {  	_ =	shalt  }
0x4c: {  	_ =	shalt  }
0x4d: {  	_ =	shalt  }
0x4e: {  	_ =	shalt  }
0x4f: {  	_ =	shalt  }
0x50: {  	_ =	shalt  }
0x51: {  	_ =	shalt  }
0x52: {  	_ =	shalt  }
0x53: {  	_ =	shalt  }
0x54: {  	_ =	shalt  }
0x55: {  	_ =	shalt  }
0x56: {  	_ =	shalt  }
0x57: {  	_ =	shalt  }
0x58: {  	_ =	shalt  }
0x59: {  	_ =	shalt  }
0x5a: {  	_ =	shalt  }
0x5b: {  	_ =	shalt  }
0x5c: {  	_ =	shalt  }
0x5d: {  	_ =	shalt  }
0x5e: {  	_ =	shalt  }
0x5f: {  	_ =	shalt  }
0x60: {  	_ =	shalt  }
0x61: {  	_ =	shalt  }
0x62: {  	_ =	shalt  }
0x63: {  	_ =	shalt  }
0x64: {  	_ =	shalt  }
0x65: {  	_ =	shalt  }
0x66: {  	_ =	shalt  }
0x67: {  	_ =	shalt  }
0x68: {  	_ =	shalt  }
0x69: {  	_ =	shalt  }
0x6a: {  	_ =	shalt  }
0x6b: {  	_ =	shalt  }
0x6c: {  	_ =	shalt  }
0x6d: {  	_ =	shalt  }
0x6e: {  	_ =	shalt  }
0x6f: {  	_ =	shalt  }
0x70: {  	_ =	shalt  }
0x71: {  	_ =	shalt  }
0x72: {  	_ =	shalt  }
0x73: {  	_ =	shalt  }
0x74: {  	_ =	shalt  }
0x75: {  	_ =	shalt  }
0x76: {  	_ =	shalt  }
0x77: {  	_ =	shalt  }
0x78: {  	_ =	shalt  }
0x79: {  	_ =	shalt  }
0x7a: {  	_ =	shalt  }
0x7b: {  	_ =	shalt  }
0x7c: {  	_ =	shalt  }
0x7d: {  	_ =	shalt  }
0x7e: {  	_ =	shalt  }
0x7f: {  	_ =	shalt  }
0x80: {  	_ =	shalt  }
0x81: {  	_ =	shalt  }
0x82: {  	_ =	shalt  }
0x83: {  	_ =	shalt  }
0x84: {  	_ =	shalt  }
0x85: {  	_ =	shalt  }
0x86: {  	_ =	shalt  }
0x87: {  	_ =	shalt  }
.Lfunc_end0:
.L_simem_size_0:
called_computation.1_lowered:
.L_overlay_start_0:
0x88: {  	s2 =	sld [smem:$0x3FD9]  }
0x89: {  	s3 =	sld [smem:$0x3FFE];
	_ =	sdelay $0x1  }
0x8a: {  	s1 =	srdreg.scid  }
0x8b: {  	s0 =	sand.u32 $0x1, s1  }
0x8c: {  	s16 =	sshll.u32 s0, $0xA;
	s2 =	sadd.s32 s3, s2  }
0x8d: {  	s2 =	sadd.s32 s2, s16  }
0x8e: {  	[smem:$0x3FA6] =	sst s2  }
0x8f: {  	_ = 	snop  }
0x90: {  	(tm) =	ssettm $0x1  }
0x91: {  	s17 =	sld [smem:$0x3FFB];
	_ =	sdelay $0x3  }
0x92: {  	_ =	strace s17  }
0x93: {  	s2 =	sld [smem:$0x3FFC];
	_ =	sdelay $0x3  }
0x94: {  	_ =	strace s2  }
0x95: {  	s2 =	sld [smem:$0x3FFD];
	_ =	sdelay $0x3  }
0x96: {  	_ =	strace s2  }
0x97: {  	_ =	strace $0x8FFFFFFF  }
0x98: {  	s18 =	sld [smem:$0x3FDB];
	_ =	sdelay $0x1  }
0x99: {  	s19 =	simm.s32 $_scs_section_size  }
0x9a: {  	s4 =	simm.s32 $_size__tile_overlayer_lowered;
	s5 =	simm.s32 $_tile_overlayer_lowered  }
0x9b: {  	s22 =	simm.s32 $0x1BFF;
	s21 =	sshll.u32 s5, $0x1;
	s2 =	sadd.s32 s19, s18  }
0x9c: {  	s6 =	simm.s32 $0x0;
	s20 =	sshll.u32 s4, $0x1;
	s4 =	sadd.s32 s21, s2  }
0x9d: {  	[timem:s6], [sflag:s22] =	dma.local [hbm:s4], s20  }
0x9e: {  	_ =	swait.ge [sflag:s22], s20  }
0x9f: {  	s3 =	ssub.s32 $0x0, s20;
	[sflag:s22] =	ssyncset.done $0x0  }
0xa0: {  	[sflag:s22] =	ssyncadd.s32 s3;
	_ =	sdelay $0x1  }
0xa1: {  	s23 =	simm.s32 $0x1B8B  }
0xa2: {  	_ =	swait.ge [sflag:s23], $0x1  }
0xa3: {  	[sflag:s23] =	ssyncset.done $0x0  }
0xa4: {  	s25 =	simm.s32 $0x1B8E;
	s24 =	sld [smem:$0x3FFE];
	[sflag:s23] =	ssyncadd.s32 $0xFFFFFFFF  }
0xa5: {  	s26 =	simm.s32 $execute0_lowered;
	[smem:$0x3FD2] =	sst s25  }
0xa6: {  	s4 =	sshll.u32 s26, $0x1;
	_ =	strace $0x80000049;
	[dreg:$0x1] =	wrdreg $0xFFFFFFFF  }
0xa7: {  	s28 =	simm.s32 $_size_execute0_lowered;
	s2 =	sadd.s32 s2, s4;
	[dreg:$0x0] =	wrdreg $0x0  }
0xa8: {  	s4 =	sshll.u32 s28, $0x1;
	[dreg:$0x2] =	wrdreg s2  }
0xa9: {  	[dreg:$0x3] =	wrdreg s4  }
0xaa: {  	[dreg:$0x4] =	wrdreg $0xC0  }
0xab: {  	_ =	task [dreg:s6], $0x5FFFF  }
0xac: {  	[dreg:$0x1] =	wrdreg $0xFFFFFFFF  }
0xad: {  	[dreg:$0x0] =	wrdreg $0x60  }
0xae: {  	[dreg:$0x2] =	wrdreg s24  }
0xaf: {  	[dreg:$0x3] =	wrdreg $0x90000  }
0xb0: {  	[dreg:$0x4] =	wrdreg $0x9  }
0xb1: {  	_ =	task.clear_ibuf [dreg:s6], $0x5FFFF;
	_ =	strace $0x90000049  }
0xb2: {  	s29 =	simm.s32 $0x9;
	_ =	strace $0x8000004B  }
0xb3: {  	_ =	swait.ge [sflag:s29], $0x1  }
0xb4: {  	[sflag:s29] =	ssyncadd.s32 $0xFFFFFFFF  }
0xb5: {  	_ =	strace $0x9000004B  }
0xb6: {  	_ =	sfence  }
0xb7: {  	s30 =	sld [smem:$0x0];
	_ =	sdelay $0x2  }
0xb8: {  	s31 =	sshll.u32 s1, $0xD;
	s1 =	sshrl.u32 s1, $0x2  }
0xb9: {  	s3 =	sand.u32 $0x4000, s31;
	s1 =	sadd.s32 s1, s30  }
0xba: {  	s0 =	sor.u32 s3, s0;
	s1 =	sshll.u32 s1, $0x11  }
0xbb: {  	s0 =	sor.u32 s1, s0  }
0xbc: {  	s0 =	sadd.s32 $0x8F2B, s0  }
0xbd: {  	[sflag:s0] =	ssyncadd.remote.s32 $0x1  }
0xbe: {  	_ =	sfence.sel $0xFFFF  }
0xbf: {  	[dreg:$0x0] =	wrdreg $0xFFFFFFFF;
	(pc) =	sbr.abs _section_cstart, $3  }
0xc0: {  	[dreg:$0x1] =	wrdreg $0xFFFFFFFF  }
0xc1: {  	_ =	task.clear_ibuf [dreg:s6], $0x2FFFF;
	_ =	strace $0x9FFFFFFF  }
0xc2: {  	(tm) =	ssettm $0x7FFFFFFF  }
0xc3: {  	_ =	shalt  }
tec
execute0_lowered:
.L_overlay_start_1:
0x0: {  	(tag) =	ssettag $0x1  }
0x1: {  	s0 =	srdreg.scid;
	s1 =	rddreg [dreg:$0x0]  }
0x2: {  	s10 =	stileid.u32;
	s2 =	rddreg [dreg:$0x1];
	s3 =	simm.s32 $0x0  }
0x3: {  	s13 =	simm.s32 $0x880;
	s14 =	simm.s32 $0x100;
	s16 =	simm.s32 $0x180  }
0x4: {  	s17 =	simm.s32 $0x900;
	s18 =	simm.s32 $0x980;
	s20 =	simm.s32 $0x200  }
0x5: {  	s21 =	simm.s32 $0x280;
	s22 =	simm.s32 $0xA00;
	[smem:$0x7FF] =	sst s3  }
0x6: {  	s23 =	simm.s32 $0xA80;
	_ =	strace $0x8000004A;
	[dreg:$0x5] =	wrdreg s13  }
0x7: {  	s24 =	simm.s32 $0x300;
	s28 =	simm.s32 $0x680;
	[dreg:$0x6] =	wrdreg s14  }
0x8: {  	s29 =	simm.s32 $0xE00;
	s5 =	smul.u32 $0x5000, s10;
	[dreg:$0x7] =	wrdreg s16  }
0x9: {  	s30 =	simm.s32 $0xE80;
	s7 =	smul.u32 $0x14000, s10;
	[dreg:$0x8] =	wrdreg s17  }
0xa: {  	s31 =	simm.s32 $0x700;
	s9 =	smul.u32 $0x50000, s10;
	[dreg:$0x9] =	wrdreg s18  }
0xb: {  	s0 =	sand.u32 $0x1, s0;
	s11 =	smul.u32 $0x2800, s10;
	[dreg:$0xa] =	wrdreg s20  }
0xc: {  	s15 =	sshll.u32 s10, $0x6;
	s4 =	smul.u32 $0x50000, s0;
	[dreg:$0xb] =	wrdreg s21  }
0xd: {  	s10 =	simm.s32 $0x3;
	s6 =	smul.u32 $0x140000, s0;
	[dreg:$0xc] =	wrdreg s22  }
0xe: {  	s25 =	ssub.s32 $0x2, s0;
	s0 =	smul.u32 $0x28000, s0;
	[dreg:$0xd] =	wrdreg s23  }
0xf: {  	s13 =	simm.s32 $0x1000;
	[dreg:$0xe] =	wrdreg s24;
	s14 =	simm.s32 $0x5000  }
0x10: {  	s16 =	simm.s32 $0x2;
	s17 =	simm.s32 $0xB80;
	s18 =	simm.s32 $0x400  }
0x11: {  	s20 =	simm.s32 $0xC00;
	s21 =	simm.s32 $0xC80;
	s22 =	simm.s32 $0x500  }
0x12: {  	s23 =	simm.s32 $0x580;
	s24 =	simm.s32 $0xD00;
	s8 =	sshrl.u32 s25, $0x1  }
0x13: {  	s9 =	sshrl.u32 s9, $0x2;
	s5 =	sadd.s32 s5, s4;
	s4 =	sadd.s32 $0x6A00, s1  }
0x14: {  	s6 =	sadd.s32 s7, s6;
	s26 =	ssub.s32 s25, s8;
	s7 =	sadd.s32 s9, s2  }
0x15: {  	s0 =	sadd.s32 s11, s0;
	s8 =	sor.u32 $0x1C03, s15;
	s25 =	simm.s32 $0x380  }
0x16: {  	s11 =	simm.s32 $0x800;
	s15 =	simm.s32 $0x1;
	[dreg:$0xf] =	wrdreg s25  }
0x17: {  	s9 =	simm.s32 $0x0;
	s0 =	sadd.s32 s4, s0;
	[dreg:$0x12] =	wrdreg s8  }
0x18: {  	s5 =	sshrl.u32 s5, $0x3;
	s19 =	smax.u32 s26, $0x1;
	[dreg:$0x11] =	wrdreg s0  }
0x19: {  	s6 =	sshrl.u32 s6, $0x3;
	s26 =	simm.s32 $0xB00;
	[dreg:$0x14] =	wrdreg s19  }
0x1a: {  	s7 =	sshrl.u32 s7, $0x3;
	s5 =	sadd.s32 s5, s1;
	[dreg:$0x10] =	wrdreg s26  }
0x1b: {  	s25 =	simm.s32 $0xD80;
	[dreg:$0x15] =	wrdreg s7;
	s12 =	sadd.s32 $0x56A00, s5  }
0x1c: {  	s1 =	sadd.s32 s6, s1;
	s5 =	sadd.s32 $0x6AA00, s5;
	[dreg:$0x3] =	wrdreg s12  }
0x1d: {  	s19 =	simm.s32 $0x480;
	s1 =	sadd.s32 $0xCEA00, s1;
	[dreg:$0x4] =	wrdreg s5  }
0x1e: {  	s26 =	simm.s32 $0x600;
	s0 =	simm.s32 $0xF00;
	[dreg:$0x13] =	wrdreg s1  }
0x1f: {  	s12 =	simm.s32 $0x80;
	s1 =	simm.s32 $0x780;
	s5 =	simm.s32 $0xF80  }
.LBB2_1:
0x20: {  	[dreg:$0x16] =	wrdreg s9  }
0x21: {  	s6 =	rddreg [dreg:$0x11]  }
0x22: {  	[spmem:s7], [sflag:s8] =	dma.local [hbm:s6], $0x2800  }
0x23: {  	_ =	swait.ge [sflag:s10], $0x2800  }
0x24: {  	[sflag:s10] =	ssyncset.done $0x0  }
0x25: {  	[sflag:s10] =	ssyncadd.s32 $0xFFFFD800  }
0x26: {  	[bflag:$0x0] =	sbarrier.arrive $0xFFFF  }
0x27: {  	s9 =	rddreg [dreg:$0x4]  }
0x28: {  	s6 =	sadd.s32 $0x0, s9  }
0x29: {  	[tilespmem:s3], [sflag:$0x3] =	stream.linear.gather [hbm4b:s6+s3], $0x800, $0x38;
	[tilespmem:$0x1D000] =	vst v63  }
0x2a: {  	_ =	swait.ge [sflag:s10], $0x800  }
0x2b: {  	s7 =	rddreg [dreg:$0x3];
	[sflag:s10] =	ssyncset.done $0x0  }
0x2c: {  	[sflag:s10] =	ssyncadd.s32 $0xFFFFF800;
	s6 =	sadd.s32 $0x0, s7  }
0x2d: {  	[tilespmem:s11], [sflag:$0x3] =	stream.linear.gather [hbm4b:s6+s3], $0x800, $0x38;
	[tilespmem:$0x1D000] =	vst v63  }
0x2e: {  	_ =	swait.ge [sflag:s10], $0x800  }
0x2f: {  	[sflag:s10] =	ssyncset.done $0x0  }
0x30: {  	[sflag:s10] =	ssyncadd.s32 $0xFFFFF800  }
0x31: {  	[tilespmem:s13], [sflag:$0x1] =	stream.indirect.gather [hbm4b:s4+s12], $0x80, s3, s12, $0xb8;
	[tilespmem:$0x1D000] =	vst v63  }
0x32: {  	_ = 	snop  }
0x33: {  	[tilespmem:s14], [sflag:$0x2] =	stream.indirect.gather [hbm4b:s4+s12], $0x80, s12, s12, $0xb8;
	[tilespmem:$0x1D000] =	vst v63  }
0x34: {  	_ =	swait.ge [sflag:s15], $0x4000  }
0x35: {  	[sflag:s15] =	ssyncset.done $0x0  }
0x36: {  	[sflag:s15] =	ssyncadd.s32 $0xFFFFC000  }
0x37: {  	[spmem:s2] =	stream.indirect.scatter.add.f32 [tilespmem:s13], [sflag:$0x3], $0x80, s11, s12, $0xb8;
	[tilespmem:$0x1D000] =	vst v63  }
0x38: {  	_ =	swait.ge [sflag:s10], $0x4000  }
0x39: {  	[sflag:s10] =	ssyncset.done $0x0  }
0x3a: {  	[sflag:s10] =	ssyncadd.s32 $0xFFFFC000  }
0x3b: {  	_ =	swait.ge [sflag:s16], $0x4000  }
0x3c: {  	[sflag:s16] =	ssyncset.done $0x0  }
0x3d: {  	s8 =	rddreg [dreg:$0x5];
	[sflag:s16] =	ssyncadd.s32 $0xFFFFC000  }
0x3e: {  	[spmem:s2] =	stream.indirect.scatter.add.f32 [tilespmem:s14], [sflag:$0x3], $0x80, s8, s12, $0xb8;
	[tilespmem:$0x1D000] =	vst v63  }
0x3f: {  	_ =	swait.ge [sflag:s10], $0x4000  }
0x40: {  	[sflag:s10] =	ssyncset.done $0x0  }
0x41: {  	s9 =	rddreg [dreg:$0x6];
	[sflag:s10] =	ssyncadd.s32 $0xFFFFC000  }
0x42: {  	[tilespmem:s13], [sflag:$0x1] =	stream.indirect.gather [hbm4b:s4+s12], $0x80, s9, s12, $0xb8;
	[tilespmem:$0x1D000] =	vst v63  }
0x43: {  	s7 =	rddreg [dreg:$0x7]  }
0x44: {  	[tilespmem:s14], [sflag:$0x2] =	stream.indirect.gather [hbm4b:s4+s12], $0x80, s7, s12, $0xb8;
	[tilespmem:$0x1D000] =	vst v63  }
0x45: {  	_ =	swait.ge [sflag:s15], $0x4000  }
0x46: {  	[sflag:s15] =	ssyncset.done $0x0  }
0x47: {  	s9 =	rddreg [dreg:$0x8];
	[sflag:s15] =	ssyncadd.s32 $0xFFFFC000  }
0x48: {  	[spmem:s2] =	stream.indirect.scatter.add.f32 [tilespmem:s13], [sflag:$0x3], $0x80, s9, s12, $0xb8;
	[tilespmem:$0x1D000] =	vst v63  }
0x49: {  	_ =	swait.ge [sflag:s10], $0x4000  }
0x4a: {  	[sflag:s10] =	ssyncset.done $0x0  }
0x4b: {  	[sflag:s10] =	ssyncadd.s32 $0xFFFFC000  }
0x4c: {  	_ =	swait.ge [sflag:s16], $0x4000  }
0x4d: {  	[sflag:s16] =	ssyncset.done $0x0  }
0x4e: {  	s7 =	rddreg [dreg:$0x9];
	[sflag:s16] =	ssyncadd.s32 $0xFFFFC000  }
0x4f: {  	[spmem:s2] =	stream.indirect.scatter.add.f32 [tilespmem:s14], [sflag:$0x3], $0x80, s7, s12, $0xb8;
	[tilespmem:$0x1D000] =	vst v63  }
0x50: {  	_ =	swait.ge [sflag:s10], $0x4000  }
0x51: {  	[sflag:s10] =	ssyncset.done $0x0  }
0x52: {  	s8 =	rddreg [dreg:$0xa];
	[sflag:s10] =	ssyncadd.s32 $0xFFFFC000  }
0x53: {  	[tilespmem:s13], [sflag:$0x1] =	stream.indirect.gather [hbm4b:s4+s12], $0x80, s8, s12, $0xb8;
	[tilespmem:$0x1D000] =	vst v63  }
0x54: {  	s9 =	rddreg [dreg:$0xb]  }
0x55: {  	[tilespmem:s14], [sflag:$0x2] =	stream.indirect.gather [hbm4b:s4+s12], $0x80, s9, s12, $0xb8;
	[tilespmem:$0x1D000] =	vst v63  }
0x56: {  	_ =	swait.ge [sflag:s15], $0x4000  }
0x57: {  	[sflag:s15] =	ssyncset.done $0x0  }
0x58: {  	s7 =	rddreg [dreg:$0xc];
	[sflag:s15] =	ssyncadd.s32 $0xFFFFC000  }
0x59: {  	[spmem:s2] =	stream.indirect.scatter.add.f32 [tilespmem:s13], [sflag:$0x3], $0x80, s7, s12, $0xb8;
	[tilespmem:$0x1D000] =	vst v63  }
0x5a: {  	_ =	swait.ge [sflag:s10], $0x4000  }
0x5b: {  	[sflag:s10] =	ssyncset.done $0x0  }
0x5c: {  	[sflag:s10] =	ssyncadd.s32 $0xFFFFC000  }
0x5d: {  	_ =	swait.ge [sflag:s16], $0x4000  }
0x5e: {  	[sflag:s16] =	ssyncset.done $0x0  }
0x5f: {  	s8 =	rddreg [dreg:$0xd];
	[sflag:s16] =	ssyncadd.s32 $0xFFFFC000  }
0x60: {  	[spmem:s2] =	stream.indirect.scatter.add.f32 [tilespmem:s14], [sflag:$0x3], $0x80, s8, s12, $0xb8;
	[tilespmem:$0x1D000] =	vst v63  }
0x61: {  	_ =	swait.ge [sflag:s10], $0x4000  }
0x62: {  	[sflag:s10] =	ssyncset.done $0x0  }
0x63: {  	s9 =	rddreg [dreg:$0xe];
	[sflag:s10] =	ssyncadd.s32 $0xFFFFC000  }
0x64: {  	[tilespmem:s13], [sflag:$0x1] =	stream.indirect.gather [hbm4b:s4+s12], $0x80, s9, s12, $0xb8;
	[tilespmem:$0x1D000] =	vst v63  }
0x65: {  	s7 =	rddreg [dreg:$0xf]  }
0x66: {  	[tilespmem:s14], [sflag:$0x2] =	stream.indirect.gather [hbm4b:s4+s12], $0x80, s7, s12, $0xb8;
	[tilespmem:$0x1D000] =	vst v63  }
0x67: {  	_ =	swait.ge [sflag:s15], $0x4000  }
0x68: {  	[sflag:s15] =	ssyncset.done $0x0  }
0x69: {  	s9 =	rddreg [dreg:$0x10];
	[sflag:s15] =	ssyncadd.s32 $0xFFFFC000  }
0x6a: {  	[spmem:s2] =	stream.indirect.scatter.add.f32 [tilespmem:s13], [sflag:$0x3], $0x80, s9, s12, $0xb8;
	[tilespmem:$0x1D000] =	vst v63  }
0x6b: {  	_ =	swait.ge [sflag:s10], $0x4000  }
0x6c: {  	[sflag:s10] =	ssyncset.done $0x0  }
0x6d: {  	[sflag:s10] =	ssyncadd.s32 $0xFFFFC000  }
0x6e: {  	_ =	swait.ge [sflag:s16], $0x4000  }
0x6f: {  	[sflag:s16] =	ssyncset.done $0x0  }
0x70: {  	[sflag:s16] =	ssyncadd.s32 $0xFFFFC000  }
0x71: {  	[spmem:s2] =	stream.indirect.scatter.add.f32 [tilespmem:s14], [sflag:$0x3], $0x80, s17, s12, $0xb8;
	[tilespmem:$0x1D000] =	vst v63  }
0x72: {  	_ =	swait.ge [sflag:s10], $0x4000  }
0x73: {  	[sflag:s10] =	ssyncset.done $0x0  }
0x74: {  	[sflag:s10] =	ssyncadd.s32 $0xFFFFC000  }
0x75: {  	[tilespmem:s13], [sflag:$0x1] =	stream.indirect.gather [hbm4b:s4+s12], $0x80, s18, s12, $0xb8;
	[tilespmem:$0x1D000] =	vst v63  }
0x76: {  	_ = 	snop  }
0x77: {  	[tilespmem:s14], [sflag:$0x2] =	stream.indirect.gather [hbm4b:s4+s12], $0x80, s19, s12, $0xb8;
	[tilespmem:$0x1D000] =	vst v63  }
0x78: {  	_ =	swait.ge [sflag:s15], $0x4000  }
0x79: {  	[sflag:s15] =	ssyncset.done $0x0  }
0x7a: {  	[sflag:s15] =	ssyncadd.s32 $0xFFFFC000  }
0x7b: {  	[spmem:s2] =	stream.indirect.scatter.add.f32 [tilespmem:s13], [sflag:$0x3], $0x80, s20, s12, $0xb8;
	[tilespmem:$0x1D000] =	vst v63  }
0x7c: {  	_ =	swait.ge [sflag:s10], $0x4000  }
0x7d: {  	[sflag:s10] =	ssyncset.done $0x0  }
0x7e: {  	[sflag:s10] =	ssyncadd.s32 $0xFFFFC000  }
0x7f: {  	_ =	swait.ge [sflag:s16], $0x4000  }
0x80: {  	[sflag:s16] =	ssyncset.done $0x0  }
0x81: {  	[sflag:s16] =	ssyncadd.s32 $0xFFFFC000  }
0x82: {  	[spmem:s2] =	stream.indirect.scatter.add.f32 [tilespmem:s14], [sflag:$0x3], $0x80, s21, s12, $0xb8;
	[tilespmem:$0x1D000] =	vst v63  }
0x83: {  	_ =	swait.ge [sflag:s10], $0x4000  }
0x84: {  	[sflag:s10] =	ssyncset.done $0x0  }
0x85: {  	[sflag:s10] =	ssyncadd.s32 $0xFFFFC000  }
0x86: {  	[tilespmem:s13], [sflag:$0x1] =	stream.indirect.gather [hbm4b:s4+s12], $0x80, s22, s12, $0xb8;
	[tilespmem:$0x1D000] =	vst v63  }
0x87: {  	_ = 	snop  }
0x88: {  	[tilespmem:s14], [sflag:$0x2] =	stream.indirect.gather [hbm4b:s4+s12], $0x80, s23, s12, $0xb8;
	[tilespmem:$0x1D000] =	vst v63  }
0x89: {  	_ =	swait.ge [sflag:s15], $0x4000  }
0x8a: {  	[sflag:s15] =	ssyncset.done $0x0  }
0x8b: {  	[sflag:s15] =	ssyncadd.s32 $0xFFFFC000  }
0x8c: {  	[spmem:s2] =	stream.indirect.scatter.add.f32 [tilespmem:s13], [sflag:$0x3], $0x80, s24, s12, $0xb8;
	[tilespmem:$0x1D000] =	vst v63  }
0x8d: {  	_ =	swait.ge [sflag:s10], $0x4000  }
0x8e: {  	[sflag:s10] =	ssyncset.done $0x0  }
0x8f: {  	[sflag:s10] =	ssyncadd.s32 $0xFFFFC000  }
0x90: {  	_ =	swait.ge [sflag:s16], $0x4000  }
0x91: {  	[sflag:s16] =	ssyncset.done $0x0  }
0x92: {  	[sflag:s16] =	ssyncadd.s32 $0xFFFFC000  }
0x93: {  	[spmem:s2] =	stream.indirect.scatter.add.f32 [tilespmem:s14], [sflag:$0x3], $0x80, s25, s12, $0xb8;
	[tilespmem:$0x1D000] =	vst v63  }
0x94: {  	_ =	swait.ge [sflag:s10], $0x4000  }
0x95: {  	[sflag:s10] =	ssyncset.done $0x0  }
0x96: {  	[sflag:s10] =	ssyncadd.s32 $0xFFFFC000  }
0x97: {  	[tilespmem:s13], [sflag:$0x1] =	stream.indirect.gather [hbm4b:s4+s12], $0x80, s26, s12, $0xb8;
	[tilespmem:$0x1D000] =	vst v63  }
0x98: {  	_ = 	snop  }
0x99: {  	[tilespmem:s14], [sflag:$0x2] =	stream.indirect.gather [hbm4b:s4+s12], $0x80, s28, s12, $0xb8;
	[tilespmem:$0x1D000] =	vst v63  }
0x9a: {  	_ =	swait.ge [sflag:s15], $0x4000  }
0x9b: {  	[sflag:s15] =	ssyncset.done $0x0  }
0x9c: {  	[sflag:s15] =	ssyncadd.s32 $0xFFFFC000  }
0x9d: {  	[spmem:s2] =	stream.indirect.scatter.add.f32 [tilespmem:s13], [sflag:$0x3], $0x80, s29, s12, $0xb8;
	[tilespmem:$0x1D000] =	vst v63  }
0x9e: {  	_ =	swait.ge [sflag:s10], $0x4000  }
0x9f: {  	[sflag:s10] =	ssyncset.done $0x0  }
0xa0: {  	[sflag:s10] =	ssyncadd.s32 $0xFFFFC000  }
0xa1: {  	_ =	swait.ge [sflag:s16], $0x4000  }
0xa2: {  	[sflag:s16] =	ssyncset.done $0x0  }
0xa3: {  	[sflag:s16] =	ssyncadd.s32 $0xFFFFC000  }
0xa4: {  	[spmem:s2] =	stream.indirect.scatter.add.f32 [tilespmem:s14], [sflag:$0x3], $0x80, s30, s12, $0xb8;
	[tilespmem:$0x1D000] =	vst v63  }
0xa5: {  	_ =	swait.ge [sflag:s10], $0x4000  }
0xa6: {  	[sflag:s10] =	ssyncset.done $0x0  }
0xa7: {  	[sflag:s10] =	ssyncadd.s32 $0xFFFFC000  }
0xa8: {  	[tilespmem:s13], [sflag:$0x1] =	stream.indirect.gather [hbm4b:s4+s12], $0x80, s31, s12, $0xb8;
	[tilespmem:$0x1D000] =	vst v63  }
0xa9: {  	_ = 	snop  }
0xaa: {  	[tilespmem:s14], [sflag:$0x2] =	stream.indirect.gather [hbm4b:s4+s12], $0x80, s1, s12, $0xb8;
	[tilespmem:$0x1D000] =	vst v63  }
0xab: {  	_ =	swait.ge [sflag:s15], $0x4000  }
0xac: {  	[sflag:s15] =	ssyncset.done $0x0  }
0xad: {  	[sflag:s15] =	ssyncadd.s32 $0xFFFFC000  }
0xae: {  	[spmem:s2] =	stream.indirect.scatter.add.f32 [tilespmem:s13], [sflag:$0x3], $0x80, s0, s12, $0xb8;
	[tilespmem:$0x1D000] =	vst v63  }
0xaf: {  	_ =	swait.ge [sflag:s10], $0x4000  }
0xb0: {  	[sflag:s10] =	ssyncset.done $0x0  }
0xb1: {  	[sflag:s10] =	ssyncadd.s32 $0xFFFFC000  }
0xb2: {  	_ =	swait.ge [sflag:s16], $0x4000  }
0xb3: {  	[sflag:s16] =	ssyncset.done $0x0  }
0xb4: {  	[sflag:s16] =	ssyncadd.s32 $0xFFFFC000  }
0xb5: {  	[spmem:s2] =	stream.indirect.scatter.add.f32 [tilespmem:s14], [sflag:$0x3], $0x80, s5, s12, $0xb8;
	[tilespmem:$0x1D000] =	vst v63  }
0xb6: {  	s6 =	simm.s32 $0x200;
	_ =	swait.ge [sflag:s10], $0x4000  }
0xb7: {  	s8 =	simm.s32 $0x100;
	s9 =	rddreg [dreg:$0x4];
	[sflag:s10] =	ssyncset.done $0x0  }
.LBB2_2:
0xb8: {  	[sflag:s10] =	ssyncadd.s32 $0xFFFFC000;
	s9 =	sadd.s32 s8, s9  }
0xb9: {  	[tilespmem:s3], [sflag:$0x3] =	stream.linear.gather [hbm4b:s9+s3], $0x800, $0x38;
	[tilespmem:$0x1D000] =	vst v63  }
0xba: {  	_ =	swait.ge [sflag:s10], $0x800  }
0xbb: {  	s9 =	rddreg [dreg:$0x3];
	[sflag:s10] =	ssyncset.done $0x0  }
0xbc: {  	[sflag:s10] =	ssyncadd.s32 $0xFFFFF800;
	s9 =	sadd.s32 s8, s9  }
0xbd: {  	[tilespmem:s11], [sflag:$0x3] =	stream.linear.gather [hbm4b:s9+s3], $0x800, $0x38;
	[tilespmem:$0x1D000] =	vst v63  }
0xbe: {  	_ =	swait.ge [sflag:s10], $0x800  }
0xbf: {  	[sflag:s10] =	ssyncset.done $0x0  }
0xc0: {  	[sflag:s10] =	ssyncadd.s32 $0xFFFFF800  }
0xc1: {  	[tilespmem:s13], [sflag:$0x1] =	stream.indirect.gather [hbm4b:s4+s12], $0x80, s3, s12, $0xb8;
	[tilespmem:$0x1D000] =	vst v63  }
0xc2: {  	_ = 	snop  }
0xc3: {  	[tilespmem:s14], [sflag:$0x2] =	stream.indirect.gather [hbm4b:s4+s12], $0x80, s12, s12, $0xb8;
	[tilespmem:$0x1D000] =	vst v63  }
0xc4: {  	_ =	swait.ge [sflag:s15], $0x4000  }
0xc5: {  	[sflag:s15] =	ssyncset.done $0x0  }
0xc6: {  	[sflag:s15] =	ssyncadd.s32 $0xFFFFC000  }
0xc7: {  	[spmem:s2] =	stream.indirect.scatter.add.f32 [tilespmem:s13], [sflag:$0x3], $0x80, s11, s12, $0xb8;
	[tilespmem:$0x1D000] =	vst v63  }
0xc8: {  	_ =	swait.ge [sflag:s10], $0x4000  }
0xc9: {  	[sflag:s10] =	ssyncset.done $0x0  }
0xca: {  	[sflag:s10] =	ssyncadd.s32 $0xFFFFC000  }
0xcb: {  	_ =	swait.ge [sflag:s16], $0x4000  }
0xcc: {  	[sflag:s16] =	ssyncset.done $0x0  }
0xcd: {  	s9 =	rddreg [dreg:$0x5];
	[sflag:s16] =	ssyncadd.s32 $0xFFFFC000  }
0xce: {  	[spmem:s2] =	stream.indirect.scatter.add.f32 [tilespmem:s14], [sflag:$0x3], $0x80, s9, s12, $0xb8;
	[tilespmem:$0x1D000] =	vst v63  }
0xcf: {  	_ =	swait.ge [sflag:s10], $0x4000  }
0xd0: {  	s7 =	smov.u32 s6;
	[sflag:s10] =	ssyncset.done $0x0  }
0xd1: {  	s8 =	smov.u32 s7;
	s7 =	rddreg [dreg:$0x6];
	[sflag:s10] =	ssyncadd.s32 $0xFFFFC000  }
0xd2: {  	[tilespmem:s13], [sflag:$0x1] =	stream.indirect.gather [hbm4b:s4+s12], $0x80, s7, s12, $0xb8;
	[tilespmem:$0x1D000] =	vst v63  }
0xd3: {  	s9 =	rddreg [dreg:$0x7]  }
0xd4: {  	[tilespmem:s14], [sflag:$0x2] =	stream.indirect.gather [hbm4b:s4+s12], $0x80, s9, s12, $0xb8;
	[tilespmem:$0x1D000] =	vst v63  }
0xd5: {  	_ =	swait.ge [sflag:s15], $0x4000  }
0xd6: {  	[sflag:s15] =	ssyncset.done $0x0  }
0xd7: {  	s9 =	rddreg [dreg:$0x8];
	[sflag:s15] =	ssyncadd.s32 $0xFFFFC000  }
0xd8: {  	[spmem:s2] =	stream.indirect.scatter.add.f32 [tilespmem:s13], [sflag:$0x3], $0x80, s9, s12, $0xb8;
	[tilespmem:$0x1D000] =	vst v63  }
0xd9: {  	_ =	swait.ge [sflag:s10], $0x4000  }
0xda: {  	[sflag:s10] =	ssyncset.done $0x0  }
0xdb: {  	[sflag:s10] =	ssyncadd.s32 $0xFFFFC000  }
0xdc: {  	_ =	swait.ge [sflag:s16], $0x4000  }
0xdd: {  	[sflag:s16] =	ssyncset.done $0x0  }
0xde: {  	s9 =	rddreg [dreg:$0x9];
	[sflag:s16] =	ssyncadd.s32 $0xFFFFC000  }
0xdf: {  	[spmem:s2] =	stream.indirect.scatter.add.f32 [tilespmem:s14], [sflag:$0x3], $0x80, s9, s12, $0xb8;
	[tilespmem:$0x1D000] =	vst v63  }
0xe0: {  	_ =	swait.ge [sflag:s10], $0x4000  }
0xe1: {  	[sflag:s10] =	ssyncset.done $0x0  }
0xe2: {  	s7 =	rddreg [dreg:$0xa];
	[sflag:s10] =	ssyncadd.s32 $0xFFFFC000  }
0xe3: {  	[tilespmem:s13], [sflag:$0x1] =	stream.indirect.gather [hbm4b:s4+s12], $0x80, s7, s12, $0xb8;
	[tilespmem:$0x1D000] =	vst v63  }
0xe4: {  	s9 =	rddreg [dreg:$0xb]  }
0xe5: {  	[tilespmem:s14], [sflag:$0x2] =	stream.indirect.gather [hbm4b:s4+s12], $0x80, s9, s12, $0xb8;
	[tilespmem:$0x1D000] =	vst v63  }
0xe6: {  	_ =	swait.ge [sflag:s15], $0x4000  }
0xe7: {  	[sflag:s15] =	ssyncset.done $0x0  }
0xe8: {  	s9 =	rddreg [dreg:$0xc];
	[sflag:s15] =	ssyncadd.s32 $0xFFFFC000  }
0xe9: {  	[spmem:s2] =	stream.indirect.scatter.add.f32 [tilespmem:s13], [sflag:$0x3], $0x80, s9, s12, $0xb8;
	[tilespmem:$0x1D000] =	vst v63  }
0xea: {  	_ =	swait.ge [sflag:s10], $0x4000  }
0xeb: {  	[sflag:s10] =	ssyncset.done $0x0  }
0xec: {  	[sflag:s10] =	ssyncadd.s32 $0xFFFFC000  }
0xed: {  	_ =	swait.ge [sflag:s16], $0x4000  }
0xee: {  	[sflag:s16] =	ssyncset.done $0x0  }
0xef: {  	s9 =	rddreg [dreg:$0xd];
	[sflag:s16] =	ssyncadd.s32 $0xFFFFC000  }
0xf0: {  	[spmem:s2] =	stream.indirect.scatter.add.f32 [tilespmem:s14], [sflag:$0x3], $0x80, s9, s12, $0xb8;
	[tilespmem:$0x1D000] =	vst v63  }
0xf1: {  	_ =	swait.ge [sflag:s10], $0x4000  }
0xf2: {  	[sflag:s10] =	ssyncset.done $0x0  }
0xf3: {  	s7 =	rddreg [dreg:$0xe];
	[sflag:s10] =	ssyncadd.s32 $0xFFFFC000  }
0xf4: {  	[tilespmem:s13], [sflag:$0x1] =	stream.indirect.gather [hbm4b:s4+s12], $0x80, s7, s12, $0xb8;
	[tilespmem:$0x1D000] =	vst v63  }
0xf5: {  	s9 =	rddreg [dreg:$0xf]  }
0xf6: {  	[tilespmem:s14], [sflag:$0x2] =	stream.indirect.gather [hbm4b:s4+s12], $0x80, s9, s12, $0xb8;
	[tilespmem:$0x1D000] =	vst v63  }
0xf7: {  	_ =	swait.ge [sflag:s15], $0x4000  }
0xf8: {  	[sflag:s15] =	ssyncset.done $0x0  }
0xf9: {  	s9 =	rddreg [dreg:$0x10];
	[sflag:s15] =	ssyncadd.s32 $0xFFFFC000  }
0xfa: {  	[spmem:s2] =	stream.indirect.scatter.add.f32 [tilespmem:s13], [sflag:$0x3], $0x80, s9, s12, $0xb8;
	[tilespmem:$0x1D000] =	vst v63  }
0xfb: {  	_ =	swait.ge [sflag:s10], $0x4000  }
0xfc: {  	[sflag:s10] =	ssyncset.done $0x0  }
0xfd: {  	[sflag:s10] =	ssyncadd.s32 $0xFFFFC000  }
0xfe: {  	_ =	swait.ge [sflag:s16], $0x4000  }
0xff: {  	[sflag:s16] =	ssyncset.done $0x0  }
0x100: {  	[sflag:s16] =	ssyncadd.s32 $0xFFFFC000  }
0x101: {  	[spmem:s2] =	stream.indirect.scatter.add.f32 [tilespmem:s14], [sflag:$0x3], $0x80, s17, s12, $0xb8;
	[tilespmem:$0x1D000] =	vst v63  }
0x102: {  	_ =	swait.ge [sflag:s10], $0x4000  }
0x103: {  	[sflag:s10] =	ssyncset.done $0x0  }
0x104: {  	[sflag:s10] =	ssyncadd.s32 $0xFFFFC000  }
0x105: {  	[tilespmem:s13], [sflag:$0x1] =	stream.indirect.gather [hbm4b:s4+s12], $0x80, s18, s12, $0xb8;
	[tilespmem:$0x1D000] =	vst v63  }
0x106: {  	_ = 	snop  }
0x107: {  	[tilespmem:s14], [sflag:$0x2] =	stream.indirect.gather [hbm4b:s4+s12], $0x80, s19, s12, $0xb8;
	[tilespmem:$0x1D000] =	vst v63  }
0x108: {  	_ =	swait.ge [sflag:s15], $0x4000  }
0x109: {  	[sflag:s15] =	ssyncset.done $0x0  }
0x10a: {  	[sflag:s15] =	ssyncadd.s32 $0xFFFFC000  }
0x10b: {  	[spmem:s2] =	stream.indirect.scatter.add.f32 [tilespmem:s13], [sflag:$0x3], $0x80, s20, s12, $0xb8;
	[tilespmem:$0x1D000] =	vst v63  }
0x10c: {  	_ =	swait.ge [sflag:s10], $0x4000  }
0x10d: {  	[sflag:s10] =	ssyncset.done $0x0  }
0x10e: {  	[sflag:s10] =	ssyncadd.s32 $0xFFFFC000  }
0x10f: {  	_ =	swait.ge [sflag:s16], $0x4000  }
0x110: {  	[sflag:s16] =	ssyncset.done $0x0  }
0x111: {  	[sflag:s16] =	ssyncadd.s32 $0xFFFFC000  }
0x112: {  	[spmem:s2] =	stream.indirect.scatter.add.f32 [tilespmem:s14], [sflag:$0x3], $0x80, s21, s12, $0xb8;
	[tilespmem:$0x1D000] =	vst v63  }
0x113: {  	_ =	swait.ge [sflag:s10], $0x4000  }
0x114: {  	[sflag:s10] =	ssyncset.done $0x0  }
0x115: {  	[sflag:s10] =	ssyncadd.s32 $0xFFFFC000  }
0x116: {  	[tilespmem:s13], [sflag:$0x1] =	stream.indirect.gather [hbm4b:s4+s12], $0x80, s22, s12, $0xb8;
	[tilespmem:$0x1D000] =	vst v63  }
0x117: {  	_ = 	snop  }
0x118: {  	[tilespmem:s14], [sflag:$0x2] =	stream.indirect.gather [hbm4b:s4+s12], $0x80, s23, s12, $0xb8;
	[tilespmem:$0x1D000] =	vst v63  }
0x119: {  	_ =	swait.ge [sflag:s15], $0x4000  }
0x11a: {  	[sflag:s15] =	ssyncset.done $0x0  }
0x11b: {  	[sflag:s15] =	ssyncadd.s32 $0xFFFFC000  }
0x11c: {  	[spmem:s2] =	stream.indirect.scatter.add.f32 [tilespmem:s13], [sflag:$0x3], $0x80, s24, s12, $0xb8;
	[tilespmem:$0x1D000] =	vst v63  }
0x11d: {  	_ =	swait.ge [sflag:s10], $0x4000  }
0x11e: {  	[sflag:s10] =	ssyncset.done $0x0  }
0x11f: {  	[sflag:s10] =	ssyncadd.s32 $0xFFFFC000  }
0x120: {  	_ =	swait.ge [sflag:s16], $0x4000  }
0x121: {  	[sflag:s16] =	ssyncset.done $0x0  }
0x122: {  	[sflag:s16] =	ssyncadd.s32 $0xFFFFC000  }
0x123: {  	[spmem:s2] =	stream.indirect.scatter.add.f32 [tilespmem:s14], [sflag:$0x3], $0x80, s25, s12, $0xb8;
	[tilespmem:$0x1D000] =	vst v63  }
0x124: {  	_ =	swait.ge [sflag:s10], $0x4000  }
0x125: {  	[sflag:s10] =	ssyncset.done $0x0  }
0x126: {  	[sflag:s10] =	ssyncadd.s32 $0xFFFFC000  }
0x127: {  	[tilespmem:s13], [sflag:$0x1] =	stream.indirect.gather [hbm4b:s4+s12], $0x80, s26, s12, $0xb8;
	[tilespmem:$0x1D000] =	vst v63  }
0x128: {  	_ = 	snop  }
0x129: {  	[tilespmem:s14], [sflag:$0x2] =	stream.indirect.gather [hbm4b:s4+s12], $0x80, s28, s12, $0xb8;
	[tilespmem:$0x1D000] =	vst v63  }
0x12a: {  	_ =	swait.ge [sflag:s15], $0x4000  }
0x12b: {  	[sflag:s15] =	ssyncset.done $0x0  }
0x12c: {  	[sflag:s15] =	ssyncadd.s32 $0xFFFFC000  }
0x12d: {  	[spmem:s2] =	stream.indirect.scatter.add.f32 [tilespmem:s13], [sflag:$0x3], $0x80, s29, s12, $0xb8;
	[tilespmem:$0x1D000] =	vst v63  }
0x12e: {  	_ =	swait.ge [sflag:s10], $0x4000  }
0x12f: {  	[sflag:s10] =	ssyncset.done $0x0  }
0x130: {  	[sflag:s10] =	ssyncadd.s32 $0xFFFFC000  }
0x131: {  	_ =	swait.ge [sflag:s16], $0x4000  }
0x132: {  	[sflag:s16] =	ssyncset.done $0x0  }
0x133: {  	[sflag:s16] =	ssyncadd.s32 $0xFFFFC000  }
0x134: {  	[spmem:s2] =	stream.indirect.scatter.add.f32 [tilespmem:s14], [sflag:$0x3], $0x80, s30, s12, $0xb8;
	[tilespmem:$0x1D000] =	vst v63  }
0x135: {  	_ =	swait.ge [sflag:s10], $0x4000  }
0x136: {  	[sflag:s10] =	ssyncset.done $0x0  }
0x137: {  	[sflag:s10] =	ssyncadd.s32 $0xFFFFC000  }
0x138: {  	[tilespmem:s13], [sflag:$0x1] =	stream.indirect.gather [hbm4b:s4+s12], $0x80, s31, s12, $0xb8;
	[tilespmem:$0x1D000] =	vst v63  }
0x139: {  	_ = 	snop  }
0x13a: {  	[tilespmem:s14], [sflag:$0x2] =	stream.indirect.gather [hbm4b:s4+s12], $0x80, s1, s12, $0xb8;
	[tilespmem:$0x1D000] =	vst v63  }
0x13b: {  	_ =	swait.ge [sflag:s15], $0x4000  }
0x13c: {  	[sflag:s15] =	ssyncset.done $0x0  }
0x13d: {  	[sflag:s15] =	ssyncadd.s32 $0xFFFFC000  }
0x13e: {  	[spmem:s2] =	stream.indirect.scatter.add.f32 [tilespmem:s13], [sflag:$0x3], $0x80, s0, s12, $0xb8;
	[tilespmem:$0x1D000] =	vst v63  }
0x13f: {  	_ =	swait.ge [sflag:s10], $0x4000  }
0x140: {  	[sflag:s10] =	ssyncset.done $0x0  }
0x141: {  	[sflag:s10] =	ssyncadd.s32 $0xFFFFC000  }
0x142: {  	p0 =	sne.s32 s6, $0x900;
	_ =	swait.ge [sflag:s16], $0x4000  }
.Ltmp0:
0x143: {  	[sflag:s16] =	ssyncset.done $0x0;
	(pc) =	sbr.rel @p0 .LBB2_2-.Ltmp0, $4  }
0x144: {  	[sflag:s16] =	ssyncadd.s32 $0xFFFFC000  }
0x145: {  	[spmem:s2] =	stream.indirect.scatter.add.f32 [tilespmem:s14], [sflag:$0x3], $0x80, s5, s12, $0xb8;
	[tilespmem:$0x1D000] =	vst v63  }
0x146: {  	_ =	swait.ge [sflag:s10], $0x4000  }
0x147: {  	s6 =	sadd.s32 $0x100, s6;
	s9 =	rddreg [dreg:$0x4];
	[sflag:s10] =	ssyncset.done $0x0  }
0x148: {  	[sflag:s10] =	ssyncadd.s32 $0xFFFFC000;
	s6 =	sadd.s32 s8, s9  }
0x149: {  	[tilespmem:s3], [sflag:$0x3] =	stream.linear.gather [hbm4b:s6+s3], $0x800, $0x38;
	[tilespmem:$0x1D000] =	vst v63  }
0x14a: {  	_ =	swait.ge [sflag:s10], $0x800  }
0x14b: {  	s7 =	rddreg [dreg:$0x3];
	[sflag:s10] =	ssyncset.done $0x0  }
0x14c: {  	[sflag:s10] =	ssyncadd.s32 $0xFFFFF800;
	s6 =	sadd.s32 s8, s7  }
0x14d: {  	[tilespmem:s11], [sflag:$0x3] =	stream.linear.gather [hbm4b:s6+s3], $0x800, $0x38;
	[tilespmem:$0x1D000] =	vst v63  }
0x14e: {  	_ =	swait.ge [sflag:s10], $0x800  }
0x14f: {  	[sflag:s10] =	ssyncset.done $0x0  }
0x150: {  	[sflag:s10] =	ssyncadd.s32 $0xFFFFF800  }
0x151: {  	[tilespmem:s13], [sflag:$0x1] =	stream.indirect.gather [hbm4b:s4+s12], $0x80, s3, s12, $0xb8;
	[tilespmem:$0x1D000] =	vst v63  }
0x152: {  	_ = 	snop  }
0x153: {  	[tilespmem:s14], [sflag:$0x2] =	stream.indirect.gather [hbm4b:s4+s12], $0x80, s12, s12, $0xb8;
	[tilespmem:$0x1D000] =	vst v63  }
0x154: {  	_ =	swait.ge [sflag:s15], $0x4000  }
0x155: {  	[sflag:s15] =	ssyncset.done $0x0  }
0x156: {  	[sflag:s15] =	ssyncadd.s32 $0xFFFFC000  }
0x157: {  	[spmem:s2] =	stream.indirect.scatter.add.f32 [tilespmem:s13], [sflag:$0x3], $0x80, s11, s12, $0xb8;
	[tilespmem:$0x1D000] =	vst v63  }
0x158: {  	_ =	swait.ge [sflag:s10], $0x4000  }
0x159: {  	[sflag:s10] =	ssyncset.done $0x0  }
0x15a: {  	[sflag:s10] =	ssyncadd.s32 $0xFFFFC000  }
0x15b: {  	_ =	swait.ge [sflag:s16], $0x4000  }
0x15c: {  	[sflag:s16] =	ssyncset.done $0x0  }
0x15d: {  	s8 =	rddreg [dreg:$0x5];
	[sflag:s16] =	ssyncadd.s32 $0xFFFFC000  }
0x15e: {  	[spmem:s2] =	stream.indirect.scatter.add.f32 [tilespmem:s14], [sflag:$0x3], $0x80, s8, s12, $0xb8;
	[tilespmem:$0x1D000] =	vst v63  }
0x15f: {  	_ =	swait.ge [sflag:s10], $0x4000  }
0x160: {  	[sflag:s10] =	ssyncset.done $0x0  }
0x161: {  	s9 =	rddreg [dreg:$0x6];
	[sflag:s10] =	ssyncadd.s32 $0xFFFFC000  }
0x162: {  	[tilespmem:s13], [sflag:$0x1] =	stream.indirect.gather [hbm4b:s4+s12], $0x80, s9, s12, $0xb8;
	[tilespmem:$0x1D000] =	vst v63  }
0x163: {  	s7 =	rddreg [dreg:$0x7]  }
0x164: {  	[tilespmem:s14], [sflag:$0x2] =	stream.indirect.gather [hbm4b:s4+s12], $0x80, s7, s12, $0xb8;
	[tilespmem:$0x1D000] =	vst v63  }
0x165: {  	_ =	swait.ge [sflag:s15], $0x4000  }
0x166: {  	[sflag:s15] =	ssyncset.done $0x0  }
0x167: {  	s8 =	rddreg [dreg:$0x8];
	[sflag:s15] =	ssyncadd.s32 $0xFFFFC000  }
0x168: {  	[spmem:s2] =	stream.indirect.scatter.add.f32 [tilespmem:s13], [sflag:$0x3], $0x80, s8, s12, $0xb8;
	[tilespmem:$0x1D000] =	vst v63  }
0x169: {  	_ =	swait.ge [sflag:s10], $0x4000  }
0x16a: {  	[sflag:s10] =	ssyncset.done $0x0  }
0x16b: {  	[sflag:s10] =	ssyncadd.s32 $0xFFFFC000  }
0x16c: {  	_ =	swait.ge [sflag:s16], $0x4000  }
0x16d: {  	[sflag:s16] =	ssyncset.done $0x0  }
0x16e: {  	s9 =	rddreg [dreg:$0x9];
	[sflag:s16] =	ssyncadd.s32 $0xFFFFC000  }
0x16f: {  	[spmem:s2] =	stream.indirect.scatter.add.f32 [tilespmem:s14], [sflag:$0x3], $0x80, s9, s12, $0xb8;
	[tilespmem:$0x1D000] =	vst v63  }
0x170: {  	_ =	swait.ge [sflag:s10], $0x4000  }
0x171: {  	[sflag:s10] =	ssyncset.done $0x0  }
0x172: {  	s7 =	rddreg [dreg:$0xa];
	[sflag:s10] =	ssyncadd.s32 $0xFFFFC000  }
0x173: {  	[tilespmem:s13], [sflag:$0x1] =	stream.indirect.gather [hbm4b:s4+s12], $0x80, s7, s12, $0xb8;
	[tilespmem:$0x1D000] =	vst v63  }
0x174: {  	s8 =	rddreg [dreg:$0xb]  }
0x175: {  	[tilespmem:s14], [sflag:$0x2] =	stream.indirect.gather [hbm4b:s4+s12], $0x80, s8, s12, $0xb8;
	[tilespmem:$0x1D000] =	vst v63  }
0x176: {  	_ =	swait.ge [sflag:s15], $0x4000  }
0x177: {  	[sflag:s15] =	ssyncset.done $0x0  }
0x178: {  	s9 =	rddreg [dreg:$0xc];
	[sflag:s15] =	ssyncadd.s32 $0xFFFFC000  }
0x179: {  	[spmem:s2] =	stream.indirect.scatter.add.f32 [tilespmem:s13], [sflag:$0x3], $0x80, s9, s12, $0xb8;
	[tilespmem:$0x1D000] =	vst v63  }
0x17a: {  	_ =	swait.ge [sflag:s10], $0x4000  }
0x17b: {  	[sflag:s10] =	ssyncset.done $0x0  }
0x17c: {  	[sflag:s10] =	ssyncadd.s32 $0xFFFFC000  }
0x17d: {  	_ =	swait.ge [sflag:s16], $0x4000  }
0x17e: {  	[sflag:s16] =	ssyncset.done $0x0  }
0x17f: {  	s7 =	rddreg [dreg:$0xd];
	[sflag:s16] =	ssyncadd.s32 $0xFFFFC000  }
0x180: {  	[spmem:s2] =	stream.indirect.scatter.add.f32 [tilespmem:s14], [sflag:$0x3], $0x80, s7, s12, $0xb8;
	[tilespmem:$0x1D000] =	vst v63  }
0x181: {  	_ =	swait.ge [sflag:s10], $0x4000  }
0x182: {  	[sflag:s10] =	ssyncset.done $0x0  }
0x183: {  	s8 =	rddreg [dreg:$0xe];
	[sflag:s10] =	ssyncadd.s32 $0xFFFFC000  }
0x184: {  	[tilespmem:s13], [sflag:$0x1] =	stream.indirect.gather [hbm4b:s4+s12], $0x80, s8, s12, $0xb8;
	[tilespmem:$0x1D000] =	vst v63  }
0x185: {  	s9 =	rddreg [dreg:$0xf]  }
0x186: {  	[tilespmem:s14], [sflag:$0x2] =	stream.indirect.gather [hbm4b:s4+s12], $0x80, s9, s12, $0xb8;
	[tilespmem:$0x1D000] =	vst v63  }
0x187: {  	_ =	swait.ge [sflag:s15], $0x4000  }
0x188: {  	[sflag:s15] =	ssyncset.done $0x0  }
0x189: {  	s8 =	rddreg [dreg:$0x10];
	[sflag:s15] =	ssyncadd.s32 $0xFFFFC000  }
0x18a: {  	[spmem:s2] =	stream.indirect.scatter.add.f32 [tilespmem:s13], [sflag:$0x3], $0x80, s8, s12, $0xb8;
	[tilespmem:$0x1D000] =	vst v63  }
0x18b: {  	_ =	swait.ge [sflag:s10], $0x4000  }
0x18c: {  	[sflag:s10] =	ssyncset.done $0x0  }
0x18d: {  	[sflag:s10] =	ssyncadd.s32 $0xFFFFC000  }
0x18e: {  	_ =	swait.ge [sflag:s16], $0x4000  }
0x18f: {  	[sflag:s16] =	ssyncset.done $0x0  }
0x190: {  	[sflag:s16] =	ssyncadd.s32 $0xFFFFC000  }
0x191: {  	[spmem:s2] =	stream.indirect.scatter.add.f32 [tilespmem:s14], [sflag:$0x3], $0x80, s17, s12, $0xb8;
	[tilespmem:$0x1D000] =	vst v63  }
0x192: {  	_ =	swait.ge [sflag:s10], $0x4000  }
0x193: {  	[sflag:s10] =	ssyncset.done $0x0  }
0x194: {  	[sflag:s10] =	ssyncadd.s32 $0xFFFFC000  }
0x195: {  	[tilespmem:s13], [sflag:$0x1] =	stream.indirect.gather [hbm4b:s4+s12], $0x80, s18, s12, $0xb8;
	[tilespmem:$0x1D000] =	vst v63  }
0x196: {  	_ = 	snop  }
0x197: {  	[tilespmem:s14], [sflag:$0x2] =	stream.indirect.gather [hbm4b:s4+s12], $0x80, s19, s12, $0xb8;
	[tilespmem:$0x1D000] =	vst v63  }
0x198: {  	_ =	swait.ge [sflag:s15], $0x4000  }
0x199: {  	[sflag:s15] =	ssyncset.done $0x0  }
0x19a: {  	[sflag:s15] =	ssyncadd.s32 $0xFFFFC000  }
0x19b: {  	[spmem:s2] =	stream.indirect.scatter.add.f32 [tilespmem:s13], [sflag:$0x3], $0x80, s20, s12, $0xb8;
	[tilespmem:$0x1D000] =	vst v63  }
0x19c: {  	_ =	swait.ge [sflag:s10], $0x4000  }
0x19d: {  	[sflag:s10] =	ssyncset.done $0x0  }
0x19e: {  	[sflag:s10] =	ssyncadd.s32 $0xFFFFC000  }
0x19f: {  	_ =	swait.ge [sflag:s16], $0x4000  }
0x1a0: {  	[sflag:s16] =	ssyncset.done $0x0  }
0x1a1: {  	[sflag:s16] =	ssyncadd.s32 $0xFFFFC000  }
0x1a2: {  	[spmem:s2] =	stream.indirect.scatter.add.f32 [tilespmem:s14], [sflag:$0x3], $0x80, s21, s12, $0xb8;
	[tilespmem:$0x1D000] =	vst v63  }
0x1a3: {  	_ =	swait.ge [sflag:s10], $0x4000  }
0x1a4: {  	[sflag:s10] =	ssyncset.done $0x0  }
0x1a5: {  	[sflag:s10] =	ssyncadd.s32 $0xFFFFC000  }
0x1a6: {  	[tilespmem:s13], [sflag:$0x1] =	stream.indirect.gather [hbm4b:s4+s12], $0x80, s22, s12, $0xb8;
	[tilespmem:$0x1D000] =	vst v63  }
0x1a7: {  	_ = 	snop  }
0x1a8: {  	[tilespmem:s14], [sflag:$0x2] =	stream.indirect.gather [hbm4b:s4+s12], $0x80, s23, s12, $0xb8;
	[tilespmem:$0x1D000] =	vst v63  }
0x1a9: {  	_ =	swait.ge [sflag:s15], $0x4000  }
0x1aa: {  	[sflag:s15] =	ssyncset.done $0x0  }
0x1ab: {  	[sflag:s15] =	ssyncadd.s32 $0xFFFFC000  }
0x1ac: {  	[spmem:s2] =	stream.indirect.scatter.add.f32 [tilespmem:s13], [sflag:$0x3], $0x80, s24, s12, $0xb8;
	[tilespmem:$0x1D000] =	vst v63  }
0x1ad: {  	_ =	swait.ge [sflag:s10], $0x4000  }
0x1ae: {  	[sflag:s10] =	ssyncset.done $0x0  }
0x1af: {  	[sflag:s10] =	ssyncadd.s32 $0xFFFFC000  }
0x1b0: {  	_ =	swait.ge [sflag:s16], $0x4000  }
0x1b1: {  	[sflag:s16] =	ssyncset.done $0x0  }
0x1b2: {  	[sflag:s16] =	ssyncadd.s32 $0xFFFFC000  }
0x1b3: {  	[spmem:s2] =	stream.indirect.scatter.add.f32 [tilespmem:s14], [sflag:$0x3], $0x80, s25, s12, $0xb8;
	[tilespmem:$0x1D000] =	vst v63  }
0x1b4: {  	_ =	swait.ge [sflag:s10], $0x4000  }
0x1b5: {  	[sflag:s10] =	ssyncset.done $0x0  }
0x1b6: {  	[sflag:s10] =	ssyncadd.s32 $0xFFFFC000  }
0x1b7: {  	[tilespmem:s13], [sflag:$0x1] =	stream.indirect.gather [hbm4b:s4+s12], $0x80, s26, s12, $0xb8;
	[tilespmem:$0x1D000] =	vst v63  }
0x1b8: {  	_ = 	snop  }
0x1b9: {  	[tilespmem:s14], [sflag:$0x2] =	stream.indirect.gather [hbm4b:s4+s12], $0x80, s28, s12, $0xb8;
	[tilespmem:$0x1D000] =	vst v63  }
0x1ba: {  	_ =	swait.ge [sflag:s15], $0x4000  }
0x1bb: {  	[sflag:s15] =	ssyncset.done $0x0  }
0x1bc: {  	[sflag:s15] =	ssyncadd.s32 $0xFFFFC000  }
0x1bd: {  	[spmem:s2] =	stream.indirect.scatter.add.f32 [tilespmem:s13], [sflag:$0x3], $0x80, s29, s12, $0xb8;
	[tilespmem:$0x1D000] =	vst v63  }
0x1be: {  	_ =	swait.ge [sflag:s10], $0x4000  }
0x1bf: {  	[sflag:s10] =	ssyncset.done $0x0  }
0x1c0: {  	[sflag:s10] =	ssyncadd.s32 $0xFFFFC000  }
0x1c1: {  	_ =	swait.ge [sflag:s16], $0x4000  }
0x1c2: {  	[sflag:s16] =	ssyncset.done $0x0  }
0x1c3: {  	[sflag:s16] =	ssyncadd.s32 $0xFFFFC000  }
0x1c4: {  	[spmem:s2] =	stream.indirect.scatter.add.f32 [tilespmem:s14], [sflag:$0x3], $0x80, s30, s12, $0xb8;
	[tilespmem:$0x1D000] =	vst v63  }
0x1c5: {  	_ =	swait.ge [sflag:s10], $0x4000  }
0x1c6: {  	[sflag:s10] =	ssyncset.done $0x0  }
0x1c7: {  	[sflag:s10] =	ssyncadd.s32 $0xFFFFC000  }
0x1c8: {  	[tilespmem:s13], [sflag:$0x1] =	stream.indirect.gather [hbm4b:s4+s12], $0x80, s31, s12, $0xb8;
	[tilespmem:$0x1D000] =	vst v63  }
0x1c9: {  	_ = 	snop  }
0x1ca: {  	[tilespmem:s14], [sflag:$0x2] =	stream.indirect.gather [hbm4b:s4+s12], $0x80, s1, s12, $0xb8;
	[tilespmem:$0x1D000] =	vst v63  }
0x1cb: {  	_ =	swait.ge [sflag:s15], $0x4000  }
0x1cc: {  	[sflag:s15] =	ssyncset.done $0x0  }
0x1cd: {  	[sflag:s15] =	ssyncadd.s32 $0xFFFFC000  }
0x1ce: {  	[spmem:s2] =	stream.indirect.scatter.add.f32 [tilespmem:s13], [sflag:$0x3], $0x80, s0, s12, $0xb8;
	[tilespmem:$0x1D000] =	vst v63  }
0x1cf: {  	_ =	swait.ge [sflag:s10], $0x4000  }
0x1d0: {  	[sflag:s10] =	ssyncset.done $0x0  }
0x1d1: {  	[sflag:s10] =	ssyncadd.s32 $0xFFFFC000  }
0x1d2: {  	_ =	swait.ge [sflag:s16], $0x4000  }
0x1d3: {  	[sflag:s16] =	ssyncset.done $0x0  }
0x1d4: {  	[sflag:s16] =	ssyncadd.s32 $0xFFFFC000  }
0x1d5: {  	[spmem:s2] =	stream.indirect.scatter.add.f32 [tilespmem:s14], [sflag:$0x3], $0x80, s5, s12, $0xb8;
	[tilespmem:$0x1D000] =	vst v63  }
0x1d6: {  	_ =	swait.ge [sflag:s10], $0x4000  }
0x1d7: {  	[sflag:s10] =	ssyncset.done $0x0  }
0x1d8: {  	[sflag:s10] =	ssyncadd.s32 $0xFFFFC000  }
0x1d9: {  	[bflag:$0x0] =	sbarrier.arrive $0xFFFF  }
0x1da: {  	s8 =	rddreg [dreg:$0x12]  }
0x1db: {  	s9 =	rddreg [dreg:$0x13]  }
0x1dc: {  	s7 =	rddreg [dreg:$0x15]  }
0x1dd: {  	[hbm:s9], [sflag:s8] =	dma.local [spmem:s7], $0x2800  }
0x1de: {  	_ =	swait.ge [sflag:s10], $0x2800  }
0x1df: {  	s6 =	rddreg [dreg:$0x16]  }
0x1e0: {  	s9 =	sadd.s32 $0x1, s6;
	s6 =	rddreg [dreg:$0x14]  }
0x1e1: {  	p0 =	sne.s32 s9, s6  }
.Ltmp1:
0x1e2: {  	_ = 	snop;
	(pc) =	sbr.rel @p0 .LBB2_1-.Ltmp1, $3  }
0x1e3: {  	_ =	sdelay $0x1  }
0x1e4: {  	[sflag:s10] =	ssyncset.done $0x0  }
0x1e5: {  	[sflag:s10] =	ssyncadd.s32 $0xFFFFD800  }
0x1e6: {  	_ =	sfence.sel $0x180000  }
0x1e7: {  	[bflag:$0x0] =	sbarrier.arrive $0xFFFF  }
0x1e8: {  	_ =	strace $0x9000004A  }
0x1e9: {  	s0 =	stileid.u32;
	[bflag:$0x2] =	sbarrier.arrive $0xFFFF  }
0x1ea: {  	p0 =	sne.s32 s0, $0x0;
	s0 =	rddreg [dreg:$0x2]  }
0x1eb: {  	s0 =	sadd.s32 @!p0 $0x100000, s0  }
0x1ec: {  	[sflag:s0] =	ssyncadd.tile.s32 @!p0 $0x1;
	_ =	shalt  }
.Lfunc_end2:
_tile_overlayer_lowered:
.L_overlay_start_2:
0x1ed: {  	(tag) =	ssettag $0x2  }
0x1ee: {  	s0 =	rddreg [dreg:$0x0];
	s2 =	stileid.u32  }
0x1ef: {  	s1 =	rddreg [dreg:$0x1];
	p0 =	sne.s32 s2, $0x0  }
0x1f0: {  	s3 =	rddreg [dreg:$0x2];
	[bflag:$0x3] =	sbarrier.arrive $0xFFFF;
	s2 =	simm.s32 @!p0 $0x1C03  }
0x1f1: {  	[timem:s3], [sflag:s2] =	dma.local @!p0 [hbm:s0], s1  }
0x1f2: {  	s0 =	simm.s32 @!p0 $0x3  }
0x1f3: {  	_ =	swait.ge @!p0 [sflag:s0], s1  }
0x1f4: {  	s1 =	ssub.s32 @!p0 $0x0, s1;
	[sflag:s0] =	ssyncset.done @!p0 $0x0  }
0x1f5: {  	[sflag:s0] =	ssyncadd.s32 @!p0 s1  }
0x1f6: {  	[bflag:$0x3] =	sbarrier.arrive $0xFFFF  }
0x1f7: {  	_ =	shalt  }

// kernel: kernel.16.cloned.1.call-start
scs
__scs_entry_jumppad:
0x0: {  	(pc) =	sbr.rel $0x88, $3  }
0x1: {  	(tag) =	ssettag $0x0;
	lr =	simm.s32 $0x1  }
0x2: {  	[smem:$0x3F7F] =	sst lr;
	_ =	strace $0xD0000000  }
0x3: {  	_ = 	snop  }
0x4: {  	_ = 	snop  }
0x5: {  	_ = 	snop  }
0x6: {  	_ = 	snop  }
0x7: {  	_ = 	snop  }
__scs_overlays_trampoline_lowered:
0x8: {  	[smem:$0x3F8E] =	sst s0  }
0x9: {  	[smem:$0x3F8F] =	sst s1  }
0xa: {  	[smem:$0x3F90] =	sst s2  }
0xb: {  	[smem:$0x3F91] =	sst s3  }
0xc: {  	[smem:$0x3F92] =	sst s4  }
0xd: {  	[smem:$0x3F93] =	sst s5  }
0xe: {  	[smem:$0x3F94] =	sst s6  }
0xf: {  	[smem:$0x3F95] =	sst s7  }
0x10: {  	[smem:$0x3F96] =	sst s8  }
0x11: {  	[smem:$0x3F97] =	sst s9;
	s0 =	simm.s32 @!p0 $0x0  }
0x12: {  	s1 =	sld [smem:$0x3F7D];
	s0 =	simm.s32 @p0 $0x1  }
0x13: {  	[smem:$0x3F98] =	sst s0;
	s0 =	simm.s32 @!p1 $0x0  }
0x14: {  	s2 =	sld [smem:$0x3F7C];
	s0 =	simm.s32 @p1 $0x1  }
0x15: {  	[smem:$0x3F99] =	sst s0;
	s0 =	simm.s32 @!p2 $0x0  }
0x16: {  	s3 =	sld [smem:$0x3FDB];
	s0 =	simm.s32 @p2 $0x1  }
0x17: {  	s4 =	simm.s32 $0x1BF5;
	[smem:$0x3F9B] =	sst s0  }
0x18: {  	s0 =	sld [smem:$0x3F7E];
	_ =	swait.ge [sflag:s4], $0x0  }
0x19: {  	s7 =	sld [smem:$0x3F7F]  }
0x1a: {  	s8 =	sadd.s32 $0xFFFFE003, lr  }
0x1b: {  	s9 =	sadd.s32 $0xFFFFFEF7, lr;
	s5 =	simm.s32 $0xFFFFFFFF;
	p2 =	slt.u32 s8, $0xFFFFF086  }
0x1c: {  	p1 =	slt.u32 s9, $0xF7A;
	s5 =	simm.s32 @!p2 $0x0  }
0x1d: {  	s5 =	simm.s32 @p1 $0x1;
	p0 =	seq.s32 s7, s2  }
0x1e: {  	s7 =	smul.u32 @!p0 $0xF7A, s2;
	p2 =	seq.s32 @!p0 s5, $0x0  }
0x1f: {  	s9 =	smul.u32 $0xF7A, s1;
	s8 =	simm.s32 @!p0 $0x1BF5;
	p2 =	por !p2, p0  }
0x20: {  	[sflag:s8] =	ssyncset.s32 @!p0 $0xFFFFF086;
	s6 =	sadd.s32 @!p0 s3, s7;
	s7 =	simm.s32 @!p0 $0x108  }
0x21: {  	s3 =	sadd.s32 s3, s9;
	s6 =	sadd.s32 @!p0 $0x88, s6;
	s7 =	simm.s32 @p2 $0x1082  }
0x22: {  	[simem:s7], [sflag:s8] =	dma.local @!p0 [hbm:s6], $0xF7A  }
0x23: {  	s9 =	sor.u32 $0xD0000000, s2;
	s6 =	simm.s32 $0x108;
	_ =	swait.ge @!p0 [sflag:s8], $0x0  }
0x24: {  	s3 =	sadd.s32 $0x88, s3;
	s6 =	simm.s32 @!p1 $0x1082;
	[sflag:s4] =	ssyncset.s32 $0xFFFFF086  }
0x25: {  	[simem:s6], [sflag:s4] =	dma.local [hbm:s3], $0xF7A  }
0x26: {  	[smem:$0x3F7F] =	sst s1;
	(tag) =	ssettag s2;
	_ =	strace s9  }
0x27: {  	s1 =	sld [smem:$0x3F8F]  }
0x28: {  	s2 =	sld [smem:$0x3F90]  }
0x29: {  	s4 =	sld [smem:$0x3F92]  }
0x2a: {  	p0 =	seq.s32 s5, $0x0;
	s5 =	sld [smem:$0x3F93]  }
0x2b: {  	s6 =	sld [smem:$0x3F94]  }
0x2c: {  	s7 =	sld [smem:$0x3F95]  }
0x2d: {  	s3 =	simm.s32 $0x108;
	s8 =	sld [smem:$0x3F96]  }
0x2e: {  	s3 =	simm.s32 @!p0 $0x1082;
	s9 =	sld [smem:$0x3F97]  }
0x2f: {  	lr =	sadd.s32 s0, s3;
	s0 =	sld [smem:$0x3F8E]  }
0x30: {  	s3 =	sld [smem:$0x3F91]  }
0x31: {  	[smem:$0x3F9A] =	sst s10  }
0x32: {  	s10 =	sld [smem:$0x3F98];
	_ =	sdelay $0x3  }
0x33: {  	p0 =	seq.s32 s10, $0x1;
	s10 =	sld [smem:$0x3F9A];
	_ =	sdelay $0x3  }
0x34: {  	[smem:$0x3F9A] =	sst s10  }
0x35: {  	s10 =	sld [smem:$0x3F99];
	_ =	sdelay $0x3  }
0x36: {  	p1 =	seq.s32 s10, $0x1;
	s10 =	sld [smem:$0x3F9A];
	_ =	sdelay $0x3  }
0x37: {  	[smem:$0x3F9A] =	sst s10  }
0x38: {  	s10 =	sld [smem:$0x3F9B]  }
0x39: {  	_ = 	snop;
	(pc) =	sbr.ind lr, $3  }
0x3a: {  	_ = 	snop  }
0x3b: {  	_ = 	snop  }
0x3c: {  	p2 =	seq.s32 s10, $0x1;
	s10 =	sld [smem:$0x3F9A]  }
0x3d: {  	_ =	shalt  }
0x3e: {  	_ =	shalt  }
0x3f: {  	_ =	shalt  }
0x40: {  	_ =	shalt  }
0x41: {  	_ =	shalt  }
0x42: {  	_ =	shalt  }
0x43: {  	_ =	shalt  }
0x44: {  	_ =	shalt  }
0x45: {  	_ =	shalt  }
0x46: {  	_ =	shalt  }
0x47: {  	_ =	shalt  }
0x48: {  	_ =	shalt  }
0x49: {  	_ =	shalt  }
0x4a: {  	_ =	shalt  }
0x4b: {  	_ =	shalt  }
0x4c: {  	_ =	shalt  }
0x4d: {  	_ =	shalt  }
0x4e: {  	_ =	shalt  }
0x4f: {  	_ =	shalt  }
0x50: {  	_ =	shalt  }
0x51: {  	_ =	shalt  }
0x52: {  	_ =	shalt  }
0x53: {  	_ =	shalt  }
0x54: {  	_ =	shalt  }
0x55: {  	_ =	shalt  }
0x56: {  	_ =	shalt  }
0x57: {  	_ =	shalt  }
0x58: {  	_ =	shalt  }
0x59: {  	_ =	shalt  }
0x5a: {  	_ =	shalt  }
0x5b: {  	_ =	shalt  }
0x5c: {  	_ =	shalt  }
0x5d: {  	_ =	shalt  }
0x5e: {  	_ =	shalt  }
0x5f: {  	_ =	shalt  }
0x60: {  	_ =	shalt  }
0x61: {  	_ =	shalt  }
0x62: {  	_ =	shalt  }
0x63: {  	_ =	shalt  }
0x64: {  	_ =	shalt  }
0x65: {  	_ =	shalt  }
0x66: {  	_ =	shalt  }
0x67: {  	_ =	shalt  }
0x68: {  	_ =	shalt  }
0x69: {  	_ =	shalt  }
0x6a: {  	_ =	shalt  }
0x6b: {  	_ =	shalt  }
0x6c: {  	_ =	shalt  }
0x6d: {  	_ =	shalt  }
0x6e: {  	_ =	shalt  }
0x6f: {  	_ =	shalt  }
0x70: {  	_ =	shalt  }
0x71: {  	_ =	shalt  }
0x72: {  	_ =	shalt  }
0x73: {  	_ =	shalt  }
0x74: {  	_ =	shalt  }
0x75: {  	_ =	shalt  }
0x76: {  	_ =	shalt  }
0x77: {  	_ =	shalt  }
0x78: {  	_ =	shalt  }
0x79: {  	_ =	shalt  }
0x7a: {  	_ =	shalt  }
0x7b: {  	_ =	shalt  }
0x7c: {  	_ =	shalt  }
0x7d: {  	_ =	shalt  }
0x7e: {  	_ =	shalt  }
0x7f: {  	_ =	shalt  }
0x80: {  	_ =	shalt  }
0x81: {  	_ =	shalt  }
0x82: {  	_ =	shalt  }
0x83: {  	_ =	shalt  }
0x84: {  	_ =	shalt  }
0x85: {  	_ =	shalt  }
0x86: {  	_ =	shalt  }
0x87: {  	_ =	shalt  }
.Lfunc_end0:
.L_simem_size_0:
called_computation.2_lowered:
.L_overlay_start_0:
0x88: {  	s2 =	sld [smem:$0x3FD9]  }
0x89: {  	s3 =	sld [smem:$0x3FFE];
	_ =	sdelay $0x1  }
0x8a: {  	s1 =	srdreg.scid  }
0x8b: {  	s0 =	sand.u32 $0x1, s1  }
0x8c: {  	s16 =	sshll.u32 s0, $0xA;
	s2 =	sadd.s32 s3, s2  }
0x8d: {  	s2 =	sadd.s32 s2, s16  }
0x8e: {  	[smem:$0x3FA6] =	sst s2  }
0x8f: {  	_ = 	snop  }
0x90: {  	(tm) =	ssettm $0x1  }
0x91: {  	s17 =	sld [smem:$0x3FFB];
	_ =	sdelay $0x3  }
0x92: {  	_ =	strace s17  }
0x93: {  	s2 =	sld [smem:$0x3FFC];
	_ =	sdelay $0x3  }
0x94: {  	_ =	strace s2  }
0x95: {  	s2 =	sld [smem:$0x3FFD];
	_ =	sdelay $0x3  }
0x96: {  	_ =	strace s2  }
0x97: {  	_ =	strace $0x8FFFFFFF  }
0x98: {  	s18 =	sld [smem:$0x3FDB];
	_ =	sdelay $0x1  }
0x99: {  	s19 =	simm.s32 $_scs_section_size  }
0x9a: {  	s4 =	simm.s32 $_size__tile_overlayer_lowered;
	s5 =	simm.s32 $_tile_overlayer_lowered  }
0x9b: {  	s22 =	simm.s32 $0x1BFF;
	s21 =	sshll.u32 s5, $0x1;
	s2 =	sadd.s32 s19, s18  }
0x9c: {  	s6 =	simm.s32 $0x0;
	s20 =	sshll.u32 s4, $0x1;
	s4 =	sadd.s32 s21, s2  }
0x9d: {  	[timem:s6], [sflag:s22] =	dma.local [hbm:s4], s20  }
0x9e: {  	_ =	swait.ge [sflag:s22], s20  }
0x9f: {  	s3 =	ssub.s32 $0x0, s20;
	[sflag:s22] =	ssyncset.done $0x0  }
0xa0: {  	[sflag:s22] =	ssyncadd.s32 s3;
	_ =	sdelay $0x1  }
0xa1: {  	s23 =	simm.s32 $0x1B8B  }
0xa2: {  	_ =	swait.ge [sflag:s23], $0x1  }
0xa3: {  	[sflag:s23] =	ssyncset.done $0x0  }
0xa4: {  	s25 =	simm.s32 $0x1B8E;
	s24 =	sld [smem:$0x3FFE];
	[sflag:s23] =	ssyncadd.s32 $0xFFFFFFFF  }
0xa5: {  	s26 =	simm.s32 $execute0_lowered;
	[smem:$0x3FD2] =	sst s25  }
0xa6: {  	s4 =	sshll.u32 s26, $0x1;
	_ =	strace $0x8000004C;
	[dreg:$0x1] =	wrdreg $0xFFFFFFFF  }
0xa7: {  	s28 =	simm.s32 $_size_execute0_lowered;
	s2 =	sadd.s32 s2, s4;
	[dreg:$0x0] =	wrdreg $0x0  }
0xa8: {  	s4 =	sshll.u32 s28, $0x1;
	[dreg:$0x2] =	wrdreg s2  }
0xa9: {  	[dreg:$0x3] =	wrdreg s4  }
0xaa: {  	[dreg:$0x4] =	wrdreg $0xC0  }
0xab: {  	_ =	task [dreg:s6], $0x5FFFF  }
0xac: {  	[dreg:$0x1] =	wrdreg $0xFFFFFFFF  }
0xad: {  	[dreg:$0x0] =	wrdreg $0x60  }
0xae: {  	[dreg:$0x2] =	wrdreg s24  }
0xaf: {  	[dreg:$0x3] =	wrdreg $0x90000  }
0xb0: {  	[dreg:$0x4] =	wrdreg $0x9  }
0xb1: {  	_ =	task.clear_ibuf [dreg:s6], $0x5FFFF;
	_ =	strace $0x9000004C  }
0xb2: {  	s29 =	simm.s32 $0x9;
	_ =	strace $0x8000004E  }
0xb3: {  	_ =	swait.ge [sflag:s29], $0x1  }
0xb4: {  	[sflag:s29] =	ssyncadd.s32 $0xFFFFFFFF  }
0xb5: {  	_ =	strace $0x9000004E  }
0xb6: {  	_ =	sfence  }
0xb7: {  	s30 =	sld [smem:$0x0];
	_ =	sdelay $0x2  }
0xb8: {  	s31 =	sshll.u32 s1, $0xD;
	s1 =	sshrl.u32 s1, $0x2  }
0xb9: {  	s3 =	sand.u32 $0x4000, s31;
	s1 =	sadd.s32 s1, s30  }
0xba: {  	s0 =	sor.u32 s3, s0;
	s1 =	sshll.u32 s1, $0x11  }
0xbb: {  	s0 =	sor.u32 s1, s0  }
0xbc: {  	s0 =	sadd.s32 $0x8F2B, s0  }
0xbd: {  	[sflag:s0] =	ssyncadd.remote.s32 $0x1  }
0xbe: {  	_ =	sfence.sel $0xFFFF  }
0xbf: {  	[dreg:$0x0] =	wrdreg $0xFFFFFFFF;
	(pc) =	sbr.abs _section_cstart, $3  }
0xc0: {  	[dreg:$0x1] =	wrdreg $0xFFFFFFFF  }
0xc1: {  	_ =	task.clear_ibuf [dreg:s6], $0x2FFFF;
	_ =	strace $0x9FFFFFFF  }
0xc2: {  	(tm) =	ssettm $0x7FFFFFFF  }
0xc3: {  	_ =	shalt  }
tec
execute0_lowered:
.L_overlay_start_1:
0x0: {  	(tag) =	ssettag $0x1  }
0x1: {  	s0 =	srdreg.scid;
	s1 =	rddreg [dreg:$0x0]  }
0x2: {  	s10 =	stileid.u32;
	s2 =	rddreg [dreg:$0x1];
	s3 =	simm.s32 $0x0  }
0x3: {  	s13 =	simm.s32 $0x880;
	s14 =	simm.s32 $0x100;
	s16 =	simm.s32 $0x180  }
0x4: {  	s17 =	simm.s32 $0x900;
	s18 =	simm.s32 $0x980;
	s20 =	simm.s32 $0x200  }
0x5: {  	s21 =	simm.s32 $0x280;
	s22 =	simm.s32 $0xA00;
	[smem:$0x7FF] =	sst s3  }
0x6: {  	s23 =	simm.s32 $0xA80;
	_ =	strace $0x8000004D;
	[dreg:$0x5] =	wrdreg s13  }
0x7: {  	s24 =	simm.s32 $0x300;
	s28 =	simm.s32 $0x680;
	[dreg:$0x6] =	wrdreg s14  }
0x8: {  	s29 =	simm.s32 $0xE00;
	s5 =	smul.u32 $0x5000, s10;
	[dreg:$0x7] =	wrdreg s16  }
0x9: {  	s30 =	simm.s32 $0xE80;
	s7 =	smul.u32 $0x14000, s10;
	[dreg:$0x8] =	wrdreg s17  }
0xa: {  	s31 =	simm.s32 $0x700;
	s9 =	smul.u32 $0x50000, s10;
	[dreg:$0x9] =	wrdreg s18  }
0xb: {  	s0 =	sand.u32 $0x1, s0;
	s11 =	smul.u32 $0x2800, s10;
	[dreg:$0xa] =	wrdreg s20  }
0xc: {  	s15 =	sshll.u32 s10, $0x6;
	s4 =	smul.u32 $0x50000, s0;
	[dreg:$0xb] =	wrdreg s21  }
0xd: {  	s10 =	simm.s32 $0x3;
	s6 =	smul.u32 $0x140000, s0;
	[dreg:$0xc] =	wrdreg s22  }
0xe: {  	s25 =	ssub.s32 $0x2, s0;
	s0 =	smul.u32 $0x28000, s0;
	[dreg:$0xd] =	wrdreg s23  }
0xf: {  	s13 =	simm.s32 $0x1000;
	[dreg:$0xe] =	wrdreg s24;
	s14 =	simm.s32 $0x5000  }
0x10: {  	s16 =	simm.s32 $0x2;
	s17 =	simm.s32 $0xB80;
	s18 =	simm.s32 $0x400  }
0x11: {  	s20 =	simm.s32 $0xC00;
	s21 =	simm.s32 $0xC80;
	s22 =	simm.s32 $0x500  }
0x12: {  	s23 =	simm.s32 $0x580;
	s24 =	simm.s32 $0xD00;
	s8 =	sshrl.u32 s25, $0x1  }
0x13: {  	s9 =	sshrl.u32 s9, $0x2;
	s5 =	sadd.s32 s5, s4;
	s4 =	sadd.s32 $0x6A00, s1  }
0x14: {  	s6 =	sadd.s32 s7, s6;
	s26 =	ssub.s32 s25, s8;
	s7 =	sadd.s32 s9, s2  }
0x15: {  	s0 =	sadd.s32 s11, s0;
	s8 =	sor.u32 $0x1C03, s15;
	s25 =	simm.s32 $0x380  }
0x16: {  	s11 =	simm.s32 $0x800;
	s15 =	simm.s32 $0x1;
	[dreg:$0xf] =	wrdreg s25  }
0x17: {  	s9 =	simm.s32 $0x0;
	s0 =	sadd.s32 s4, s0;
	[dreg:$0x12] =	wrdreg s8  }
0x18: {  	s5 =	sshrl.u32 s5, $0x3;
	s19 =	smax.u32 s26, $0x1;
	[dreg:$0x11] =	wrdreg s0  }
0x19: {  	s6 =	sshrl.u32 s6, $0x3;
	s26 =	simm.s32 $0xB00;
	[dreg:$0x14] =	wrdreg s19  }
0x1a: {  	s7 =	sshrl.u32 s7, $0x3;
	s5 =	sadd.s32 s5, s1;
	[dreg:$0x10] =	wrdreg s26  }
0x1b: {  	s25 =	simm.s32 $0xD80;
	[dreg:$0x15] =	wrdreg s7;
	s12 =	sadd.s32 $0x56A00, s5  }
0x1c: {  	s1 =	sadd.s32 s6, s1;
	s5 =	sadd.s32 $0x6AA00, s5;
	[dreg:$0x3] =	wrdreg s12  }
0x1d: {  	s19 =	simm.s32 $0x480;
	s1 =	sadd.s32 $0xCEA00, s1;
	[dreg:$0x4] =	wrdreg s5  }
0x1e: {  	s26 =	simm.s32 $0x600;
	s0 =	simm.s32 $0xF00;
	[dreg:$0x13] =	wrdreg s1  }
0x1f: {  	s12 =	simm.s32 $0x80;
	s1 =	simm.s32 $0x780;
	s5 =	simm.s32 $0xF80  }
.LBB2_1:
0x20: {  	[dreg:$0x16] =	wrdreg s9  }
0x21: {  	s6 =	rddreg [dreg:$0x11]  }
0x22: {  	[spmem:s7], [sflag:s8] =	dma.local [hbm:s6], $0x2800  }
0x23: {  	_ =	swait.ge [sflag:s10], $0x2800  }
0x24: {  	[sflag:s10] =	ssyncset.done $0x0  }
0x25: {  	[sflag:s10] =	ssyncadd.s32 $0xFFFFD800  }
0x26: {  	[bflag:$0x0] =	sbarrier.arrive $0xFFFF  }
0x27: {  	s9 =	rddreg [dreg:$0x4]  }
0x28: {  	s6 =	sadd.s32 $0x0, s9  }
0x29: {  	[tilespmem:s3], [sflag:$0x3] =	stream.linear.gather [hbm4b:s6+s3], $0x800, $0x38;
	[tilespmem:$0x1D000] =	vst v63  }
0x2a: {  	_ =	swait.ge [sflag:s10], $0x800  }
0x2b: {  	s7 =	rddreg [dreg:$0x3];
	[sflag:s10] =	ssyncset.done $0x0  }
0x2c: {  	[sflag:s10] =	ssyncadd.s32 $0xFFFFF800;
	s6 =	sadd.s32 $0x0, s7  }
0x2d: {  	[tilespmem:s11], [sflag:$0x3] =	stream.linear.gather [hbm4b:s6+s3], $0x800, $0x38;
	[tilespmem:$0x1D000] =	vst v63  }
0x2e: {  	_ =	swait.ge [sflag:s10], $0x800  }
0x2f: {  	[sflag:s10] =	ssyncset.done $0x0  }
0x30: {  	[sflag:s10] =	ssyncadd.s32 $0xFFFFF800  }
0x31: {  	[tilespmem:s13], [sflag:$0x1] =	stream.indirect.gather [hbm4b:s4+s12], $0x80, s3, s12, $0xb8;
	[tilespmem:$0x1D000] =	vst v63  }
0x32: {  	_ = 	snop  }
0x33: {  	[tilespmem:s14], [sflag:$0x2] =	stream.indirect.gather [hbm4b:s4+s12], $0x80, s12, s12, $0xb8;
	[tilespmem:$0x1D000] =	vst v63  }
0x34: {  	_ =	swait.ge [sflag:s15], $0x4000  }
0x35: {  	[sflag:s15] =	ssyncset.done $0x0  }
0x36: {  	[sflag:s15] =	ssyncadd.s32 $0xFFFFC000  }
0x37: {  	[spmem:s2] =	stream.indirect.scatter.add.f32 [tilespmem:s13], [sflag:$0x3], $0x80, s11, s12, $0xb8;
	[tilespmem:$0x1D000] =	vst v63  }
0x38: {  	_ =	swait.ge [sflag:s10], $0x4000  }
0x39: {  	[sflag:s10] =	ssyncset.done $0x0  }
0x3a: {  	[sflag:s10] =	ssyncadd.s32 $0xFFFFC000  }
0x3b: {  	_ =	swait.ge [sflag:s16], $0x4000  }
0x3c: {  	[sflag:s16] =	ssyncset.done $0x0  }
0x3d: {  	s8 =	rddreg [dreg:$0x5];
	[sflag:s16] =	ssyncadd.s32 $0xFFFFC000  }
0x3e: {  	[spmem:s2] =	stream.indirect.scatter.add.f32 [tilespmem:s14], [sflag:$0x3], $0x80, s8, s12, $0xb8;
	[tilespmem:$0x1D000] =	vst v63  }
0x3f: {  	_ =	swait.ge [sflag:s10], $0x4000  }
0x40: {  	[sflag:s10] =	ssyncset.done $0x0  }
0x41: {  	s9 =	rddreg [dreg:$0x6];
	[sflag:s10] =	ssyncadd.s32 $0xFFFFC000  }
0x42: {  	[tilespmem:s13], [sflag:$0x1] =	stream.indirect.gather [hbm4b:s4+s12], $0x80, s9, s12, $0xb8;
	[tilespmem:$0x1D000] =	vst v63  }
0x43: {  	s7 =	rddreg [dreg:$0x7]  }
0x44: {  	[tilespmem:s14], [sflag:$0x2] =	stream.indirect.gather [hbm4b:s4+s12], $0x80, s7, s12, $0xb8;
	[tilespmem:$0x1D000] =	vst v63  }
0x45: {  	_ =	swait.ge [sflag:s15], $0x4000  }
0x46: {  	[sflag:s15] =	ssyncset.done $0x0  }
0x47: {  	s9 =	rddreg [dreg:$0x8];
	[sflag:s15] =	ssyncadd.s32 $0xFFFFC000  }
0x48: {  	[spmem:s2] =	stream.indirect.scatter.add.f32 [tilespmem:s13], [sflag:$0x3], $0x80, s9, s12, $0xb8;
	[tilespmem:$0x1D000] =	vst v63  }
0x49: {  	_ =	swait.ge [sflag:s10], $0x4000  }
0x4a: {  	[sflag:s10] =	ssyncset.done $0x0  }
0x4b: {  	[sflag:s10] =	ssyncadd.s32 $0xFFFFC000  }
0x4c: {  	_ =	swait.ge [sflag:s16], $0x4000  }
0x4d: {  	[sflag:s16] =	ssyncset.done $0x0  }
0x4e: {  	s7 =	rddreg [dreg:$0x9];
	[sflag:s16] =	ssyncadd.s32 $0xFFFFC000  }
0x4f: {  	[spmem:s2] =	stream.indirect.scatter.add.f32 [tilespmem:s14], [sflag:$0x3], $0x80, s7, s12, $0xb8;
	[tilespmem:$0x1D000] =	vst v63  }
0x50: {  	_ =	swait.ge [sflag:s10], $0x4000  }
0x51: {  	[sflag:s10] =	ssyncset.done $0x0  }
0x52: {  	s8 =	rddreg [dreg:$0xa];
	[sflag:s10] =	ssyncadd.s32 $0xFFFFC000  }
0x53: {  	[tilespmem:s13], [sflag:$0x1] =	stream.indirect.gather [hbm4b:s4+s12], $0x80, s8, s12, $0xb8;
	[tilespmem:$0x1D000] =	vst v63  }
0x54: {  	s9 =	rddreg [dreg:$0xb]  }
0x55: {  	[tilespmem:s14], [sflag:$0x2] =	stream.indirect.gather [hbm4b:s4+s12], $0x80, s9, s12, $0xb8;
	[tilespmem:$0x1D000] =	vst v63  }
0x56: {  	_ =	swait.ge [sflag:s15], $0x4000  }
0x57: {  	[sflag:s15] =	ssyncset.done $0x0  }
0x58: {  	s7 =	rddreg [dreg:$0xc];
	[sflag:s15] =	ssyncadd.s32 $0xFFFFC000  }
0x59: {  	[spmem:s2] =	stream.indirect.scatter.add.f32 [tilespmem:s13], [sflag:$0x3], $0x80, s7, s12, $0xb8;
	[tilespmem:$0x1D000] =	vst v63  }
0x5a: {  	_ =	swait.ge [sflag:s10], $0x4000  }
0x5b: {  	[sflag:s10] =	ssyncset.done $0x0  }
0x5c: {  	[sflag:s10] =	ssyncadd.s32 $0xFFFFC000  }
0x5d: {  	_ =	swait.ge [sflag:s16], $0x4000  }
0x5e: {  	[sflag:s16] =	ssyncset.done $0x0  }
0x5f: {  	s8 =	rddreg [dreg:$0xd];
	[sflag:s16] =	ssyncadd.s32 $0xFFFFC000  }
0x60: {  	[spmem:s2] =	stream.indirect.scatter.add.f32 [tilespmem:s14], [sflag:$0x3], $0x80, s8, s12, $0xb8;
	[tilespmem:$0x1D000] =	vst v63  }
0x61: {  	_ =	swait.ge [sflag:s10], $0x4000  }
0x62: {  	[sflag:s10] =	ssyncset.done $0x0  }
0x63: {  	s9 =	rddreg [dreg:$0xe];
	[sflag:s10] =	ssyncadd.s32 $0xFFFFC000  }
0x64: {  	[tilespmem:s13], [sflag:$0x1] =	stream.indirect.gather [hbm4b:s4+s12], $0x80, s9, s12, $0xb8;
	[tilespmem:$0x1D000] =	vst v63  }
0x65: {  	s7 =	rddreg [dreg:$0xf]  }
0x66: {  	[tilespmem:s14], [sflag:$0x2] =	stream.indirect.gather [hbm4b:s4+s12], $0x80, s7, s12, $0xb8;
	[tilespmem:$0x1D000] =	vst v63  }
0x67: {  	_ =	swait.ge [sflag:s15], $0x4000  }
0x68: {  	[sflag:s15] =	ssyncset.done $0x0  }
0x69: {  	s9 =	rddreg [dreg:$0x10];
	[sflag:s15] =	ssyncadd.s32 $0xFFFFC000  }
0x6a: {  	[spmem:s2] =	stream.indirect.scatter.add.f32 [tilespmem:s13], [sflag:$0x3], $0x80, s9, s12, $0xb8;
	[tilespmem:$0x1D000] =	vst v63  }
0x6b: {  	_ =	swait.ge [sflag:s10], $0x4000  }
0x6c: {  	[sflag:s10] =	ssyncset.done $0x0  }
0x6d: {  	[sflag:s10] =	ssyncadd.s32 $0xFFFFC000  }
0x6e: {  	_ =	swait.ge [sflag:s16], $0x4000  }
0x6f: {  	[sflag:s16] =	ssyncset.done $0x0  }
0x70: {  	[sflag:s16] =	ssyncadd.s32 $0xFFFFC000  }
0x71: {  	[spmem:s2] =	stream.indirect.scatter.add.f32 [tilespmem:s14], [sflag:$0x3], $0x80, s17, s12, $0xb8;
	[tilespmem:$0x1D000] =	vst v63  }
0x72: {  	_ =	swait.ge [sflag:s10], $0x4000  }
0x73: {  	[sflag:s10] =	ssyncset.done $0x0  }
0x74: {  	[sflag:s10] =	ssyncadd.s32 $0xFFFFC000  }
0x75: {  	[tilespmem:s13], [sflag:$0x1] =	stream.indirect.gather [hbm4b:s4+s12], $0x80, s18, s12, $0xb8;
	[tilespmem:$0x1D000] =	vst v63  }
0x76: {  	_ = 	snop  }
0x77: {  	[tilespmem:s14], [sflag:$0x2] =	stream.indirect.gather [hbm4b:s4+s12], $0x80, s19, s12, $0xb8;
	[tilespmem:$0x1D000] =	vst v63  }
0x78: {  	_ =	swait.ge [sflag:s15], $0x4000  }
0x79: {  	[sflag:s15] =	ssyncset.done $0x0  }
0x7a: {  	[sflag:s15] =	ssyncadd.s32 $0xFFFFC000  }
0x7b: {  	[spmem:s2] =	stream.indirect.scatter.add.f32 [tilespmem:s13], [sflag:$0x3], $0x80, s20, s12, $0xb8;
	[tilespmem:$0x1D000] =	vst v63  }
0x7c: {  	_ =	swait.ge [sflag:s10], $0x4000  }
0x7d: {  	[sflag:s10] =	ssyncset.done $0x0  }
0x7e: {  	[sflag:s10] =	ssyncadd.s32 $0xFFFFC000  }
0x7f: {  	_ =	swait.ge [sflag:s16], $0x4000  }
0x80: {  	[sflag:s16] =	ssyncset.done $0x0  }
0x81: {  	[sflag:s16] =	ssyncadd.s32 $0xFFFFC000  }
0x82: {  	[spmem:s2] =	stream.indirect.scatter.add.f32 [tilespmem:s14], [sflag:$0x3], $0x80, s21, s12, $0xb8;
	[tilespmem:$0x1D000] =	vst v63  }
0x83: {  	_ =	swait.ge [sflag:s10], $0x4000  }
0x84: {  	[sflag:s10] =	ssyncset.done $0x0  }
0x85: {  	[sflag:s10] =	ssyncadd.s32 $0xFFFFC000  }
0x86: {  	[tilespmem:s13], [sflag:$0x1] =	stream.indirect.gather [hbm4b:s4+s12], $0x80, s22, s12, $0xb8;
	[tilespmem:$0x1D000] =	vst v63  }
0x87: {  	_ = 	snop  }
0x88: {  	[tilespmem:s14], [sflag:$0x2] =	stream.indirect.gather [hbm4b:s4+s12], $0x80, s23, s12, $0xb8;
	[tilespmem:$0x1D000] =	vst v63  }
0x89: {  	_ =	swait.ge [sflag:s15], $0x4000  }
0x8a: {  	[sflag:s15] =	ssyncset.done $0x0  }
0x8b: {  	[sflag:s15] =	ssyncadd.s32 $0xFFFFC000  }
0x8c: {  	[spmem:s2] =	stream.indirect.scatter.add.f32 [tilespmem:s13], [sflag:$0x3], $0x80, s24, s12, $0xb8;
	[tilespmem:$0x1D000] =	vst v63  }
0x8d: {  	_ =	swait.ge [sflag:s10], $0x4000  }
0x8e: {  	[sflag:s10] =	ssyncset.done $0x0  }
0x8f: {  	[sflag:s10] =	ssyncadd.s32 $0xFFFFC000  }
0x90: {  	_ =	swait.ge [sflag:s16], $0x4000  }
0x91: {  	[sflag:s16] =	ssyncset.done $0x0  }
0x92: {  	[sflag:s16] =	ssyncadd.s32 $0xFFFFC000  }
0x93: {  	[spmem:s2] =	stream.indirect.scatter.add.f32 [tilespmem:s14], [sflag:$0x3], $0x80, s25, s12, $0xb8;
	[tilespmem:$0x1D000] =	vst v63  }
0x94: {  	_ =	swait.ge [sflag:s10], $0x4000  }
0x95: {  	[sflag:s10] =	ssyncset.done $0x0  }
0x96: {  	[sflag:s10] =	ssyncadd.s32 $0xFFFFC000  }
0x97: {  	[tilespmem:s13], [sflag:$0x1] =	stream.indirect.gather [hbm4b:s4+s12], $0x80, s26, s12, $0xb8;
	[tilespmem:$0x1D000] =	vst v63  }
0x98: {  	_ = 	snop  }
0x99: {  	[tilespmem:s14], [sflag:$0x2] =	stream.indirect.gather [hbm4b:s4+s12], $0x80, s28, s12, $0xb8;
	[tilespmem:$0x1D000] =	vst v63  }
0x9a: {  	_ =	swait.ge [sflag:s15], $0x4000  }
0x9b: {  	[sflag:s15] =	ssyncset.done $0x0  }
0x9c: {  	[sflag:s15] =	ssyncadd.s32 $0xFFFFC000  }
0x9d: {  	[spmem:s2] =	stream.indirect.scatter.add.f32 [tilespmem:s13], [sflag:$0x3], $0x80, s29, s12, $0xb8;
	[tilespmem:$0x1D000] =	vst v63  }
0x9e: {  	_ =	swait.ge [sflag:s10], $0x4000  }
0x9f: {  	[sflag:s10] =	ssyncset.done $0x0  }
0xa0: {  	[sflag:s10] =	ssyncadd.s32 $0xFFFFC000  }
0xa1: {  	_ =	swait.ge [sflag:s16], $0x4000  }
0xa2: {  	[sflag:s16] =	ssyncset.done $0x0  }
0xa3: {  	[sflag:s16] =	ssyncadd.s32 $0xFFFFC000  }
0xa4: {  	[spmem:s2] =	stream.indirect.scatter.add.f32 [tilespmem:s14], [sflag:$0x3], $0x80, s30, s12, $0xb8;
	[tilespmem:$0x1D000] =	vst v63  }
0xa5: {  	_ =	swait.ge [sflag:s10], $0x4000  }
0xa6: {  	[sflag:s10] =	ssyncset.done $0x0  }
0xa7: {  	[sflag:s10] =	ssyncadd.s32 $0xFFFFC000  }
0xa8: {  	[tilespmem:s13], [sflag:$0x1] =	stream.indirect.gather [hbm4b:s4+s12], $0x80, s31, s12, $0xb8;
	[tilespmem:$0x1D000] =	vst v63  }
0xa9: {  	_ = 	snop  }
0xaa: {  	[tilespmem:s14], [sflag:$0x2] =	stream.indirect.gather [hbm4b:s4+s12], $0x80, s1, s12, $0xb8;
	[tilespmem:$0x1D000] =	vst v63  }
0xab: {  	_ =	swait.ge [sflag:s15], $0x4000  }
0xac: {  	[sflag:s15] =	ssyncset.done $0x0  }
0xad: {  	[sflag:s15] =	ssyncadd.s32 $0xFFFFC000  }
0xae: {  	[spmem:s2] =	stream.indirect.scatter.add.f32 [tilespmem:s13], [sflag:$0x3], $0x80, s0, s12, $0xb8;
	[tilespmem:$0x1D000] =	vst v63  }
0xaf: {  	_ =	swait.ge [sflag:s10], $0x4000  }
0xb0: {  	[sflag:s10] =	ssyncset.done $0x0  }
0xb1: {  	[sflag:s10] =	ssyncadd.s32 $0xFFFFC000  }
0xb2: {  	_ =	swait.ge [sflag:s16], $0x4000  }
0xb3: {  	[sflag:s16] =	ssyncset.done $0x0  }
0xb4: {  	[sflag:s16] =	ssyncadd.s32 $0xFFFFC000  }
0xb5: {  	[spmem:s2] =	stream.indirect.scatter.add.f32 [tilespmem:s14], [sflag:$0x3], $0x80, s5, s12, $0xb8;
	[tilespmem:$0x1D000] =	vst v63  }
0xb6: {  	s6 =	simm.s32 $0x200;
	_ =	swait.ge [sflag:s10], $0x4000  }
0xb7: {  	s8 =	simm.s32 $0x100;
	s9 =	rddreg [dreg:$0x4];
	[sflag:s10] =	ssyncset.done $0x0  }
.LBB2_2:
0xb8: {  	[sflag:s10] =	ssyncadd.s32 $0xFFFFC000;
	s9 =	sadd.s32 s8, s9  }
0xb9: {  	[tilespmem:s3], [sflag:$0x3] =	stream.linear.gather [hbm4b:s9+s3], $0x800, $0x38;
	[tilespmem:$0x1D000] =	vst v63  }
0xba: {  	_ =	swait.ge [sflag:s10], $0x800  }
0xbb: {  	s9 =	rddreg [dreg:$0x3];
	[sflag:s10] =	ssyncset.done $0x0  }
0xbc: {  	[sflag:s10] =	ssyncadd.s32 $0xFFFFF800;
	s9 =	sadd.s32 s8, s9  }
0xbd: {  	[tilespmem:s11], [sflag:$0x3] =	stream.linear.gather [hbm4b:s9+s3], $0x800, $0x38;
	[tilespmem:$0x1D000] =	vst v63  }
0xbe: {  	_ =	swait.ge [sflag:s10], $0x800  }
0xbf: {  	[sflag:s10] =	ssyncset.done $0x0  }
0xc0: {  	[sflag:s10] =	ssyncadd.s32 $0xFFFFF800  }
0xc1: {  	[tilespmem:s13], [sflag:$0x1] =	stream.indirect.gather [hbm4b:s4+s12], $0x80, s3, s12, $0xb8;
	[tilespmem:$0x1D000] =	vst v63  }
0xc2: {  	_ = 	snop  }
0xc3: {  	[tilespmem:s14], [sflag:$0x2] =	stream.indirect.gather [hbm4b:s4+s12], $0x80, s12, s12, $0xb8;
	[tilespmem:$0x1D000] =	vst v63  }
0xc4: {  	_ =	swait.ge [sflag:s15], $0x4000  }
0xc5: {  	[sflag:s15] =	ssyncset.done $0x0  }
0xc6: {  	[sflag:s15] =	ssyncadd.s32 $0xFFFFC000  }
0xc7: {  	[spmem:s2] =	stream.indirect.scatter.add.f32 [tilespmem:s13], [sflag:$0x3], $0x80, s11, s12, $0xb8;
	[tilespmem:$0x1D000] =	vst v63  }
0xc8: {  	_ =	swait.ge [sflag:s10], $0x4000  }
0xc9: {  	[sflag:s10] =	ssyncset.done $0x0  }
0xca: {  	[sflag:s10] =	ssyncadd.s32 $0xFFFFC000  }
0xcb: {  	_ =	swait.ge [sflag:s16], $0x4000  }
0xcc: {  	[sflag:s16] =	ssyncset.done $0x0  }
0xcd: {  	s9 =	rddreg [dreg:$0x5];
	[sflag:s16] =	ssyncadd.s32 $0xFFFFC000  }
0xce: {  	[spmem:s2] =	stream.indirect.scatter.add.f32 [tilespmem:s14], [sflag:$0x3], $0x80, s9, s12, $0xb8;
	[tilespmem:$0x1D000] =	vst v63  }
0xcf: {  	_ =	swait.ge [sflag:s10], $0x4000  }
0xd0: {  	s7 =	smov.u32 s6;
	[sflag:s10] =	ssyncset.done $0x0  }
0xd1: {  	s8 =	smov.u32 s7;
	s7 =	rddreg [dreg:$0x6];
	[sflag:s10] =	ssyncadd.s32 $0xFFFFC000  }
0xd2: {  	[tilespmem:s13], [sflag:$0x1] =	stream.indirect.gather [hbm4b:s4+s12], $0x80, s7, s12, $0xb8;
	[tilespmem:$0x1D000] =	vst v63  }
0xd3: {  	s9 =	rddreg [dreg:$0x7]  }
0xd4: {  	[tilespmem:s14], [sflag:$0x2] =	stream.indirect.gather [hbm4b:s4+s12], $0x80, s9, s12, $0xb8;
	[tilespmem:$0x1D000] =	vst v63  }
0xd5: {  	_ =	swait.ge [sflag:s15], $0x4000  }
0xd6: {  	[sflag:s15] =	ssyncset.done $0x0  }
0xd7: {  	s9 =	rddreg [dreg:$0x8];
	[sflag:s15] =	ssyncadd.s32 $0xFFFFC000  }
0xd8: {  	[spmem:s2] =	stream.indirect.scatter.add.f32 [tilespmem:s13], [sflag:$0x3], $0x80, s9, s12, $0xb8;
	[tilespmem:$0x1D000] =	vst v63  }
0xd9: {  	_ =	swait.ge [sflag:s10], $0x4000  }
0xda: {  	[sflag:s10] =	ssyncset.done $0x0  }
0xdb: {  	[sflag:s10] =	ssyncadd.s32 $0xFFFFC000  }
0xdc: {  	_ =	swait.ge [sflag:s16], $0x4000  }
0xdd: {  	[sflag:s16] =	ssyncset.done $0x0  }
0xde: {  	s9 =	rddreg [dreg:$0x9];
	[sflag:s16] =	ssyncadd.s32 $0xFFFFC000  }
0xdf: {  	[spmem:s2] =	stream.indirect.scatter.add.f32 [tilespmem:s14], [sflag:$0x3], $0x80, s9, s12, $0xb8;
	[tilespmem:$0x1D000] =	vst v63  }
0xe0: {  	_ =	swait.ge [sflag:s10], $0x4000  }
0xe1: {  	[sflag:s10] =	ssyncset.done $0x0  }
0xe2: {  	s7 =	rddreg [dreg:$0xa];
	[sflag:s10] =	ssyncadd.s32 $0xFFFFC000  }
0xe3: {  	[tilespmem:s13], [sflag:$0x1] =	stream.indirect.gather [hbm4b:s4+s12], $0x80, s7, s12, $0xb8;
	[tilespmem:$0x1D000] =	vst v63  }
0xe4: {  	s9 =	rddreg [dreg:$0xb]  }
0xe5: {  	[tilespmem:s14], [sflag:$0x2] =	stream.indirect.gather [hbm4b:s4+s12], $0x80, s9, s12, $0xb8;
	[tilespmem:$0x1D000] =	vst v63  }
0xe6: {  	_ =	swait.ge [sflag:s15], $0x4000  }
0xe7: {  	[sflag:s15] =	ssyncset.done $0x0  }
0xe8: {  	s9 =	rddreg [dreg:$0xc];
	[sflag:s15] =	ssyncadd.s32 $0xFFFFC000  }
0xe9: {  	[spmem:s2] =	stream.indirect.scatter.add.f32 [tilespmem:s13], [sflag:$0x3], $0x80, s9, s12, $0xb8;
	[tilespmem:$0x1D000] =	vst v63  }
0xea: {  	_ =	swait.ge [sflag:s10], $0x4000  }
0xeb: {  	[sflag:s10] =	ssyncset.done $0x0  }
0xec: {  	[sflag:s10] =	ssyncadd.s32 $0xFFFFC000  }
0xed: {  	_ =	swait.ge [sflag:s16], $0x4000  }
0xee: {  	[sflag:s16] =	ssyncset.done $0x0  }
0xef: {  	s9 =	rddreg [dreg:$0xd];
	[sflag:s16] =	ssyncadd.s32 $0xFFFFC000  }
0xf0: {  	[spmem:s2] =	stream.indirect.scatter.add.f32 [tilespmem:s14], [sflag:$0x3], $0x80, s9, s12, $0xb8;
	[tilespmem:$0x1D000] =	vst v63  }
0xf1: {  	_ =	swait.ge [sflag:s10], $0x4000  }
0xf2: {  	[sflag:s10] =	ssyncset.done $0x0  }
0xf3: {  	s7 =	rddreg [dreg:$0xe];
	[sflag:s10] =	ssyncadd.s32 $0xFFFFC000  }
0xf4: {  	[tilespmem:s13], [sflag:$0x1] =	stream.indirect.gather [hbm4b:s4+s12], $0x80, s7, s12, $0xb8;
	[tilespmem:$0x1D000] =	vst v63  }
0xf5: {  	s9 =	rddreg [dreg:$0xf]  }
0xf6: {  	[tilespmem:s14], [sflag:$0x2] =	stream.indirect.gather [hbm4b:s4+s12], $0x80, s9, s12, $0xb8;
	[tilespmem:$0x1D000] =	vst v63  }
0xf7: {  	_ =	swait.ge [sflag:s15], $0x4000  }
0xf8: {  	[sflag:s15] =	ssyncset.done $0x0  }
0xf9: {  	s9 =	rddreg [dreg:$0x10];
	[sflag:s15] =	ssyncadd.s32 $0xFFFFC000  }
0xfa: {  	[spmem:s2] =	stream.indirect.scatter.add.f32 [tilespmem:s13], [sflag:$0x3], $0x80, s9, s12, $0xb8;
	[tilespmem:$0x1D000] =	vst v63  }
0xfb: {  	_ =	swait.ge [sflag:s10], $0x4000  }
0xfc: {  	[sflag:s10] =	ssyncset.done $0x0  }
0xfd: {  	[sflag:s10] =	ssyncadd.s32 $0xFFFFC000  }
0xfe: {  	_ =	swait.ge [sflag:s16], $0x4000  }
0xff: {  	[sflag:s16] =	ssyncset.done $0x0  }
0x100: {  	[sflag:s16] =	ssyncadd.s32 $0xFFFFC000  }
0x101: {  	[spmem:s2] =	stream.indirect.scatter.add.f32 [tilespmem:s14], [sflag:$0x3], $0x80, s17, s12, $0xb8;
	[tilespmem:$0x1D000] =	vst v63  }
0x102: {  	_ =	swait.ge [sflag:s10], $0x4000  }
0x103: {  	[sflag:s10] =	ssyncset.done $0x0  }
0x104: {  	[sflag:s10] =	ssyncadd.s32 $0xFFFFC000  }
0x105: {  	[tilespmem:s13], [sflag:$0x1] =	stream.indirect.gather [hbm4b:s4+s12], $0x80, s18, s12, $0xb8;
	[tilespmem:$0x1D000] =	vst v63  }
0x106: {  	_ = 	snop  }
0x107: {  	[tilespmem:s14], [sflag:$0x2] =	stream.indirect.gather [hbm4b:s4+s12], $0x80, s19, s12, $0xb8;
	[tilespmem:$0x1D000] =	vst v63  }
0x108: {  	_ =	swait.ge [sflag:s15], $0x4000  }
0x109: {  	[sflag:s15] =	ssyncset.done $0x0  }
0x10a: {  	[sflag:s15] =	ssyncadd.s32 $0xFFFFC000  }
0x10b: {  	[spmem:s2] =	stream.indirect.scatter.add.f32 [tilespmem:s13], [sflag:$0x3], $0x80, s20, s12, $0xb8;
	[tilespmem:$0x1D000] =	vst v63  }
0x10c: {  	_ =	swait.ge [sflag:s10], $0x4000  }
0x10d: {  	[sflag:s10] =	ssyncset.done $0x0  }
0x10e: {  	[sflag:s10] =	ssyncadd.s32 $0xFFFFC000  }
0x10f: {  	_ =	swait.ge [sflag:s16], $0x4000  }
0x110: {  	[sflag:s16] =	ssyncset.done $0x0  }
0x111: {  	[sflag:s16] =	ssyncadd.s32 $0xFFFFC000  }
0x112: {  	[spmem:s2] =	stream.indirect.scatter.add.f32 [tilespmem:s14], [sflag:$0x3], $0x80, s21, s12, $0xb8;
	[tilespmem:$0x1D000] =	vst v63  }
0x113: {  	_ =	swait.ge [sflag:s10], $0x4000  }
0x114: {  	[sflag:s10] =	ssyncset.done $0x0  }
0x115: {  	[sflag:s10] =	ssyncadd.s32 $0xFFFFC000  }
0x116: {  	[tilespmem:s13], [sflag:$0x1] =	stream.indirect.gather [hbm4b:s4+s12], $0x80, s22, s12, $0xb8;
	[tilespmem:$0x1D000] =	vst v63  }
0x117: {  	_ = 	snop  }
0x118: {  	[tilespmem:s14], [sflag:$0x2] =	stream.indirect.gather [hbm4b:s4+s12], $0x80, s23, s12, $0xb8;
	[tilespmem:$0x1D000] =	vst v63  }
0x119: {  	_ =	swait.ge [sflag:s15], $0x4000  }
0x11a: {  	[sflag:s15] =	ssyncset.done $0x0  }
0x11b: {  	[sflag:s15] =	ssyncadd.s32 $0xFFFFC000  }
0x11c: {  	[spmem:s2] =	stream.indirect.scatter.add.f32 [tilespmem:s13], [sflag:$0x3], $0x80, s24, s12, $0xb8;
	[tilespmem:$0x1D000] =	vst v63  }
0x11d: {  	_ =	swait.ge [sflag:s10], $0x4000  }
0x11e: {  	[sflag:s10] =	ssyncset.done $0x0  }
0x11f: {  	[sflag:s10] =	ssyncadd.s32 $0xFFFFC000  }
0x120: {  	_ =	swait.ge [sflag:s16], $0x4000  }
0x121: {  	[sflag:s16] =	ssyncset.done $0x0  }
0x122: {  	[sflag:s16] =	ssyncadd.s32 $0xFFFFC000  }
0x123: {  	[spmem:s2] =	stream.indirect.scatter.add.f32 [tilespmem:s14], [sflag:$0x3], $0x80, s25, s12, $0xb8;
	[tilespmem:$0x1D000] =	vst v63  }
0x124: {  	_ =	swait.ge [sflag:s10], $0x4000  }
0x125: {  	[sflag:s10] =	ssyncset.done $0x0  }
0x126: {  	[sflag:s10] =	ssyncadd.s32 $0xFFFFC000  }
0x127: {  	[tilespmem:s13], [sflag:$0x1] =	stream.indirect.gather [hbm4b:s4+s12], $0x80, s26, s12, $0xb8;
	[tilespmem:$0x1D000] =	vst v63  }
0x128: {  	_ = 	snop  }
0x129: {  	[tilespmem:s14], [sflag:$0x2] =	stream.indirect.gather [hbm4b:s4+s12], $0x80, s28, s12, $0xb8;
	[tilespmem:$0x1D000] =	vst v63  }
0x12a: {  	_ =	swait.ge [sflag:s15], $0x4000  }
0x12b: {  	[sflag:s15] =	ssyncset.done $0x0  }
0x12c: {  	[sflag:s15] =	ssyncadd.s32 $0xFFFFC000  }
0x12d: {  	[spmem:s2] =	stream.indirect.scatter.add.f32 [tilespmem:s13], [sflag:$0x3], $0x80, s29, s12, $0xb8;
	[tilespmem:$0x1D000] =	vst v63  }
0x12e: {  	_ =	swait.ge [sflag:s10], $0x4000  }
0x12f: {  	[sflag:s10] =	ssyncset.done $0x0  }
0x130: {  	[sflag:s10] =	ssyncadd.s32 $0xFFFFC000  }
0x131: {  	_ =	swait.ge [sflag:s16], $0x4000  }
0x132: {  	[sflag:s16] =	ssyncset.done $0x0  }
0x133: {  	[sflag:s16] =	ssyncadd.s32 $0xFFFFC000  }
0x134: {  	[spmem:s2] =	stream.indirect.scatter.add.f32 [tilespmem:s14], [sflag:$0x3], $0x80, s30, s12, $0xb8;
	[tilespmem:$0x1D000] =	vst v63  }
0x135: {  	_ =	swait.ge [sflag:s10], $0x4000  }
0x136: {  	[sflag:s10] =	ssyncset.done $0x0  }
0x137: {  	[sflag:s10] =	ssyncadd.s32 $0xFFFFC000  }
0x138: {  	[tilespmem:s13], [sflag:$0x1] =	stream.indirect.gather [hbm4b:s4+s12], $0x80, s31, s12, $0xb8;
	[tilespmem:$0x1D000] =	vst v63  }
0x139: {  	_ = 	snop  }
0x13a: {  	[tilespmem:s14], [sflag:$0x2] =	stream.indirect.gather [hbm4b:s4+s12], $0x80, s1, s12, $0xb8;
	[tilespmem:$0x1D000] =	vst v63  }
0x13b: {  	_ =	swait.ge [sflag:s15], $0x4000  }
0x13c: {  	[sflag:s15] =	ssyncset.done $0x0  }
0x13d: {  	[sflag:s15] =	ssyncadd.s32 $0xFFFFC000  }
0x13e: {  	[spmem:s2] =	stream.indirect.scatter.add.f32 [tilespmem:s13], [sflag:$0x3], $0x80, s0, s12, $0xb8;
	[tilespmem:$0x1D000] =	vst v63  }
0x13f: {  	_ =	swait.ge [sflag:s10], $0x4000  }
0x140: {  	[sflag:s10] =	ssyncset.done $0x0  }
0x141: {  	[sflag:s10] =	ssyncadd.s32 $0xFFFFC000  }
0x142: {  	p0 =	sne.s32 s6, $0x900;
	_ =	swait.ge [sflag:s16], $0x4000  }
.Ltmp0:
0x143: {  	[sflag:s16] =	ssyncset.done $0x0;
	(pc) =	sbr.rel @p0 .LBB2_2-.Ltmp0, $4  }
0x144: {  	[sflag:s16] =	ssyncadd.s32 $0xFFFFC000  }
0x145: {  	[spmem:s2] =	stream.indirect.scatter.add.f32 [tilespmem:s14], [sflag:$0x3], $0x80, s5, s12, $0xb8;
	[tilespmem:$0x1D000] =	vst v63  }
0x146: {  	_ =	swait.ge [sflag:s10], $0x4000  }
0x147: {  	s6 =	sadd.s32 $0x100, s6;
	s9 =	rddreg [dreg:$0x4];
	[sflag:s10] =	ssyncset.done $0x0  }
0x148: {  	[sflag:s10] =	ssyncadd.s32 $0xFFFFC000;
	s6 =	sadd.s32 s8, s9  }
0x149: {  	[tilespmem:s3], [sflag:$0x3] =	stream.linear.gather [hbm4b:s6+s3], $0x800, $0x38;
	[tilespmem:$0x1D000] =	vst v63  }
0x14a: {  	_ =	swait.ge [sflag:s10], $0x800  }
0x14b: {  	s7 =	rddreg [dreg:$0x3];
	[sflag:s10] =	ssyncset.done $0x0  }
0x14c: {  	[sflag:s10] =	ssyncadd.s32 $0xFFFFF800;
	s6 =	sadd.s32 s8, s7  }
0x14d: {  	[tilespmem:s11], [sflag:$0x3] =	stream.linear.gather [hbm4b:s6+s3], $0x800, $0x38;
	[tilespmem:$0x1D000] =	vst v63  }
0x14e: {  	_ =	swait.ge [sflag:s10], $0x800  }
0x14f: {  	[sflag:s10] =	ssyncset.done $0x0  }
0x150: {  	[sflag:s10] =	ssyncadd.s32 $0xFFFFF800  }
0x151: {  	[tilespmem:s13], [sflag:$0x1] =	stream.indirect.gather [hbm4b:s4+s12], $0x80, s3, s12, $0xb8;
	[tilespmem:$0x1D000] =	vst v63  }
0x152: {  	_ = 	snop  }
0x153: {  	[tilespmem:s14], [sflag:$0x2] =	stream.indirect.gather [hbm4b:s4+s12], $0x80, s12, s12, $0xb8;
	[tilespmem:$0x1D000] =	vst v63  }
0x154: {  	_ =	swait.ge [sflag:s15], $0x4000  }
0x155: {  	[sflag:s15] =	ssyncset.done $0x0  }
0x156: {  	[sflag:s15] =	ssyncadd.s32 $0xFFFFC000  }
0x157: {  	[spmem:s2] =	stream.indirect.scatter.add.f32 [tilespmem:s13], [sflag:$0x3], $0x80, s11, s12, $0xb8;
	[tilespmem:$0x1D000] =	vst v63  }
0x158: {  	_ =	swait.ge [sflag:s10], $0x4000  }
0x159: {  	[sflag:s10] =	ssyncset.done $0x0  }
0x15a: {  	[sflag:s10] =	ssyncadd.s32 $0xFFFFC000  }
0x15b: {  	_ =	swait.ge [sflag:s16], $0x4000  }
0x15c: {  	[sflag:s16] =	ssyncset.done $0x0  }
0x15d: {  	s8 =	rddreg [dreg:$0x5];
	[sflag:s16] =	ssyncadd.s32 $0xFFFFC000  }
0x15e: {  	[spmem:s2] =	stream.indirect.scatter.add.f32 [tilespmem:s14], [sflag:$0x3], $0x80, s8, s12, $0xb8;
	[tilespmem:$0x1D000] =	vst v63  }
0x15f: {  	_ =	swait.ge [sflag:s10], $0x4000  }
0x160: {  	[sflag:s10] =	ssyncset.done $0x0  }
0x161: {  	s9 =	rddreg [dreg:$0x6];
	[sflag:s10] =	ssyncadd.s32 $0xFFFFC000  }
0x162: {  	[tilespmem:s13], [sflag:$0x1] =	stream.indirect.gather [hbm4b:s4+s12], $0x80, s9, s12, $0xb8;
	[tilespmem:$0x1D000] =	vst v63  }
0x163: {  	s7 =	rddreg [dreg:$0x7]  }
0x164: {  	[tilespmem:s14], [sflag:$0x2] =	stream.indirect.gather [hbm4b:s4+s12], $0x80, s7, s12, $0xb8;
	[tilespmem:$0x1D000] =	vst v63  }
0x165: {  	_ =	swait.ge [sflag:s15], $0x4000  }
0x166: {  	[sflag:s15] =	ssyncset.done $0x0  }
0x167: {  	s8 =	rddreg [dreg:$0x8];
	[sflag:s15] =	ssyncadd.s32 $0xFFFFC000  }
0x168: {  	[spmem:s2] =	stream.indirect.scatter.add.f32 [tilespmem:s13], [sflag:$0x3], $0x80, s8, s12, $0xb8;
	[tilespmem:$0x1D000] =	vst v63  }
0x169: {  	_ =	swait.ge [sflag:s10], $0x4000  }
0x16a: {  	[sflag:s10] =	ssyncset.done $0x0  }
0x16b: {  	[sflag:s10] =	ssyncadd.s32 $0xFFFFC000  }
0x16c: {  	_ =	swait.ge [sflag:s16], $0x4000  }
0x16d: {  	[sflag:s16] =	ssyncset.done $0x0  }
0x16e: {  	s9 =	rddreg [dreg:$0x9];
	[sflag:s16] =	ssyncadd.s32 $0xFFFFC000  }
0x16f: {  	[spmem:s2] =	stream.indirect.scatter.add.f32 [tilespmem:s14], [sflag:$0x3], $0x80, s9, s12, $0xb8;
	[tilespmem:$0x1D000] =	vst v63  }
0x170: {  	_ =	swait.ge [sflag:s10], $0x4000  }
0x171: {  	[sflag:s10] =	ssyncset.done $0x0  }
0x172: {  	s7 =	rddreg [dreg:$0xa];
	[sflag:s10] =	ssyncadd.s32 $0xFFFFC000  }
0x173: {  	[tilespmem:s13], [sflag:$0x1] =	stream.indirect.gather [hbm4b:s4+s12], $0x80, s7, s12, $0xb8;
	[tilespmem:$0x1D000] =	vst v63  }
0x174: {  	s8 =	rddreg [dreg:$0xb]  }
0x175: {  	[tilespmem:s14], [sflag:$0x2] =	stream.indirect.gather [hbm4b:s4+s12], $0x80, s8, s12, $0xb8;
	[tilespmem:$0x1D000] =	vst v63  }
0x176: {  	_ =	swait.ge [sflag:s15], $0x4000  }
0x177: {  	[sflag:s15] =	ssyncset.done $0x0  }
0x178: {  	s9 =	rddreg [dreg:$0xc];
	[sflag:s15] =	ssyncadd.s32 $0xFFFFC000  }
0x179: {  	[spmem:s2] =	stream.indirect.scatter.add.f32 [tilespmem:s13], [sflag:$0x3], $0x80, s9, s12, $0xb8;
	[tilespmem:$0x1D000] =	vst v63  }
0x17a: {  	_ =	swait.ge [sflag:s10], $0x4000  }
0x17b: {  	[sflag:s10] =	ssyncset.done $0x0  }
0x17c: {  	[sflag:s10] =	ssyncadd.s32 $0xFFFFC000  }
0x17d: {  	_ =	swait.ge [sflag:s16], $0x4000  }
0x17e: {  	[sflag:s16] =	ssyncset.done $0x0  }
0x17f: {  	s7 =	rddreg [dreg:$0xd];
	[sflag:s16] =	ssyncadd.s32 $0xFFFFC000  }
0x180: {  	[spmem:s2] =	stream.indirect.scatter.add.f32 [tilespmem:s14], [sflag:$0x3], $0x80, s7, s12, $0xb8;
	[tilespmem:$0x1D000] =	vst v63  }
0x181: {  	_ =	swait.ge [sflag:s10], $0x4000  }
0x182: {  	[sflag:s10] =	ssyncset.done $0x0  }
0x183: {  	s8 =	rddreg [dreg:$0xe];
	[sflag:s10] =	ssyncadd.s32 $0xFFFFC000  }
0x184: {  	[tilespmem:s13], [sflag:$0x1] =	stream.indirect.gather [hbm4b:s4+s12], $0x80, s8, s12, $0xb8;
	[tilespmem:$0x1D000] =	vst v63  }
0x185: {  	s9 =	rddreg [dreg:$0xf]  }
0x186: {  	[tilespmem:s14], [sflag:$0x2] =	stream.indirect.gather [hbm4b:s4+s12], $0x80, s9, s12, $0xb8;
	[tilespmem:$0x1D000] =	vst v63  }
0x187: {  	_ =	swait.ge [sflag:s15], $0x4000  }
0x188: {  	[sflag:s15] =	ssyncset.done $0x0  }
0x189: {  	s8 =	rddreg [dreg:$0x10];
	[sflag:s15] =	ssyncadd.s32 $0xFFFFC000  }
0x18a: {  	[spmem:s2] =	stream.indirect.scatter.add.f32 [tilespmem:s13], [sflag:$0x3], $0x80, s8, s12, $0xb8;
	[tilespmem:$0x1D000] =	vst v63  }
0x18b: {  	_ =	swait.ge [sflag:s10], $0x4000  }
0x18c: {  	[sflag:s10] =	ssyncset.done $0x0  }
0x18d: {  	[sflag:s10] =	ssyncadd.s32 $0xFFFFC000  }
0x18e: {  	_ =	swait.ge [sflag:s16], $0x4000  }
0x18f: {  	[sflag:s16] =	ssyncset.done $0x0  }
0x190: {  	[sflag:s16] =	ssyncadd.s32 $0xFFFFC000  }
0x191: {  	[spmem:s2] =	stream.indirect.scatter.add.f32 [tilespmem:s14], [sflag:$0x3], $0x80, s17, s12, $0xb8;
	[tilespmem:$0x1D000] =	vst v63  }
0x192: {  	_ =	swait.ge [sflag:s10], $0x4000  }
0x193: {  	[sflag:s10] =	ssyncset.done $0x0  }
0x194: {  	[sflag:s10] =	ssyncadd.s32 $0xFFFFC000  }
0x195: {  	[tilespmem:s13], [sflag:$0x1] =	stream.indirect.gather [hbm4b:s4+s12], $0x80, s18, s12, $0xb8;
	[tilespmem:$0x1D000] =	vst v63  }
0x196: {  	_ = 	snop  }
0x197: {  	[tilespmem:s14], [sflag:$0x2] =	stream.indirect.gather [hbm4b:s4+s12], $0x80, s19, s12, $0xb8;
	[tilespmem:$0x1D000] =	vst v63  }
0x198: {  	_ =	swait.ge [sflag:s15], $0x4000  }
0x199: {  	[sflag:s15] =	ssyncset.done $0x0  }
0x19a: {  	[sflag:s15] =	ssyncadd.s32 $0xFFFFC000  }
0x19b: {  	[spmem:s2] =	stream.indirect.scatter.add.f32 [tilespmem:s13], [sflag:$0x3], $0x80, s20, s12, $0xb8;
	[tilespmem:$0x1D000] =	vst v63  }
0x19c: {  	_ =	swait.ge [sflag:s10], $0x4000  }
0x19d: {  	[sflag:s10] =	ssyncset.done $0x0  }
0x19e: {  	[sflag:s10] =	ssyncadd.s32 $0xFFFFC000  }
0x19f: {  	_ =	swait.ge [sflag:s16], $0x4000  }
0x1a0: {  	[sflag:s16] =	ssyncset.done $0x0  }
0x1a1: {  	[sflag:s16] =	ssyncadd.s32 $0xFFFFC000  }
0x1a2: {  	[spmem:s2] =	stream.indirect.scatter.add.f32 [tilespmem:s14], [sflag:$0x3], $0x80, s21, s12, $0xb8;
	[tilespmem:$0x1D000] =	vst v63  }
0x1a3: {  	_ =	swait.ge [sflag:s10], $0x4000  }
0x1a4: {  	[sflag:s10] =	ssyncset.done $0x0  }
0x1a5: {  	[sflag:s10] =	ssyncadd.s32 $0xFFFFC000  }
0x1a6: {  	[tilespmem:s13], [sflag:$0x1] =	stream.indirect.gather [hbm4b:s4+s12], $0x80, s22, s12, $0xb8;
	[tilespmem:$0x1D000] =	vst v63  }
0x1a7: {  	_ = 	snop  }
0x1a8: {  	[tilespmem:s14], [sflag:$0x2] =	stream.indirect.gather [hbm4b:s4+s12], $0x80, s23, s12, $0xb8;
	[tilespmem:$0x1D000] =	vst v63  }
0x1a9: {  	_ =	swait.ge [sflag:s15], $0x4000  }
0x1aa: {  	[sflag:s15] =	ssyncset.done $0x0  }
0x1ab: {  	[sflag:s15] =	ssyncadd.s32 $0xFFFFC000  }
0x1ac: {  	[spmem:s2] =	stream.indirect.scatter.add.f32 [tilespmem:s13], [sflag:$0x3], $0x80, s24, s12, $0xb8;
	[tilespmem:$0x1D000] =	vst v63  }
0x1ad: {  	_ =	swait.ge [sflag:s10], $0x4000  }
0x1ae: {  	[sflag:s10] =	ssyncset.done $0x0  }
0x1af: {  	[sflag:s10] =	ssyncadd.s32 $0xFFFFC000  }
0x1b0: {  	_ =	swait.ge [sflag:s16], $0x4000  }
0x1b1: {  	[sflag:s16] =	ssyncset.done $0x0  }
0x1b2: {  	[sflag:s16] =	ssyncadd.s32 $0xFFFFC000  }
0x1b3: {  	[spmem:s2] =	stream.indirect.scatter.add.f32 [tilespmem:s14], [sflag:$0x3], $0x80, s25, s12, $0xb8;
	[tilespmem:$0x1D000] =	vst v63  }
0x1b4: {  	_ =	swait.ge [sflag:s10], $0x4000  }
0x1b5: {  	[sflag:s10] =	ssyncset.done $0x0  }
0x1b6: {  	[sflag:s10] =	ssyncadd.s32 $0xFFFFC000  }
0x1b7: {  	[tilespmem:s13], [sflag:$0x1] =	stream.indirect.gather [hbm4b:s4+s12], $0x80, s26, s12, $0xb8;
	[tilespmem:$0x1D000] =	vst v63  }
0x1b8: {  	_ = 	snop  }
0x1b9: {  	[tilespmem:s14], [sflag:$0x2] =	stream.indirect.gather [hbm4b:s4+s12], $0x80, s28, s12, $0xb8;
	[tilespmem:$0x1D000] =	vst v63  }
0x1ba: {  	_ =	swait.ge [sflag:s15], $0x4000  }
0x1bb: {  	[sflag:s15] =	ssyncset.done $0x0  }
0x1bc: {  	[sflag:s15] =	ssyncadd.s32 $0xFFFFC000  }
0x1bd: {  	[spmem:s2] =	stream.indirect.scatter.add.f32 [tilespmem:s13], [sflag:$0x3], $0x80, s29, s12, $0xb8;
	[tilespmem:$0x1D000] =	vst v63  }
0x1be: {  	_ =	swait.ge [sflag:s10], $0x4000  }
0x1bf: {  	[sflag:s10] =	ssyncset.done $0x0  }
0x1c0: {  	[sflag:s10] =	ssyncadd.s32 $0xFFFFC000  }
0x1c1: {  	_ =	swait.ge [sflag:s16], $0x4000  }
0x1c2: {  	[sflag:s16] =	ssyncset.done $0x0  }
0x1c3: {  	[sflag:s16] =	ssyncadd.s32 $0xFFFFC000  }
0x1c4: {  	[spmem:s2] =	stream.indirect.scatter.add.f32 [tilespmem:s14], [sflag:$0x3], $0x80, s30, s12, $0xb8;
	[tilespmem:$0x1D000] =	vst v63  }
0x1c5: {  	_ =	swait.ge [sflag:s10], $0x4000  }
0x1c6: {  	[sflag:s10] =	ssyncset.done $0x0  }
0x1c7: {  	[sflag:s10] =	ssyncadd.s32 $0xFFFFC000  }
0x1c8: {  	[tilespmem:s13], [sflag:$0x1] =	stream.indirect.gather [hbm4b:s4+s12], $0x80, s31, s12, $0xb8;
	[tilespmem:$0x1D000] =	vst v63  }
0x1c9: {  	_ = 	snop  }
0x1ca: {  	[tilespmem:s14], [sflag:$0x2] =	stream.indirect.gather [hbm4b:s4+s12], $0x80, s1, s12, $0xb8;
	[tilespmem:$0x1D000] =	vst v63  }
0x1cb: {  	_ =	swait.ge [sflag:s15], $0x4000  }
0x1cc: {  	[sflag:s15] =	ssyncset.done $0x0  }
0x1cd: {  	[sflag:s15] =	ssyncadd.s32 $0xFFFFC000  }
0x1ce: {  	[spmem:s2] =	stream.indirect.scatter.add.f32 [tilespmem:s13], [sflag:$0x3], $0x80, s0, s12, $0xb8;
	[tilespmem:$0x1D000] =	vst v63  }
0x1cf: {  	_ =	swait.ge [sflag:s10], $0x4000  }
0x1d0: {  	[sflag:s10] =	ssyncset.done $0x0  }
0x1d1: {  	[sflag:s10] =	ssyncadd.s32 $0xFFFFC000  }
0x1d2: {  	_ =	swait.ge [sflag:s16], $0x4000  }
0x1d3: {  	[sflag:s16] =	ssyncset.done $0x0  }
0x1d4: {  	[sflag:s16] =	ssyncadd.s32 $0xFFFFC000  }
0x1d5: {  	[spmem:s2] =	stream.indirect.scatter.add.f32 [tilespmem:s14], [sflag:$0x3], $0x80, s5, s12, $0xb8;
	[tilespmem:$0x1D000] =	vst v63  }
0x1d6: {  	_ =	swait.ge [sflag:s10], $0x4000  }
0x1d7: {  	[sflag:s10] =	ssyncset.done $0x0  }
0x1d8: {  	[sflag:s10] =	ssyncadd.s32 $0xFFFFC000  }
0x1d9: {  	[bflag:$0x0] =	sbarrier.arrive $0xFFFF  }
0x1da: {  	s8 =	rddreg [dreg:$0x12]  }
0x1db: {  	s9 =	rddreg [dreg:$0x13]  }
0x1dc: {  	s7 =	rddreg [dreg:$0x15]  }
0x1dd: {  	[hbm:s9], [sflag:s8] =	dma.local [spmem:s7], $0x2800  }
0x1de: {  	_ =	swait.ge [sflag:s10], $0x2800  }
0x1df: {  	s6 =	rddreg [dreg:$0x16]  }
0x1e0: {  	s9 =	sadd.s32 $0x1, s6;
	s6 =	rddreg [dreg:$0x14]  }
0x1e1: {  	p0 =	sne.s32 s9, s6  }
.Ltmp1:
0x1e2: {  	_ = 	snop;
	(pc) =	sbr.rel @p0 .LBB2_1-.Ltmp1, $3  }
0x1e3: {  	_ =	sdelay $0x1  }
0x1e4: {  	[sflag:s10] =	ssyncset.done $0x0  }
0x1e5: {  	[sflag:s10] =	ssyncadd.s32 $0xFFFFD800  }
0x1e6: {  	_ =	sfence.sel $0x180000  }
0x1e7: {  	[bflag:$0x0] =	sbarrier.arrive $0xFFFF  }
0x1e8: {  	_ =	strace $0x9000004D  }
0x1e9: {  	s0 =	stileid.u32;
	[bflag:$0x2] =	sbarrier.arrive $0xFFFF  }
0x1ea: {  	p0 =	sne.s32 s0, $0x0;
	s0 =	rddreg [dreg:$0x2]  }
0x1eb: {  	s0 =	sadd.s32 @!p0 $0x100000, s0  }
0x1ec: {  	[sflag:s0] =	ssyncadd.tile.s32 @!p0 $0x1;
	_ =	shalt  }
.Lfunc_end2:
_tile_overlayer_lowered:
.L_overlay_start_2:
0x1ed: {  	(tag) =	ssettag $0x2  }
0x1ee: {  	s0 =	rddreg [dreg:$0x0];
	s2 =	stileid.u32  }
0x1ef: {  	s1 =	rddreg [dreg:$0x1];
	p0 =	sne.s32 s2, $0x0  }
0x1f0: {  	s3 =	rddreg [dreg:$0x2];
	[bflag:$0x3] =	sbarrier.arrive $0xFFFF;
	s2 =	simm.s32 @!p0 $0x1C03  }
0x1f1: {  	[timem:s3], [sflag:s2] =	dma.local @!p0 [hbm:s0], s1  }
0x1f2: {  	s0 =	simm.s32 @!p0 $0x3  }
0x1f3: {  	_ =	swait.ge @!p0 [sflag:s0], s1  }
0x1f4: {  	s1 =	ssub.s32 @!p0 $0x0, s1;
	[sflag:s0] =	ssyncset.done @!p0 $0x0  }
0x1f5: {  	[sflag:s0] =	ssyncadd.s32 @!p0 s1  }
0x1f6: {  	[bflag:$0x3] =	sbarrier.arrive $0xFFFF  }
0x1f7: {  	_ =	shalt  }

// kernel: kernel.19.cloned.1.call-start
scs
__scs_entry_jumppad:
0x0: {  	(pc) =	sbr.rel $0x88, $3  }
0x1: {  	(tag) =	ssettag $0x0;
	lr =	simm.s32 $0x1  }
0x2: {  	[smem:$0x3F7F] =	sst lr;
	_ =	strace $0xD0000000  }
0x3: {  	_ = 	snop  }
0x4: {  	_ = 	snop  }
0x5: {  	_ = 	snop  }
0x6: {  	_ = 	snop  }
0x7: {  	_ = 	snop  }
__scs_overlays_trampoline_lowered:
0x8: {  	[smem:$0x3F8E] =	sst s0  }
0x9: {  	[smem:$0x3F8F] =	sst s1  }
0xa: {  	[smem:$0x3F90] =	sst s2  }
0xb: {  	[smem:$0x3F91] =	sst s3  }
0xc: {  	[smem:$0x3F92] =	sst s4  }
0xd: {  	[smem:$0x3F93] =	sst s5  }
0xe: {  	[smem:$0x3F94] =	sst s6  }
0xf: {  	[smem:$0x3F95] =	sst s7  }
0x10: {  	[smem:$0x3F96] =	sst s8  }
0x11: {  	[smem:$0x3F97] =	sst s9;
	s0 =	simm.s32 @!p0 $0x0  }
0x12: {  	s1 =	sld [smem:$0x3F7D];
	s0 =	simm.s32 @p0 $0x1  }
0x13: {  	[smem:$0x3F98] =	sst s0;
	s0 =	simm.s32 @!p1 $0x0  }
0x14: {  	s2 =	sld [smem:$0x3F7C];
	s0 =	simm.s32 @p1 $0x1  }
0x15: {  	[smem:$0x3F99] =	sst s0;
	s0 =	simm.s32 @!p2 $0x0  }
0x16: {  	s3 =	sld [smem:$0x3FDB];
	s0 =	simm.s32 @p2 $0x1  }
0x17: {  	s4 =	simm.s32 $0x1BF5;
	[smem:$0x3F9B] =	sst s0  }
0x18: {  	s0 =	sld [smem:$0x3F7E];
	_ =	swait.ge [sflag:s4], $0x0  }
0x19: {  	s7 =	sld [smem:$0x3F7F]  }
0x1a: {  	s8 =	sadd.s32 $0xFFFFE003, lr  }
0x1b: {  	s9 =	sadd.s32 $0xFFFFFEF7, lr;
	s5 =	simm.s32 $0xFFFFFFFF;
	p2 =	slt.u32 s8, $0xFFFFF086  }
0x1c: {  	p1 =	slt.u32 s9, $0xF7A;
	s5 =	simm.s32 @!p2 $0x0  }
0x1d: {  	s5 =	simm.s32 @p1 $0x1;
	p0 =	seq.s32 s7, s2  }
0x1e: {  	s7 =	smul.u32 @!p0 $0xF7A, s2;
	p2 =	seq.s32 @!p0 s5, $0x0  }
0x1f: {  	s9 =	smul.u32 $0xF7A, s1;
	s8 =	simm.s32 @!p0 $0x1BF5;
	p2 =	por !p2, p0  }
0x20: {  	[sflag:s8] =	ssyncset.s32 @!p0 $0xFFFFF086;
	s6 =	sadd.s32 @!p0 s3, s7;
	s7 =	simm.s32 @!p0 $0x108  }
0x21: {  	s3 =	sadd.s32 s3, s9;
	s6 =	sadd.s32 @!p0 $0x88, s6;
	s7 =	simm.s32 @p2 $0x1082  }
0x22: {  	[simem:s7], [sflag:s8] =	dma.local @!p0 [hbm:s6], $0xF7A  }
0x23: {  	s9 =	sor.u32 $0xD0000000, s2;
	s6 =	simm.s32 $0x108;
	_ =	swait.ge @!p0 [sflag:s8], $0x0  }
0x24: {  	s3 =	sadd.s32 $0x88, s3;
	s6 =	simm.s32 @!p1 $0x1082;
	[sflag:s4] =	ssyncset.s32 $0xFFFFF086  }
0x25: {  	[simem:s6], [sflag:s4] =	dma.local [hbm:s3], $0xF7A  }
0x26: {  	[smem:$0x3F7F] =	sst s1;
	(tag) =	ssettag s2;
	_ =	strace s9  }
0x27: {  	s1 =	sld [smem:$0x3F8F]  }
0x28: {  	s2 =	sld [smem:$0x3F90]  }
0x29: {  	s4 =	sld [smem:$0x3F92]  }
0x2a: {  	p0 =	seq.s32 s5, $0x0;
	s5 =	sld [smem:$0x3F93]  }
0x2b: {  	s6 =	sld [smem:$0x3F94]  }
0x2c: {  	s7 =	sld [smem:$0x3F95]  }
0x2d: {  	s3 =	simm.s32 $0x108;
	s8 =	sld [smem:$0x3F96]  }
0x2e: {  	s3 =	simm.s32 @!p0 $0x1082;
	s9 =	sld [smem:$0x3F97]  }
0x2f: {  	lr =	sadd.s32 s0, s3;
	s0 =	sld [smem:$0x3F8E]  }
0x30: {  	s3 =	sld [smem:$0x3F91]  }
0x31: {  	[smem:$0x3F9A] =	sst s10  }
0x32: {  	s10 =	sld [smem:$0x3F98];
	_ =	sdelay $0x3  }
0x33: {  	p0 =	seq.s32 s10, $0x1;
	s10 =	sld [smem:$0x3F9A];
	_ =	sdelay $0x3  }
0x34: {  	[smem:$0x3F9A] =	sst s10  }
0x35: {  	s10 =	sld [smem:$0x3F99];
	_ =	sdelay $0x3  }
0x36: {  	p1 =	seq.s32 s10, $0x1;
	s10 =	sld [smem:$0x3F9A];
	_ =	sdelay $0x3  }
0x37: {  	[smem:$0x3F9A] =	sst s10  }
0x38: {  	s10 =	sld [smem:$0x3F9B]  }
0x39: {  	_ = 	snop;
	(pc) =	sbr.ind lr, $3  }
0x3a: {  	_ = 	snop  }
0x3b: {  	_ = 	snop  }
0x3c: {  	p2 =	seq.s32 s10, $0x1;
	s10 =	sld [smem:$0x3F9A]  }
0x3d: {  	_ =	shalt  }
0x3e: {  	_ =	shalt  }
0x3f: {  	_ =	shalt  }
0x40: {  	_ =	shalt  }
0x41: {  	_ =	shalt  }
0x42: {  	_ =	shalt  }
0x43: {  	_ =	shalt  }
0x44: {  	_ =	shalt  }
0x45: {  	_ =	shalt  }
0x46: {  	_ =	shalt  }
0x47: {  	_ =	shalt  }
0x48: {  	_ =	shalt  }
0x49: {  	_ =	shalt  }
0x4a: {  	_ =	shalt  }
0x4b: {  	_ =	shalt  }
0x4c: {  	_ =	shalt  }
0x4d: {  	_ =	shalt  }
0x4e: {  	_ =	shalt  }
0x4f: {  	_ =	shalt  }
0x50: {  	_ =	shalt  }
0x51: {  	_ =	shalt  }
0x52: {  	_ =	shalt  }
0x53: {  	_ =	shalt  }
0x54: {  	_ =	shalt  }
0x55: {  	_ =	shalt  }
0x56: {  	_ =	shalt  }
0x57: {  	_ =	shalt  }
0x58: {  	_ =	shalt  }
0x59: {  	_ =	shalt  }
0x5a: {  	_ =	shalt  }
0x5b: {  	_ =	shalt  }
0x5c: {  	_ =	shalt  }
0x5d: {  	_ =	shalt  }
0x5e: {  	_ =	shalt  }
0x5f: {  	_ =	shalt  }
0x60: {  	_ =	shalt  }
0x61: {  	_ =	shalt  }
0x62: {  	_ =	shalt  }
0x63: {  	_ =	shalt  }
0x64: {  	_ =	shalt  }
0x65: {  	_ =	shalt  }
0x66: {  	_ =	shalt  }
0x67: {  	_ =	shalt  }
0x68: {  	_ =	shalt  }
0x69: {  	_ =	shalt  }
0x6a: {  	_ =	shalt  }
0x6b: {  	_ =	shalt  }
0x6c: {  	_ =	shalt  }
0x6d: {  	_ =	shalt  }
0x6e: {  	_ =	shalt  }
0x6f: {  	_ =	shalt  }
0x70: {  	_ =	shalt  }
0x71: {  	_ =	shalt  }
0x72: {  	_ =	shalt  }
0x73: {  	_ =	shalt  }
0x74: {  	_ =	shalt  }
0x75: {  	_ =	shalt  }
0x76: {  	_ =	shalt  }
0x77: {  	_ =	shalt  }
0x78: {  	_ =	shalt  }
0x79: {  	_ =	shalt  }
0x7a: {  	_ =	shalt  }
0x7b: {  	_ =	shalt  }
0x7c: {  	_ =	shalt  }
0x7d: {  	_ =	shalt  }
0x7e: {  	_ =	shalt  }
0x7f: {  	_ =	shalt  }
0x80: {  	_ =	shalt  }
0x81: {  	_ =	shalt  }
0x82: {  	_ =	shalt  }
0x83: {  	_ =	shalt  }
0x84: {  	_ =	shalt  }
0x85: {  	_ =	shalt  }
0x86: {  	_ =	shalt  }
0x87: {  	_ =	shalt  }
.Lfunc_end0:
.L_simem_size_0:
called_computation.3_lowered:
.L_overlay_start_0:
0x88: {  	s2 =	sld [smem:$0x3FD9]  }
0x89: {  	s3 =	sld [smem:$0x3FFE];
	_ =	sdelay $0x1  }
0x8a: {  	s1 =	srdreg.scid  }
0x8b: {  	s0 =	sand.u32 $0x1, s1  }
0x8c: {  	s16 =	sshll.u32 s0, $0xA;
	s2 =	sadd.s32 s3, s2  }
0x8d: {  	s2 =	sadd.s32 s2, s16  }
0x8e: {  	[smem:$0x3FA6] =	sst s2  }
0x8f: {  	_ = 	snop  }
0x90: {  	(tm) =	ssettm $0x1  }
0x91: {  	s17 =	sld [smem:$0x3FFB];
	_ =	sdelay $0x3  }
0x92: {  	_ =	strace s17  }
0x93: {  	s2 =	sld [smem:$0x3FFC];
	_ =	sdelay $0x3  }
0x94: {  	_ =	strace s2  }
0x95: {  	s2 =	sld [smem:$0x3FFD];
	_ =	sdelay $0x3  }
0x96: {  	_ =	strace s2  }
0x97: {  	_ =	strace $0x8FFFFFFF  }
0x98: {  	s18 =	sld [smem:$0x3FDB];
	_ =	sdelay $0x1  }
0x99: {  	s19 =	simm.s32 $_scs_section_size  }
0x9a: {  	s4 =	simm.s32 $_size__tile_overlayer_lowered;
	s5 =	simm.s32 $_tile_overlayer_lowered  }
0x9b: {  	s22 =	simm.s32 $0x1BFF;
	s21 =	sshll.u32 s5, $0x1;
	s2 =	sadd.s32 s19, s18  }
0x9c: {  	s6 =	simm.s32 $0x0;
	s20 =	sshll.u32 s4, $0x1;
	s4 =	sadd.s32 s21, s2  }
0x9d: {  	[timem:s6], [sflag:s22] =	dma.local [hbm:s4], s20  }
0x9e: {  	_ =	swait.ge [sflag:s22], s20  }
0x9f: {  	s3 =	ssub.s32 $0x0, s20;
	[sflag:s22] =	ssyncset.done $0x0  }
0xa0: {  	[sflag:s22] =	ssyncadd.s32 s3;
	_ =	sdelay $0x1  }
0xa1: {  	s23 =	simm.s32 $0x1B8B  }
0xa2: {  	_ =	swait.ge [sflag:s23], $0x1  }
0xa3: {  	[sflag:s23] =	ssyncset.done $0x0  }
0xa4: {  	s25 =	simm.s32 $0x1B8E;
	s24 =	sld [smem:$0x3FFE];
	[sflag:s23] =	ssyncadd.s32 $0xFFFFFFFF  }
0xa5: {  	s26 =	simm.s32 $execute0_lowered;
	[smem:$0x3FD2] =	sst s25  }
0xa6: {  	s4 =	sshll.u32 s26, $0x1;
	_ =	strace $0x8000004F;
	[dreg:$0x1] =	wrdreg $0xFFFFFFFF  }
0xa7: {  	s28 =	simm.s32 $_size_execute0_lowered;
	s2 =	sadd.s32 s2, s4;
	[dreg:$0x0] =	wrdreg $0x0  }
0xa8: {  	s4 =	sshll.u32 s28, $0x1;
	[dreg:$0x2] =	wrdreg s2  }
0xa9: {  	[dreg:$0x3] =	wrdreg s4  }
0xaa: {  	[dreg:$0x4] =	wrdreg $0xC0  }
0xab: {  	_ =	task [dreg:s6], $0x5FFFF  }
0xac: {  	[dreg:$0x1] =	wrdreg $0xFFFFFFFF  }
0xad: {  	[dreg:$0x0] =	wrdreg $0x60  }
0xae: {  	[dreg:$0x2] =	wrdreg s24  }
0xaf: {  	[dreg:$0x3] =	wrdreg $0x90000  }
0xb0: {  	[dreg:$0x4] =	wrdreg $0x9  }
0xb1: {  	_ =	task.clear_ibuf [dreg:s6], $0x5FFFF;
	_ =	strace $0x9000004F  }
0xb2: {  	s29 =	simm.s32 $0x9;
	_ =	strace $0x80000051  }
0xb3: {  	_ =	swait.ge [sflag:s29], $0x1  }
0xb4: {  	[sflag:s29] =	ssyncadd.s32 $0xFFFFFFFF  }
0xb5: {  	_ =	strace $0x90000051  }
0xb6: {  	_ =	sfence  }
0xb7: {  	s30 =	sld [smem:$0x0];
	_ =	sdelay $0x2  }
0xb8: {  	s31 =	sshll.u32 s1, $0xD;
	s1 =	sshrl.u32 s1, $0x2  }
0xb9: {  	s3 =	sand.u32 $0x4000, s31;
	s1 =	sadd.s32 s1, s30  }
0xba: {  	s0 =	sor.u32 s3, s0;
	s1 =	sshll.u32 s1, $0x11  }
0xbb: {  	s0 =	sor.u32 s1, s0  }
0xbc: {  	s0 =	sadd.s32 $0x8F2B, s0  }
0xbd: {  	[sflag:s0] =	ssyncadd.remote.s32 $0x1  }
0xbe: {  	_ =	sfence.sel $0xFFFF  }
0xbf: {  	[dreg:$0x0] =	wrdreg $0xFFFFFFFF;
	(pc) =	sbr.abs _section_cstart, $3  }
0xc0: {  	[dreg:$0x1] =	wrdreg $0xFFFFFFFF  }
0xc1: {  	_ =	task.clear_ibuf [dreg:s6], $0x2FFFF;
	_ =	strace $0x9FFFFFFF  }
0xc2: {  	(tm) =	ssettm $0x7FFFFFFF  }
0xc3: {  	_ =	shalt  }
tec
execute0_lowered:
.L_overlay_start_1:
0x0: {  	(tag) =	ssettag $0x1  }
0x1: {  	s0 =	srdreg.scid;
	s1 =	rddreg [dreg:$0x0]  }
0x2: {  	s10 =	stileid.u32;
	s2 =	rddreg [dreg:$0x1];
	s3 =	simm.s32 $0x0  }
0x3: {  	s13 =	simm.s32 $0x880;
	s14 =	simm.s32 $0x100;
	s16 =	simm.s32 $0x180  }
0x4: {  	s17 =	simm.s32 $0x900;
	s18 =	simm.s32 $0x980;
	s20 =	simm.s32 $0x200  }
0x5: {  	s21 =	simm.s32 $0x280;
	s22 =	simm.s32 $0xA00;
	[smem:$0x7FF] =	sst s3  }
0x6: {  	s23 =	simm.s32 $0xA80;
	_ =	strace $0x80000050;
	[dreg:$0x5] =	wrdreg s13  }
0x7: {  	s24 =	simm.s32 $0x300;
	s28 =	simm.s32 $0x680;
	[dreg:$0x6] =	wrdreg s14  }
0x8: {  	s29 =	simm.s32 $0xE00;
	s5 =	smul.u32 $0x5000, s10;
	[dreg:$0x7] =	wrdreg s16  }
0x9: {  	s30 =	simm.s32 $0xE80;
	s7 =	smul.u32 $0x14000, s10;
	[dreg:$0x8] =	wrdreg s17  }
0xa: {  	s31 =	simm.s32 $0x700;
	s9 =	smul.u32 $0x50000, s10;
	[dreg:$0x9] =	wrdreg s18  }
0xb: {  	s0 =	sand.u32 $0x1, s0;
	s11 =	smul.u32 $0x2800, s10;
	[dreg:$0xa] =	wrdreg s20  }
0xc: {  	s15 =	sshll.u32 s10, $0x6;
	s4 =	smul.u32 $0x50000, s0;
	[dreg:$0xb] =	wrdreg s21  }
0xd: {  	s10 =	simm.s32 $0x3;
	s6 =	smul.u32 $0x140000, s0;
	[dreg:$0xc] =	wrdreg s22  }
0xe: {  	s25 =	ssub.s32 $0x2, s0;
	s0 =	smul.u32 $0x28000, s0;
	[dreg:$0xd] =	wrdreg s23  }
0xf: {  	s13 =	simm.s32 $0x1000;
	[dreg:$0xe] =	wrdreg s24;
	s14 =	simm.s32 $0x5000  }
0x10: {  	s16 =	simm.s32 $0x2;
	s17 =	simm.s32 $0xB80;
	s18 =	simm.s32 $0x400  }
0x11: {  	s20 =	simm.s32 $0xC00;
	s21 =	simm.s32 $0xC80;
	s22 =	simm.s32 $0x500  }
0x12: {  	s23 =	simm.s32 $0x580;
	s24 =	simm.s32 $0xD00;
	s8 =	sshrl.u32 s25, $0x1  }
0x13: {  	s9 =	sshrl.u32 s9, $0x2;
	s5 =	sadd.s32 s5, s4;
	s4 =	sadd.s32 $0x6A00, s1  }
0x14: {  	s6 =	sadd.s32 s7, s6;
	s26 =	ssub.s32 s25, s8;
	s7 =	sadd.s32 s9, s2  }
0x15: {  	s0 =	sadd.s32 s11, s0;
	s8 =	sor.u32 $0x1C03, s15;
	s25 =	simm.s32 $0x380  }
0x16: {  	s11 =	simm.s32 $0x800;
	s15 =	simm.s32 $0x1;
	[dreg:$0xf] =	wrdreg s25  }
0x17: {  	s9 =	simm.s32 $0x0;
	s0 =	sadd.s32 s4, s0;
	[dreg:$0x12] =	wrdreg s8  }
0x18: {  	s5 =	sshrl.u32 s5, $0x3;
	s19 =	smax.u32 s26, $0x1;
	[dreg:$0x11] =	wrdreg s0  }
0x19: {  	s6 =	sshrl.u32 s6, $0x3;
	s26 =	simm.s32 $0xB00;
	[dreg:$0x14] =	wrdreg s19  }
0x1a: {  	s7 =	sshrl.u32 s7, $0x3;
	s5 =	sadd.s32 s5, s1;
	[dreg:$0x10] =	wrdreg s26  }
0x1b: {  	s25 =	simm.s32 $0xD80;
	[dreg:$0x15] =	wrdreg s7;
	s12 =	sadd.s32 $0x56A00, s5  }
0x1c: {  	s1 =	sadd.s32 s6, s1;
	s5 =	sadd.s32 $0x6AA00, s5;
	[dreg:$0x3] =	wrdreg s12  }
0x1d: {  	s19 =	simm.s32 $0x480;
	s1 =	sadd.s32 $0xCEA00, s1;
	[dreg:$0x4] =	wrdreg s5  }
0x1e: {  	s26 =	simm.s32 $0x600;
	s0 =	simm.s32 $0xF00;
	[dreg:$0x13] =	wrdreg s1  }
0x1f: {  	s12 =	simm.s32 $0x80;
	s1 =	simm.s32 $0x780;
	s5 =	simm.s32 $0xF80  }
.LBB2_1:
0x20: {  	[dreg:$0x16] =	wrdreg s9  }
0x21: {  	s6 =	rddreg [dreg:$0x11]  }
0x22: {  	[spmem:s7], [sflag:s8] =	dma.local [hbm:s6], $0x2800  }
0x23: {  	_ =	swait.ge [sflag:s10], $0x2800  }
0x24: {  	[sflag:s10] =	ssyncset.done $0x0  }
0x25: {  	[sflag:s10] =	ssyncadd.s32 $0xFFFFD800  }
0x26: {  	[bflag:$0x0] =	sbarrier.arrive $0xFFFF  }
0x27: {  	s9 =	rddreg [dreg:$0x4]  }
0x28: {  	s6 =	sadd.s32 $0x0, s9  }
0x29: {  	[tilespmem:s3], [sflag:$0x3] =	stream.linear.gather [hbm4b:s6+s3], $0x800, $0x38;
	[tilespmem:$0x1D000] =	vst v63  }
0x2a: {  	_ =	swait.ge [sflag:s10], $0x800  }
0x2b: {  	s7 =	rddreg [dreg:$0x3];
	[sflag:s10] =	ssyncset.done $0x0  }
0x2c: {  	[sflag:s10] =	ssyncadd.s32 $0xFFFFF800;
	s6 =	sadd.s32 $0x0, s7  }
0x2d: {  	[tilespmem:s11], [sflag:$0x3] =	stream.linear.gather [hbm4b:s6+s3], $0x800, $0x38;
	[tilespmem:$0x1D000] =	vst v63  }
0x2e: {  	_ =	swait.ge [sflag:s10], $0x800  }
0x2f: {  	[sflag:s10] =	ssyncset.done $0x0  }
0x30: {  	[sflag:s10] =	ssyncadd.s32 $0xFFFFF800  }
0x31: {  	[tilespmem:s13], [sflag:$0x1] =	stream.indirect.gather [hbm4b:s4+s12], $0x80, s3, s12, $0xb8;
	[tilespmem:$0x1D000] =	vst v63  }
0x32: {  	_ = 	snop  }
0x33: {  	[tilespmem:s14], [sflag:$0x2] =	stream.indirect.gather [hbm4b:s4+s12], $0x80, s12, s12, $0xb8;
	[tilespmem:$0x1D000] =	vst v63  }
0x34: {  	_ =	swait.ge [sflag:s15], $0x4000  }
0x35: {  	[sflag:s15] =	ssyncset.done $0x0  }
0x36: {  	[sflag:s15] =	ssyncadd.s32 $0xFFFFC000  }
0x37: {  	[spmem:s2] =	stream.indirect.scatter.add.f32 [tilespmem:s13], [sflag:$0x3], $0x80, s11, s12, $0xb8;
	[tilespmem:$0x1D000] =	vst v63  }
0x38: {  	_ =	swait.ge [sflag:s10], $0x4000  }
0x39: {  	[sflag:s10] =	ssyncset.done $0x0  }
0x3a: {  	[sflag:s10] =	ssyncadd.s32 $0xFFFFC000  }
0x3b: {  	_ =	swait.ge [sflag:s16], $0x4000  }
0x3c: {  	[sflag:s16] =	ssyncset.done $0x0  }
0x3d: {  	s8 =	rddreg [dreg:$0x5];
	[sflag:s16] =	ssyncadd.s32 $0xFFFFC000  }
0x3e: {  	[spmem:s2] =	stream.indirect.scatter.add.f32 [tilespmem:s14], [sflag:$0x3], $0x80, s8, s12, $0xb8;
	[tilespmem:$0x1D000] =	vst v63  }
0x3f: {  	_ =	swait.ge [sflag:s10], $0x4000  }
0x40: {  	[sflag:s10] =	ssyncset.done $0x0  }
0x41: {  	s9 =	rddreg [dreg:$0x6];
	[sflag:s10] =	ssyncadd.s32 $0xFFFFC000  }
0x42: {  	[tilespmem:s13], [sflag:$0x1] =	stream.indirect.gather [hbm4b:s4+s12], $0x80, s9, s12, $0xb8;
	[tilespmem:$0x1D000] =	vst v63  }
0x43: {  	s7 =	rddreg [dreg:$0x7]  }
0x44: {  	[tilespmem:s14], [sflag:$0x2] =	stream.indirect.gather [hbm4b:s4+s12], $0x80, s7, s12, $0xb8;
	[tilespmem:$0x1D000] =	vst v63  }
0x45: {  	_ =	swait.ge [sflag:s15], $0x4000  }
0x46: {  	[sflag:s15] =	ssyncset.done $0x0  }
0x47: {  	s9 =	rddreg [dreg:$0x8];
	[sflag:s15] =	ssyncadd.s32 $0xFFFFC000  }
0x48: {  	[spmem:s2] =	stream.indirect.scatter.add.f32 [tilespmem:s13], [sflag:$0x3], $0x80, s9, s12, $0xb8;
	[tilespmem:$0x1D000] =	vst v63  }
0x49: {  	_ =	swait.ge [sflag:s10], $0x4000  }
0x4a: {  	[sflag:s10] =	ssyncset.done $0x0  }
0x4b: {  	[sflag:s10] =	ssyncadd.s32 $0xFFFFC000  }
0x4c: {  	_ =	swait.ge [sflag:s16], $0x4000  }
0x4d: {  	[sflag:s16] =	ssyncset.done $0x0  }
0x4e: {  	s7 =	rddreg [dreg:$0x9];
	[sflag:s16] =	ssyncadd.s32 $0xFFFFC000  }
0x4f: {  	[spmem:s2] =	stream.indirect.scatter.add.f32 [tilespmem:s14], [sflag:$0x3], $0x80, s7, s12, $0xb8;
	[tilespmem:$0x1D000] =	vst v63  }
0x50: {  	_ =	swait.ge [sflag:s10], $0x4000  }
0x51: {  	[sflag:s10] =	ssyncset.done $0x0  }
0x52: {  	s8 =	rddreg [dreg:$0xa];
	[sflag:s10] =	ssyncadd.s32 $0xFFFFC000  }
0x53: {  	[tilespmem:s13], [sflag:$0x1] =	stream.indirect.gather [hbm4b:s4+s12], $0x80, s8, s12, $0xb8;
	[tilespmem:$0x1D000] =	vst v63  }
0x54: {  	s9 =	rddreg [dreg:$0xb]  }
0x55: {  	[tilespmem:s14], [sflag:$0x2] =	stream.indirect.gather [hbm4b:s4+s12], $0x80, s9, s12, $0xb8;
	[tilespmem:$0x1D000] =	vst v63  }
0x56: {  	_ =	swait.ge [sflag:s15], $0x4000  }
0x57: {  	[sflag:s15] =	ssyncset.done $0x0  }
0x58: {  	s7 =	rddreg [dreg:$0xc];
	[sflag:s15] =	ssyncadd.s32 $0xFFFFC000  }
0x59: {  	[spmem:s2] =	stream.indirect.scatter.add.f32 [tilespmem:s13], [sflag:$0x3], $0x80, s7, s12, $0xb8;
	[tilespmem:$0x1D000] =	vst v63  }
0x5a: {  	_ =	swait.ge [sflag:s10], $0x4000  }
0x5b: {  	[sflag:s10] =	ssyncset.done $0x0  }
0x5c: {  	[sflag:s10] =	ssyncadd.s32 $0xFFFFC000  }
0x5d: {  	_ =	swait.ge [sflag:s16], $0x4000  }
0x5e: {  	[sflag:s16] =	ssyncset.done $0x0  }
0x5f: {  	s8 =	rddreg [dreg:$0xd];
	[sflag:s16] =	ssyncadd.s32 $0xFFFFC000  }
0x60: {  	[spmem:s2] =	stream.indirect.scatter.add.f32 [tilespmem:s14], [sflag:$0x3], $0x80, s8, s12, $0xb8;
	[tilespmem:$0x1D000] =	vst v63  }
0x61: {  	_ =	swait.ge [sflag:s10], $0x4000  }
0x62: {  	[sflag:s10] =	ssyncset.done $0x0  }
0x63: {  	s9 =	rddreg [dreg:$0xe];
	[sflag:s10] =	ssyncadd.s32 $0xFFFFC000  }
0x64: {  	[tilespmem:s13], [sflag:$0x1] =	stream.indirect.gather [hbm4b:s4+s12], $0x80, s9, s12, $0xb8;
	[tilespmem:$0x1D000] =	vst v63  }
0x65: {  	s7 =	rddreg [dreg:$0xf]  }
0x66: {  	[tilespmem:s14], [sflag:$0x2] =	stream.indirect.gather [hbm4b:s4+s12], $0x80, s7, s12, $0xb8;
	[tilespmem:$0x1D000] =	vst v63  }
0x67: {  	_ =	swait.ge [sflag:s15], $0x4000  }
0x68: {  	[sflag:s15] =	ssyncset.done $0x0  }
0x69: {  	s9 =	rddreg [dreg:$0x10];
	[sflag:s15] =	ssyncadd.s32 $0xFFFFC000  }
0x6a: {  	[spmem:s2] =	stream.indirect.scatter.add.f32 [tilespmem:s13], [sflag:$0x3], $0x80, s9, s12, $0xb8;
	[tilespmem:$0x1D000] =	vst v63  }
0x6b: {  	_ =	swait.ge [sflag:s10], $0x4000  }
0x6c: {  	[sflag:s10] =	ssyncset.done $0x0  }
0x6d: {  	[sflag:s10] =	ssyncadd.s32 $0xFFFFC000  }
0x6e: {  	_ =	swait.ge [sflag:s16], $0x4000  }
0x6f: {  	[sflag:s16] =	ssyncset.done $0x0  }
0x70: {  	[sflag:s16] =	ssyncadd.s32 $0xFFFFC000  }
0x71: {  	[spmem:s2] =	stream.indirect.scatter.add.f32 [tilespmem:s14], [sflag:$0x3], $0x80, s17, s12, $0xb8;
	[tilespmem:$0x1D000] =	vst v63  }
0x72: {  	_ =	swait.ge [sflag:s10], $0x4000  }
0x73: {  	[sflag:s10] =	ssyncset.done $0x0  }
0x74: {  	[sflag:s10] =	ssyncadd.s32 $0xFFFFC000  }
0x75: {  	[tilespmem:s13], [sflag:$0x1] =	stream.indirect.gather [hbm4b:s4+s12], $0x80, s18, s12, $0xb8;
	[tilespmem:$0x1D000] =	vst v63  }
0x76: {  	_ = 	snop  }
0x77: {  	[tilespmem:s14], [sflag:$0x2] =	stream.indirect.gather [hbm4b:s4+s12], $0x80, s19, s12, $0xb8;
	[tilespmem:$0x1D000] =	vst v63  }
0x78: {  	_ =	swait.ge [sflag:s15], $0x4000  }
0x79: {  	[sflag:s15] =	ssyncset.done $0x0  }
0x7a: {  	[sflag:s15] =	ssyncadd.s32 $0xFFFFC000  }
0x7b: {  	[spmem:s2] =	stream.indirect.scatter.add.f32 [tilespmem:s13], [sflag:$0x3], $0x80, s20, s12, $0xb8;
	[tilespmem:$0x1D000] =	vst v63  }
0x7c: {  	_ =	swait.ge [sflag:s10], $0x4000  }
0x7d: {  	[sflag:s10] =	ssyncset.done $0x0  }
0x7e: {  	[sflag:s10] =	ssyncadd.s32 $0xFFFFC000  }
0x7f: {  	_ =	swait.ge [sflag:s16], $0x4000  }
0x80: {  	[sflag:s16] =	ssyncset.done $0x0  }
0x81: {  	[sflag:s16] =	ssyncadd.s32 $0xFFFFC000  }
0x82: {  	[spmem:s2] =	stream.indirect.scatter.add.f32 [tilespmem:s14], [sflag:$0x3], $0x80, s21, s12, $0xb8;
	[tilespmem:$0x1D000] =	vst v63  }
0x83: {  	_ =	swait.ge [sflag:s10], $0x4000  }
0x84: {  	[sflag:s10] =	ssyncset.done $0x0  }
0x85: {  	[sflag:s10] =	ssyncadd.s32 $0xFFFFC000  }
0x86: {  	[tilespmem:s13], [sflag:$0x1] =	stream.indirect.gather [hbm4b:s4+s12], $0x80, s22, s12, $0xb8;
	[tilespmem:$0x1D000] =	vst v63  }
0x87: {  	_ = 	snop  }
0x88: {  	[tilespmem:s14], [sflag:$0x2] =	stream.indirect.gather [hbm4b:s4+s12], $0x80, s23, s12, $0xb8;
	[tilespmem:$0x1D000] =	vst v63  }
0x89: {  	_ =	swait.ge [sflag:s15], $0x4000  }
0x8a: {  	[sflag:s15] =	ssyncset.done $0x0  }
0x8b: {  	[sflag:s15] =	ssyncadd.s32 $0xFFFFC000  }
0x8c: {  	[spmem:s2] =	stream.indirect.scatter.add.f32 [tilespmem:s13], [sflag:$0x3], $0x80, s24, s12, $0xb8;
	[tilespmem:$0x1D000] =	vst v63  }
0x8d: {  	_ =	swait.ge [sflag:s10], $0x4000  }
0x8e: {  	[sflag:s10] =	ssyncset.done $0x0  }
0x8f: {  	[sflag:s10] =	ssyncadd.s32 $0xFFFFC000  }
0x90: {  	_ =	swait.ge [sflag:s16], $0x4000  }
0x91: {  	[sflag:s16] =	ssyncset.done $0x0  }
0x92: {  	[sflag:s16] =	ssyncadd.s32 $0xFFFFC000  }
0x93: {  	[spmem:s2] =	stream.indirect.scatter.add.f32 [tilespmem:s14], [sflag:$0x3], $0x80, s25, s12, $0xb8;
	[tilespmem:$0x1D000] =	vst v63  }
0x94: {  	_ =	swait.ge [sflag:s10], $0x4000  }
0x95: {  	[sflag:s10] =	ssyncset.done $0x0  }
0x96: {  	[sflag:s10] =	ssyncadd.s32 $0xFFFFC000  }
0x97: {  	[tilespmem:s13], [sflag:$0x1] =	stream.indirect.gather [hbm4b:s4+s12], $0x80, s26, s12, $0xb8;
	[tilespmem:$0x1D000] =	vst v63  }
0x98: {  	_ = 	snop  }
0x99: {  	[tilespmem:s14], [sflag:$0x2] =	stream.indirect.gather [hbm4b:s4+s12], $0x80, s28, s12, $0xb8;
	[tilespmem:$0x1D000] =	vst v63  }
0x9a: {  	_ =	swait.ge [sflag:s15], $0x4000  }
0x9b: {  	[sflag:s15] =	ssyncset.done $0x0  }
0x9c: {  	[sflag:s15] =	ssyncadd.s32 $0xFFFFC000  }
0x9d: {  	[spmem:s2] =	stream.indirect.scatter.add.f32 [tilespmem:s13], [sflag:$0x3], $0x80, s29, s12, $0xb8;
	[tilespmem:$0x1D000] =	vst v63  }
0x9e: {  	_ =	swait.ge [sflag:s10], $0x4000  }
0x9f: {  	[sflag:s10] =	ssyncset.done $0x0  }
0xa0: {  	[sflag:s10] =	ssyncadd.s32 $0xFFFFC000  }
0xa1: {  	_ =	swait.ge [sflag:s16], $0x4000  }
0xa2: {  	[sflag:s16] =	ssyncset.done $0x0  }
0xa3: {  	[sflag:s16] =	ssyncadd.s32 $0xFFFFC000  }
0xa4: {  	[spmem:s2] =	stream.indirect.scatter.add.f32 [tilespmem:s14], [sflag:$0x3], $0x80, s30, s12, $0xb8;
	[tilespmem:$0x1D000] =	vst v63  }
0xa5: {  	_ =	swait.ge [sflag:s10], $0x4000  }
0xa6: {  	[sflag:s10] =	ssyncset.done $0x0  }
0xa7: {  	[sflag:s10] =	ssyncadd.s32 $0xFFFFC000  }
0xa8: {  	[tilespmem:s13], [sflag:$0x1] =	stream.indirect.gather [hbm4b:s4+s12], $0x80, s31, s12, $0xb8;
	[tilespmem:$0x1D000] =	vst v63  }
0xa9: {  	_ = 	snop  }
0xaa: {  	[tilespmem:s14], [sflag:$0x2] =	stream.indirect.gather [hbm4b:s4+s12], $0x80, s1, s12, $0xb8;
	[tilespmem:$0x1D000] =	vst v63  }
0xab: {  	_ =	swait.ge [sflag:s15], $0x4000  }
0xac: {  	[sflag:s15] =	ssyncset.done $0x0  }
0xad: {  	[sflag:s15] =	ssyncadd.s32 $0xFFFFC000  }
0xae: {  	[spmem:s2] =	stream.indirect.scatter.add.f32 [tilespmem:s13], [sflag:$0x3], $0x80, s0, s12, $0xb8;
	[tilespmem:$0x1D000] =	vst v63  }
0xaf: {  	_ =	swait.ge [sflag:s10], $0x4000  }
0xb0: {  	[sflag:s10] =	ssyncset.done $0x0  }
0xb1: {  	[sflag:s10] =	ssyncadd.s32 $0xFFFFC000  }
0xb2: {  	_ =	swait.ge [sflag:s16], $0x4000  }
0xb3: {  	[sflag:s16] =	ssyncset.done $0x0  }
0xb4: {  	[sflag:s16] =	ssyncadd.s32 $0xFFFFC000  }
0xb5: {  	[spmem:s2] =	stream.indirect.scatter.add.f32 [tilespmem:s14], [sflag:$0x3], $0x80, s5, s12, $0xb8;
	[tilespmem:$0x1D000] =	vst v63  }
0xb6: {  	s6 =	simm.s32 $0x200;
	_ =	swait.ge [sflag:s10], $0x4000  }
0xb7: {  	s8 =	simm.s32 $0x100;
	s9 =	rddreg [dreg:$0x4];
	[sflag:s10] =	ssyncset.done $0x0  }
.LBB2_2:
0xb8: {  	[sflag:s10] =	ssyncadd.s32 $0xFFFFC000;
	s9 =	sadd.s32 s8, s9  }
0xb9: {  	[tilespmem:s3], [sflag:$0x3] =	stream.linear.gather [hbm4b:s9+s3], $0x800, $0x38;
	[tilespmem:$0x1D000] =	vst v63  }
0xba: {  	_ =	swait.ge [sflag:s10], $0x800  }
0xbb: {  	s9 =	rddreg [dreg:$0x3];
	[sflag:s10] =	ssyncset.done $0x0  }
0xbc: {  	[sflag:s10] =	ssyncadd.s32 $0xFFFFF800;
	s9 =	sadd.s32 s8, s9  }
0xbd: {  	[tilespmem:s11], [sflag:$0x3] =	stream.linear.gather [hbm4b:s9+s3], $0x800, $0x38;
	[tilespmem:$0x1D000] =	vst v63  }
0xbe: {  	_ =	swait.ge [sflag:s10], $0x800  }
0xbf: {  	[sflag:s10] =	ssyncset.done $0x0  }
0xc0: {  	[sflag:s10] =	ssyncadd.s32 $0xFFFFF800  }
0xc1: {  	[tilespmem:s13], [sflag:$0x1] =	stream.indirect.gather [hbm4b:s4+s12], $0x80, s3, s12, $0xb8;
	[tilespmem:$0x1D000] =	vst v63  }
0xc2: {  	_ = 	snop  }
0xc3: {  	[tilespmem:s14], [sflag:$0x2] =	stream.indirect.gather [hbm4b:s4+s12], $0x80, s12, s12, $0xb8;
	[tilespmem:$0x1D000] =	vst v63  }
0xc4: {  	_ =	swait.ge [sflag:s15], $0x4000  }
0xc5: {  	[sflag:s15] =	ssyncset.done $0x0  }
0xc6: {  	[sflag:s15] =	ssyncadd.s32 $0xFFFFC000  }
0xc7: {  	[spmem:s2] =	stream.indirect.scatter.add.f32 [tilespmem:s13], [sflag:$0x3], $0x80, s11, s12, $0xb8;
	[tilespmem:$0x1D000] =	vst v63  }
0xc8: {  	_ =	swait.ge [sflag:s10], $0x4000  }
0xc9: {  	[sflag:s10] =	ssyncset.done $0x0  }
0xca: {  	[sflag:s10] =	ssyncadd.s32 $0xFFFFC000  }
0xcb: {  	_ =	swait.ge [sflag:s16], $0x4000  }
0xcc: {  	[sflag:s16] =	ssyncset.done $0x0  }
0xcd: {  	s9 =	rddreg [dreg:$0x5];
	[sflag:s16] =	ssyncadd.s32 $0xFFFFC000  }
0xce: {  	[spmem:s2] =	stream.indirect.scatter.add.f32 [tilespmem:s14], [sflag:$0x3], $0x80, s9, s12, $0xb8;
	[tilespmem:$0x1D000] =	vst v63  }
0xcf: {  	_ =	swait.ge [sflag:s10], $0x4000  }
0xd0: {  	s7 =	smov.u32 s6;
	[sflag:s10] =	ssyncset.done $0x0  }
0xd1: {  	s8 =	smov.u32 s7;
	s7 =	rddreg [dreg:$0x6];
	[sflag:s10] =	ssyncadd.s32 $0xFFFFC000  }
0xd2: {  	[tilespmem:s13], [sflag:$0x1] =	stream.indirect.gather [hbm4b:s4+s12], $0x80, s7, s12, $0xb8;
	[tilespmem:$0x1D000] =	vst v63  }
0xd3: {  	s9 =	rddreg [dreg:$0x7]  }
0xd4: {  	[tilespmem:s14], [sflag:$0x2] =	stream.indirect.gather [hbm4b:s4+s12], $0x80, s9, s12, $0xb8;
	[tilespmem:$0x1D000] =	vst v63  }
0xd5: {  	_ =	swait.ge [sflag:s15], $0x4000  }
0xd6: {  	[sflag:s15] =	ssyncset.done $0x0  }
0xd7: {  	s9 =	rddreg [dreg:$0x8];
	[sflag:s15] =	ssyncadd.s32 $0xFFFFC000  }
0xd8: {  	[spmem:s2] =	stream.indirect.scatter.add.f32 [tilespmem:s13], [sflag:$0x3], $0x80, s9, s12, $0xb8;
	[tilespmem:$0x1D000] =	vst v63  }
0xd9: {  	_ =	swait.ge [sflag:s10], $0x4000  }
0xda: {  	[sflag:s10] =	ssyncset.done $0x0  }
0xdb: {  	[sflag:s10] =	ssyncadd.s32 $0xFFFFC000  }
0xdc: {  	_ =	swait.ge [sflag:s16], $0x4000  }
0xdd: {  	[sflag:s16] =	ssyncset.done $0x0  }
0xde: {  	s9 =	rddreg [dreg:$0x9];
	[sflag:s16] =	ssyncadd.s32 $0xFFFFC000  }
0xdf: {  	[spmem:s2] =	stream.indirect.scatter.add.f32 [tilespmem:s14], [sflag:$0x3], $0x80, s9, s12, $0xb8;
	[tilespmem:$0x1D000] =	vst v63  }
0xe0: {  	_ =	swait.ge [sflag:s10], $0x4000  }
0xe1: {  	[sflag:s10] =	ssyncset.done $0x0  }
0xe2: {  	s7 =	rddreg [dreg:$0xa];
	[sflag:s10] =	ssyncadd.s32 $0xFFFFC000  }
0xe3: {  	[tilespmem:s13], [sflag:$0x1] =	stream.indirect.gather [hbm4b:s4+s12], $0x80, s7, s12, $0xb8;
	[tilespmem:$0x1D000] =	vst v63  }
0xe4: {  	s9 =	rddreg [dreg:$0xb]  }
0xe5: {  	[tilespmem:s14], [sflag:$0x2] =	stream.indirect.gather [hbm4b:s4+s12], $0x80, s9, s12, $0xb8;
	[tilespmem:$0x1D000] =	vst v63  }
0xe6: {  	_ =	swait.ge [sflag:s15], $0x4000  }
0xe7: {  	[sflag:s15] =	ssyncset.done $0x0  }
0xe8: {  	s9 =	rddreg [dreg:$0xc];
	[sflag:s15] =	ssyncadd.s32 $0xFFFFC000  }
0xe9: {  	[spmem:s2] =	stream.indirect.scatter.add.f32 [tilespmem:s13], [sflag:$0x3], $0x80, s9, s12, $0xb8;
	[tilespmem:$0x1D000] =	vst v63  }
0xea: {  	_ =	swait.ge [sflag:s10], $0x4000  }
0xeb: {  	[sflag:s10] =	ssyncset.done $0x0  }
0xec: {  	[sflag:s10] =	ssyncadd.s32 $0xFFFFC000  }
0xed: {  	_ =	swait.ge [sflag:s16], $0x4000  }
0xee: {  	[sflag:s16] =	ssyncset.done $0x0  }
0xef: {  	s9 =	rddreg [dreg:$0xd];
	[sflag:s16] =	ssyncadd.s32 $0xFFFFC000  }
0xf0: {  	[spmem:s2] =	stream.indirect.scatter.add.f32 [tilespmem:s14], [sflag:$0x3], $0x80, s9, s12, $0xb8;
	[tilespmem:$0x1D000] =	vst v63  }
0xf1: {  	_ =	swait.ge [sflag:s10], $0x4000  }
0xf2: {  	[sflag:s10] =	ssyncset.done $0x0  }
0xf3: {  	s7 =	rddreg [dreg:$0xe];
	[sflag:s10] =	ssyncadd.s32 $0xFFFFC000  }
0xf4: {  	[tilespmem:s13], [sflag:$0x1] =	stream.indirect.gather [hbm4b:s4+s12], $0x80, s7, s12, $0xb8;
	[tilespmem:$0x1D000] =	vst v63  }
0xf5: {  	s9 =	rddreg [dreg:$0xf]  }
0xf6: {  	[tilespmem:s14], [sflag:$0x2] =	stream.indirect.gather [hbm4b:s4+s12], $0x80, s9, s12, $0xb8;
	[tilespmem:$0x1D000] =	vst v63  }
0xf7: {  	_ =	swait.ge [sflag:s15], $0x4000  }
0xf8: {  	[sflag:s15] =	ssyncset.done $0x0  }
0xf9: {  	s9 =	rddreg [dreg:$0x10];
	[sflag:s15] =	ssyncadd.s32 $0xFFFFC000  }
0xfa: {  	[spmem:s2] =	stream.indirect.scatter.add.f32 [tilespmem:s13], [sflag:$0x3], $0x80, s9, s12, $0xb8;
	[tilespmem:$0x1D000] =	vst v63  }
0xfb: {  	_ =	swait.ge [sflag:s10], $0x4000  }
0xfc: {  	[sflag:s10] =	ssyncset.done $0x0  }
0xfd: {  	[sflag:s10] =	ssyncadd.s32 $0xFFFFC000  }
0xfe: {  	_ =	swait.ge [sflag:s16], $0x4000  }
0xff: {  	[sflag:s16] =	ssyncset.done $0x0  }
0x100: {  	[sflag:s16] =	ssyncadd.s32 $0xFFFFC000  }
0x101: {  	[spmem:s2] =	stream.indirect.scatter.add.f32 [tilespmem:s14], [sflag:$0x3], $0x80, s17, s12, $0xb8;
	[tilespmem:$0x1D000] =	vst v63  }
0x102: {  	_ =	swait.ge [sflag:s10], $0x4000  }
0x103: {  	[sflag:s10] =	ssyncset.done $0x0  }
0x104: {  	[sflag:s10] =	ssyncadd.s32 $0xFFFFC000  }
0x105: {  	[tilespmem:s13], [sflag:$0x1] =	stream.indirect.gather [hbm4b:s4+s12], $0x80, s18, s12, $0xb8;
	[tilespmem:$0x1D000] =	vst v63  }
0x106: {  	_ = 	snop  }
0x107: {  	[tilespmem:s14], [sflag:$0x2] =	stream.indirect.gather [hbm4b:s4+s12], $0x80, s19, s12, $0xb8;
	[tilespmem:$0x1D000] =	vst v63  }
0x108: {  	_ =	swait.ge [sflag:s15], $0x4000  }
0x109: {  	[sflag:s15] =	ssyncset.done $0x0  }
0x10a: {  	[sflag:s15] =	ssyncadd.s32 $0xFFFFC000  }
0x10b: {  	[spmem:s2] =	stream.indirect.scatter.add.f32 [tilespmem:s13], [sflag:$0x3], $0x80, s20, s12, $0xb8;
	[tilespmem:$0x1D000] =	vst v63  }
0x10c: {  	_ =	swait.ge [sflag:s10], $0x4000  }
0x10d: {  	[sflag:s10] =	ssyncset.done $0x0  }
0x10e: {  	[sflag:s10] =	ssyncadd.s32 $0xFFFFC000  }
0x10f: {  	_ =	swait.ge [sflag:s16], $0x4000  }
0x110: {  	[sflag:s16] =	ssyncset.done $0x0  }
0x111: {  	[sflag:s16] =	ssyncadd.s32 $0xFFFFC000  }
0x112: {  	[spmem:s2] =	stream.indirect.scatter.add.f32 [tilespmem:s14], [sflag:$0x3], $0x80, s21, s12, $0xb8;
	[tilespmem:$0x1D000] =	vst v63  }
0x113: {  	_ =	swait.ge [sflag:s10], $0x4000  }
0x114: {  	[sflag:s10] =	ssyncset.done $0x0  }
0x115: {  	[sflag:s10] =	ssyncadd.s32 $0xFFFFC000  }
0x116: {  	[tilespmem:s13], [sflag:$0x1] =	stream.indirect.gather [hbm4b:s4+s12], $0x80, s22, s12, $0xb8;
	[tilespmem:$0x1D000] =	vst v63  }
0x117: {  	_ = 	snop  }
0x118: {  	[tilespmem:s14], [sflag:$0x2] =	stream.indirect.gather [hbm4b:s4+s12], $0x80, s23, s12, $0xb8;
	[tilespmem:$0x1D000] =	vst v63  }
0x119: {  	_ =	swait.ge [sflag:s15], $0x4000  }
0x11a: {  	[sflag:s15] =	ssyncset.done $0x0  }
0x11b: {  	[sflag:s15] =	ssyncadd.s32 $0xFFFFC000  }
0x11c: {  	[spmem:s2] =	stream.indirect.scatter.add.f32 [tilespmem:s13], [sflag:$0x3], $0x80, s24, s12, $0xb8;
	[tilespmem:$0x1D000] =	vst v63  }
0x11d: {  	_ =	swait.ge [sflag:s10], $0x4000  }
0x11e: {  	[sflag:s10] =	ssyncset.done $0x0  }
0x11f: {  	[sflag:s10] =	ssyncadd.s32 $0xFFFFC000  }
0x120: {  	_ =	swait.ge [sflag:s16], $0x4000  }
0x121: {  	[sflag:s16] =	ssyncset.done $0x0  }
0x122: {  	[sflag:s16] =	ssyncadd.s32 $0xFFFFC000  }
0x123: {  	[spmem:s2] =	stream.indirect.scatter.add.f32 [tilespmem:s14], [sflag:$0x3], $0x80, s25, s12, $0xb8;
	[tilespmem:$0x1D000] =	vst v63  }
0x124: {  	_ =	swait.ge [sflag:s10], $0x4000  }
0x125: {  	[sflag:s10] =	ssyncset.done $0x0  }
0x126: {  	[sflag:s10] =	ssyncadd.s32 $0xFFFFC000  }
0x127: {  	[tilespmem:s13], [sflag:$0x1] =	stream.indirect.gather [hbm4b:s4+s12], $0x80, s26, s12, $0xb8;
	[tilespmem:$0x1D000] =	vst v63  }
0x128: {  	_ = 	snop  }
0x129: {  	[tilespmem:s14], [sflag:$0x2] =	stream.indirect.gather [hbm4b:s4+s12], $0x80, s28, s12, $0xb8;
	[tilespmem:$0x1D000] =	vst v63  }
0x12a: {  	_ =	swait.ge [sflag:s15], $0x4000  }
0x12b: {  	[sflag:s15] =	ssyncset.done $0x0  }
0x12c: {  	[sflag:s15] =	ssyncadd.s32 $0xFFFFC000  }
0x12d: {  	[spmem:s2] =	stream.indirect.scatter.add.f32 [tilespmem:s13], [sflag:$0x3], $0x80, s29, s12, $0xb8;
	[tilespmem:$0x1D000] =	vst v63  }
0x12e: {  	_ =	swait.ge [sflag:s10], $0x4000  }
0x12f: {  	[sflag:s10] =	ssyncset.done $0x0  }
0x130: {  	[sflag:s10] =	ssyncadd.s32 $0xFFFFC000  }
0x131: {  	_ =	swait.ge [sflag:s16], $0x4000  }
0x132: {  	[sflag:s16] =	ssyncset.done $0x0  }
0x133: {  	[sflag:s16] =	ssyncadd.s32 $0xFFFFC000  }
0x134: {  	[spmem:s2] =	stream.indirect.scatter.add.f32 [tilespmem:s14], [sflag:$0x3], $0x80, s30, s12, $0xb8;
	[tilespmem:$0x1D000] =	vst v63  }
0x135: {  	_ =	swait.ge [sflag:s10], $0x4000  }
0x136: {  	[sflag:s10] =	ssyncset.done $0x0  }
0x137: {  	[sflag:s10] =	ssyncadd.s32 $0xFFFFC000  }
0x138: {  	[tilespmem:s13], [sflag:$0x1] =	stream.indirect.gather [hbm4b:s4+s12], $0x80, s31, s12, $0xb8;
	[tilespmem:$0x1D000] =	vst v63  }
0x139: {  	_ = 	snop  }
0x13a: {  	[tilespmem:s14], [sflag:$0x2] =	stream.indirect.gather [hbm4b:s4+s12], $0x80, s1, s12, $0xb8;
	[tilespmem:$0x1D000] =	vst v63  }
0x13b: {  	_ =	swait.ge [sflag:s15], $0x4000  }
0x13c: {  	[sflag:s15] =	ssyncset.done $0x0  }
0x13d: {  	[sflag:s15] =	ssyncadd.s32 $0xFFFFC000  }
0x13e: {  	[spmem:s2] =	stream.indirect.scatter.add.f32 [tilespmem:s13], [sflag:$0x3], $0x80, s0, s12, $0xb8;
	[tilespmem:$0x1D000] =	vst v63  }
0x13f: {  	_ =	swait.ge [sflag:s10], $0x4000  }
0x140: {  	[sflag:s10] =	ssyncset.done $0x0  }
0x141: {  	[sflag:s10] =	ssyncadd.s32 $0xFFFFC000  }
0x142: {  	p0 =	sne.s32 s6, $0x900;
	_ =	swait.ge [sflag:s16], $0x4000  }
.Ltmp0:
0x143: {  	[sflag:s16] =	ssyncset.done $0x0;
	(pc) =	sbr.rel @p0 .LBB2_2-.Ltmp0, $4  }
0x144: {  	[sflag:s16] =	ssyncadd.s32 $0xFFFFC000  }
0x145: {  	[spmem:s2] =	stream.indirect.scatter.add.f32 [tilespmem:s14], [sflag:$0x3], $0x80, s5, s12, $0xb8;
	[tilespmem:$0x1D000] =	vst v63  }
0x146: {  	_ =	swait.ge [sflag:s10], $0x4000  }
0x147: {  	s6 =	sadd.s32 $0x100, s6;
	s9 =	rddreg [dreg:$0x4];
	[sflag:s10] =	ssyncset.done $0x0  }
0x148: {  	[sflag:s10] =	ssyncadd.s32 $0xFFFFC000;
	s6 =	sadd.s32 s8, s9  }
0x149: {  	[tilespmem:s3], [sflag:$0x3] =	stream.linear.gather [hbm4b:s6+s3], $0x800, $0x38;
	[tilespmem:$0x1D000] =	vst v63  }
0x14a: {  	_ =	swait.ge [sflag:s10], $0x800  }
0x14b: {  	s7 =	rddreg [dreg:$0x3];
	[sflag:s10] =	ssyncset.done $0x0  }
0x14c: {  	[sflag:s10] =	ssyncadd.s32 $0xFFFFF800;
	s6 =	sadd.s32 s8, s7  }
0x14d: {  	[tilespmem:s11], [sflag:$0x3] =	stream.linear.gather [hbm4b:s6+s3], $0x800, $0x38;
	[tilespmem:$0x1D000] =	vst v63  }
0x14e: {  	_ =	swait.ge [sflag:s10], $0x800  }
0x14f: {  	[sflag:s10] =	ssyncset.done $0x0  }
0x150: {  	[sflag:s10] =	ssyncadd.s32 $0xFFFFF800  }
0x151: {  	[tilespmem:s13], [sflag:$0x1] =	stream.indirect.gather [hbm4b:s4+s12], $0x80, s3, s12, $0xb8;
	[tilespmem:$0x1D000] =	vst v63  }
0x152: {  	_ = 	snop  }
0x153: {  	[tilespmem:s14], [sflag:$0x2] =	stream.indirect.gather [hbm4b:s4+s12], $0x80, s12, s12, $0xb8;
	[tilespmem:$0x1D000] =	vst v63  }
0x154: {  	_ =	swait.ge [sflag:s15], $0x4000  }
0x155: {  	[sflag:s15] =	ssyncset.done $0x0  }
0x156: {  	[sflag:s15] =	ssyncadd.s32 $0xFFFFC000  }
0x157: {  	[spmem:s2] =	stream.indirect.scatter.add.f32 [tilespmem:s13], [sflag:$0x3], $0x80, s11, s12, $0xb8;
	[tilespmem:$0x1D000] =	vst v63  }
0x158: {  	_ =	swait.ge [sflag:s10], $0x4000  }
0x159: {  	[sflag:s10] =	ssyncset.done $0x0  }
0x15a: {  	[sflag:s10] =	ssyncadd.s32 $0xFFFFC000  }
0x15b: {  	_ =	swait.ge [sflag:s16], $0x4000  }
0x15c: {  	[sflag:s16] =	ssyncset.done $0x0  }
0x15d: {  	s8 =	rddreg [dreg:$0x5];
	[sflag:s16] =	ssyncadd.s32 $0xFFFFC000  }
0x15e: {  	[spmem:s2] =	stream.indirect.scatter.add.f32 [tilespmem:s14], [sflag:$0x3], $0x80, s8, s12, $0xb8;
	[tilespmem:$0x1D000] =	vst v63  }
0x15f: {  	_ =	swait.ge [sflag:s10], $0x4000  }
0x160: {  	[sflag:s10] =	ssyncset.done $0x0  }
0x161: {  	s9 =	rddreg [dreg:$0x6];
	[sflag:s10] =	ssyncadd.s32 $0xFFFFC000  }
0x162: {  	[tilespmem:s13], [sflag:$0x1] =	stream.indirect.gather [hbm4b:s4+s12], $0x80, s9, s12, $0xb8;
	[tilespmem:$0x1D000] =	vst v63  }
0x163: {  	s7 =	rddreg [dreg:$0x7]  }
0x164: {  	[tilespmem:s14], [sflag:$0x2] =	stream.indirect.gather [hbm4b:s4+s12], $0x80, s7, s12, $0xb8;
	[tilespmem:$0x1D000] =	vst v63  }
0x165: {  	_ =	swait.ge [sflag:s15], $0x4000  }
0x166: {  	[sflag:s15] =	ssyncset.done $0x0  }
0x167: {  	s8 =	rddreg [dreg:$0x8];
	[sflag:s15] =	ssyncadd.s32 $0xFFFFC000  }
0x168: {  	[spmem:s2] =	stream.indirect.scatter.add.f32 [tilespmem:s13], [sflag:$0x3], $0x80, s8, s12, $0xb8;
	[tilespmem:$0x1D000] =	vst v63  }
0x169: {  	_ =	swait.ge [sflag:s10], $0x4000  }
0x16a: {  	[sflag:s10] =	ssyncset.done $0x0  }
0x16b: {  	[sflag:s10] =	ssyncadd.s32 $0xFFFFC000  }
0x16c: {  	_ =	swait.ge [sflag:s16], $0x4000  }
0x16d: {  	[sflag:s16] =	ssyncset.done $0x0  }
0x16e: {  	s9 =	rddreg [dreg:$0x9];
	[sflag:s16] =	ssyncadd.s32 $0xFFFFC000  }
0x16f: {  	[spmem:s2] =	stream.indirect.scatter.add.f32 [tilespmem:s14], [sflag:$0x3], $0x80, s9, s12, $0xb8;
	[tilespmem:$0x1D000] =	vst v63  }
0x170: {  	_ =	swait.ge [sflag:s10], $0x4000  }
0x171: {  	[sflag:s10] =	ssyncset.done $0x0  }
0x172: {  	s7 =	rddreg [dreg:$0xa];
	[sflag:s10] =	ssyncadd.s32 $0xFFFFC000  }
0x173: {  	[tilespmem:s13], [sflag:$0x1] =	stream.indirect.gather [hbm4b:s4+s12], $0x80, s7, s12, $0xb8;
	[tilespmem:$0x1D000] =	vst v63  }
0x174: {  	s8 =	rddreg [dreg:$0xb]  }
0x175: {  	[tilespmem:s14], [sflag:$0x2] =	stream.indirect.gather [hbm4b:s4+s12], $0x80, s8, s12, $0xb8;
	[tilespmem:$0x1D000] =	vst v63  }
0x176: {  	_ =	swait.ge [sflag:s15], $0x4000  }
0x177: {  	[sflag:s15] =	ssyncset.done $0x0  }
0x178: {  	s9 =	rddreg [dreg:$0xc];
	[sflag:s15] =	ssyncadd.s32 $0xFFFFC000  }
0x179: {  	[spmem:s2] =	stream.indirect.scatter.add.f32 [tilespmem:s13], [sflag:$0x3], $0x80, s9, s12, $0xb8;
	[tilespmem:$0x1D000] =	vst v63  }
0x17a: {  	_ =	swait.ge [sflag:s10], $0x4000  }
0x17b: {  	[sflag:s10] =	ssyncset.done $0x0  }
0x17c: {  	[sflag:s10] =	ssyncadd.s32 $0xFFFFC000  }
0x17d: {  	_ =	swait.ge [sflag:s16], $0x4000  }
0x17e: {  	[sflag:s16] =	ssyncset.done $0x0  }
0x17f: {  	s7 =	rddreg [dreg:$0xd];
	[sflag:s16] =	ssyncadd.s32 $0xFFFFC000  }
0x180: {  	[spmem:s2] =	stream.indirect.scatter.add.f32 [tilespmem:s14], [sflag:$0x3], $0x80, s7, s12, $0xb8;
	[tilespmem:$0x1D000] =	vst v63  }
0x181: {  	_ =	swait.ge [sflag:s10], $0x4000  }
0x182: {  	[sflag:s10] =	ssyncset.done $0x0  }
0x183: {  	s8 =	rddreg [dreg:$0xe];
	[sflag:s10] =	ssyncadd.s32 $0xFFFFC000  }
0x184: {  	[tilespmem:s13], [sflag:$0x1] =	stream.indirect.gather [hbm4b:s4+s12], $0x80, s8, s12, $0xb8;
	[tilespmem:$0x1D000] =	vst v63  }
0x185: {  	s9 =	rddreg [dreg:$0xf]  }
0x186: {  	[tilespmem:s14], [sflag:$0x2] =	stream.indirect.gather [hbm4b:s4+s12], $0x80, s9, s12, $0xb8;
	[tilespmem:$0x1D000] =	vst v63  }
0x187: {  	_ =	swait.ge [sflag:s15], $0x4000  }
0x188: {  	[sflag:s15] =	ssyncset.done $0x0  }
0x189: {  	s8 =	rddreg [dreg:$0x10];
	[sflag:s15] =	ssyncadd.s32 $0xFFFFC000  }
0x18a: {  	[spmem:s2] =	stream.indirect.scatter.add.f32 [tilespmem:s13], [sflag:$0x3], $0x80, s8, s12, $0xb8;
	[tilespmem:$0x1D000] =	vst v63  }
0x18b: {  	_ =	swait.ge [sflag:s10], $0x4000  }
0x18c: {  	[sflag:s10] =	ssyncset.done $0x0  }
0x18d: {  	[sflag:s10] =	ssyncadd.s32 $0xFFFFC000  }
0x18e: {  	_ =	swait.ge [sflag:s16], $0x4000  }
0x18f: {  	[sflag:s16] =	ssyncset.done $0x0  }
0x190: {  	[sflag:s16] =	ssyncadd.s32 $0xFFFFC000  }
0x191: {  	[spmem:s2] =	stream.indirect.scatter.add.f32 [tilespmem:s14], [sflag:$0x3], $0x80, s17, s12, $0xb8;
	[tilespmem:$0x1D000] =	vst v63  }
0x192: {  	_ =	swait.ge [sflag:s10], $0x4000  }
0x193: {  	[sflag:s10] =	ssyncset.done $0x0  }
0x194: {  	[sflag:s10] =	ssyncadd.s32 $0xFFFFC000  }
0x195: {  	[tilespmem:s13], [sflag:$0x1] =	stream.indirect.gather [hbm4b:s4+s12], $0x80, s18, s12, $0xb8;
	[tilespmem:$0x1D000] =	vst v63  }
0x196: {  	_ = 	snop  }
0x197: {  	[tilespmem:s14], [sflag:$0x2] =	stream.indirect.gather [hbm4b:s4+s12], $0x80, s19, s12, $0xb8;
	[tilespmem:$0x1D000] =	vst v63  }
0x198: {  	_ =	swait.ge [sflag:s15], $0x4000  }
0x199: {  	[sflag:s15] =	ssyncset.done $0x0  }
0x19a: {  	[sflag:s15] =	ssyncadd.s32 $0xFFFFC000  }
0x19b: {  	[spmem:s2] =	stream.indirect.scatter.add.f32 [tilespmem:s13], [sflag:$0x3], $0x80, s20, s12, $0xb8;
	[tilespmem:$0x1D000] =	vst v63  }
0x19c: {  	_ =	swait.ge [sflag:s10], $0x4000  }
0x19d: {  	[sflag:s10] =	ssyncset.done $0x0  }
0x19e: {  	[sflag:s10] =	ssyncadd.s32 $0xFFFFC000  }
0x19f: {  	_ =	swait.ge [sflag:s16], $0x4000  }
0x1a0: {  	[sflag:s16] =	ssyncset.done $0x0  }
0x1a1: {  	[sflag:s16] =	ssyncadd.s32 $0xFFFFC000  }
0x1a2: {  	[spmem:s2] =	stream.indirect.scatter.add.f32 [tilespmem:s14], [sflag:$0x3], $0x80, s21, s12, $0xb8;
	[tilespmem:$0x1D000] =	vst v63  }
0x1a3: {  	_ =	swait.ge [sflag:s10], $0x4000  }
0x1a4: {  	[sflag:s10] =	ssyncset.done $0x0  }
0x1a5: {  	[sflag:s10] =	ssyncadd.s32 $0xFFFFC000  }
0x1a6: {  	[tilespmem:s13], [sflag:$0x1] =	stream.indirect.gather [hbm4b:s4+s12], $0x80, s22, s12, $0xb8;
	[tilespmem:$0x1D000] =	vst v63  }
0x1a7: {  	_ = 	snop  }
0x1a8: {  	[tilespmem:s14], [sflag:$0x2] =	stream.indirect.gather [hbm4b:s4+s12], $0x80, s23, s12, $0xb8;
	[tilespmem:$0x1D000] =	vst v63  }
0x1a9: {  	_ =	swait.ge [sflag:s15], $0x4000  }
0x1aa: {  	[sflag:s15] =	ssyncset.done $0x0  }
0x1ab: {  	[sflag:s15] =	ssyncadd.s32 $0xFFFFC000  }
0x1ac: {  	[spmem:s2] =	stream.indirect.scatter.add.f32 [tilespmem:s13], [sflag:$0x3], $0x80, s24, s12, $0xb8;
	[tilespmem:$0x1D000] =	vst v63  }
0x1ad: {  	_ =	swait.ge [sflag:s10], $0x4000  }
0x1ae: {  	[sflag:s10] =	ssyncset.done $0x0  }
0x1af: {  	[sflag:s10] =	ssyncadd.s32 $0xFFFFC000  }
0x1b0: {  	_ =	swait.ge [sflag:s16], $0x4000  }
0x1b1: {  	[sflag:s16] =	ssyncset.done $0x0  }
0x1b2: {  	[sflag:s16] =	ssyncadd.s32 $0xFFFFC000  }
0x1b3: {  	[spmem:s2] =	stream.indirect.scatter.add.f32 [tilespmem:s14], [sflag:$0x3], $0x80, s25, s12, $0xb8;
	[tilespmem:$0x1D000] =	vst v63  }
0x1b4: {  	_ =	swait.ge [sflag:s10], $0x4000  }
0x1b5: {  	[sflag:s10] =	ssyncset.done $0x0  }
0x1b6: {  	[sflag:s10] =	ssyncadd.s32 $0xFFFFC000  }
0x1b7: {  	[tilespmem:s13], [sflag:$0x1] =	stream.indirect.gather [hbm4b:s4+s12], $0x80, s26, s12, $0xb8;
	[tilespmem:$0x1D000] =	vst v63  }
0x1b8: {  	_ = 	snop  }
0x1b9: {  	[tilespmem:s14], [sflag:$0x2] =	stream.indirect.gather [hbm4b:s4+s12], $0x80, s28, s12, $0xb8;
	[tilespmem:$0x1D000] =	vst v63  }
0x1ba: {  	_ =	swait.ge [sflag:s15], $0x4000  }
0x1bb: {  	[sflag:s15] =	ssyncset.done $0x0  }
0x1bc: {  	[sflag:s15] =	ssyncadd.s32 $0xFFFFC000  }
0x1bd: {  	[spmem:s2] =	stream.indirect.scatter.add.f32 [tilespmem:s13], [sflag:$0x3], $0x80, s29, s12, $0xb8;
	[tilespmem:$0x1D000] =	vst v63  }
0x1be: {  	_ =	swait.ge [sflag:s10], $0x4000  }
0x1bf: {  	[sflag:s10] =	ssyncset.done $0x0  }
0x1c0: {  	[sflag:s10] =	ssyncadd.s32 $0xFFFFC000  }
0x1c1: {  	_ =	swait.ge [sflag:s16], $0x4000  }
0x1c2: {  	[sflag:s16] =	ssyncset.done $0x0  }
0x1c3: {  	[sflag:s16] =	ssyncadd.s32 $0xFFFFC000  }
0x1c4: {  	[spmem:s2] =	stream.indirect.scatter.add.f32 [tilespmem:s14], [sflag:$0x3], $0x80, s30, s12, $0xb8;
	[tilespmem:$0x1D000] =	vst v63  }
0x1c5: {  	_ =	swait.ge [sflag:s10], $0x4000  }
0x1c6: {  	[sflag:s10] =	ssyncset.done $0x0  }
0x1c7: {  	[sflag:s10] =	ssyncadd.s32 $0xFFFFC000  }
0x1c8: {  	[tilespmem:s13], [sflag:$0x1] =	stream.indirect.gather [hbm4b:s4+s12], $0x80, s31, s12, $0xb8;
	[tilespmem:$0x1D000] =	vst v63  }
0x1c9: {  	_ = 	snop  }
0x1ca: {  	[tilespmem:s14], [sflag:$0x2] =	stream.indirect.gather [hbm4b:s4+s12], $0x80, s1, s12, $0xb8;
	[tilespmem:$0x1D000] =	vst v63  }
0x1cb: {  	_ =	swait.ge [sflag:s15], $0x4000  }
0x1cc: {  	[sflag:s15] =	ssyncset.done $0x0  }
0x1cd: {  	[sflag:s15] =	ssyncadd.s32 $0xFFFFC000  }
0x1ce: {  	[spmem:s2] =	stream.indirect.scatter.add.f32 [tilespmem:s13], [sflag:$0x3], $0x80, s0, s12, $0xb8;
	[tilespmem:$0x1D000] =	vst v63  }
0x1cf: {  	_ =	swait.ge [sflag:s10], $0x4000  }
0x1d0: {  	[sflag:s10] =	ssyncset.done $0x0  }
0x1d1: {  	[sflag:s10] =	ssyncadd.s32 $0xFFFFC000  }
0x1d2: {  	_ =	swait.ge [sflag:s16], $0x4000  }
0x1d3: {  	[sflag:s16] =	ssyncset.done $0x0  }
0x1d4: {  	[sflag:s16] =	ssyncadd.s32 $0xFFFFC000  }
0x1d5: {  	[spmem:s2] =	stream.indirect.scatter.add.f32 [tilespmem:s14], [sflag:$0x3], $0x80, s5, s12, $0xb8;
	[tilespmem:$0x1D000] =	vst v63  }
0x1d6: {  	_ =	swait.ge [sflag:s10], $0x4000  }
0x1d7: {  	[sflag:s10] =	ssyncset.done $0x0  }
0x1d8: {  	[sflag:s10] =	ssyncadd.s32 $0xFFFFC000  }
0x1d9: {  	[bflag:$0x0] =	sbarrier.arrive $0xFFFF  }
0x1da: {  	s8 =	rddreg [dreg:$0x12]  }
0x1db: {  	s9 =	rddreg [dreg:$0x13]  }
0x1dc: {  	s7 =	rddreg [dreg:$0x15]  }
0x1dd: {  	[hbm:s9], [sflag:s8] =	dma.local [spmem:s7], $0x2800  }
0x1de: {  	_ =	swait.ge [sflag:s10], $0x2800  }
0x1df: {  	s6 =	rddreg [dreg:$0x16]  }
0x1e0: {  	s9 =	sadd.s32 $0x1, s6;
	s6 =	rddreg [dreg:$0x14]  }
0x1e1: {  	p0 =	sne.s32 s9, s6  }
.Ltmp1:
0x1e2: {  	_ = 	snop;
	(pc) =	sbr.rel @p0 .LBB2_1-.Ltmp1, $3  }
0x1e3: {  	_ =	sdelay $0x1  }
0x1e4: {  	[sflag:s10] =	ssyncset.done $0x0  }
0x1e5: {  	[sflag:s10] =	ssyncadd.s32 $0xFFFFD800  }
0x1e6: {  	_ =	sfence.sel $0x180000  }
0x1e7: {  	[bflag:$0x0] =	sbarrier.arrive $0xFFFF  }
0x1e8: {  	_ =	strace $0x90000050  }
0x1e9: {  	s0 =	stileid.u32;
	[bflag:$0x2] =	sbarrier.arrive $0xFFFF  }
0x1ea: {  	p0 =	sne.s32 s0, $0x0;
	s0 =	rddreg [dreg:$0x2]  }
0x1eb: {  	s0 =	sadd.s32 @!p0 $0x100000, s0  }
0x1ec: {  	[sflag:s0] =	ssyncadd.tile.s32 @!p0 $0x1;
	_ =	shalt  }
.Lfunc_end2:
_tile_overlayer_lowered:
.L_overlay_start_2:
0x1ed: {  	(tag) =	ssettag $0x2  }
0x1ee: {  	s0 =	rddreg [dreg:$0x0];
	s2 =	stileid.u32  }
0x1ef: {  	s1 =	rddreg [dreg:$0x1];
	p0 =	sne.s32 s2, $0x0  }
0x1f0: {  	s3 =	rddreg [dreg:$0x2];
	[bflag:$0x3] =	sbarrier.arrive $0xFFFF;
	s2 =	simm.s32 @!p0 $0x1C03  }
0x1f1: {  	[timem:s3], [sflag:s2] =	dma.local @!p0 [hbm:s0], s1  }
0x1f2: {  	s0 =	simm.s32 @!p0 $0x3  }
0x1f3: {  	_ =	swait.ge @!p0 [sflag:s0], s1  }
0x1f4: {  	s1 =	ssub.s32 @!p0 $0x0, s1;
	[sflag:s0] =	ssyncset.done @!p0 $0x0  }
0x1f5: {  	[sflag:s0] =	ssyncadd.s32 @!p0 s1  }
0x1f6: {  	[bflag:$0x3] =	sbarrier.arrive $0xFFFF  }
0x1f7: {  	_ =	shalt  }

</sc_bundles>
